<compile_context>
chip_gen: v7x
topology: tpu7x:2x2x1
jax: 0.10.2.dev20260603
libtpu: 0.0.44.dev20260713+nightly
codegen_flags: <defaults>
</compile_context>

<pallas_src>
import jax
import jax.numpy as jnp
from jax import lax
from jax.experimental import pallas as pl
from jax.experimental.pallas import tpu as pltpu
from jax.experimental.pallas import tpu_sc as plsc

_NC = 2
_NS = 16
_NW = _NC * _NS

_D = 1024
_BATCH = 4
_SEQ = 8192
_B = _BATCH * _SEQ
_BPW = _B // _NW
_WPB = _SEQ // _BPW
_C = 32
_NCHUNK = _BPW // _C
_NBUF = 3


def _gather_body(table_hbm, idx_hbm, out_hbm, idx_v, buf, gsem, psem):
    wid = lax.axis_index("s") * _NC + lax.axis_index("c")
    b = wid // _WPB
    s0 = (wid % _WPB) * _BPW
    pltpu.sync_copy(idx_hbm.at[b, pl.ds(s0, _BPW)], idx_v)

    def gather(j):
        return pltpu.make_async_copy(
            table_hbm.at[idx_v.at[pl.ds(j * _C, _C)]], buf.at[j % _NBUF],
            gsem.at[j % _NBUF])

    def put(j):
        return pltpu.make_async_copy(
            buf.at[j % _NBUF], out_hbm.at[b, pl.ds(s0 + j * _C, _C)],
            psem.at[j % _NBUF])

    for j in range(_NBUF - 1):
        gather(j).start()
    for j in range(_NCHUNK):
        gather(j).wait()
        put(j).start()
        nxt = j + _NBUF - 1
        if nxt < _NCHUNK:
            if j >= 1:
                put(j - 1).wait()
            gather(nxt).start()
    for j in range(_NCHUNK - _NBUF, _NCHUNK):
        put(j).wait()


def kernel(encodes, X):
    mesh = plsc.VectorSubcoreMesh(core_axis_name="c", subcore_axis_name="s")
    fn = pl.kernel(
        _gather_body,
        out_type=jax.ShapeDtypeStruct((_BATCH, _SEQ, _D), jnp.float32),
        mesh=mesh,
        scratch_types=[
            pltpu.VMEM((_BPW,), jnp.int32),
            pltpu.VMEM((_NBUF, _C, _D), jnp.float32),
            pltpu.SemaphoreType.DMA((_NBUF,)),
            pltpu.SemaphoreType.DMA((_NBUF,)),
        ],
    )
    return fn(encodes, X.astype(jnp.int32))

# --- scband reference (transcript-rebuilt; emitter-appended) ---
"""Pipeline reference for scband-positional-encoder-50096498541103 (READ-ONLY COPY).

The authoritative reference and input builder live on the scoring server;
editing this copy changes nothing except your own understanding.
"""

import jax, jax.numpy as jnp
import numpy as np


def get_positional_encoding(max_len, dim, N=10000):
    position_labels = np.arange(0, max_len, dtype=np.float32).reshape(max_len, 1)
    demo = np.power(float(N), np.arange(0, dim, 2, dtype=np.float32) / dim)
    encodes = np.zeros((max_len, dim), dtype=np.float32)
    encodes[:, 0::2] = np.sin(position_labels / demo)
    encodes[:, 1::2] = np.cos(position_labels / demo)
    return jnp.asarray(encodes)


def setup_inputs(seed: int = 0) -> dict:
    key = jax.random.key(seed)
    X = jax.random.randint(key, (4, 8192), 0, 32768, dtype=jnp.int64 if jax.config.jax_enable_x64 else jnp.int32)
    encodes = get_positional_encoding(32768, 1024, N=10000)
    return {"encodes": encodes, "X": X}


def reference(encodes, X):
    # PositionalEncoder.forward: self.positionalEncodes[X] -> gather rows
    return jnp.take(encodes, X, axis=0)

if __name__ == "__main__":
    import jax
    _d = setup_inputs()
    print(jax.jit(kernel)(*tuple(_d.values())))

</pallas_src>

<mosaic_0001>
#map = affine_map<(d0, d1) -> (0, 0)>
#map1 = affine_map<(d0, d1) -> (0, 0, 0)>
module attributes {stable_mosaic.version = 14 : i64} {
  func.func @_gather_body(%arg0: i32, %arg1: i32, %arg2: memref<32768x1024xf32, #tpu.memory_space<hbm>>, %arg3: memref<4x8192xi32, #tpu.memory_space<hbm>>, %arg4: memref<4x8192x1024xf32, #tpu.memory_space<hbm>>, %arg5: memref<1024xi32, #tpu.memory_space<vmem>>, %arg6: memref<3x32x1024xf32, #tpu.memory_space<vmem>>, %arg7: memref<3x!tpu.dma_semaphore, #tpu.memory_space<semaphore_mem>>, %arg8: memref<3x!tpu.dma_semaphore, #tpu.memory_space<semaphore_mem>>) attributes {dimension_semantics = [#tpu.dimension_semantics<core_parallel>, #tpu.dimension_semantics<subcore_parallel>], iteration_bounds = array<i64: 2, 16>, scalar_prefetch = 0 : i64, scratch_operands = 4 : i64, tpu.core_type = #tpu.core_type<sc_vector_subcore>, window_params = [{transform_indices = #map}, {transform_indices = #map}, {transform_indices = #map1}]} {
    %mul3A = arith.constant 2 : i32
    %mul3A_0 = arith.muli %arg1, %mul3A : i32
    %add3A = arith.addi %mul3A_0, %arg0 : i32
    %jit3A = arith.constant 8 : i32
    %div3A = arith.divsi %add3A, %jit3A : i32
    %sign3A = arith.constant 0 : i32
    %sign3A_1 = arith.cmpi sgt, %add3A, %sign3A : i32
    %sign3A_2 = arith.extui %sign3A_1 : i1 to i32
    %sign3A_3 = arith.constant 0 : i32
    %sign3A_4 = arith.cmpi slt, %add3A, %sign3A_3 : i32
    %sign3A_5 = arith.extui %sign3A_4 : i1 to i32
    %sign3A_6 = arith.subi %sign3A_2, %sign3A_5 : i32
    %sign3A_7 = arith.constant 0 : i32
    %sign3A_8 = arith.cmpi sgt, %jit3A, %sign3A_7 : i32
    %sign3A_9 = arith.extui %sign3A_8 : i1 to i32
    %sign3A_10 = arith.constant 0 : i32
    %sign3A_11 = arith.cmpi slt, %jit3A, %sign3A_10 : i32
    %sign3A_12 = arith.extui %sign3A_11 : i1 to i32
    %sign3A_13 = arith.subi %sign3A_9, %sign3A_12 : i32
    %ne3A = arith.cmpi ne, %sign3A_6, %sign3A_13 : i32
    %rem3A = arith.remsi %add3A, %jit3A : i32
    %ne3A_14 = arith.constant 0 : i32
    %ne3A_15 = arith.cmpi ne, %rem3A, %ne3A_14 : i32
    %and3A = arith.andi %ne3A, %ne3A_15 : i1
    %sub3A = arith.constant 1 : i32
    %sub3A_16 = arith.subi %div3A, %sub3A : i32
    %select_n3A = arith.select %and3A, %sub3A_16, %div3A : i32
    %jit3A_17 = arith.constant 8 : i32
    %eq3A = arith.constant 0 : i32
    %eq3A_18 = arith.cmpi eq, %jit3A_17, %eq3A : i32
    %jit3A_19 = arith.constant 1 : i32
    %select_n3A_20 = arith.select %eq3A_18, %jit3A_19, %jit3A_17 : i32
    %rem3A_21 = arith.remsi %add3A, %select_n3A_20 : i32
    %ne3A_22 = arith.constant 0 : i32
    %ne3A_23 = arith.cmpi ne, %rem3A_21, %ne3A_22 : i32
    %lt3A = arith.constant 0 : i32
    %lt3A_24 = arith.cmpi slt, %rem3A_21, %lt3A : i32
    %lt3A_25 = arith.constant 0 : i32
    %lt3A_26 = arith.cmpi slt, %select_n3A_20, %lt3A_25 : i32
    %ne3A_27 = arith.xori %lt3A_24, %lt3A_26 : i1
    %and3A_28 = arith.andi %ne3A_27, %ne3A_23 : i1
    %add3A_29 = arith.addi %rem3A_21, %select_n3A_20 : i32
    %select_n3A_30 = arith.select %and3A_28, %add3A_29, %rem3A_21 : i32
    %mul3A_31 = arith.constant 1024 : i32
    %mul3A_32 = arith.muli %select_n3A_30, %mul3A_31 : i32
    "tpu.region"() ({
      %run_scoped3A = tpu.sem_alloc : memref<!tpu.dma_semaphore, #tpu.memory_space<semaphore_mem>>
      %dma_start3A_2143 = tpu.memref_slice %arg3[%select_n3A, %mul3A_32] : memref<4x8192xi32, #tpu.memory_space<hbm>> -> memref<1x1024xi32, #tpu.memory_space<hbm>>
      %dma_start3A_2144 = tpu.memref_squeeze %dma_start3A_2143 : memref<1x1024xi32, #tpu.memory_space<hbm>> -> memref<1024xi32, #tpu.memory_space<hbm>>
      %dma_start3A_2145 = tpu.memref_slice %arg3[%select_n3A, %mul3A_32] : memref<4x8192xi32, #tpu.memory_space<hbm>> -> memref<1x1024xi32, #tpu.memory_space<hbm>>
      %dma_start3A_2146 = tpu.memref_squeeze %dma_start3A_2145 : memref<1x1024xi32, #tpu.memory_space<hbm>> -> memref<1024xi32, #tpu.memory_space<hbm>>
      tpu.enqueue_dma source(%dma_start3A_2146 : memref<1024xi32, #tpu.memory_space<hbm>>) target(%arg5 : memref<1024xi32, #tpu.memory_space<vmem>>) target_semaphore(%run_scoped3A : memref<!tpu.dma_semaphore, #tpu.memory_space<semaphore_mem>>)
      %dma_wait3A_2147 = tpu.memref_slice %arg3[%select_n3A, %mul3A_32] : memref<4x8192xi32, #tpu.memory_space<hbm>> -> memref<1x1024xi32, #tpu.memory_space<hbm>>
      %dma_wait3A_2148 = tpu.memref_squeeze %dma_wait3A_2147 : memref<1x1024xi32, #tpu.memory_space<hbm>> -> memref<1024xi32, #tpu.memory_space<hbm>>
      %dma_wait3A_2149 = tpu.memref_slice %arg3[%select_n3A, %mul3A_32] : memref<4x8192xi32, #tpu.memory_space<hbm>> -> memref<1x1024xi32, #tpu.memory_space<hbm>>
      %dma_wait3A_2150 = tpu.memref_squeeze %dma_wait3A_2149 : memref<1x1024xi32, #tpu.memory_space<hbm>> -> memref<1024xi32, #tpu.memory_space<hbm>>
      tpu.wait_dma2 semaphore(%run_scoped3A : memref<!tpu.dma_semaphore, #tpu.memory_space<semaphore_mem>>) src(%dma_wait3A_2150 : memref<1024xi32, #tpu.memory_space<hbm>>) dst(%arg5 : memref<1024xi32, #tpu.memory_space<vmem>>)
      tpu.yield
    }) : () -> ()
    %dma_start3A = arith.constant 0 : i32
    %dma_start3A_33 = arith.constant 0 : i32
    %dma_start3A_34 = arith.constant 0 : i32
    %dma_start3A_35 = arith.constant 0 : i32
    %dma_start3A_36 = tpu.memref_slice %arg6[%dma_start3A, %dma_start3A_34, %dma_start3A_35] : memref<3x32x1024xf32, #tpu.memory_space<vmem>> -> memref<1x32x1024xf32, #tpu.memory_space<vmem>>
    %dma_start3A_37 = tpu.memref_squeeze %dma_start3A_36 : memref<1x32x1024xf32, #tpu.memory_space<vmem>> -> memref<32x1024xf32, #tpu.memory_space<vmem>>
    %dma_start3A_38 = arith.constant 0 : i32
    %dma_start3A_39 = tpu.memref_slice %arg5[%dma_start3A_38] : memref<1024xi32, #tpu.memory_space<vmem>> -> memref<32xi32, #tpu.memory_space<vmem>>
    %dma_start3A_40 = arith.constant 0 : i32
    %dma_start3A_41 = arith.constant 0 : i32
    %dma_start3A_42 = tpu.memref_slice %arg2[%dma_start3A_40, %dma_start3A_41] : memref<32768x1024xf32, #tpu.memory_space<hbm>> -> memref<32768x1024xf32, #tpu.memory_space<hbm>>
    %dma_start3A_43 = tpu.memref_slice %arg7[%dma_start3A_33] : memref<3x!tpu.dma_semaphore, #tpu.memory_space<semaphore_mem>> -> memref<1x!tpu.dma_semaphore, #tpu.memory_space<semaphore_mem>>
    %dma_start3A_44 = tpu.memref_squeeze %dma_start3A_43 : memref<1x!tpu.dma_semaphore, #tpu.memory_space<semaphore_mem>> -> memref<!tpu.dma_semaphore, #tpu.memory_space<semaphore_mem>>
    tpu.enqueue_indirect_dma source(%dma_start3A_42 : memref<32768x1024xf32, #tpu.memory_space<hbm>>) target(%dma_start3A_37 : memref<32x1024xf32, #tpu.memory_space<vmem>>) offsets(%dma_start3A_39 : memref<32xi32, #tpu.memory_space<vmem>>) semaphore(%dma_start3A_44 : memref<!tpu.dma_semaphore, #tpu.memory_space<semaphore_mem>>)
    %dma_start3A_45 = arith.constant 1 : i32
    %dma_start3A_46 = arith.constant 1 : i32
    %dma_start3A_47 = arith.constant 0 : i32
    %dma_start3A_48 = arith.constant 0 : i32
    %dma_start3A_49 = tpu.memref_slice %arg6[%dma_start3A_45, %dma_start3A_47, %dma_start3A_48] : memref<3x32x1024xf32, #tpu.memory_space<vmem>> -> memref<1x32x1024xf32, #tpu.memory_space<vmem>>
    %dma_start3A_50 = tpu.memref_squeeze %dma_start3A_49 : memref<1x32x1024xf32, #tpu.memory_space<vmem>> -> memref<32x1024xf32, #tpu.memory_space<vmem>>
    %dma_start3A_51 = arith.constant 32 : i32
    %dma_start3A_52 = tpu.memref_slice %arg5[%dma_start3A_51] : memref<1024xi32, #tpu.memory_space<vmem>> -> memref<32xi32, #tpu.memory_space<vmem>>
    %dma_start3A_53 = arith.constant 0 : i32
    %dma_start3A_54 = arith.constant 0 : i32
    %dma_start3A_55 = tpu.memref_slice %arg2[%dma_start3A_53, %dma_start3A_54] : memref<32768x1024xf32, #tpu.memory_space<hbm>> -> memref<32768x1024xf32, #tpu.memory_space<hbm>>
    %dma_start3A_56 = tpu.memref_slice %arg7[%dma_start3A_46] : memref<3x!tpu.dma_semaphore, #tpu.memory_space<semaphore_mem>> -> memref<1x!tpu.dma_semaphore, #tpu.memory_space<semaphore_mem>>
    %dma_start3A_57 = tpu.memref_squeeze %dma_start3A_56 : memref<1x!tpu.dma_semaphore, #tpu.memory_space<semaphore_mem>> -> memref<!tpu.dma_semaphore, #tpu.memory_space<semaphore_mem>>
    tpu.enqueue_indirect_dma source(%dma_start3A_55 : memref<32768x1024xf32, #tpu.memory_space<hbm>>) target(%dma_start3A_50 : memref<32x1024xf32, #tpu.memory_space<vmem>>) offsets(%dma_start3A_52 : memref<32xi32, #tpu.memory_space<vmem>>) semaphore(%dma_start3A_57 : memref<!tpu.dma_semaphore, #tpu.memory_space<semaphore_mem>>)
    %dma_wait3A = arith.constant 0 : i32
    %dma_wait3A_58 = arith.constant 0 : i32
    %dma_wait3A_59 = arith.constant 0 : i32
    %dma_wait3A_60 = arith.constant 0 : i32
    %dma_wait3A_61 = tpu.memref_slice %arg6[%dma_wait3A, %dma_wait3A_59, %dma_wait3A_60] : memref<3x32x1024xf32, #tpu.memory_space<vmem>> -> memref<1x32x1024xf32, #tpu.memory_space<vmem>>
    %dma_wait3A_62 = tpu.memref_squeeze %dma_wait3A_61 : memref<1x32x1024xf32, #tpu.memory_space<vmem>> -> memref<32x1024xf32, #tpu.memory_space<vmem>>
    %dma_wait3A_63 = arith.constant 0 : i32
    %dma_wait3A_64 = tpu.memref_slice %arg5[%dma_wait3A_63] : memref<1024xi32, #tpu.memory_space<vmem>> -> memref<32xi32, #tpu.memory_space<vmem>>
    %dma_wait3A_65 = arith.constant 0 : i32
    %dma_wait3A_66 = arith.constant 0 : i32
    %dma_wait3A_67 = tpu.memref_slice %arg2[%dma_wait3A_65, %dma_wait3A_66] : memref<32768x1024xf32, #tpu.memory_space<hbm>> -> memref<32768x1024xf32, #tpu.memory_space<hbm>>
    %dma_wait3A_68 = tpu.memref_slice %arg7[%dma_wait3A_58] : memref<3x!tpu.dma_semaphore, #tpu.memory_space<semaphore_mem>> -> memref<1x!tpu.dma_semaphore, #tpu.memory_space<semaphore_mem>>
    %dma_wait3A_69 = tpu.memref_squeeze %dma_wait3A_68 : memref<1x!tpu.dma_semaphore, #tpu.memory_space<semaphore_mem>> -> memref<!tpu.dma_semaphore, #tpu.memory_space<semaphore_mem>>
    tpu.wait_indirect_dma semaphore(%dma_wait3A_69 : memref<!tpu.dma_semaphore, #tpu.memory_space<semaphore_mem>>) src(%dma_wait3A_67 : memref<32768x1024xf32, #tpu.memory_space<hbm>>) dst(%dma_wait3A_62 : memref<32x1024xf32, #tpu.memory_space<vmem>>)
    %add3A_70 = arith.constant 0 : i32
    %add3A_71 = arith.addi %mul3A_32, %add3A_70 : i32
    %dma_start3A_72 = arith.constant 0 : i32
    %dma_start3A_73 = arith.constant 0 : i32
    %dma_start3A_74 = arith.constant 0 : i32
    %dma_start3A_75 = arith.constant 0 : i32
    %dma_start3A_76 = tpu.memref_slice %arg6[%dma_start3A_72, %dma_start3A_74, %dma_start3A_75] : memref<3x32x1024xf32, #tpu.memory_space<vmem>> -> memref<1x32x1024xf32, #tpu.memory_space<vmem>>
    %dma_start3A_77 = tpu.memref_squeeze %dma_start3A_76 : memref<1x32x1024xf32, #tpu.memory_space<vmem>> -> memref<32x1024xf32, #tpu.memory_space<vmem>>
    %dma_start3A_78 = arith.constant 0 : i32
    %dma_start3A_79 = tpu.memref_slice %arg4[%select_n3A, %add3A_71, %dma_start3A_78] : memref<4x8192x1024xf32, #tpu.memory_space<hbm>> -> memref<1x32x1024xf32, #tpu.memory_space<hbm>>
    %dma_start3A_80 = tpu.memref_squeeze %dma_start3A_79 : memref<1x32x1024xf32, #tpu.memory_space<hbm>> -> memref<32x1024xf32, #tpu.memory_space<hbm>>
    %dma_start3A_81 = tpu.memref_slice %arg8[%dma_start3A_73] : memref<3x!tpu.dma_semaphore, #tpu.memory_space<semaphore_mem>> -> memref<1x!tpu.dma_semaphore, #tpu.memory_space<semaphore_mem>>
    %dma_start3A_82 = tpu.memref_squeeze %dma_start3A_81 : memref<1x!tpu.dma_semaphore, #tpu.memory_space<semaphore_mem>> -> memref<!tpu.dma_semaphore, #tpu.memory_space<semaphore_mem>>
    %dma_start3A_83 = arith.constant 0 : i32
    %dma_start3A_84 = tpu.memref_slice %arg4[%select_n3A, %add3A_71, %dma_start3A_83] : memref<4x8192x1024xf32, #tpu.memory_space<hbm>> -> memref<1x32x1024xf32, #tpu.memory_space<hbm>>
    %dma_start3A_85 = tpu.memref_squeeze %dma_start3A_84 : memref<1x32x1024xf32, #tpu.memory_space<hbm>> -> memref<32x1024xf32, #tpu.memory_space<hbm>>
    %dma_start3A_86 = arith.constant 0 : i32
    %dma_start3A_87 = arith.constant 0 : i32
    %dma_start3A_88 = tpu.memref_slice %arg6[%dma_start3A_72, %dma_start3A_86, %dma_start3A_87] : memref<3x32x1024xf32, #tpu.memory_space<vmem>> -> memref<1x32x1024xf32, #tpu.memory_space<vmem>>
    %dma_start3A_89 = tpu.memref_squeeze %dma_start3A_88 : memref<1x32x1024xf32, #tpu.memory_space<vmem>> -> memref<32x1024xf32, #tpu.memory_space<vmem>>
    tpu.enqueue_dma source(%dma_start3A_89 : memref<32x1024xf32, #tpu.memory_space<vmem>>) target(%dma_start3A_85 : memref<32x1024xf32, #tpu.memory_space<hbm>>) target_semaphore(%dma_start3A_82 : memref<!tpu.dma_semaphore, #tpu.memory_space<semaphore_mem>>)
    %dma_start3A_90 = arith.constant 2 : i32
    %dma_start3A_91 = arith.constant 2 : i32
    %dma_start3A_92 = arith.constant 0 : i32
    %dma_start3A_93 = arith.constant 0 : i32
    %dma_start3A_94 = tpu.memref_slice %arg6[%dma_start3A_90, %dma_start3A_92, %dma_start3A_93] : memref<3x32x1024xf32, #tpu.memory_space<vmem>> -> memref<1x32x1024xf32, #tpu.memory_space<vmem>>
    %dma_start3A_95 = tpu.memref_squeeze %dma_start3A_94 : memref<1x32x1024xf32, #tpu.memory_space<vmem>> -> memref<32x1024xf32, #tpu.memory_space<vmem>>
    %dma_start3A_96 = arith.constant 64 : i32
    %dma_start3A_97 = tpu.memref_slice %arg5[%dma_start3A_96] : memref<1024xi32, #tpu.memory_space<vmem>> -> memref<32xi32, #tpu.memory_space<vmem>>
    %dma_start3A_98 = arith.constant 0 : i32
    %dma_start3A_99 = arith.constant 0 : i32
    %dma_start3A_100 = tpu.memref_slice %arg2[%dma_start3A_98, %dma_start3A_99] : memref<32768x1024xf32, #tpu.memory_space<hbm>> -> memref<32768x1024xf32, #tpu.memory_space<hbm>>
    %dma_start3A_101 = tpu.memref_slice %arg7[%dma_start3A_91] : memref<3x!tpu.dma_semaphore, #tpu.memory_space<semaphore_mem>> -> memref<1x!tpu.dma_semaphore, #tpu.memory_space<semaphore_mem>>
    %dma_start3A_102 = tpu.memref_squeeze %dma_start3A_101 : memref<1x!tpu.dma_semaphore, #tpu.memory_space<semaphore_mem>> -> memref<!tpu.dma_semaphore, #tpu.memory_space<semaphore_mem>>
    tpu.enqueue_indirect_dma source(%dma_start3A_100 : memref<32768x1024xf32, #tpu.memory_space<hbm>>) target(%dma_start3A_95 : memref<32x1024xf32, #tpu.memory_space<vmem>>) offsets(%dma_start3A_97 : memref<32xi32, #tpu.memory_space<vmem>>) semaphore(%dma_start3A_102 : memref<!tpu.dma_semaphore, #tpu.memory_space<semaphore_mem>>)
    %dma_wait3A_103 = arith.constant 1 : i32
    %dma_wait3A_104 = arith.constant 1 : i32
    %dma_wait3A_105 = arith.constant 0 : i32
    %dma_wait3A_106 = arith.constant 0 : i32
    %dma_wait3A_107 = tpu.memref_slice %arg6[%dma_wait3A_103, %dma_wait3A_105, %dma_wait3A_106] : memref<3x32x1024xf32, #tpu.memory_space<vmem>> -> memref<1x32x1024xf32, #tpu.memory_space<vmem>>
    %dma_wait3A_108 = tpu.memref_squeeze %dma_wait3A_107 : memref<1x32x1024xf32, #tpu.memory_space<vmem>> -> memref<32x1024xf32, #tpu.memory_space<vmem>>
    %dma_wait3A_109 = arith.constant 32 : i32
    %dma_wait3A_110 = tpu.memref_slice %arg5[%dma_wait3A_109] : memref<1024xi32, #tpu.memory_space<vmem>> -> memref<32xi32, #tpu.memory_space<vmem>>
    %dma_wait3A_111 = arith.constant 0 : i32
    %dma_wait3A_112 = arith.constant 0 : i32
    %dma_wait3A_113 = tpu.memref_slice %arg2[%dma_wait3A_111, %dma_wait3A_112] : memref<32768x1024xf32, #tpu.memory_space<hbm>> -> memref<32768x1024xf32, #tpu.memory_space<hbm>>
    %dma_wait3A_114 = tpu.memref_slice %arg7[%dma_wait3A_104] : memref<3x!tpu.dma_semaphore, #tpu.memory_space<semaphore_mem>> -> memref<1x!tpu.dma_semaphore, #tpu.memory_space<semaphore_mem>>
    %dma_wait3A_115 = tpu.memref_squeeze %dma_wait3A_114 : memref<1x!tpu.dma_semaphore, #tpu.memory_space<semaphore_mem>> -> memref<!tpu.dma_semaphore, #tpu.memory_space<semaphore_mem>>
    tpu.wait_indirect_dma semaphore(%dma_wait3A_115 : memref<!tpu.dma_semaphore, #tpu.memory_space<semaphore_mem>>) src(%dma_wait3A_113 : memref<32768x1024xf32, #tpu.memory_space<hbm>>) dst(%dma_wait3A_108 : memref<32x1024xf32, #tpu.memory_space<vmem>>)
    %add3A_116 = arith.constant 32 : i32
    %add3A_117 = arith.addi %mul3A_32, %add3A_116 : i32
    %dma_start3A_118 = arith.constant 1 : i32
    %dma_start3A_119 = arith.constant 1 : i32
    %dma_start3A_120 = arith.constant 0 : i32
    %dma_start3A_121 = arith.constant 0 : i32
    %dma_start3A_122 = tpu.memref_slice %arg6[%dma_start3A_118, %dma_start3A_120, %dma_start3A_121] : memref<3x32x1024xf32, #tpu.memory_space<vmem>> -> memref<1x32x1024xf32, #tpu.memory_space<vmem>>
    %dma_start3A_123 = tpu.memref_squeeze %dma_start3A_122 : memref<1x32x1024xf32, #tpu.memory_space<vmem>> -> memref<32x1024xf32, #tpu.memory_space<vmem>>
    %dma_start3A_124 = arith.constant 0 : i32
    %dma_start3A_125 = tpu.memref_slice %arg4[%select_n3A, %add3A_117, %dma_start3A_124] : memref<4x8192x1024xf32, #tpu.memory_space<hbm>> -> memref<1x32x1024xf32, #tpu.memory_space<hbm>>
    %dma_start3A_126 = tpu.memref_squeeze %dma_start3A_125 : memref<1x32x1024xf32, #tpu.memory_space<hbm>> -> memref<32x1024xf32, #tpu.memory_space<hbm>>
    %dma_start3A_127 = tpu.memref_slice %arg8[%dma_start3A_119] : memref<3x!tpu.dma_semaphore, #tpu.memory_space<semaphore_mem>> -> memref<1x!tpu.dma_semaphore, #tpu.memory_space<semaphore_mem>>
    %dma_start3A_128 = tpu.memref_squeeze %dma_start3A_127 : memref<1x!tpu.dma_semaphore, #tpu.memory_space<semaphore_mem>> -> memref<!tpu.dma_semaphore, #tpu.memory_space<semaphore_mem>>
    %dma_start3A_129 = arith.constant 0 : i32
    %dma_start3A_130 = tpu.memref_slice %arg4[%select_n3A, %add3A_117, %dma_start3A_129] : memref<4x8192x1024xf32, #tpu.memory_space<hbm>> -> memref<1x32x1024xf32, #tpu.memory_space<hbm>>
    %dma_start3A_131 = tpu.memref_squeeze %dma_start3A_130 : memref<1x32x1024xf32, #tpu.memory_space<hbm>> -> memref<32x1024xf32, #tpu.memory_space<hbm>>
    %dma_start3A_132 = arith.constant 0 : i32
    %dma_start3A_133 = arith.constant 0 : i32
    %dma_start3A_134 = tpu.memref_slice %arg6[%dma_start3A_118, %dma_start3A_132, %dma_start3A_133] : memref<3x32x1024xf32, #tpu.memory_space<vmem>> -> memref<1x32x1024xf32, #tpu.memory_space<vmem>>
    %dma_start3A_135 = tpu.memref_squeeze %dma_start3A_134 : memref<1x32x1024xf32, #tpu.memory_space<vmem>> -> memref<32x1024xf32, #tpu.memory_space<vmem>>
    tpu.enqueue_dma source(%dma_start3A_135 : memref<32x1024xf32, #tpu.memory_space<vmem>>) target(%dma_start3A_131 : memref<32x1024xf32, #tpu.memory_space<hbm>>) target_semaphore(%dma_start3A_128 : memref<!tpu.dma_semaphore, #tpu.memory_space<semaphore_mem>>)
    %add3A_136 = arith.constant 0 : i32
    %add3A_137 = arith.addi %mul3A_32, %add3A_136 : i32
    %dma_wait3A_138 = arith.constant 0 : i32
    %dma_wait3A_139 = arith.constant 0 : i32
    %dma_wait3A_140 = arith.constant 0 : i32
    %dma_wait3A_141 = arith.constant 0 : i32
    %dma_wait3A_142 = tpu.memref_slice %arg6[%dma_wait3A_138, %dma_wait3A_140, %dma_wait3A_141] : memref<3x32x1024xf32, #tpu.memory_space<vmem>> -> memref<1x32x1024xf32, #tpu.memory_space<vmem>>
    %dma_wait3A_143 = tpu.memref_squeeze %dma_wait3A_142 : memref<1x32x1024xf32, #tpu.memory_space<vmem>> -> memref<32x1024xf32, #tpu.memory_space<vmem>>
    %dma_wait3A_144 = arith.constant 0 : i32
    %dma_wait3A_145 = tpu.memref_slice %arg4[%select_n3A, %add3A_137, %dma_wait3A_144] : memref<4x8192x1024xf32, #tpu.memory_space<hbm>> -> memref<1x32x1024xf32, #tpu.memory_space<hbm>>
    %dma_wait3A_146 = tpu.memref_squeeze %dma_wait3A_145 : memref<1x32x1024xf32, #tpu.memory_space<hbm>> -> memref<32x1024xf32, #tpu.memory_space<hbm>>
    %dma_wait3A_147 = tpu.memref_slice %arg8[%dma_wait3A_139] : memref<3x!tpu.dma_semaphore, #tpu.memory_space<semaphore_mem>> -> memref<1x!tpu.dma_semaphore, #tpu.memory_space<semaphore_mem>>
    %dma_wait3A_148 = tpu.memref_squeeze %dma_wait3A_147 : memref<1x!tpu.dma_semaphore, #tpu.memory_space<semaphore_mem>> -> memref<!tpu.dma_semaphore, #tpu.memory_space<semaphore_mem>>
    %dma_wait3A_149 = arith.constant 0 : i32
    %dma_wait3A_150 = tpu.memref_slice %arg4[%select_n3A, %add3A_137, %dma_wait3A_149] : memref<4x8192x1024xf32, #tpu.memory_space<hbm>> -> memref<1x32x1024xf32, #tpu.memory_space<hbm>>
    %dma_wait3A_151 = tpu.memref_squeeze %dma_wait3A_150 : memref<1x32x1024xf32, #tpu.memory_space<hbm>> -> memref<32x1024xf32, #tpu.memory_space<hbm>>
    %dma_wait3A_152 = arith.constant 0 : i32
    %dma_wait3A_153 = arith.constant 0 : i32
    %dma_wait3A_154 = tpu.memref_slice %arg6[%dma_wait3A_138, %dma_wait3A_152, %dma_wait3A_153] : memref<3x32x1024xf32, #tpu.memory_space<vmem>> -> memref<1x32x1024xf32, #tpu.memory_space<vmem>>
    %dma_wait3A_155 = tpu.memref_squeeze %dma_wait3A_154 : memref<1x32x1024xf32, #tpu.memory_space<vmem>> -> memref<32x1024xf32, #tpu.memory_space<vmem>>
    tpu.wait_dma2 semaphore(%dma_wait3A_148 : memref<!tpu.dma_semaphore, #tpu.memory_space<semaphore_mem>>) src(%dma_wait3A_155 : memref<32x1024xf32, #tpu.memory_space<vmem>>) dst(%dma_wait3A_151 : memref<32x1024xf32, #tpu.memory_space<hbm>>)
    %dma_start3A_156 = arith.constant 0 : i32
    %dma_start3A_157 = arith.constant 0 : i32
    %dma_start3A_158 = arith.constant 0 : i32
    %dma_start3A_159 = arith.constant 0 : i32
    %dma_start3A_160 = tpu.memref_slice %arg6[%dma_start3A_156, %dma_start3A_158, %dma_start3A_159] : memref<3x32x1024xf32, #tpu.memory_space<vmem>> -> memref<1x32x1024xf32, #tpu.memory_space<vmem>>
    %dma_start3A_161 = tpu.memref_squeeze %dma_start3A_160 : memref<1x32x1024xf32, #tpu.memory_space<vmem>> -> memref<32x1024xf32, #tpu.memory_space<vmem>>
    %dma_start3A_162 = arith.constant 96 : i32
    %dma_start3A_163 = tpu.memref_slice %arg5[%dma_start3A_162] : memref<1024xi32, #tpu.memory_space<vmem>> -> memref<32xi32, #tpu.memory_space<vmem>>
    %dma_start3A_164 = arith.constant 0 : i32
    %dma_start3A_165 = arith.constant 0 : i32
    %dma_start3A_166 = tpu.memref_slice %arg2[%dma_start3A_164, %dma_start3A_165] : memref<32768x1024xf32, #tpu.memory_space<hbm>> -> memref<32768x1024xf32, #tpu.memory_space<hbm>>
    %dma_start3A_167 = tpu.memref_slice %arg7[%dma_start3A_157] : memref<3x!tpu.dma_semaphore, #tpu.memory_space<semaphore_mem>> -> memref<1x!tpu.dma_semaphore, #tpu.memory_space<semaphore_mem>>
    %dma_start3A_168 = tpu.memref_squeeze %dma_start3A_167 : memref<1x!tpu.dma_semaphore, #tpu.memory_space<semaphore_mem>> -> memref<!tpu.dma_semaphore, #tpu.memory_space<semaphore_mem>>
    tpu.enqueue_indirect_dma source(%dma_start3A_166 : memref<32768x1024xf32, #tpu.memory_space<hbm>>) target(%dma_start3A_161 : memref<32x1024xf32, #tpu.memory_space<vmem>>) offsets(%dma_start3A_163 : memref<32xi32, #tpu.memory_space<vmem>>) semaphore(%dma_start3A_168 : memref<!tpu.dma_semaphore, #tpu.memory_space<semaphore_mem>>)
    %dma_wait3A_169 = arith.constant 2 : i32
    %dma_wait3A_170 = arith.constant 2 : i32
    %dma_wait3A_171 = arith.constant 0 : i32
    %dma_wait3A_172 = arith.constant 0 : i32
    %dma_wait3A_173 = tpu.memref_slice %arg6[%dma_wait3A_169, %dma_wait3A_171, %dma_wait3A_172] : memref<3x32x1024xf32, #tpu.memory_space<vmem>> -> memref<1x32x1024xf32, #tpu.memory_space<vmem>>
    %dma_wait3A_174 = tpu.memref_squeeze %dma_wait3A_173 : memref<1x32x1024xf32, #tpu.memory_space<vmem>> -> memref<32x1024xf32, #tpu.memory_space<vmem>>
    %dma_wait3A_175 = arith.constant 64 : i32
    %dma_wait3A_176 = tpu.memref_slice %arg5[%dma_wait3A_175] : memref<1024xi32, #tpu.memory_space<vmem>> -> memref<32xi32, #tpu.memory_space<vmem>>
    %dma_wait3A_177 = arith.constant 0 : i32
    %dma_wait3A_178 = arith.constant 0 : i32
    %dma_wait3A_179 = tpu.memref_slice %arg2[%dma_wait3A_177, %dma_wait3A_178] : memref<32768x1024xf32, #tpu.memory_space<hbm>> -> memref<32768x1024xf32, #tpu.memory_space<hbm>>
    %dma_wait3A_180 = tpu.memref_slice %arg7[%dma_wait3A_170] : memref<3x!tpu.dma_semaphore, #tpu.memory_space<semaphore_mem>> -> memref<1x!tpu.dma_semaphore, #tpu.memory_space<semaphore_mem>>
    %dma_wait3A_181 = tpu.memref_squeeze %dma_wait3A_180 : memref<1x!tpu.dma_semaphore, #tpu.memory_space<semaphore_mem>> -> memref<!tpu.dma_semaphore, #tpu.memory_space<semaphore_mem>>
    tpu.wait_indirect_dma semaphore(%dma_wait3A_181 : memref<!tpu.dma_semaphore, #tpu.memory_space<semaphore_mem>>) src(%dma_wait3A_179 : memref<32768x1024xf32, #tpu.memory_space<hbm>>) dst(%dma_wait3A_174 : memref<32x1024xf32, #tpu.memory_space<vmem>>)
    %add3A_182 = arith.constant 64 : i32
    %add3A_183 = arith.addi %mul3A_32, %add3A_182 : i32
    %dma_start3A_184 = arith.constant 2 : i32
    %dma_start3A_185 = arith.constant 2 : i32
    %dma_start3A_186 = arith.constant 0 : i32
    %dma_start3A_187 = arith.constant 0 : i32
    %dma_start3A_188 = tpu.memref_slice %arg6[%dma_start3A_184, %dma_start3A_186, %dma_start3A_187] : memref<3x32x1024xf32, #tpu.memory_space<vmem>> -> memref<1x32x1024xf32, #tpu.memory_space<vmem>>
    %dma_start3A_189 = tpu.memref_squeeze %dma_start3A_188 : memref<1x32x1024xf32, #tpu.memory_space<vmem>> -> memref<32x1024xf32, #tpu.memory_space<vmem>>
    %dma_start3A_190 = arith.constant 0 : i32
    %dma_start3A_191 = tpu.memref_slice %arg4[%select_n3A, %add3A_183, %dma_start3A_190] : memref<4x8192x1024xf32, #tpu.memory_space<hbm>> -> memref<1x32x1024xf32, #tpu.memory_space<hbm>>
    %dma_start3A_192 = tpu.memref_squeeze %dma_start3A_191 : memref<1x32x1024xf32, #tpu.memory_space<hbm>> -> memref<32x1024xf32, #tpu.memory_space<hbm>>
    %dma_start3A_193 = tpu.memref_slice %arg8[%dma_start3A_185] : memref<3x!tpu.dma_semaphore, #tpu.memory_space<semaphore_mem>> -> memref<1x!tpu.dma_semaphore, #tpu.memory_space<semaphore_mem>>
    %dma_start3A_194 = tpu.memref_squeeze %dma_start3A_193 : memref<1x!tpu.dma_semaphore, #tpu.memory_space<semaphore_mem>> -> memref<!tpu.dma_semaphore, #tpu.memory_space<semaphore_mem>>
    %dma_start3A_195 = arith.constant 0 : i32
    %dma_start3A_196 = tpu.memref_slice %arg4[%select_n3A, %add3A_183, %dma_start3A_195] : memref<4x8192x1024xf32, #tpu.memory_space<hbm>> -> memref<1x32x1024xf32, #tpu.memory_space<hbm>>
    %dma_start3A_197 = tpu.memref_squeeze %dma_start3A_196 : memref<1x32x1024xf32, #tpu.memory_space<hbm>> -> memref<32x1024xf32, #tpu.memory_space<hbm>>
    %dma_start3A_198 = arith.constant 0 : i32
    %dma_start3A_199 = arith.constant 0 : i32
    %dma_start3A_200 = tpu.memref_slice %arg6[%dma_start3A_184, %dma_start3A_198, %dma_start3A_199] : memref<3x32x1024xf32, #tpu.memory_space<vmem>> -> memref<1x32x1024xf32, #tpu.memory_space<vmem>>
    %dma_start3A_201 = tpu.memref_squeeze %dma_start3A_200 : memref<1x32x1024xf32, #tpu.memory_space<vmem>> -> memref<32x1024xf32, #tpu.memory_space<vmem>>
    tpu.enqueue_dma source(%dma_start3A_201 : memref<32x1024xf32, #tpu.memory_space<vmem>>) target(%dma_start3A_197 : memref<32x1024xf32, #tpu.memory_space<hbm>>) target_semaphore(%dma_start3A_194 : memref<!tpu.dma_semaphore, #tpu.memory_space<semaphore_mem>>)
    %add3A_202 = arith.constant 32 : i32
    %add3A_203 = arith.addi %mul3A_32, %add3A_202 : i32
    %dma_wait3A_204 = arith.constant 1 : i32
    %dma_wait3A_205 = arith.constant 1 : i32
    %dma_wait3A_206 = arith.constant 0 : i32
    %dma_wait3A_207 = arith.constant 0 : i32
    %dma_wait3A_208 = tpu.memref_slice %arg6[%dma_wait3A_204, %dma_wait3A_206, %dma_wait3A_207] : memref<3x32x1024xf32, #tpu.memory_space<vmem>> -> memref<1x32x1024xf32, #tpu.memory_space<vmem>>
    %dma_wait3A_209 = tpu.memref_squeeze %dma_wait3A_208 : memref<1x32x1024xf32, #tpu.memory_space<vmem>> -> memref<32x1024xf32, #tpu.memory_space<vmem>>
    %dma_wait3A_210 = arith.constant 0 : i32
    %dma_wait3A_211 = tpu.memref_slice %arg4[%select_n3A, %add3A_203, %dma_wait3A_210] : memref<4x8192x1024xf32, #tpu.memory_space<hbm>> -> memref<1x32x1024xf32, #tpu.memory_space<hbm>>
    %dma_wait3A_212 = tpu.memref_squeeze %dma_wait3A_211 : memref<1x32x1024xf32, #tpu.memory_space<hbm>> -> memref<32x1024xf32, #tpu.memory_space<hbm>>
    %dma_wait3A_213 = tpu.memref_slice %arg8[%dma_wait3A_205] : memref<3x!tpu.dma_semaphore, #tpu.memory_space<semaphore_mem>> -> memref<1x!tpu.dma_semaphore, #tpu.memory_space<semaphore_mem>>
    %dma_wait3A_214 = tpu.memref_squeeze %dma_wait3A_213 : memref<1x!tpu.dma_semaphore, #tpu.memory_space<semaphore_mem>> -> memref<!tpu.dma_semaphore, #tpu.memory_space<semaphore_mem>>
    %dma_wait3A_215 = arith.constant 0 : i32
    %dma_wait3A_216 = tpu.memref_slice %arg4[%select_n3A, %add3A_203, %dma_wait3A_215] : memref<4x8192x1024xf32, #tpu.memory_space<hbm>> -> memref<1x32x1024xf32, #tpu.memory_space<hbm>>
    %dma_wait3A_217 = tpu.memref_squeeze %dma_wait3A_216 : memref<1x32x1024xf32, #tpu.memory_space<hbm>> -> memref<32x1024xf32, #tpu.memory_space<hbm>>
    %dma_wait3A_218 = arith.constant 0 : i32
    %dma_wait3A_219 = arith.constant 0 : i32
    %dma_wait3A_220 = tpu.memref_slice %arg6[%dma_wait3A_204, %dma_wait3A_218, %dma_wait3A_219] : memref<3x32x1024xf32, #tpu.memory_space<vmem>> -> memref<1x32x1024xf32, #tpu.memory_space<vmem>>
    %dma_wait3A_221 = tpu.memref_squeeze %dma_wait3A_220 : memref<1x32x1024xf32, #tpu.memory_space<vmem>> -> memref<32x1024xf32, #tpu.memory_space<vmem>>
    tpu.wait_dma2 semaphore(%dma_wait3A_214 : memref<!tpu.dma_semaphore, #tpu.memory_space<semaphore_mem>>) src(%dma_wait3A_221 : memref<32x1024xf32, #tpu.memory_space<vmem>>) dst(%dma_wait3A_217 : memref<32x1024xf32, #tpu.memory_space<hbm>>)
    %dma_start3A_222 = arith.constant 1 : i32
    %dma_start3A_223 = arith.constant 1 : i32
    %dma_start3A_224 = arith.constant 0 : i32
    %dma_start3A_225 = arith.constant 0 : i32
    %dma_start3A_226 = tpu.memref_slice %arg6[%dma_start3A_222, %dma_start3A_224, %dma_start3A_225] : memref<3x32x1024xf32, #tpu.memory_space<vmem>> -> memref<1x32x1024xf32, #tpu.memory_space<vmem>>
    %dma_start3A_227 = tpu.memref_squeeze %dma_start3A_226 : memref<1x32x1024xf32, #tpu.memory_space<vmem>> -> memref<32x1024xf32, #tpu.memory_space<vmem>>
    %dma_start3A_228 = arith.constant 128 : i32
    %dma_start3A_229 = tpu.memref_slice %arg5[%dma_start3A_228] : memref<1024xi32, #tpu.memory_space<vmem>> -> memref<32xi32, #tpu.memory_space<vmem>>
    %dma_start3A_230 = arith.constant 0 : i32
    %dma_start3A_231 = arith.constant 0 : i32
    %dma_start3A_232 = tpu.memref_slice %arg2[%dma_start3A_230, %dma_start3A_231] : memref<32768x1024xf32, #tpu.memory_space<hbm>> -> memref<32768x1024xf32, #tpu.memory_space<hbm>>
    %dma_start3A_233 = tpu.memref_slice %arg7[%dma_start3A_223] : memref<3x!tpu.dma_semaphore, #tpu.memory_space<semaphore_mem>> -> memref<1x!tpu.dma_semaphore, #tpu.memory_space<semaphore_mem>>
    %dma_start3A_234 = tpu.memref_squeeze %dma_start3A_233 : memref<1x!tpu.dma_semaphore, #tpu.memory_space<semaphore_mem>> -> memref<!tpu.dma_semaphore, #tpu.memory_space<semaphore_mem>>
    tpu.enqueue_indirect_dma source(%dma_start3A_232 : memref<32768x1024xf32, #tpu.memory_space<hbm>>) target(%dma_start3A_227 : memref<32x1024xf32, #tpu.memory_space<vmem>>) offsets(%dma_start3A_229 : memref<32xi32, #tpu.memory_space<vmem>>) semaphore(%dma_start3A_234 : memref<!tpu.dma_semaphore, #tpu.memory_space<semaphore_mem>>)
    %dma_wait3A_235 = arith.constant 0 : i32
    %dma_wait3A_236 = arith.constant 0 : i32
    %dma_wait3A_237 = arith.constant 0 : i32
    %dma_wait3A_238 = arith.constant 0 : i32
    %dma_wait3A_239 = tpu.memref_slice %arg6[%dma_wait3A_235, %dma_wait3A_237, %dma_wait3A_238] : memref<3x32x1024xf32, #tpu.memory_space<vmem>> -> memref<1x32x1024xf32, #tpu.memory_space<vmem>>
    %dma_wait3A_240 = tpu.memref_squeeze %dma_wait3A_239 : memref<1x32x1024xf32, #tpu.memory_space<vmem>> -> memref<32x1024xf32, #tpu.memory_space<vmem>>
    %dma_wait3A_241 = arith.constant 96 : i32
    %dma_wait3A_242 = tpu.memref_slice %arg5[%dma_wait3A_241] : memref<1024xi32, #tpu.memory_space<vmem>> -> memref<32xi32, #tpu.memory_space<vmem>>
    %dma_wait3A_243 = arith.constant 0 : i32
    %dma_wait3A_244 = arith.constant 0 : i32
    %dma_wait3A_245 = tpu.memref_slice %arg2[%dma_wait3A_243, %dma_wait3A_244] : memref<32768x1024xf32, #tpu.memory_space<hbm>> -> memref<32768x1024xf32, #tpu.memory_space<hbm>>
    %dma_wait3A_246 = tpu.memref_slice %arg7[%dma_wait3A_236] : memref<3x!tpu.dma_semaphore, #tpu.memory_space<semaphore_mem>> -> memref<1x!tpu.dma_semaphore, #tpu.memory_space<semaphore_mem>>
    %dma_wait3A_247 = tpu.memref_squeeze %dma_wait3A_246 : memref<1x!tpu.dma_semaphore, #tpu.memory_space<semaphore_mem>> -> memref<!tpu.dma_semaphore, #tpu.memory_space<semaphore_mem>>
    tpu.wait_indirect_dma semaphore(%dma_wait3A_247 : memref<!tpu.dma_semaphore, #tpu.memory_space<semaphore_mem>>) src(%dma_wait3A_245 : memref<32768x1024xf32, #tpu.memory_space<hbm>>) dst(%dma_wait3A_240 : memref<32x1024xf32, #tpu.memory_space<vmem>>)
    %add3A_248 = arith.constant 96 : i32
    %add3A_249 = arith.addi %mul3A_32, %add3A_248 : i32
    %dma_start3A_250 = arith.constant 0 : i32
    %dma_start3A_251 = arith.constant 0 : i32
    %dma_start3A_252 = arith.constant 0 : i32
    %dma_start3A_253 = arith.constant 0 : i32
    %dma_start3A_254 = tpu.memref_slice %arg6[%dma_start3A_250, %dma_start3A_252, %dma_start3A_253] : memref<3x32x1024xf32, #tpu.memory_space<vmem>> -> memref<1x32x1024xf32, #tpu.memory_space<vmem>>
    %dma_start3A_255 = tpu.memref_squeeze %dma_start3A_254 : memref<1x32x1024xf32, #tpu.memory_space<vmem>> -> memref<32x1024xf32, #tpu.memory_space<vmem>>
    %dma_start3A_256 = arith.constant 0 : i32
    %dma_start3A_257 = tpu.memref_slice %arg4[%select_n3A, %add3A_249, %dma_start3A_256] : memref<4x8192x1024xf32, #tpu.memory_space<hbm>> -> memref<1x32x1024xf32, #tpu.memory_space<hbm>>
    %dma_start3A_258 = tpu.memref_squeeze %dma_start3A_257 : memref<1x32x1024xf32, #tpu.memory_space<hbm>> -> memref<32x1024xf32, #tpu.memory_space<hbm>>
    %dma_start3A_259 = tpu.memref_slice %arg8[%dma_start3A_251] : memref<3x!tpu.dma_semaphore, #tpu.memory_space<semaphore_mem>> -> memref<1x!tpu.dma_semaphore, #tpu.memory_space<semaphore_mem>>
    %dma_start3A_260 = tpu.memref_squeeze %dma_start3A_259 : memref<1x!tpu.dma_semaphore, #tpu.memory_space<semaphore_mem>> -> memref<!tpu.dma_semaphore, #tpu.memory_space<semaphore_mem>>
    %dma_start3A_261 = arith.constant 0 : i32
    %dma_start3A_262 = tpu.memref_slice %arg4[%select_n3A, %add3A_249, %dma_start3A_261] : memref<4x8192x1024xf32, #tpu.memory_space<hbm>> -> memref<1x32x1024xf32, #tpu.memory_space<hbm>>
    %dma_start3A_263 = tpu.memref_squeeze %dma_start3A_262 : memref<1x32x1024xf32, #tpu.memory_space<hbm>> -> memref<32x1024xf32, #tpu.memory_space<hbm>>
    %dma_start3A_264 = arith.constant 0 : i32
    %dma_start3A_265 = arith.constant 0 : i32
    %dma_start3A_266 = tpu.memref_slice %arg6[%dma_start3A_250, %dma_start3A_264, %dma_start3A_265] : memref<3x32x1024xf32, #tpu.memory_space<vmem>> -> memref<1x32x1024xf32, #tpu.memory_space<vmem>>
    %dma_start3A_267 = tpu.memref_squeeze %dma_start3A_266 : memref<1x32x1024xf32, #tpu.memory_space<vmem>> -> memref<32x1024xf32, #tpu.memory_space<vmem>>
    tpu.enqueue_dma source(%dma_start3A_267 : memref<32x1024xf32, #tpu.memory_space<vmem>>) target(%dma_start3A_263 : memref<32x1024xf32, #tpu.memory_space<hbm>>) target_semaphore(%dma_start3A_260 : memref<!tpu.dma_semaphore, #tpu.memory_space<semaphore_mem>>)
    %add3A_268 = arith.constant 64 : i32
    %add3A_269 = arith.addi %mul3A_32, %add3A_268 : i32
    %dma_wait3A_270 = arith.constant 2 : i32
    %dma_wait3A_271 = arith.constant 2 : i32
    %dma_wait3A_272 = arith.constant 0 : i32
    %dma_wait3A_273 = arith.constant 0 : i32
    %dma_wait3A_274 = tpu.memref_slice %arg6[%dma_wait3A_270, %dma_wait3A_272, %dma_wait3A_273] : memref<3x32x1024xf32, #tpu.memory_space<vmem>> -> memref<1x32x1024xf32, #tpu.memory_space<vmem>>
    %dma_wait3A_275 = tpu.memref_squeeze %dma_wait3A_274 : memref<1x32x1024xf32, #tpu.memory_space<vmem>> -> memref<32x1024xf32, #tpu.memory_space<vmem>>
    %dma_wait3A_276 = arith.constant 0 : i32
    %dma_wait3A_277 = tpu.memref_slice %arg4[%select_n3A, %add3A_269, %dma_wait3A_276] : memref<4x8192x1024xf32, #tpu.memory_space<hbm>> -> memref<1x32x1024xf32, #tpu.memory_space<hbm>>
    %dma_wait3A_278 = tpu.memref_squeeze %dma_wait3A_277 : memref<1x32x1024xf32, #tpu.memory_space<hbm>> -> memref<32x1024xf32, #tpu.memory_space<hbm>>
    %dma_wait3A_279 = tpu.memref_slice %arg8[%dma_wait3A_271] : memref<3x!tpu.dma_semaphore, #tpu.memory_space<semaphore_mem>> -> memref<1x!tpu.dma_semaphore, #tpu.memory_space<semaphore_mem>>
    %dma_wait3A_280 = tpu.memref_squeeze %dma_wait3A_279 : memref<1x!tpu.dma_semaphore, #tpu.memory_space<semaphore_mem>> -> memref<!tpu.dma_semaphore, #tpu.memory_space<semaphore_mem>>
    %dma_wait3A_281 = arith.constant 0 : i32
    %dma_wait3A_282 = tpu.memref_slice %arg4[%select_n3A, %add3A_269, %dma_wait3A_281] : memref<4x8192x1024xf32, #tpu.memory_space<hbm>> -> memref<1x32x1024xf32, #tpu.memory_space<hbm>>
    %dma_wait3A_283 = tpu.memref_squeeze %dma_wait3A_282 : memref<1x32x1024xf32, #tpu.memory_space<hbm>> -> memref<32x1024xf32, #tpu.memory_space<hbm>>
    %dma_wait3A_284 = arith.constant 0 : i32
    %dma_wait3A_285 = arith.constant 0 : i32
    %dma_wait3A_286 = tpu.memref_slice %arg6[%dma_wait3A_270, %dma_wait3A_284, %dma_wait3A_285] : memref<3x32x1024xf32, #tpu.memory_space<vmem>> -> memref<1x32x1024xf32, #tpu.memory_space<vmem>>
    %dma_wait3A_287 = tpu.memref_squeeze %dma_wait3A_286 : memref<1x32x1024xf32, #tpu.memory_space<vmem>> -> memref<32x1024xf32, #tpu.memory_space<vmem>>
    tpu.wait_dma2 semaphore(%dma_wait3A_280 : memref<!tpu.dma_semaphore, #tpu.memory_space<semaphore_mem>>) src(%dma_wait3A_287 : memref<32x1024xf32, #tpu.memory_space<vmem>>) dst(%dma_wait3A_283 : memref<32x1024xf32, #tpu.memory_space<hbm>>)
    %dma_start3A_288 = arith.constant 2 : i32
    %dma_start3A_289 = arith.constant 2 : i32
    %dma_start3A_290 = arith.constant 0 : i32
    %dma_start3A_291 = arith.constant 0 : i32
    %dma_start3A_292 = tpu.memref_slice %arg6[%dma_start3A_288, %dma_start3A_290, %dma_start3A_291] : memref<3x32x1024xf32, #tpu.memory_space<vmem>> -> memref<1x32x1024xf32, #tpu.memory_space<vmem>>
    %dma_start3A_293 = tpu.memref_squeeze %dma_start3A_292 : memref<1x32x1024xf32, #tpu.memory_space<vmem>> -> memref<32x1024xf32, #tpu.memory_space<vmem>>
    %dma_start3A_294 = arith.constant 160 : i32
    %dma_start3A_295 = tpu.memref_slice %arg5[%dma_start3A_294] : memref<1024xi32, #tpu.memory_space<vmem>> -> memref<32xi32, #tpu.memory_space<vmem>>
    %dma_start3A_296 = arith.constant 0 : i32
    %dma_start3A_297 = arith.constant 0 : i32
    %dma_start3A_298 = tpu.memref_slice %arg2[%dma_start3A_296, %dma_start3A_297] : memref<32768x1024xf32, #tpu.memory_space<hbm>> -> memref<32768x1024xf32, #tpu.memory_space<hbm>>
    %dma_start3A_299 = tpu.memref_slice %arg7[%dma_start3A_289] : memref<3x!tpu.dma_semaphore, #tpu.memory_space<semaphore_mem>> -> memref<1x!tpu.dma_semaphore, #tpu.memory_space<semaphore_mem>>
    %dma_start3A_300 = tpu.memref_squeeze %dma_start3A_299 : memref<1x!tpu.dma_semaphore, #tpu.memory_space<semaphore_mem>> -> memref<!tpu.dma_semaphore, #tpu.memory_space<semaphore_mem>>
    tpu.enqueue_indirect_dma source(%dma_start3A_298 : memref<32768x1024xf32, #tpu.memory_space<hbm>>) target(%dma_start3A_293 : memref<32x1024xf32, #tpu.memory_space<vmem>>) offsets(%dma_start3A_295 : memref<32xi32, #tpu.memory_space<vmem>>) semaphore(%dma_start3A_300 : memref<!tpu.dma_semaphore, #tpu.memory_space<semaphore_mem>>)
    %dma_wait3A_301 = arith.constant 1 : i32
    %dma_wait3A_302 = arith.constant 1 : i32
    %dma_wait3A_303 = arith.constant 0 : i32
    %dma_wait3A_304 = arith.constant 0 : i32
    %dma_wait3A_305 = tpu.memref_slice %arg6[%dma_wait3A_301, %dma_wait3A_303, %dma_wait3A_304] : memref<3x32x1024xf32, #tpu.memory_space<vmem>> -> memref<1x32x1024xf32, #tpu.memory_space<vmem>>
    %dma_wait3A_306 = tpu.memref_squeeze %dma_wait3A_305 : memref<1x32x1024xf32, #tpu.memory_space<vmem>> -> memref<32x1024xf32, #tpu.memory_space<vmem>>
    %dma_wait3A_307 = arith.constant 128 : i32
    %dma_wait3A_308 = tpu.memref_slice %arg5[%dma_wait3A_307] : memref<1024xi32, #tpu.memory_space<vmem>> -> memref<32xi32, #tpu.memory_space<vmem>>
    %dma_wait3A_309 = arith.constant 0 : i32
    %dma_wait3A_310 = arith.constant 0 : i32
    %dma_wait3A_311 = tpu.memref_slice %arg2[%dma_wait3A_309, %dma_wait3A_310] : memref<32768x1024xf32, #tpu.memory_space<hbm>> -> memref<32768x1024xf32, #tpu.memory_space<hbm>>
    %dma_wait3A_312 = tpu.memref_slice %arg7[%dma_wait3A_302] : memref<3x!tpu.dma_semaphore, #tpu.memory_space<semaphore_mem>> -> memref<1x!tpu.dma_semaphore, #tpu.memory_space<semaphore_mem>>
    %dma_wait3A_313 = tpu.memref_squeeze %dma_wait3A_312 : memref<1x!tpu.dma_semaphore, #tpu.memory_space<semaphore_mem>> -> memref<!tpu.dma_semaphore, #tpu.memory_space<semaphore_mem>>
    tpu.wait_indirect_dma semaphore(%dma_wait3A_313 : memref<!tpu.dma_semaphore, #tpu.memory_space<semaphore_mem>>) src(%dma_wait3A_311 : memref<32768x1024xf32, #tpu.memory_space<hbm>>) dst(%dma_wait3A_306 : memref<32x1024xf32, #tpu.memory_space<vmem>>)
    %add3A_314 = arith.constant 128 : i32
    %add3A_315 = arith.addi %mul3A_32, %add3A_314 : i32
    %dma_start3A_316 = arith.constant 1 : i32
    %dma_start3A_317 = arith.constant 1 : i32
    %dma_start3A_318 = arith.constant 0 : i32
    %dma_start3A_319 = arith.constant 0 : i32
    %dma_start3A_320 = tpu.memref_slice %arg6[%dma_start3A_316, %dma_start3A_318, %dma_start3A_319] : memref<3x32x1024xf32, #tpu.memory_space<vmem>> -> memref<1x32x1024xf32, #tpu.memory_space<vmem>>
    %dma_start3A_321 = tpu.memref_squeeze %dma_start3A_320 : memref<1x32x1024xf32, #tpu.memory_space<vmem>> -> memref<32x1024xf32, #tpu.memory_space<vmem>>
    %dma_start3A_322 = arith.constant 0 : i32
    %dma_start3A_323 = tpu.memref_slice %arg4[%select_n3A, %add3A_315, %dma_start3A_322] : memref<4x8192x1024xf32, #tpu.memory_space<hbm>> -> memref<1x32x1024xf32, #tpu.memory_space<hbm>>
    %dma_start3A_324 = tpu.memref_squeeze %dma_start3A_323 : memref<1x32x1024xf32, #tpu.memory_space<hbm>> -> memref<32x1024xf32, #tpu.memory_space<hbm>>
    %dma_start3A_325 = tpu.memref_slice %arg8[%dma_start3A_317] : memref<3x!tpu.dma_semaphore, #tpu.memory_space<semaphore_mem>> -> memref<1x!tpu.dma_semaphore, #tpu.memory_space<semaphore_mem>>
    %dma_start3A_326 = tpu.memref_squeeze %dma_start3A_325 : memref<1x!tpu.dma_semaphore, #tpu.memory_space<semaphore_mem>> -> memref<!tpu.dma_semaphore, #tpu.memory_space<semaphore_mem>>
    %dma_start3A_327 = arith.constant 0 : i32
    %dma_start3A_328 = tpu.memref_slice %arg4[%select_n3A, %add3A_315, %dma_start3A_327] : memref<4x8192x1024xf32, #tpu.memory_space<hbm>> -> memref<1x32x1024xf32, #tpu.memory_space<hbm>>
    %dma_start3A_329 = tpu.memref_squeeze %dma_start3A_328 : memref<1x32x1024xf32, #tpu.memory_space<hbm>> -> memref<32x1024xf32, #tpu.memory_space<hbm>>
    %dma_start3A_330 = arith.constant 0 : i32
    %dma_start3A_331 = arith.constant 0 : i32
    %dma_start3A_332 = tpu.memref_slice %arg6[%dma_start3A_316, %dma_start3A_330, %dma_start3A_331] : memref<3x32x1024xf32, #tpu.memory_space<vmem>> -> memref<1x32x1024xf32, #tpu.memory_space<vmem>>
    %dma_start3A_333 = tpu.memref_squeeze %dma_start3A_332 : memref<1x32x1024xf32, #tpu.memory_space<vmem>> -> memref<32x1024xf32, #tpu.memory_space<vmem>>
    tpu.enqueue_dma source(%dma_start3A_333 : memref<32x1024xf32, #tpu.memory_space<vmem>>) target(%dma_start3A_329 : memref<32x1024xf32, #tpu.memory_space<hbm>>) target_semaphore(%dma_start3A_326 : memref<!tpu.dma_semaphore, #tpu.memory_space<semaphore_mem>>)
    %add3A_334 = arith.constant 96 : i32
    %add3A_335 = arith.addi %mul3A_32, %add3A_334 : i32
    %dma_wait3A_336 = arith.constant 0 : i32
    %dma_wait3A_337 = arith.constant 0 : i32
    %dma_wait3A_338 = arith.constant 0 : i32
    %dma_wait3A_339 = arith.constant 0 : i32
    %dma_wait3A_340 = tpu.memref_slice %arg6[%dma_wait3A_336, %dma_wait3A_338, %dma_wait3A_339] : memref<3x32x1024xf32, #tpu.memory_space<vmem>> -> memref<1x32x1024xf32, #tpu.memory_space<vmem>>
    %dma_wait3A_341 = tpu.memref_squeeze %dma_wait3A_340 : memref<1x32x1024xf32, #tpu.memory_space<vmem>> -> memref<32x1024xf32, #tpu.memory_space<vmem>>
    %dma_wait3A_342 = arith.constant 0 : i32
    %dma_wait3A_343 = tpu.memref_slice %arg4[%select_n3A, %add3A_335, %dma_wait3A_342] : memref<4x8192x1024xf32, #tpu.memory_space<hbm>> -> memref<1x32x1024xf32, #tpu.memory_space<hbm>>
    %dma_wait3A_344 = tpu.memref_squeeze %dma_wait3A_343 : memref<1x32x1024xf32, #tpu.memory_space<hbm>> -> memref<32x1024xf32, #tpu.memory_space<hbm>>
    %dma_wait3A_345 = tpu.memref_slice %arg8[%dma_wait3A_337] : memref<3x!tpu.dma_semaphore, #tpu.memory_space<semaphore_mem>> -> memref<1x!tpu.dma_semaphore, #tpu.memory_space<semaphore_mem>>
    %dma_wait3A_346 = tpu.memref_squeeze %dma_wait3A_345 : memref<1x!tpu.dma_semaphore, #tpu.memory_space<semaphore_mem>> -> memref<!tpu.dma_semaphore, #tpu.memory_space<semaphore_mem>>
    %dma_wait3A_347 = arith.constant 0 : i32
    %dma_wait3A_348 = tpu.memref_slice %arg4[%select_n3A, %add3A_335, %dma_wait3A_347] : memref<4x8192x1024xf32, #tpu.memory_space<hbm>> -> memref<1x32x1024xf32, #tpu.memory_space<hbm>>
    %dma_wait3A_349 = tpu.memref_squeeze %dma_wait3A_348 : memref<1x32x1024xf32, #tpu.memory_space<hbm>> -> memref<32x1024xf32, #tpu.memory_space<hbm>>
    %dma_wait3A_350 = arith.constant 0 : i32
    %dma_wait3A_351 = arith.constant 0 : i32
    %dma_wait3A_352 = tpu.memref_slice %arg6[%dma_wait3A_336, %dma_wait3A_350, %dma_wait3A_351] : memref<3x32x1024xf32, #tpu.memory_space<vmem>> -> memref<1x32x1024xf32, #tpu.memory_space<vmem>>
    %dma_wait3A_353 = tpu.memref_squeeze %dma_wait3A_352 : memref<1x32x1024xf32, #tpu.memory_space<vmem>> -> memref<32x1024xf32, #tpu.memory_space<vmem>>
    tpu.wait_dma2 semaphore(%dma_wait3A_346 : memref<!tpu.dma_semaphore, #tpu.memory_space<semaphore_mem>>) src(%dma_wait3A_353 : memref<32x1024xf32, #tpu.memory_space<vmem>>) dst(%dma_wait3A_349 : memref<32x1024xf32, #tpu.memory_space<hbm>>)
    %dma_start3A_354 = arith.constant 0 : i32
    %dma_start3A_355 = arith.constant 0 : i32
    %dma_start3A_356 = arith.constant 0 : i32
    %dma_start3A_357 = arith.constant 0 : i32
    %dma_start3A_358 = tpu.memref_slice %arg6[%dma_start3A_354, %dma_start3A_356, %dma_start3A_357] : memref<3x32x1024xf32, #tpu.memory_space<vmem>> -> memref<1x32x1024xf32, #tpu.memory_space<vmem>>
    %dma_start3A_359 = tpu.memref_squeeze %dma_start3A_358 : memref<1x32x1024xf32, #tpu.memory_space<vmem>> -> memref<32x1024xf32, #tpu.memory_space<vmem>>
    %dma_start3A_360 = arith.constant 192 : i32
    %dma_start3A_361 = tpu.memref_slice %arg5[%dma_start3A_360] : memref<1024xi32, #tpu.memory_space<vmem>> -> memref<32xi32, #tpu.memory_space<vmem>>
    %dma_start3A_362 = arith.constant 0 : i32
    %dma_start3A_363 = arith.constant 0 : i32
    %dma_start3A_364 = tpu.memref_slice %arg2[%dma_start3A_362, %dma_start3A_363] : memref<32768x1024xf32, #tpu.memory_space<hbm>> -> memref<32768x1024xf32, #tpu.memory_space<hbm>>
    %dma_start3A_365 = tpu.memref_slice %arg7[%dma_start3A_355] : memref<3x!tpu.dma_semaphore, #tpu.memory_space<semaphore_mem>> -> memref<1x!tpu.dma_semaphore, #tpu.memory_space<semaphore_mem>>
    %dma_start3A_366 = tpu.memref_squeeze %dma_start3A_365 : memref<1x!tpu.dma_semaphore, #tpu.memory_space<semaphore_mem>> -> memref<!tpu.dma_semaphore, #tpu.memory_space<semaphore_mem>>
    tpu.enqueue_indirect_dma source(%dma_start3A_364 : memref<32768x1024xf32, #tpu.memory_space<hbm>>) target(%dma_start3A_359 : memref<32x1024xf32, #tpu.memory_space<vmem>>) offsets(%dma_start3A_361 : memref<32xi32, #tpu.memory_space<vmem>>) semaphore(%dma_start3A_366 : memref<!tpu.dma_semaphore, #tpu.memory_space<semaphore_mem>>)
    %dma_wait3A_367 = arith.constant 2 : i32
    %dma_wait3A_368 = arith.constant 2 : i32
    %dma_wait3A_369 = arith.constant 0 : i32
    %dma_wait3A_370 = arith.constant 0 : i32
    %dma_wait3A_371 = tpu.memref_slice %arg6[%dma_wait3A_367, %dma_wait3A_369, %dma_wait3A_370] : memref<3x32x1024xf32, #tpu.memory_space<vmem>> -> memref<1x32x1024xf32, #tpu.memory_space<vmem>>
    %dma_wait3A_372 = tpu.memref_squeeze %dma_wait3A_371 : memref<1x32x1024xf32, #tpu.memory_space<vmem>> -> memref<32x1024xf32, #tpu.memory_space<vmem>>
    %dma_wait3A_373 = arith.constant 160 : i32
    %dma_wait3A_374 = tpu.memref_slice %arg5[%dma_wait3A_373] : memref<1024xi32, #tpu.memory_space<vmem>> -> memref<32xi32, #tpu.memory_space<vmem>>
    %dma_wait3A_375 = arith.constant 0 : i32
    %dma_wait3A_376 = arith.constant 0 : i32
    %dma_wait3A_377 = tpu.memref_slice %arg2[%dma_wait3A_375, %dma_wait3A_376] : memref<32768x1024xf32, #tpu.memory_space<hbm>> -> memref<32768x1024xf32, #tpu.memory_space<hbm>>
    %dma_wait3A_378 = tpu.memref_slice %arg7[%dma_wait3A_368] : memref<3x!tpu.dma_semaphore, #tpu.memory_space<semaphore_mem>> -> memref<1x!tpu.dma_semaphore, #tpu.memory_space<semaphore_mem>>
    %dma_wait3A_379 = tpu.memref_squeeze %dma_wait3A_378 : memref<1x!tpu.dma_semaphore, #tpu.memory_space<semaphore_mem>> -> memref<!tpu.dma_semaphore, #tpu.memory_space<semaphore_mem>>
    tpu.wait_indirect_dma semaphore(%dma_wait3A_379 : memref<!tpu.dma_semaphore, #tpu.memory_space<semaphore_mem>>) src(%dma_wait3A_377 : memref<32768x1024xf32, #tpu.memory_space<hbm>>) dst(%dma_wait3A_372 : memref<32x1024xf32, #tpu.memory_space<vmem>>)
    %add3A_380 = arith.constant 160 : i32
    %add3A_381 = arith.addi %mul3A_32, %add3A_380 : i32
    %dma_start3A_382 = arith.constant 2 : i32
    %dma_start3A_383 = arith.constant 2 : i32
    %dma_start3A_384 = arith.constant 0 : i32
    %dma_start3A_385 = arith.constant 0 : i32
    %dma_start3A_386 = tpu.memref_slice %arg6[%dma_start3A_382, %dma_start3A_384, %dma_start3A_385] : memref<3x32x1024xf32, #tpu.memory_space<vmem>> -> memref<1x32x1024xf32, #tpu.memory_space<vmem>>
    %dma_start3A_387 = tpu.memref_squeeze %dma_start3A_386 : memref<1x32x1024xf32, #tpu.memory_space<vmem>> -> memref<32x1024xf32, #tpu.memory_space<vmem>>
    %dma_start3A_388 = arith.constant 0 : i32
    %dma_start3A_389 = tpu.memref_slice %arg4[%select_n3A, %add3A_381, %dma_start3A_388] : memref<4x8192x1024xf32, #tpu.memory_space<hbm>> -> memref<1x32x1024xf32, #tpu.memory_space<hbm>>
    %dma_start3A_390 = tpu.memref_squeeze %dma_start3A_389 : memref<1x32x1024xf32, #tpu.memory_space<hbm>> -> memref<32x1024xf32, #tpu.memory_space<hbm>>
    %dma_start3A_391 = tpu.memref_slice %arg8[%dma_start3A_383] : memref<3x!tpu.dma_semaphore, #tpu.memory_space<semaphore_mem>> -> memref<1x!tpu.dma_semaphore, #tpu.memory_space<semaphore_mem>>
    %dma_start3A_392 = tpu.memref_squeeze %dma_start3A_391 : memref<1x!tpu.dma_semaphore, #tpu.memory_space<semaphore_mem>> -> memref<!tpu.dma_semaphore, #tpu.memory_space<semaphore_mem>>
    %dma_start3A_393 = arith.constant 0 : i32
    %dma_start3A_394 = tpu.memref_slice %arg4[%select_n3A, %add3A_381, %dma_start3A_393] : memref<4x8192x1024xf32, #tpu.memory_space<hbm>> -> memref<1x32x1024xf32, #tpu.memory_space<hbm>>
    %dma_start3A_395 = tpu.memref_squeeze %dma_start3A_394 : memref<1x32x1024xf32, #tpu.memory_space<hbm>> -> memref<32x1024xf32, #tpu.memory_space<hbm>>
    %dma_start3A_396 = arith.constant 0 : i32
    %dma_start3A_397 = arith.constant 0 : i32
    %dma_start3A_398 = tpu.memref_slice %arg6[%dma_start3A_382, %dma_start3A_396, %dma_start3A_397] : memref<3x32x1024xf32, #tpu.memory_space<vmem>> -> memref<1x32x1024xf32, #tpu.memory_space<vmem>>
    %dma_start3A_399 = tpu.memref_squeeze %dma_start3A_398 : memref<1x32x1024xf32, #tpu.memory_space<vmem>> -> memref<32x1024xf32, #tpu.memory_space<vmem>>
    tpu.enqueue_dma source(%dma_start3A_399 : memref<32x1024xf32, #tpu.memory_space<vmem>>) target(%dma_start3A_395 : memref<32x1024xf32, #tpu.memory_space<hbm>>) target_semaphore(%dma_start3A_392 : memref<!tpu.dma_semaphore, #tpu.memory_space<semaphore_mem>>)
    %add3A_400 = arith.constant 128 : i32
    %add3A_401 = arith.addi %mul3A_32, %add3A_400 : i32
    %dma_wait3A_402 = arith.constant 1 : i32
    %dma_wait3A_403 = arith.constant 1 : i32
    %dma_wait3A_404 = arith.constant 0 : i32
    %dma_wait3A_405 = arith.constant 0 : i32
    %dma_wait3A_406 = tpu.memref_slice %arg6[%dma_wait3A_402, %dma_wait3A_404, %dma_wait3A_405] : memref<3x32x1024xf32, #tpu.memory_space<vmem>> -> memref<1x32x1024xf32, #tpu.memory_space<vmem>>
    %dma_wait3A_407 = tpu.memref_squeeze %dma_wait3A_406 : memref<1x32x1024xf32, #tpu.memory_space<vmem>> -> memref<32x1024xf32, #tpu.memory_space<vmem>>
    %dma_wait3A_408 = arith.constant 0 : i32
    %dma_wait3A_409 = tpu.memref_slice %arg4[%select_n3A, %add3A_401, %dma_wait3A_408] : memref<4x8192x1024xf32, #tpu.memory_space<hbm>> -> memref<1x32x1024xf32, #tpu.memory_space<hbm>>
    %dma_wait3A_410 = tpu.memref_squeeze %dma_wait3A_409 : memref<1x32x1024xf32, #tpu.memory_space<hbm>> -> memref<32x1024xf32, #tpu.memory_space<hbm>>
    %dma_wait3A_411 = tpu.memref_slice %arg8[%dma_wait3A_403] : memref<3x!tpu.dma_semaphore, #tpu.memory_space<semaphore_mem>> -> memref<1x!tpu.dma_semaphore, #tpu.memory_space<semaphore_mem>>
    %dma_wait3A_412 = tpu.memref_squeeze %dma_wait3A_411 : memref<1x!tpu.dma_semaphore, #tpu.memory_space<semaphore_mem>> -> memref<!tpu.dma_semaphore, #tpu.memory_space<semaphore_mem>>
    %dma_wait3A_413 = arith.constant 0 : i32
    %dma_wait3A_414 = tpu.memref_slice %arg4[%select_n3A, %add3A_401, %dma_wait3A_413] : memref<4x8192x1024xf32, #tpu.memory_space<hbm>> -> memref<1x32x1024xf32, #tpu.memory_space<hbm>>
    %dma_wait3A_415 = tpu.memref_squeeze %dma_wait3A_414 : memref<1x32x1024xf32, #tpu.memory_space<hbm>> -> memref<32x1024xf32, #tpu.memory_space<hbm>>
    %dma_wait3A_416 = arith.constant 0 : i32
    %dma_wait3A_417 = arith.constant 0 : i32
    %dma_wait3A_418 = tpu.memref_slice %arg6[%dma_wait3A_402, %dma_wait3A_416, %dma_wait3A_417] : memref<3x32x1024xf32, #tpu.memory_space<vmem>> -> memref<1x32x1024xf32, #tpu.memory_space<vmem>>
    %dma_wait3A_419 = tpu.memref_squeeze %dma_wait3A_418 : memref<1x32x1024xf32, #tpu.memory_space<vmem>> -> memref<32x1024xf32, #tpu.memory_space<vmem>>
    tpu.wait_dma2 semaphore(%dma_wait3A_412 : memref<!tpu.dma_semaphore, #tpu.memory_space<semaphore_mem>>) src(%dma_wait3A_419 : memref<32x1024xf32, #tpu.memory_space<vmem>>) dst(%dma_wait3A_415 : memref<32x1024xf32, #tpu.memory_space<hbm>>)
    %dma_start3A_420 = arith.constant 1 : i32
    %dma_start3A_421 = arith.constant 1 : i32
    %dma_start3A_422 = arith.constant 0 : i32
    %dma_start3A_423 = arith.constant 0 : i32
    %dma_start3A_424 = tpu.memref_slice %arg6[%dma_start3A_420, %dma_start3A_422, %dma_start3A_423] : memref<3x32x1024xf32, #tpu.memory_space<vmem>> -> memref<1x32x1024xf32, #tpu.memory_space<vmem>>
    %dma_start3A_425 = tpu.memref_squeeze %dma_start3A_424 : memref<1x32x1024xf32, #tpu.memory_space<vmem>> -> memref<32x1024xf32, #tpu.memory_space<vmem>>
    %dma_start3A_426 = arith.constant 224 : i32
    %dma_start3A_427 = tpu.memref_slice %arg5[%dma_start3A_426] : memref<1024xi32, #tpu.memory_space<vmem>> -> memref<32xi32, #tpu.memory_space<vmem>>
    %dma_start3A_428 = arith.constant 0 : i32
    %dma_start3A_429 = arith.constant 0 : i32
    %dma_start3A_430 = tpu.memref_slice %arg2[%dma_start3A_428, %dma_start3A_429] : memref<32768x1024xf32, #tpu.memory_space<hbm>> -> memref<32768x1024xf32, #tpu.memory_space<hbm>>
    %dma_start3A_431 = tpu.memref_slice %arg7[%dma_start3A_421] : memref<3x!tpu.dma_semaphore, #tpu.memory_space<semaphore_mem>> -> memref<1x!tpu.dma_semaphore, #tpu.memory_space<semaphore_mem>>
    %dma_start3A_432 = tpu.memref_squeeze %dma_start3A_431 : memref<1x!tpu.dma_semaphore, #tpu.memory_space<semaphore_mem>> -> memref<!tpu.dma_semaphore, #tpu.memory_space<semaphore_mem>>
    tpu.enqueue_indirect_dma source(%dma_start3A_430 : memref<32768x1024xf32, #tpu.memory_space<hbm>>) target(%dma_start3A_425 : memref<32x1024xf32, #tpu.memory_space<vmem>>) offsets(%dma_start3A_427 : memref<32xi32, #tpu.memory_space<vmem>>) semaphore(%dma_start3A_432 : memref<!tpu.dma_semaphore, #tpu.memory_space<semaphore_mem>>)
    %dma_wait3A_433 = arith.constant 0 : i32
    %dma_wait3A_434 = arith.constant 0 : i32
    %dma_wait3A_435 = arith.constant 0 : i32
    %dma_wait3A_436 = arith.constant 0 : i32
    %dma_wait3A_437 = tpu.memref_slice %arg6[%dma_wait3A_433, %dma_wait3A_435, %dma_wait3A_436] : memref<3x32x1024xf32, #tpu.memory_space<vmem>> -> memref<1x32x1024xf32, #tpu.memory_space<vmem>>
    %dma_wait3A_438 = tpu.memref_squeeze %dma_wait3A_437 : memref<1x32x1024xf32, #tpu.memory_space<vmem>> -> memref<32x1024xf32, #tpu.memory_space<vmem>>
    %dma_wait3A_439 = arith.constant 192 : i32
    %dma_wait3A_440 = tpu.memref_slice %arg5[%dma_wait3A_439] : memref<1024xi32, #tpu.memory_space<vmem>> -> memref<32xi32, #tpu.memory_space<vmem>>
    %dma_wait3A_441 = arith.constant 0 : i32
    %dma_wait3A_442 = arith.constant 0 : i32
    %dma_wait3A_443 = tpu.memref_slice %arg2[%dma_wait3A_441, %dma_wait3A_442] : memref<32768x1024xf32, #tpu.memory_space<hbm>> -> memref<32768x1024xf32, #tpu.memory_space<hbm>>
    %dma_wait3A_444 = tpu.memref_slice %arg7[%dma_wait3A_434] : memref<3x!tpu.dma_semaphore, #tpu.memory_space<semaphore_mem>> -> memref<1x!tpu.dma_semaphore, #tpu.memory_space<semaphore_mem>>
    %dma_wait3A_445 = tpu.memref_squeeze %dma_wait3A_444 : memref<1x!tpu.dma_semaphore, #tpu.memory_space<semaphore_mem>> -> memref<!tpu.dma_semaphore, #tpu.memory_space<semaphore_mem>>
    tpu.wait_indirect_dma semaphore(%dma_wait3A_445 : memref<!tpu.dma_semaphore, #tpu.memory_space<semaphore_mem>>) src(%dma_wait3A_443 : memref<32768x1024xf32, #tpu.memory_space<hbm>>) dst(%dma_wait3A_438 : memref<32x1024xf32, #tpu.memory_space<vmem>>)
    %add3A_446 = arith.constant 192 : i32
    %add3A_447 = arith.addi %mul3A_32, %add3A_446 : i32
    %dma_start3A_448 = arith.constant 0 : i32
    %dma_start3A_449 = arith.constant 0 : i32
    %dma_start3A_450 = arith.constant 0 : i32
    %dma_start3A_451 = arith.constant 0 : i32
    %dma_start3A_452 = tpu.memref_slice %arg6[%dma_start3A_448, %dma_start3A_450, %dma_start3A_451] : memref<3x32x1024xf32, #tpu.memory_space<vmem>> -> memref<1x32x1024xf32, #tpu.memory_space<vmem>>
    %dma_start3A_453 = tpu.memref_squeeze %dma_start3A_452 : memref<1x32x1024xf32, #tpu.memory_space<vmem>> -> memref<32x1024xf32, #tpu.memory_space<vmem>>
    %dma_start3A_454 = arith.constant 0 : i32
    %dma_start3A_455 = tpu.memref_slice %arg4[%select_n3A, %add3A_447, %dma_start3A_454] : memref<4x8192x1024xf32, #tpu.memory_space<hbm>> -> memref<1x32x1024xf32, #tpu.memory_space<hbm>>
    %dma_start3A_456 = tpu.memref_squeeze %dma_start3A_455 : memref<1x32x1024xf32, #tpu.memory_space<hbm>> -> memref<32x1024xf32, #tpu.memory_space<hbm>>
    %dma_start3A_457 = tpu.memref_slice %arg8[%dma_start3A_449] : memref<3x!tpu.dma_semaphore, #tpu.memory_space<semaphore_mem>> -> memref<1x!tpu.dma_semaphore, #tpu.memory_space<semaphore_mem>>
    %dma_start3A_458 = tpu.memref_squeeze %dma_start3A_457 : memref<1x!tpu.dma_semaphore, #tpu.memory_space<semaphore_mem>> -> memref<!tpu.dma_semaphore, #tpu.memory_space<semaphore_mem>>
    %dma_start3A_459 = arith.constant 0 : i32
    %dma_start3A_460 = tpu.memref_slice %arg4[%select_n3A, %add3A_447, %dma_start3A_459] : memref<4x8192x1024xf32, #tpu.memory_space<hbm>> -> memref<1x32x1024xf32, #tpu.memory_space<hbm>>
    %dma_start3A_461 = tpu.memref_squeeze %dma_start3A_460 : memref<1x32x1024xf32, #tpu.memory_space<hbm>> -> memref<32x1024xf32, #tpu.memory_space<hbm>>
    %dma_start3A_462 = arith.constant 0 : i32
    %dma_start3A_463 = arith.constant 0 : i32
    %dma_start3A_464 = tpu.memref_slice %arg6[%dma_start3A_448, %dma_start3A_462, %dma_start3A_463] : memref<3x32x1024xf32, #tpu.memory_space<vmem>> -> memref<1x32x1024xf32, #tpu.memory_space<vmem>>
    %dma_start3A_465 = tpu.memref_squeeze %dma_start3A_464 : memref<1x32x1024xf32, #tpu.memory_space<vmem>> -> memref<32x1024xf32, #tpu.memory_space<vmem>>
    tpu.enqueue_dma source(%dma_start3A_465 : memref<32x1024xf32, #tpu.memory_space<vmem>>) target(%dma_start3A_461 : memref<32x1024xf32, #tpu.memory_space<hbm>>) target_semaphore(%dma_start3A_458 : memref<!tpu.dma_semaphore, #tpu.memory_space<semaphore_mem>>)
    %add3A_466 = arith.constant 160 : i32
    %add3A_467 = arith.addi %mul3A_32, %add3A_466 : i32
    %dma_wait3A_468 = arith.constant 2 : i32
    %dma_wait3A_469 = arith.constant 2 : i32
    %dma_wait3A_470 = arith.constant 0 : i32
    %dma_wait3A_471 = arith.constant 0 : i32
    %dma_wait3A_472 = tpu.memref_slice %arg6[%dma_wait3A_468, %dma_wait3A_470, %dma_wait3A_471] : memref<3x32x1024xf32, #tpu.memory_space<vmem>> -> memref<1x32x1024xf32, #tpu.memory_space<vmem>>
    %dma_wait3A_473 = tpu.memref_squeeze %dma_wait3A_472 : memref<1x32x1024xf32, #tpu.memory_space<vmem>> -> memref<32x1024xf32, #tpu.memory_space<vmem>>
    %dma_wait3A_474 = arith.constant 0 : i32
    %dma_wait3A_475 = tpu.memref_slice %arg4[%select_n3A, %add3A_467, %dma_wait3A_474] : memref<4x8192x1024xf32, #tpu.memory_space<hbm>> -> memref<1x32x1024xf32, #tpu.memory_space<hbm>>
    %dma_wait3A_476 = tpu.memref_squeeze %dma_wait3A_475 : memref<1x32x1024xf32, #tpu.memory_space<hbm>> -> memref<32x1024xf32, #tpu.memory_space<hbm>>
    %dma_wait3A_477 = tpu.memref_slice %arg8[%dma_wait3A_469] : memref<3x!tpu.dma_semaphore, #tpu.memory_space<semaphore_mem>> -> memref<1x!tpu.dma_semaphore, #tpu.memory_space<semaphore_mem>>
    %dma_wait3A_478 = tpu.memref_squeeze %dma_wait3A_477 : memref<1x!tpu.dma_semaphore, #tpu.memory_space<semaphore_mem>> -> memref<!tpu.dma_semaphore, #tpu.memory_space<semaphore_mem>>
    %dma_wait3A_479 = arith.constant 0 : i32
    %dma_wait3A_480 = tpu.memref_slice %arg4[%select_n3A, %add3A_467, %dma_wait3A_479] : memref<4x8192x1024xf32, #tpu.memory_space<hbm>> -> memref<1x32x1024xf32, #tpu.memory_space<hbm>>
    %dma_wait3A_481 = tpu.memref_squeeze %dma_wait3A_480 : memref<1x32x1024xf32, #tpu.memory_space<hbm>> -> memref<32x1024xf32, #tpu.memory_space<hbm>>
    %dma_wait3A_482 = arith.constant 0 : i32
    %dma_wait3A_483 = arith.constant 0 : i32
    %dma_wait3A_484 = tpu.memref_slice %arg6[%dma_wait3A_468, %dma_wait3A_482, %dma_wait3A_483] : memref<3x32x1024xf32, #tpu.memory_space<vmem>> -> memref<1x32x1024xf32, #tpu.memory_space<vmem>>
    %dma_wait3A_485 = tpu.memref_squeeze %dma_wait3A_484 : memref<1x32x1024xf32, #tpu.memory_space<vmem>> -> memref<32x1024xf32, #tpu.memory_space<vmem>>
    tpu.wait_dma2 semaphore(%dma_wait3A_478 : memref<!tpu.dma_semaphore, #tpu.memory_space<semaphore_mem>>) src(%dma_wait3A_485 : memref<32x1024xf32, #tpu.memory_space<vmem>>) dst(%dma_wait3A_481 : memref<32x1024xf32, #tpu.memory_space<hbm>>)
    %dma_start3A_486 = arith.constant 2 : i32
    %dma_start3A_487 = arith.constant 2 : i32
    %dma_start3A_488 = arith.constant 0 : i32
    %dma_start3A_489 = arith.constant 0 : i32
    %dma_start3A_490 = tpu.memref_slice %arg6[%dma_start3A_486, %dma_start3A_488, %dma_start3A_489] : memref<3x32x1024xf32, #tpu.memory_space<vmem>> -> memref<1x32x1024xf32, #tpu.memory_space<vmem>>
    %dma_start3A_491 = tpu.memref_squeeze %dma_start3A_490 : memref<1x32x1024xf32, #tpu.memory_space<vmem>> -> memref<32x1024xf32, #tpu.memory_space<vmem>>
    %dma_start3A_492 = arith.constant 256 : i32
    %dma_start3A_493 = tpu.memref_slice %arg5[%dma_start3A_492] : memref<1024xi32, #tpu.memory_space<vmem>> -> memref<32xi32, #tpu.memory_space<vmem>>
    %dma_start3A_494 = arith.constant 0 : i32
    %dma_start3A_495 = arith.constant 0 : i32
    %dma_start3A_496 = tpu.memref_slice %arg2[%dma_start3A_494, %dma_start3A_495] : memref<32768x1024xf32, #tpu.memory_space<hbm>> -> memref<32768x1024xf32, #tpu.memory_space<hbm>>
    %dma_start3A_497 = tpu.memref_slice %arg7[%dma_start3A_487] : memref<3x!tpu.dma_semaphore, #tpu.memory_space<semaphore_mem>> -> memref<1x!tpu.dma_semaphore, #tpu.memory_space<semaphore_mem>>
    %dma_start3A_498 = tpu.memref_squeeze %dma_start3A_497 : memref<1x!tpu.dma_semaphore, #tpu.memory_space<semaphore_mem>> -> memref<!tpu.dma_semaphore, #tpu.memory_space<semaphore_mem>>
    tpu.enqueue_indirect_dma source(%dma_start3A_496 : memref<32768x1024xf32, #tpu.memory_space<hbm>>) target(%dma_start3A_491 : memref<32x1024xf32, #tpu.memory_space<vmem>>) offsets(%dma_start3A_493 : memref<32xi32, #tpu.memory_space<vmem>>) semaphore(%dma_start3A_498 : memref<!tpu.dma_semaphore, #tpu.memory_space<semaphore_mem>>)
    %dma_wait3A_499 = arith.constant 1 : i32
    %dma_wait3A_500 = arith.constant 1 : i32
    %dma_wait3A_501 = arith.constant 0 : i32
    %dma_wait3A_502 = arith.constant 0 : i32
    %dma_wait3A_503 = tpu.memref_slice %arg6[%dma_wait3A_499, %dma_wait3A_501, %dma_wait3A_502] : memref<3x32x1024xf32, #tpu.memory_space<vmem>> -> memref<1x32x1024xf32, #tpu.memory_space<vmem>>
    %dma_wait3A_504 = tpu.memref_squeeze %dma_wait3A_503 : memref<1x32x1024xf32, #tpu.memory_space<vmem>> -> memref<32x1024xf32, #tpu.memory_space<vmem>>
    %dma_wait3A_505 = arith.constant 224 : i32
    %dma_wait3A_506 = tpu.memref_slice %arg5[%dma_wait3A_505] : memref<1024xi32, #tpu.memory_space<vmem>> -> memref<32xi32, #tpu.memory_space<vmem>>
    %dma_wait3A_507 = arith.constant 0 : i32
    %dma_wait3A_508 = arith.constant 0 : i32
    %dma_wait3A_509 = tpu.memref_slice %arg2[%dma_wait3A_507, %dma_wait3A_508] : memref<32768x1024xf32, #tpu.memory_space<hbm>> -> memref<32768x1024xf32, #tpu.memory_space<hbm>>
    %dma_wait3A_510 = tpu.memref_slice %arg7[%dma_wait3A_500] : memref<3x!tpu.dma_semaphore, #tpu.memory_space<semaphore_mem>> -> memref<1x!tpu.dma_semaphore, #tpu.memory_space<semaphore_mem>>
    %dma_wait3A_511 = tpu.memref_squeeze %dma_wait3A_510 : memref<1x!tpu.dma_semaphore, #tpu.memory_space<semaphore_mem>> -> memref<!tpu.dma_semaphore, #tpu.memory_space<semaphore_mem>>
    tpu.wait_indirect_dma semaphore(%dma_wait3A_511 : memref<!tpu.dma_semaphore, #tpu.memory_space<semaphore_mem>>) src(%dma_wait3A_509 : memref<32768x1024xf32, #tpu.memory_space<hbm>>) dst(%dma_wait3A_504 : memref<32x1024xf32, #tpu.memory_space<vmem>>)
    %add3A_512 = arith.constant 224 : i32
    %add3A_513 = arith.addi %mul3A_32, %add3A_512 : i32
    %dma_start3A_514 = arith.constant 1 : i32
    %dma_start3A_515 = arith.constant 1 : i32
    %dma_start3A_516 = arith.constant 0 : i32
    %dma_start3A_517 = arith.constant 0 : i32
    %dma_start3A_518 = tpu.memref_slice %arg6[%dma_start3A_514, %dma_start3A_516, %dma_start3A_517] : memref<3x32x1024xf32, #tpu.memory_space<vmem>> -> memref<1x32x1024xf32, #tpu.memory_space<vmem>>
    %dma_start3A_519 = tpu.memref_squeeze %dma_start3A_518 : memref<1x32x1024xf32, #tpu.memory_space<vmem>> -> memref<32x1024xf32, #tpu.memory_space<vmem>>
    %dma_start3A_520 = arith.constant 0 : i32
    %dma_start3A_521 = tpu.memref_slice %arg4[%select_n3A, %add3A_513, %dma_start3A_520] : memref<4x8192x1024xf32, #tpu.memory_space<hbm>> -> memref<1x32x1024xf32, #tpu.memory_space<hbm>>
    %dma_start3A_522 = tpu.memref_squeeze %dma_start3A_521 : memref<1x32x1024xf32, #tpu.memory_space<hbm>> -> memref<32x1024xf32, #tpu.memory_space<hbm>>
    %dma_start3A_523 = tpu.memref_slice %arg8[%dma_start3A_515] : memref<3x!tpu.dma_semaphore, #tpu.memory_space<semaphore_mem>> -> memref<1x!tpu.dma_semaphore, #tpu.memory_space<semaphore_mem>>
    %dma_start3A_524 = tpu.memref_squeeze %dma_start3A_523 : memref<1x!tpu.dma_semaphore, #tpu.memory_space<semaphore_mem>> -> memref<!tpu.dma_semaphore, #tpu.memory_space<semaphore_mem>>
    %dma_start3A_525 = arith.constant 0 : i32
    %dma_start3A_526 = tpu.memref_slice %arg4[%select_n3A, %add3A_513, %dma_start3A_525] : memref<4x8192x1024xf32, #tpu.memory_space<hbm>> -> memref<1x32x1024xf32, #tpu.memory_space<hbm>>
    %dma_start3A_527 = tpu.memref_squeeze %dma_start3A_526 : memref<1x32x1024xf32, #tpu.memory_space<hbm>> -> memref<32x1024xf32, #tpu.memory_space<hbm>>
    %dma_start3A_528 = arith.constant 0 : i32
    %dma_start3A_529 = arith.constant 0 : i32
    %dma_start3A_530 = tpu.memref_slice %arg6[%dma_start3A_514, %dma_start3A_528, %dma_start3A_529] : memref<3x32x1024xf32, #tpu.memory_space<vmem>> -> memref<1x32x1024xf32, #tpu.memory_space<vmem>>
    %dma_start3A_531 = tpu.memref_squeeze %dma_start3A_530 : memref<1x32x1024xf32, #tpu.memory_space<vmem>> -> memref<32x1024xf32, #tpu.memory_space<vmem>>
    tpu.enqueue_dma source(%dma_start3A_531 : memref<32x1024xf32, #tpu.memory_space<vmem>>) target(%dma_start3A_527 : memref<32x1024xf32, #tpu.memory_space<hbm>>) target_semaphore(%dma_start3A_524 : memref<!tpu.dma_semaphore, #tpu.memory_space<semaphore_mem>>)
    %add3A_532 = arith.constant 192 : i32
    %add3A_533 = arith.addi %mul3A_32, %add3A_532 : i32
    %dma_wait3A_534 = arith.constant 0 : i32
    %dma_wait3A_535 = arith.constant 0 : i32
    %dma_wait3A_536 = arith.constant 0 : i32
    %dma_wait3A_537 = arith.constant 0 : i32
    %dma_wait3A_538 = tpu.memref_slice %arg6[%dma_wait3A_534, %dma_wait3A_536, %dma_wait3A_537] : memref<3x32x1024xf32, #tpu.memory_space<vmem>> -> memref<1x32x1024xf32, #tpu.memory_space<vmem>>
    %dma_wait3A_539 = tpu.memref_squeeze %dma_wait3A_538 : memref<1x32x1024xf32, #tpu.memory_space<vmem>> -> memref<32x1024xf32, #tpu.memory_space<vmem>>
    %dma_wait3A_540 = arith.constant 0 : i32
    %dma_wait3A_541 = tpu.memref_slice %arg4[%select_n3A, %add3A_533, %dma_wait3A_540] : memref<4x8192x1024xf32, #tpu.memory_space<hbm>> -> memref<1x32x1024xf32, #tpu.memory_space<hbm>>
    %dma_wait3A_542 = tpu.memref_squeeze %dma_wait3A_541 : memref<1x32x1024xf32, #tpu.memory_space<hbm>> -> memref<32x1024xf32, #tpu.memory_space<hbm>>
    %dma_wait3A_543 = tpu.memref_slice %arg8[%dma_wait3A_535] : memref<3x!tpu.dma_semaphore, #tpu.memory_space<semaphore_mem>> -> memref<1x!tpu.dma_semaphore, #tpu.memory_space<semaphore_mem>>
    %dma_wait3A_544 = tpu.memref_squeeze %dma_wait3A_543 : memref<1x!tpu.dma_semaphore, #tpu.memory_space<semaphore_mem>> -> memref<!tpu.dma_semaphore, #tpu.memory_space<semaphore_mem>>
    %dma_wait3A_545 = arith.constant 0 : i32
    %dma_wait3A_546 = tpu.memref_slice %arg4[%select_n3A, %add3A_533, %dma_wait3A_545] : memref<4x8192x1024xf32, #tpu.memory_space<hbm>> -> memref<1x32x1024xf32, #tpu.memory_space<hbm>>
    %dma_wait3A_547 = tpu.memref_squeeze %dma_wait3A_546 : memref<1x32x1024xf32, #tpu.memory_space<hbm>> -> memref<32x1024xf32, #tpu.memory_space<hbm>>
    %dma_wait3A_548 = arith.constant 0 : i32
    %dma_wait3A_549 = arith.constant 0 : i32
    %dma_wait3A_550 = tpu.memref_slice %arg6[%dma_wait3A_534, %dma_wait3A_548, %dma_wait3A_549] : memref<3x32x1024xf32, #tpu.memory_space<vmem>> -> memref<1x32x1024xf32, #tpu.memory_space<vmem>>
    %dma_wait3A_551 = tpu.memref_squeeze %dma_wait3A_550 : memref<1x32x1024xf32, #tpu.memory_space<vmem>> -> memref<32x1024xf32, #tpu.memory_space<vmem>>
    tpu.wait_dma2 semaphore(%dma_wait3A_544 : memref<!tpu.dma_semaphore, #tpu.memory_space<semaphore_mem>>) src(%dma_wait3A_551 : memref<32x1024xf32, #tpu.memory_space<vmem>>) dst(%dma_wait3A_547 : memref<32x1024xf32, #tpu.memory_space<hbm>>)
    %dma_start3A_552 = arith.constant 0 : i32
    %dma_start3A_553 = arith.constant 0 : i32
    %dma_start3A_554 = arith.constant 0 : i32
    %dma_start3A_555 = arith.constant 0 : i32
    %dma_start3A_556 = tpu.memref_slice %arg6[%dma_start3A_552, %dma_start3A_554, %dma_start3A_555] : memref<3x32x1024xf32, #tpu.memory_space<vmem>> -> memref<1x32x1024xf32, #tpu.memory_space<vmem>>
    %dma_start3A_557 = tpu.memref_squeeze %dma_start3A_556 : memref<1x32x1024xf32, #tpu.memory_space<vmem>> -> memref<32x1024xf32, #tpu.memory_space<vmem>>
    %dma_start3A_558 = arith.constant 288 : i32
    %dma_start3A_559 = tpu.memref_slice %arg5[%dma_start3A_558] : memref<1024xi32, #tpu.memory_space<vmem>> -> memref<32xi32, #tpu.memory_space<vmem>>
    %dma_start3A_560 = arith.constant 0 : i32
    %dma_start3A_561 = arith.constant 0 : i32
    %dma_start3A_562 = tpu.memref_slice %arg2[%dma_start3A_560, %dma_start3A_561] : memref<32768x1024xf32, #tpu.memory_space<hbm>> -> memref<32768x1024xf32, #tpu.memory_space<hbm>>
    %dma_start3A_563 = tpu.memref_slice %arg7[%dma_start3A_553] : memref<3x!tpu.dma_semaphore, #tpu.memory_space<semaphore_mem>> -> memref<1x!tpu.dma_semaphore, #tpu.memory_space<semaphore_mem>>
    %dma_start3A_564 = tpu.memref_squeeze %dma_start3A_563 : memref<1x!tpu.dma_semaphore, #tpu.memory_space<semaphore_mem>> -> memref<!tpu.dma_semaphore, #tpu.memory_space<semaphore_mem>>
    tpu.enqueue_indirect_dma source(%dma_start3A_562 : memref<32768x1024xf32, #tpu.memory_space<hbm>>) target(%dma_start3A_557 : memref<32x1024xf32, #tpu.memory_space<vmem>>) offsets(%dma_start3A_559 : memref<32xi32, #tpu.memory_space<vmem>>) semaphore(%dma_start3A_564 : memref<!tpu.dma_semaphore, #tpu.memory_space<semaphore_mem>>)
    %dma_wait3A_565 = arith.constant 2 : i32
    %dma_wait3A_566 = arith.constant 2 : i32
    %dma_wait3A_567 = arith.constant 0 : i32
    %dma_wait3A_568 = arith.constant 0 : i32
    %dma_wait3A_569 = tpu.memref_slice %arg6[%dma_wait3A_565, %dma_wait3A_567, %dma_wait3A_568] : memref<3x32x1024xf32, #tpu.memory_space<vmem>> -> memref<1x32x1024xf32, #tpu.memory_space<vmem>>
    %dma_wait3A_570 = tpu.memref_squeeze %dma_wait3A_569 : memref<1x32x1024xf32, #tpu.memory_space<vmem>> -> memref<32x1024xf32, #tpu.memory_space<vmem>>
    %dma_wait3A_571 = arith.constant 256 : i32
    %dma_wait3A_572 = tpu.memref_slice %arg5[%dma_wait3A_571] : memref<1024xi32, #tpu.memory_space<vmem>> -> memref<32xi32, #tpu.memory_space<vmem>>
    %dma_wait3A_573 = arith.constant 0 : i32
    %dma_wait3A_574 = arith.constant 0 : i32
    %dma_wait3A_575 = tpu.memref_slice %arg2[%dma_wait3A_573, %dma_wait3A_574] : memref<32768x1024xf32, #tpu.memory_space<hbm>> -> memref<32768x1024xf32, #tpu.memory_space<hbm>>
    %dma_wait3A_576 = tpu.memref_slice %arg7[%dma_wait3A_566] : memref<3x!tpu.dma_semaphore, #tpu.memory_space<semaphore_mem>> -> memref<1x!tpu.dma_semaphore, #tpu.memory_space<semaphore_mem>>
    %dma_wait3A_577 = tpu.memref_squeeze %dma_wait3A_576 : memref<1x!tpu.dma_semaphore, #tpu.memory_space<semaphore_mem>> -> memref<!tpu.dma_semaphore, #tpu.memory_space<semaphore_mem>>
    tpu.wait_indirect_dma semaphore(%dma_wait3A_577 : memref<!tpu.dma_semaphore, #tpu.memory_space<semaphore_mem>>) src(%dma_wait3A_575 : memref<32768x1024xf32, #tpu.memory_space<hbm>>) dst(%dma_wait3A_570 : memref<32x1024xf32, #tpu.memory_space<vmem>>)
    %add3A_578 = arith.constant 256 : i32
    %add3A_579 = arith.addi %mul3A_32, %add3A_578 : i32
    %dma_start3A_580 = arith.constant 2 : i32
    %dma_start3A_581 = arith.constant 2 : i32
    %dma_start3A_582 = arith.constant 0 : i32
    %dma_start3A_583 = arith.constant 0 : i32
    %dma_start3A_584 = tpu.memref_slice %arg6[%dma_start3A_580, %dma_start3A_582, %dma_start3A_583] : memref<3x32x1024xf32, #tpu.memory_space<vmem>> -> memref<1x32x1024xf32, #tpu.memory_space<vmem>>
    %dma_start3A_585 = tpu.memref_squeeze %dma_start3A_584 : memref<1x32x1024xf32, #tpu.memory_space<vmem>> -> memref<32x1024xf32, #tpu.memory_space<vmem>>
    %dma_start3A_586 = arith.constant 0 : i32
    %dma_start3A_587 = tpu.memref_slice %arg4[%select_n3A, %add3A_579, %dma_start3A_586] : memref<4x8192x1024xf32, #tpu.memory_space<hbm>> -> memref<1x32x1024xf32, #tpu.memory_space<hbm>>
    %dma_start3A_588 = tpu.memref_squeeze %dma_start3A_587 : memref<1x32x1024xf32, #tpu.memory_space<hbm>> -> memref<32x1024xf32, #tpu.memory_space<hbm>>
    %dma_start3A_589 = tpu.memref_slice %arg8[%dma_start3A_581] : memref<3x!tpu.dma_semaphore, #tpu.memory_space<semaphore_mem>> -> memref<1x!tpu.dma_semaphore, #tpu.memory_space<semaphore_mem>>
    %dma_start3A_590 = tpu.memref_squeeze %dma_start3A_589 : memref<1x!tpu.dma_semaphore, #tpu.memory_space<semaphore_mem>> -> memref<!tpu.dma_semaphore, #tpu.memory_space<semaphore_mem>>
    %dma_start3A_591 = arith.constant 0 : i32
    %dma_start3A_592 = tpu.memref_slice %arg4[%select_n3A, %add3A_579, %dma_start3A_591] : memref<4x8192x1024xf32, #tpu.memory_space<hbm>> -> memref<1x32x1024xf32, #tpu.memory_space<hbm>>
    %dma_start3A_593 = tpu.memref_squeeze %dma_start3A_592 : memref<1x32x1024xf32, #tpu.memory_space<hbm>> -> memref<32x1024xf32, #tpu.memory_space<hbm>>
    %dma_start3A_594 = arith.constant 0 : i32
    %dma_start3A_595 = arith.constant 0 : i32
    %dma_start3A_596 = tpu.memref_slice %arg6[%dma_start3A_580, %dma_start3A_594, %dma_start3A_595] : memref<3x32x1024xf32, #tpu.memory_space<vmem>> -> memref<1x32x1024xf32, #tpu.memory_space<vmem>>
    %dma_start3A_597 = tpu.memref_squeeze %dma_start3A_596 : memref<1x32x1024xf32, #tpu.memory_space<vmem>> -> memref<32x1024xf32, #tpu.memory_space<vmem>>
    tpu.enqueue_dma source(%dma_start3A_597 : memref<32x1024xf32, #tpu.memory_space<vmem>>) target(%dma_start3A_593 : memref<32x1024xf32, #tpu.memory_space<hbm>>) target_semaphore(%dma_start3A_590 : memref<!tpu.dma_semaphore, #tpu.memory_space<semaphore_mem>>)
    %add3A_598 = arith.constant 224 : i32
    %add3A_599 = arith.addi %mul3A_32, %add3A_598 : i32
    %dma_wait3A_600 = arith.constant 1 : i32
    %dma_wait3A_601 = arith.constant 1 : i32
    %dma_wait3A_602 = arith.constant 0 : i32
    %dma_wait3A_603 = arith.constant 0 : i32
    %dma_wait3A_604 = tpu.memref_slice %arg6[%dma_wait3A_600, %dma_wait3A_602, %dma_wait3A_603] : memref<3x32x1024xf32, #tpu.memory_space<vmem>> -> memref<1x32x1024xf32, #tpu.memory_space<vmem>>
    %dma_wait3A_605 = tpu.memref_squeeze %dma_wait3A_604 : memref<1x32x1024xf32, #tpu.memory_space<vmem>> -> memref<32x1024xf32, #tpu.memory_space<vmem>>
    %dma_wait3A_606 = arith.constant 0 : i32
    %dma_wait3A_607 = tpu.memref_slice %arg4[%select_n3A, %add3A_599, %dma_wait3A_606] : memref<4x8192x1024xf32, #tpu.memory_space<hbm>> -> memref<1x32x1024xf32, #tpu.memory_space<hbm>>
    %dma_wait3A_608 = tpu.memref_squeeze %dma_wait3A_607 : memref<1x32x1024xf32, #tpu.memory_space<hbm>> -> memref<32x1024xf32, #tpu.memory_space<hbm>>
    %dma_wait3A_609 = tpu.memref_slice %arg8[%dma_wait3A_601] : memref<3x!tpu.dma_semaphore, #tpu.memory_space<semaphore_mem>> -> memref<1x!tpu.dma_semaphore, #tpu.memory_space<semaphore_mem>>
    %dma_wait3A_610 = tpu.memref_squeeze %dma_wait3A_609 : memref<1x!tpu.dma_semaphore, #tpu.memory_space<semaphore_mem>> -> memref<!tpu.dma_semaphore, #tpu.memory_space<semaphore_mem>>
    %dma_wait3A_611 = arith.constant 0 : i32
    %dma_wait3A_612 = tpu.memref_slice %arg4[%select_n3A, %add3A_599, %dma_wait3A_611] : memref<4x8192x1024xf32, #tpu.memory_space<hbm>> -> memref<1x32x1024xf32, #tpu.memory_space<hbm>>
    %dma_wait3A_613 = tpu.memref_squeeze %dma_wait3A_612 : memref<1x32x1024xf32, #tpu.memory_space<hbm>> -> memref<32x1024xf32, #tpu.memory_space<hbm>>
    %dma_wait3A_614 = arith.constant 0 : i32
    %dma_wait3A_615 = arith.constant 0 : i32
    %dma_wait3A_616 = tpu.memref_slice %arg6[%dma_wait3A_600, %dma_wait3A_614, %dma_wait3A_615] : memref<3x32x1024xf32, #tpu.memory_space<vmem>> -> memref<1x32x1024xf32, #tpu.memory_space<vmem>>
    %dma_wait3A_617 = tpu.memref_squeeze %dma_wait3A_616 : memref<1x32x1024xf32, #tpu.memory_space<vmem>> -> memref<32x1024xf32, #tpu.memory_space<vmem>>
    tpu.wait_dma2 semaphore(%dma_wait3A_610 : memref<!tpu.dma_semaphore, #tpu.memory_space<semaphore_mem>>) src(%dma_wait3A_617 : memref<32x1024xf32, #tpu.memory_space<vmem>>) dst(%dma_wait3A_613 : memref<32x1024xf32, #tpu.memory_space<hbm>>)
    %dma_start3A_618 = arith.constant 1 : i32
    %dma_start3A_619 = arith.constant 1 : i32
    %dma_start3A_620 = arith.constant 0 : i32
    %dma_start3A_621 = arith.constant 0 : i32
    %dma_start3A_622 = tpu.memref_slice %arg6[%dma_start3A_618, %dma_start3A_620, %dma_start3A_621] : memref<3x32x1024xf32, #tpu.memory_space<vmem>> -> memref<1x32x1024xf32, #tpu.memory_space<vmem>>
    %dma_start3A_623 = tpu.memref_squeeze %dma_start3A_622 : memref<1x32x1024xf32, #tpu.memory_space<vmem>> -> memref<32x1024xf32, #tpu.memory_space<vmem>>
    %dma_start3A_624 = arith.constant 320 : i32
    %dma_start3A_625 = tpu.memref_slice %arg5[%dma_start3A_624] : memref<1024xi32, #tpu.memory_space<vmem>> -> memref<32xi32, #tpu.memory_space<vmem>>
    %dma_start3A_626 = arith.constant 0 : i32
    %dma_start3A_627 = arith.constant 0 : i32
    %dma_start3A_628 = tpu.memref_slice %arg2[%dma_start3A_626, %dma_start3A_627] : memref<32768x1024xf32, #tpu.memory_space<hbm>> -> memref<32768x1024xf32, #tpu.memory_space<hbm>>
    %dma_start3A_629 = tpu.memref_slice %arg7[%dma_start3A_619] : memref<3x!tpu.dma_semaphore, #tpu.memory_space<semaphore_mem>> -> memref<1x!tpu.dma_semaphore, #tpu.memory_space<semaphore_mem>>
    %dma_start3A_630 = tpu.memref_squeeze %dma_start3A_629 : memref<1x!tpu.dma_semaphore, #tpu.memory_space<semaphore_mem>> -> memref<!tpu.dma_semaphore, #tpu.memory_space<semaphore_mem>>
    tpu.enqueue_indirect_dma source(%dma_start3A_628 : memref<32768x1024xf32, #tpu.memory_space<hbm>>) target(%dma_start3A_623 : memref<32x1024xf32, #tpu.memory_space<vmem>>) offsets(%dma_start3A_625 : memref<32xi32, #tpu.memory_space<vmem>>) semaphore(%dma_start3A_630 : memref<!tpu.dma_semaphore, #tpu.memory_space<semaphore_mem>>)
    %dma_wait3A_631 = arith.constant 0 : i32
    %dma_wait3A_632 = arith.constant 0 : i32
    %dma_wait3A_633 = arith.constant 0 : i32
    %dma_wait3A_634 = arith.constant 0 : i32
    %dma_wait3A_635 = tpu.memref_slice %arg6[%dma_wait3A_631, %dma_wait3A_633, %dma_wait3A_634] : memref<3x32x1024xf32, #tpu.memory_space<vmem>> -> memref<1x32x1024xf32, #tpu.memory_space<vmem>>
    %dma_wait3A_636 = tpu.memref_squeeze %dma_wait3A_635 : memref<1x32x1024xf32, #tpu.memory_space<vmem>> -> memref<32x1024xf32, #tpu.memory_space<vmem>>
    %dma_wait3A_637 = arith.constant 288 : i32
    %dma_wait3A_638 = tpu.memref_slice %arg5[%dma_wait3A_637] : memref<1024xi32, #tpu.memory_space<vmem>> -> memref<32xi32, #tpu.memory_space<vmem>>
    %dma_wait3A_639 = arith.constant 0 : i32
    %dma_wait3A_640 = arith.constant 0 : i32
    %dma_wait3A_641 = tpu.memref_slice %arg2[%dma_wait3A_639, %dma_wait3A_640] : memref<32768x1024xf32, #tpu.memory_space<hbm>> -> memref<32768x1024xf32, #tpu.memory_space<hbm>>
    %dma_wait3A_642 = tpu.memref_slice %arg7[%dma_wait3A_632] : memref<3x!tpu.dma_semaphore, #tpu.memory_space<semaphore_mem>> -> memref<1x!tpu.dma_semaphore, #tpu.memory_space<semaphore_mem>>
    %dma_wait3A_643 = tpu.memref_squeeze %dma_wait3A_642 : memref<1x!tpu.dma_semaphore, #tpu.memory_space<semaphore_mem>> -> memref<!tpu.dma_semaphore, #tpu.memory_space<semaphore_mem>>
    tpu.wait_indirect_dma semaphore(%dma_wait3A_643 : memref<!tpu.dma_semaphore, #tpu.memory_space<semaphore_mem>>) src(%dma_wait3A_641 : memref<32768x1024xf32, #tpu.memory_space<hbm>>) dst(%dma_wait3A_636 : memref<32x1024xf32, #tpu.memory_space<vmem>>)
    %add3A_644 = arith.constant 288 : i32
    %add3A_645 = arith.addi %mul3A_32, %add3A_644 : i32
    %dma_start3A_646 = arith.constant 0 : i32
    %dma_start3A_647 = arith.constant 0 : i32
    %dma_start3A_648 = arith.constant 0 : i32
    %dma_start3A_649 = arith.constant 0 : i32
    %dma_start3A_650 = tpu.memref_slice %arg6[%dma_start3A_646, %dma_start3A_648, %dma_start3A_649] : memref<3x32x1024xf32, #tpu.memory_space<vmem>> -> memref<1x32x1024xf32, #tpu.memory_space<vmem>>
    %dma_start3A_651 = tpu.memref_squeeze %dma_start3A_650 : memref<1x32x1024xf32, #tpu.memory_space<vmem>> -> memref<32x1024xf32, #tpu.memory_space<vmem>>
    %dma_start3A_652 = arith.constant 0 : i32
    %dma_start3A_653 = tpu.memref_slice %arg4[%select_n3A, %add3A_645, %dma_start3A_652] : memref<4x8192x1024xf32, #tpu.memory_space<hbm>> -> memref<1x32x1024xf32, #tpu.memory_space<hbm>>
    %dma_start3A_654 = tpu.memref_squeeze %dma_start3A_653 : memref<1x32x1024xf32, #tpu.memory_space<hbm>> -> memref<32x1024xf32, #tpu.memory_space<hbm>>
    %dma_start3A_655 = tpu.memref_slice %arg8[%dma_start3A_647] : memref<3x!tpu.dma_semaphore, #tpu.memory_space<semaphore_mem>> -> memref<1x!tpu.dma_semaphore, #tpu.memory_space<semaphore_mem>>
    %dma_start3A_656 = tpu.memref_squeeze %dma_start3A_655 : memref<1x!tpu.dma_semaphore, #tpu.memory_space<semaphore_mem>> -> memref<!tpu.dma_semaphore, #tpu.memory_space<semaphore_mem>>
    %dma_start3A_657 = arith.constant 0 : i32
    %dma_start3A_658 = tpu.memref_slice %arg4[%select_n3A, %add3A_645, %dma_start3A_657] : memref<4x8192x1024xf32, #tpu.memory_space<hbm>> -> memref<1x32x1024xf32, #tpu.memory_space<hbm>>
    %dma_start3A_659 = tpu.memref_squeeze %dma_start3A_658 : memref<1x32x1024xf32, #tpu.memory_space<hbm>> -> memref<32x1024xf32, #tpu.memory_space<hbm>>
    %dma_start3A_660 = arith.constant 0 : i32
    %dma_start3A_661 = arith.constant 0 : i32
    %dma_start3A_662 = tpu.memref_slice %arg6[%dma_start3A_646, %dma_start3A_660, %dma_start3A_661] : memref<3x32x1024xf32, #tpu.memory_space<vmem>> -> memref<1x32x1024xf32, #tpu.memory_space<vmem>>
    %dma_start3A_663 = tpu.memref_squeeze %dma_start3A_662 : memref<1x32x1024xf32, #tpu.memory_space<vmem>> -> memref<32x1024xf32, #tpu.memory_space<vmem>>
    tpu.enqueue_dma source(%dma_start3A_663 : memref<32x1024xf32, #tpu.memory_space<vmem>>) target(%dma_start3A_659 : memref<32x1024xf32, #tpu.memory_space<hbm>>) target_semaphore(%dma_start3A_656 : memref<!tpu.dma_semaphore, #tpu.memory_space<semaphore_mem>>)
    %add3A_664 = arith.constant 256 : i32
    %add3A_665 = arith.addi %mul3A_32, %add3A_664 : i32
    %dma_wait3A_666 = arith.constant 2 : i32
    %dma_wait3A_667 = arith.constant 2 : i32
    %dma_wait3A_668 = arith.constant 0 : i32
    %dma_wait3A_669 = arith.constant 0 : i32
    %dma_wait3A_670 = tpu.memref_slice %arg6[%dma_wait3A_666, %dma_wait3A_668, %dma_wait3A_669] : memref<3x32x1024xf32, #tpu.memory_space<vmem>> -> memref<1x32x1024xf32, #tpu.memory_space<vmem>>
    %dma_wait3A_671 = tpu.memref_squeeze %dma_wait3A_670 : memref<1x32x1024xf32, #tpu.memory_space<vmem>> -> memref<32x1024xf32, #tpu.memory_space<vmem>>
    %dma_wait3A_672 = arith.constant 0 : i32
    %dma_wait3A_673 = tpu.memref_slice %arg4[%select_n3A, %add3A_665, %dma_wait3A_672] : memref<4x8192x1024xf32, #tpu.memory_space<hbm>> -> memref<1x32x1024xf32, #tpu.memory_space<hbm>>
    %dma_wait3A_674 = tpu.memref_squeeze %dma_wait3A_673 : memref<1x32x1024xf32, #tpu.memory_space<hbm>> -> memref<32x1024xf32, #tpu.memory_space<hbm>>
    %dma_wait3A_675 = tpu.memref_slice %arg8[%dma_wait3A_667] : memref<3x!tpu.dma_semaphore, #tpu.memory_space<semaphore_mem>> -> memref<1x!tpu.dma_semaphore, #tpu.memory_space<semaphore_mem>>
    %dma_wait3A_676 = tpu.memref_squeeze %dma_wait3A_675 : memref<1x!tpu.dma_semaphore, #tpu.memory_space<semaphore_mem>> -> memref<!tpu.dma_semaphore, #tpu.memory_space<semaphore_mem>>
    %dma_wait3A_677 = arith.constant 0 : i32
    %dma_wait3A_678 = tpu.memref_slice %arg4[%select_n3A, %add3A_665, %dma_wait3A_677] : memref<4x8192x1024xf32, #tpu.memory_space<hbm>> -> memref<1x32x1024xf32, #tpu.memory_space<hbm>>
    %dma_wait3A_679 = tpu.memref_squeeze %dma_wait3A_678 : memref<1x32x1024xf32, #tpu.memory_space<hbm>> -> memref<32x1024xf32, #tpu.memory_space<hbm>>
    %dma_wait3A_680 = arith.constant 0 : i32
    %dma_wait3A_681 = arith.constant 0 : i32
    %dma_wait3A_682 = tpu.memref_slice %arg6[%dma_wait3A_666, %dma_wait3A_680, %dma_wait3A_681] : memref<3x32x1024xf32, #tpu.memory_space<vmem>> -> memref<1x32x1024xf32, #tpu.memory_space<vmem>>
    %dma_wait3A_683 = tpu.memref_squeeze %dma_wait3A_682 : memref<1x32x1024xf32, #tpu.memory_space<vmem>> -> memref<32x1024xf32, #tpu.memory_space<vmem>>
    tpu.wait_dma2 semaphore(%dma_wait3A_676 : memref<!tpu.dma_semaphore, #tpu.memory_space<semaphore_mem>>) src(%dma_wait3A_683 : memref<32x1024xf32, #tpu.memory_space<vmem>>) dst(%dma_wait3A_679 : memref<32x1024xf32, #tpu.memory_space<hbm>>)
    %dma_start3A_684 = arith.constant 2 : i32
    %dma_start3A_685 = arith.constant 2 : i32
    %dma_start3A_686 = arith.constant 0 : i32
    %dma_start3A_687 = arith.constant 0 : i32
    %dma_start3A_688 = tpu.memref_slice %arg6[%dma_start3A_684, %dma_start3A_686, %dma_start3A_687] : memref<3x32x1024xf32, #tpu.memory_space<vmem>> -> memref<1x32x1024xf32, #tpu.memory_space<vmem>>
    %dma_start3A_689 = tpu.memref_squeeze %dma_start3A_688 : memref<1x32x1024xf32, #tpu.memory_space<vmem>> -> memref<32x1024xf32, #tpu.memory_space<vmem>>
    %dma_start3A_690 = arith.constant 352 : i32
    %dma_start3A_691 = tpu.memref_slice %arg5[%dma_start3A_690] : memref<1024xi32, #tpu.memory_space<vmem>> -> memref<32xi32, #tpu.memory_space<vmem>>
    %dma_start3A_692 = arith.constant 0 : i32
    %dma_start3A_693 = arith.constant 0 : i32
    %dma_start3A_694 = tpu.memref_slice %arg2[%dma_start3A_692, %dma_start3A_693] : memref<32768x1024xf32, #tpu.memory_space<hbm>> -> memref<32768x1024xf32, #tpu.memory_space<hbm>>
    %dma_start3A_695 = tpu.memref_slice %arg7[%dma_start3A_685] : memref<3x!tpu.dma_semaphore, #tpu.memory_space<semaphore_mem>> -> memref<1x!tpu.dma_semaphore, #tpu.memory_space<semaphore_mem>>
    %dma_start3A_696 = tpu.memref_squeeze %dma_start3A_695 : memref<1x!tpu.dma_semaphore, #tpu.memory_space<semaphore_mem>> -> memref<!tpu.dma_semaphore, #tpu.memory_space<semaphore_mem>>
    tpu.enqueue_indirect_dma source(%dma_start3A_694 : memref<32768x1024xf32, #tpu.memory_space<hbm>>) target(%dma_start3A_689 : memref<32x1024xf32, #tpu.memory_space<vmem>>) offsets(%dma_start3A_691 : memref<32xi32, #tpu.memory_space<vmem>>) semaphore(%dma_start3A_696 : memref<!tpu.dma_semaphore, #tpu.memory_space<semaphore_mem>>)
    %dma_wait3A_697 = arith.constant 1 : i32
    %dma_wait3A_698 = arith.constant 1 : i32
    %dma_wait3A_699 = arith.constant 0 : i32
    %dma_wait3A_700 = arith.constant 0 : i32
    %dma_wait3A_701 = tpu.memref_slice %arg6[%dma_wait3A_697, %dma_wait3A_699, %dma_wait3A_700] : memref<3x32x1024xf32, #tpu.memory_space<vmem>> -> memref<1x32x1024xf32, #tpu.memory_space<vmem>>
    %dma_wait3A_702 = tpu.memref_squeeze %dma_wait3A_701 : memref<1x32x1024xf32, #tpu.memory_space<vmem>> -> memref<32x1024xf32, #tpu.memory_space<vmem>>
    %dma_wait3A_703 = arith.constant 320 : i32
    %dma_wait3A_704 = tpu.memref_slice %arg5[%dma_wait3A_703] : memref<1024xi32, #tpu.memory_space<vmem>> -> memref<32xi32, #tpu.memory_space<vmem>>
    %dma_wait3A_705 = arith.constant 0 : i32
    %dma_wait3A_706 = arith.constant 0 : i32
    %dma_wait3A_707 = tpu.memref_slice %arg2[%dma_wait3A_705, %dma_wait3A_706] : memref<32768x1024xf32, #tpu.memory_space<hbm>> -> memref<32768x1024xf32, #tpu.memory_space<hbm>>
    %dma_wait3A_708 = tpu.memref_slice %arg7[%dma_wait3A_698] : memref<3x!tpu.dma_semaphore, #tpu.memory_space<semaphore_mem>> -> memref<1x!tpu.dma_semaphore, #tpu.memory_space<semaphore_mem>>
    %dma_wait3A_709 = tpu.memref_squeeze %dma_wait3A_708 : memref<1x!tpu.dma_semaphore, #tpu.memory_space<semaphore_mem>> -> memref<!tpu.dma_semaphore, #tpu.memory_space<semaphore_mem>>
    tpu.wait_indirect_dma semaphore(%dma_wait3A_709 : memref<!tpu.dma_semaphore, #tpu.memory_space<semaphore_mem>>) src(%dma_wait3A_707 : memref<32768x1024xf32, #tpu.memory_space<hbm>>) dst(%dma_wait3A_702 : memref<32x1024xf32, #tpu.memory_space<vmem>>)
    %add3A_710 = arith.constant 320 : i32
    %add3A_711 = arith.addi %mul3A_32, %add3A_710 : i32
    %dma_start3A_712 = arith.constant 1 : i32
    %dma_start3A_713 = arith.constant 1 : i32
    %dma_start3A_714 = arith.constant 0 : i32
    %dma_start3A_715 = arith.constant 0 : i32
    %dma_start3A_716 = tpu.memref_slice %arg6[%dma_start3A_712, %dma_start3A_714, %dma_start3A_715] : memref<3x32x1024xf32, #tpu.memory_space<vmem>> -> memref<1x32x1024xf32, #tpu.memory_space<vmem>>
    %dma_start3A_717 = tpu.memref_squeeze %dma_start3A_716 : memref<1x32x1024xf32, #tpu.memory_space<vmem>> -> memref<32x1024xf32, #tpu.memory_space<vmem>>
    %dma_start3A_718 = arith.constant 0 : i32
    %dma_start3A_719 = tpu.memref_slice %arg4[%select_n3A, %add3A_711, %dma_start3A_718] : memref<4x8192x1024xf32, #tpu.memory_space<hbm>> -> memref<1x32x1024xf32, #tpu.memory_space<hbm>>
    %dma_start3A_720 = tpu.memref_squeeze %dma_start3A_719 : memref<1x32x1024xf32, #tpu.memory_space<hbm>> -> memref<32x1024xf32, #tpu.memory_space<hbm>>
    %dma_start3A_721 = tpu.memref_slice %arg8[%dma_start3A_713] : memref<3x!tpu.dma_semaphore, #tpu.memory_space<semaphore_mem>> -> memref<1x!tpu.dma_semaphore, #tpu.memory_space<semaphore_mem>>
    %dma_start3A_722 = tpu.memref_squeeze %dma_start3A_721 : memref<1x!tpu.dma_semaphore, #tpu.memory_space<semaphore_mem>> -> memref<!tpu.dma_semaphore, #tpu.memory_space<semaphore_mem>>
    %dma_start3A_723 = arith.constant 0 : i32
    %dma_start3A_724 = tpu.memref_slice %arg4[%select_n3A, %add3A_711, %dma_start3A_723] : memref<4x8192x1024xf32, #tpu.memory_space<hbm>> -> memref<1x32x1024xf32, #tpu.memory_space<hbm>>
    %dma_start3A_725 = tpu.memref_squeeze %dma_start3A_724 : memref<1x32x1024xf32, #tpu.memory_space<hbm>> -> memref<32x1024xf32, #tpu.memory_space<hbm>>
    %dma_start3A_726 = arith.constant 0 : i32
    %dma_start3A_727 = arith.constant 0 : i32
    %dma_start3A_728 = tpu.memref_slice %arg6[%dma_start3A_712, %dma_start3A_726, %dma_start3A_727] : memref<3x32x1024xf32, #tpu.memory_space<vmem>> -> memref<1x32x1024xf32, #tpu.memory_space<vmem>>
    %dma_start3A_729 = tpu.memref_squeeze %dma_start3A_728 : memref<1x32x1024xf32, #tpu.memory_space<vmem>> -> memref<32x1024xf32, #tpu.memory_space<vmem>>
    tpu.enqueue_dma source(%dma_start3A_729 : memref<32x1024xf32, #tpu.memory_space<vmem>>) target(%dma_start3A_725 : memref<32x1024xf32, #tpu.memory_space<hbm>>) target_semaphore(%dma_start3A_722 : memref<!tpu.dma_semaphore, #tpu.memory_space<semaphore_mem>>)
    %add3A_730 = arith.constant 288 : i32
    %add3A_731 = arith.addi %mul3A_32, %add3A_730 : i32
    %dma_wait3A_732 = arith.constant 0 : i32
    %dma_wait3A_733 = arith.constant 0 : i32
    %dma_wait3A_734 = arith.constant 0 : i32
    %dma_wait3A_735 = arith.constant 0 : i32
    %dma_wait3A_736 = tpu.memref_slice %arg6[%dma_wait3A_732, %dma_wait3A_734, %dma_wait3A_735] : memref<3x32x1024xf32, #tpu.memory_space<vmem>> -> memref<1x32x1024xf32, #tpu.memory_space<vmem>>
    %dma_wait3A_737 = tpu.memref_squeeze %dma_wait3A_736 : memref<1x32x1024xf32, #tpu.memory_space<vmem>> -> memref<32x1024xf32, #tpu.memory_space<vmem>>
    %dma_wait3A_738 = arith.constant 0 : i32
    %dma_wait3A_739 = tpu.memref_slice %arg4[%select_n3A, %add3A_731, %dma_wait3A_738] : memref<4x8192x1024xf32, #tpu.memory_space<hbm>> -> memref<1x32x1024xf32, #tpu.memory_space<hbm>>
    %dma_wait3A_740 = tpu.memref_squeeze %dma_wait3A_739 : memref<1x32x1024xf32, #tpu.memory_space<hbm>> -> memref<32x1024xf32, #tpu.memory_space<hbm>>
    %dma_wait3A_741 = tpu.memref_slice %arg8[%dma_wait3A_733] : memref<3x!tpu.dma_semaphore, #tpu.memory_space<semaphore_mem>> -> memref<1x!tpu.dma_semaphore, #tpu.memory_space<semaphore_mem>>
    %dma_wait3A_742 = tpu.memref_squeeze %dma_wait3A_741 : memref<1x!tpu.dma_semaphore, #tpu.memory_space<semaphore_mem>> -> memref<!tpu.dma_semaphore, #tpu.memory_space<semaphore_mem>>
    %dma_wait3A_743 = arith.constant 0 : i32
    %dma_wait3A_744 = tpu.memref_slice %arg4[%select_n3A, %add3A_731, %dma_wait3A_743] : memref<4x8192x1024xf32, #tpu.memory_space<hbm>> -> memref<1x32x1024xf32, #tpu.memory_space<hbm>>
    %dma_wait3A_745 = tpu.memref_squeeze %dma_wait3A_744 : memref<1x32x1024xf32, #tpu.memory_space<hbm>> -> memref<32x1024xf32, #tpu.memory_space<hbm>>
    %dma_wait3A_746 = arith.constant 0 : i32
    %dma_wait3A_747 = arith.constant 0 : i32
    %dma_wait3A_748 = tpu.memref_slice %arg6[%dma_wait3A_732, %dma_wait3A_746, %dma_wait3A_747] : memref<3x32x1024xf32, #tpu.memory_space<vmem>> -> memref<1x32x1024xf32, #tpu.memory_space<vmem>>
    %dma_wait3A_749 = tpu.memref_squeeze %dma_wait3A_748 : memref<1x32x1024xf32, #tpu.memory_space<vmem>> -> memref<32x1024xf32, #tpu.memory_space<vmem>>
    tpu.wait_dma2 semaphore(%dma_wait3A_742 : memref<!tpu.dma_semaphore, #tpu.memory_space<semaphore_mem>>) src(%dma_wait3A_749 : memref<32x1024xf32, #tpu.memory_space<vmem>>) dst(%dma_wait3A_745 : memref<32x1024xf32, #tpu.memory_space<hbm>>)
    %dma_start3A_750 = arith.constant 0 : i32
    %dma_start3A_751 = arith.constant 0 : i32
    %dma_start3A_752 = arith.constant 0 : i32
    %dma_start3A_753 = arith.constant 0 : i32
    %dma_start3A_754 = tpu.memref_slice %arg6[%dma_start3A_750, %dma_start3A_752, %dma_start3A_753] : memref<3x32x1024xf32, #tpu.memory_space<vmem>> -> memref<1x32x1024xf32, #tpu.memory_space<vmem>>
    %dma_start3A_755 = tpu.memref_squeeze %dma_start3A_754 : memref<1x32x1024xf32, #tpu.memory_space<vmem>> -> memref<32x1024xf32, #tpu.memory_space<vmem>>
    %dma_start3A_756 = arith.constant 384 : i32
    %dma_start3A_757 = tpu.memref_slice %arg5[%dma_start3A_756] : memref<1024xi32, #tpu.memory_space<vmem>> -> memref<32xi32, #tpu.memory_space<vmem>>
    %dma_start3A_758 = arith.constant 0 : i32
    %dma_start3A_759 = arith.constant 0 : i32
    %dma_start3A_760 = tpu.memref_slice %arg2[%dma_start3A_758, %dma_start3A_759] : memref<32768x1024xf32, #tpu.memory_space<hbm>> -> memref<32768x1024xf32, #tpu.memory_space<hbm>>
    %dma_start3A_761 = tpu.memref_slice %arg7[%dma_start3A_751] : memref<3x!tpu.dma_semaphore, #tpu.memory_space<semaphore_mem>> -> memref<1x!tpu.dma_semaphore, #tpu.memory_space<semaphore_mem>>
    %dma_start3A_762 = tpu.memref_squeeze %dma_start3A_761 : memref<1x!tpu.dma_semaphore, #tpu.memory_space<semaphore_mem>> -> memref<!tpu.dma_semaphore, #tpu.memory_space<semaphore_mem>>
    tpu.enqueue_indirect_dma source(%dma_start3A_760 : memref<32768x1024xf32, #tpu.memory_space<hbm>>) target(%dma_start3A_755 : memref<32x1024xf32, #tpu.memory_space<vmem>>) offsets(%dma_start3A_757 : memref<32xi32, #tpu.memory_space<vmem>>) semaphore(%dma_start3A_762 : memref<!tpu.dma_semaphore, #tpu.memory_space<semaphore_mem>>)
    %dma_wait3A_763 = arith.constant 2 : i32
    %dma_wait3A_764 = arith.constant 2 : i32
    %dma_wait3A_765 = arith.constant 0 : i32
    %dma_wait3A_766 = arith.constant 0 : i32
    %dma_wait3A_767 = tpu.memref_slice %arg6[%dma_wait3A_763, %dma_wait3A_765, %dma_wait3A_766] : memref<3x32x1024xf32, #tpu.memory_space<vmem>> -> memref<1x32x1024xf32, #tpu.memory_space<vmem>>
    %dma_wait3A_768 = tpu.memref_squeeze %dma_wait3A_767 : memref<1x32x1024xf32, #tpu.memory_space<vmem>> -> memref<32x1024xf32, #tpu.memory_space<vmem>>
    %dma_wait3A_769 = arith.constant 352 : i32
    %dma_wait3A_770 = tpu.memref_slice %arg5[%dma_wait3A_769] : memref<1024xi32, #tpu.memory_space<vmem>> -> memref<32xi32, #tpu.memory_space<vmem>>
    %dma_wait3A_771 = arith.constant 0 : i32
    %dma_wait3A_772 = arith.constant 0 : i32
    %dma_wait3A_773 = tpu.memref_slice %arg2[%dma_wait3A_771, %dma_wait3A_772] : memref<32768x1024xf32, #tpu.memory_space<hbm>> -> memref<32768x1024xf32, #tpu.memory_space<hbm>>
    %dma_wait3A_774 = tpu.memref_slice %arg7[%dma_wait3A_764] : memref<3x!tpu.dma_semaphore, #tpu.memory_space<semaphore_mem>> -> memref<1x!tpu.dma_semaphore, #tpu.memory_space<semaphore_mem>>
    %dma_wait3A_775 = tpu.memref_squeeze %dma_wait3A_774 : memref<1x!tpu.dma_semaphore, #tpu.memory_space<semaphore_mem>> -> memref<!tpu.dma_semaphore, #tpu.memory_space<semaphore_mem>>
    tpu.wait_indirect_dma semaphore(%dma_wait3A_775 : memref<!tpu.dma_semaphore, #tpu.memory_space<semaphore_mem>>) src(%dma_wait3A_773 : memref<32768x1024xf32, #tpu.memory_space<hbm>>) dst(%dma_wait3A_768 : memref<32x1024xf32, #tpu.memory_space<vmem>>)
    %add3A_776 = arith.constant 352 : i32
    %add3A_777 = arith.addi %mul3A_32, %add3A_776 : i32
    %dma_start3A_778 = arith.constant 2 : i32
    %dma_start3A_779 = arith.constant 2 : i32
    %dma_start3A_780 = arith.constant 0 : i32
    %dma_start3A_781 = arith.constant 0 : i32
    %dma_start3A_782 = tpu.memref_slice %arg6[%dma_start3A_778, %dma_start3A_780, %dma_start3A_781] : memref<3x32x1024xf32, #tpu.memory_space<vmem>> -> memref<1x32x1024xf32, #tpu.memory_space<vmem>>
    %dma_start3A_783 = tpu.memref_squeeze %dma_start3A_782 : memref<1x32x1024xf32, #tpu.memory_space<vmem>> -> memref<32x1024xf32, #tpu.memory_space<vmem>>
    %dma_start3A_784 = arith.constant 0 : i32
    %dma_start3A_785 = tpu.memref_slice %arg4[%select_n3A, %add3A_777, %dma_start3A_784] : memref<4x8192x1024xf32, #tpu.memory_space<hbm>> -> memref<1x32x1024xf32, #tpu.memory_space<hbm>>
    %dma_start3A_786 = tpu.memref_squeeze %dma_start3A_785 : memref<1x32x1024xf32, #tpu.memory_space<hbm>> -> memref<32x1024xf32, #tpu.memory_space<hbm>>
    %dma_start3A_787 = tpu.memref_slice %arg8[%dma_start3A_779] : memref<3x!tpu.dma_semaphore, #tpu.memory_space<semaphore_mem>> -> memref<1x!tpu.dma_semaphore, #tpu.memory_space<semaphore_mem>>
    %dma_start3A_788 = tpu.memref_squeeze %dma_start3A_787 : memref<1x!tpu.dma_semaphore, #tpu.memory_space<semaphore_mem>> -> memref<!tpu.dma_semaphore, #tpu.memory_space<semaphore_mem>>
    %dma_start3A_789 = arith.constant 0 : i32
    %dma_start3A_790 = tpu.memref_slice %arg4[%select_n3A, %add3A_777, %dma_start3A_789] : memref<4x8192x1024xf32, #tpu.memory_space<hbm>> -> memref<1x32x1024xf32, #tpu.memory_space<hbm>>
    %dma_start3A_791 = tpu.memref_squeeze %dma_start3A_790 : memref<1x32x1024xf32, #tpu.memory_space<hbm>> -> memref<32x1024xf32, #tpu.memory_space<hbm>>
    %dma_start3A_792 = arith.constant 0 : i32
    %dma_start3A_793 = arith.constant 0 : i32
    %dma_start3A_794 = tpu.memref_slice %arg6[%dma_start3A_778, %dma_start3A_792, %dma_start3A_793] : memref<3x32x1024xf32, #tpu.memory_space<vmem>> -> memref<1x32x1024xf32, #tpu.memory_space<vmem>>
    %dma_start3A_795 = tpu.memref_squeeze %dma_start3A_794 : memref<1x32x1024xf32, #tpu.memory_space<vmem>> -> memref<32x1024xf32, #tpu.memory_space<vmem>>
    tpu.enqueue_dma source(%dma_start3A_795 : memref<32x1024xf32, #tpu.memory_space<vmem>>) target(%dma_start3A_791 : memref<32x1024xf32, #tpu.memory_space<hbm>>) target_semaphore(%dma_start3A_788 : memref<!tpu.dma_semaphore, #tpu.memory_space<semaphore_mem>>)
    %add3A_796 = arith.constant 320 : i32
    %add3A_797 = arith.addi %mul3A_32, %add3A_796 : i32
    %dma_wait3A_798 = arith.constant 1 : i32
    %dma_wait3A_799 = arith.constant 1 : i32
    %dma_wait3A_800 = arith.constant 0 : i32
    %dma_wait3A_801 = arith.constant 0 : i32
    %dma_wait3A_802 = tpu.memref_slice %arg6[%dma_wait3A_798, %dma_wait3A_800, %dma_wait3A_801] : memref<3x32x1024xf32, #tpu.memory_space<vmem>> -> memref<1x32x1024xf32, #tpu.memory_space<vmem>>
    %dma_wait3A_803 = tpu.memref_squeeze %dma_wait3A_802 : memref<1x32x1024xf32, #tpu.memory_space<vmem>> -> memref<32x1024xf32, #tpu.memory_space<vmem>>
    %dma_wait3A_804 = arith.constant 0 : i32
    %dma_wait3A_805 = tpu.memref_slice %arg4[%select_n3A, %add3A_797, %dma_wait3A_804] : memref<4x8192x1024xf32, #tpu.memory_space<hbm>> -> memref<1x32x1024xf32, #tpu.memory_space<hbm>>
    %dma_wait3A_806 = tpu.memref_squeeze %dma_wait3A_805 : memref<1x32x1024xf32, #tpu.memory_space<hbm>> -> memref<32x1024xf32, #tpu.memory_space<hbm>>
    %dma_wait3A_807 = tpu.memref_slice %arg8[%dma_wait3A_799] : memref<3x!tpu.dma_semaphore, #tpu.memory_space<semaphore_mem>> -> memref<1x!tpu.dma_semaphore, #tpu.memory_space<semaphore_mem>>
    %dma_wait3A_808 = tpu.memref_squeeze %dma_wait3A_807 : memref<1x!tpu.dma_semaphore, #tpu.memory_space<semaphore_mem>> -> memref<!tpu.dma_semaphore, #tpu.memory_space<semaphore_mem>>
    %dma_wait3A_809 = arith.constant 0 : i32
    %dma_wait3A_810 = tpu.memref_slice %arg4[%select_n3A, %add3A_797, %dma_wait3A_809] : memref<4x8192x1024xf32, #tpu.memory_space<hbm>> -> memref<1x32x1024xf32, #tpu.memory_space<hbm>>
    %dma_wait3A_811 = tpu.memref_squeeze %dma_wait3A_810 : memref<1x32x1024xf32, #tpu.memory_space<hbm>> -> memref<32x1024xf32, #tpu.memory_space<hbm>>
    %dma_wait3A_812 = arith.constant 0 : i32
    %dma_wait3A_813 = arith.constant 0 : i32
    %dma_wait3A_814 = tpu.memref_slice %arg6[%dma_wait3A_798, %dma_wait3A_812, %dma_wait3A_813] : memref<3x32x1024xf32, #tpu.memory_space<vmem>> -> memref<1x32x1024xf32, #tpu.memory_space<vmem>>
    %dma_wait3A_815 = tpu.memref_squeeze %dma_wait3A_814 : memref<1x32x1024xf32, #tpu.memory_space<vmem>> -> memref<32x1024xf32, #tpu.memory_space<vmem>>
    tpu.wait_dma2 semaphore(%dma_wait3A_808 : memref<!tpu.dma_semaphore, #tpu.memory_space<semaphore_mem>>) src(%dma_wait3A_815 : memref<32x1024xf32, #tpu.memory_space<vmem>>) dst(%dma_wait3A_811 : memref<32x1024xf32, #tpu.memory_space<hbm>>)
    %dma_start3A_816 = arith.constant 1 : i32
    %dma_start3A_817 = arith.constant 1 : i32
    %dma_start3A_818 = arith.constant 0 : i32
    %dma_start3A_819 = arith.constant 0 : i32
    %dma_start3A_820 = tpu.memref_slice %arg6[%dma_start3A_816, %dma_start3A_818, %dma_start3A_819] : memref<3x32x1024xf32, #tpu.memory_space<vmem>> -> memref<1x32x1024xf32, #tpu.memory_space<vmem>>
    %dma_start3A_821 = tpu.memref_squeeze %dma_start3A_820 : memref<1x32x1024xf32, #tpu.memory_space<vmem>> -> memref<32x1024xf32, #tpu.memory_space<vmem>>
    %dma_start3A_822 = arith.constant 416 : i32
    %dma_start3A_823 = tpu.memref_slice %arg5[%dma_start3A_822] : memref<1024xi32, #tpu.memory_space<vmem>> -> memref<32xi32, #tpu.memory_space<vmem>>
    %dma_start3A_824 = arith.constant 0 : i32
    %dma_start3A_825 = arith.constant 0 : i32
    %dma_start3A_826 = tpu.memref_slice %arg2[%dma_start3A_824, %dma_start3A_825] : memref<32768x1024xf32, #tpu.memory_space<hbm>> -> memref<32768x1024xf32, #tpu.memory_space<hbm>>
    %dma_start3A_827 = tpu.memref_slice %arg7[%dma_start3A_817] : memref<3x!tpu.dma_semaphore, #tpu.memory_space<semaphore_mem>> -> memref<1x!tpu.dma_semaphore, #tpu.memory_space<semaphore_mem>>
    %dma_start3A_828 = tpu.memref_squeeze %dma_start3A_827 : memref<1x!tpu.dma_semaphore, #tpu.memory_space<semaphore_mem>> -> memref<!tpu.dma_semaphore, #tpu.memory_space<semaphore_mem>>
    tpu.enqueue_indirect_dma source(%dma_start3A_826 : memref<32768x1024xf32, #tpu.memory_space<hbm>>) target(%dma_start3A_821 : memref<32x1024xf32, #tpu.memory_space<vmem>>) offsets(%dma_start3A_823 : memref<32xi32, #tpu.memory_space<vmem>>) semaphore(%dma_start3A_828 : memref<!tpu.dma_semaphore, #tpu.memory_space<semaphore_mem>>)
    %dma_wait3A_829 = arith.constant 0 : i32
    %dma_wait3A_830 = arith.constant 0 : i32
    %dma_wait3A_831 = arith.constant 0 : i32
    %dma_wait3A_832 = arith.constant 0 : i32
    %dma_wait3A_833 = tpu.memref_slice %arg6[%dma_wait3A_829, %dma_wait3A_831, %dma_wait3A_832] : memref<3x32x1024xf32, #tpu.memory_space<vmem>> -> memref<1x32x1024xf32, #tpu.memory_space<vmem>>
    %dma_wait3A_834 = tpu.memref_squeeze %dma_wait3A_833 : memref<1x32x1024xf32, #tpu.memory_space<vmem>> -> memref<32x1024xf32, #tpu.memory_space<vmem>>
    %dma_wait3A_835 = arith.constant 384 : i32
    %dma_wait3A_836 = tpu.memref_slice %arg5[%dma_wait3A_835] : memref<1024xi32, #tpu.memory_space<vmem>> -> memref<32xi32, #tpu.memory_space<vmem>>
    %dma_wait3A_837 = arith.constant 0 : i32
    %dma_wait3A_838 = arith.constant 0 : i32
    %dma_wait3A_839 = tpu.memref_slice %arg2[%dma_wait3A_837, %dma_wait3A_838] : memref<32768x1024xf32, #tpu.memory_space<hbm>> -> memref<32768x1024xf32, #tpu.memory_space<hbm>>
    %dma_wait3A_840 = tpu.memref_slice %arg7[%dma_wait3A_830] : memref<3x!tpu.dma_semaphore, #tpu.memory_space<semaphore_mem>> -> memref<1x!tpu.dma_semaphore, #tpu.memory_space<semaphore_mem>>
    %dma_wait3A_841 = tpu.memref_squeeze %dma_wait3A_840 : memref<1x!tpu.dma_semaphore, #tpu.memory_space<semaphore_mem>> -> memref<!tpu.dma_semaphore, #tpu.memory_space<semaphore_mem>>
    tpu.wait_indirect_dma semaphore(%dma_wait3A_841 : memref<!tpu.dma_semaphore, #tpu.memory_space<semaphore_mem>>) src(%dma_wait3A_839 : memref<32768x1024xf32, #tpu.memory_space<hbm>>) dst(%dma_wait3A_834 : memref<32x1024xf32, #tpu.memory_space<vmem>>)
    %add3A_842 = arith.constant 384 : i32
    %add3A_843 = arith.addi %mul3A_32, %add3A_842 : i32
    %dma_start3A_844 = arith.constant 0 : i32
    %dma_start3A_845 = arith.constant 0 : i32
    %dma_start3A_846 = arith.constant 0 : i32
    %dma_start3A_847 = arith.constant 0 : i32
    %dma_start3A_848 = tpu.memref_slice %arg6[%dma_start3A_844, %dma_start3A_846, %dma_start3A_847] : memref<3x32x1024xf32, #tpu.memory_space<vmem>> -> memref<1x32x1024xf32, #tpu.memory_space<vmem>>
    %dma_start3A_849 = tpu.memref_squeeze %dma_start3A_848 : memref<1x32x1024xf32, #tpu.memory_space<vmem>> -> memref<32x1024xf32, #tpu.memory_space<vmem>>
    %dma_start3A_850 = arith.constant 0 : i32
    %dma_start3A_851 = tpu.memref_slice %arg4[%select_n3A, %add3A_843, %dma_start3A_850] : memref<4x8192x1024xf32, #tpu.memory_space<hbm>> -> memref<1x32x1024xf32, #tpu.memory_space<hbm>>
    %dma_start3A_852 = tpu.memref_squeeze %dma_start3A_851 : memref<1x32x1024xf32, #tpu.memory_space<hbm>> -> memref<32x1024xf32, #tpu.memory_space<hbm>>
    %dma_start3A_853 = tpu.memref_slice %arg8[%dma_start3A_845] : memref<3x!tpu.dma_semaphore, #tpu.memory_space<semaphore_mem>> -> memref<1x!tpu.dma_semaphore, #tpu.memory_space<semaphore_mem>>
    %dma_start3A_854 = tpu.memref_squeeze %dma_start3A_853 : memref<1x!tpu.dma_semaphore, #tpu.memory_space<semaphore_mem>> -> memref<!tpu.dma_semaphore, #tpu.memory_space<semaphore_mem>>
    %dma_start3A_855 = arith.constant 0 : i32
    %dma_start3A_856 = tpu.memref_slice %arg4[%select_n3A, %add3A_843, %dma_start3A_855] : memref<4x8192x1024xf32, #tpu.memory_space<hbm>> -> memref<1x32x1024xf32, #tpu.memory_space<hbm>>
    %dma_start3A_857 = tpu.memref_squeeze %dma_start3A_856 : memref<1x32x1024xf32, #tpu.memory_space<hbm>> -> memref<32x1024xf32, #tpu.memory_space<hbm>>
    %dma_start3A_858 = arith.constant 0 : i32
    %dma_start3A_859 = arith.constant 0 : i32
    %dma_start3A_860 = tpu.memref_slice %arg6[%dma_start3A_844, %dma_start3A_858, %dma_start3A_859] : memref<3x32x1024xf32, #tpu.memory_space<vmem>> -> memref<1x32x1024xf32, #tpu.memory_space<vmem>>
    %dma_start3A_861 = tpu.memref_squeeze %dma_start3A_860 : memref<1x32x1024xf32, #tpu.memory_space<vmem>> -> memref<32x1024xf32, #tpu.memory_space<vmem>>
    tpu.enqueue_dma source(%dma_start3A_861 : memref<32x1024xf32, #tpu.memory_space<vmem>>) target(%dma_start3A_857 : memref<32x1024xf32, #tpu.memory_space<hbm>>) target_semaphore(%dma_start3A_854 : memref<!tpu.dma_semaphore, #tpu.memory_space<semaphore_mem>>)
    %add3A_862 = arith.constant 352 : i32
    %add3A_863 = arith.addi %mul3A_32, %add3A_862 : i32
    %dma_wait3A_864 = arith.constant 2 : i32
    %dma_wait3A_865 = arith.constant 2 : i32
    %dma_wait3A_866 = arith.constant 0 : i32
    %dma_wait3A_867 = arith.constant 0 : i32
    %dma_wait3A_868 = tpu.memref_slice %arg6[%dma_wait3A_864, %dma_wait3A_866, %dma_wait3A_867] : memref<3x32x1024xf32, #tpu.memory_space<vmem>> -> memref<1x32x1024xf32, #tpu.memory_space<vmem>>
    %dma_wait3A_869 = tpu.memref_squeeze %dma_wait3A_868 : memref<1x32x1024xf32, #tpu.memory_space<vmem>> -> memref<32x1024xf32, #tpu.memory_space<vmem>>
    %dma_wait3A_870 = arith.constant 0 : i32
    %dma_wait3A_871 = tpu.memref_slice %arg4[%select_n3A, %add3A_863, %dma_wait3A_870] : memref<4x8192x1024xf32, #tpu.memory_space<hbm>> -> memref<1x32x1024xf32, #tpu.memory_space<hbm>>
    %dma_wait3A_872 = tpu.memref_squeeze %dma_wait3A_871 : memref<1x32x1024xf32, #tpu.memory_space<hbm>> -> memref<32x1024xf32, #tpu.memory_space<hbm>>
    %dma_wait3A_873 = tpu.memref_slice %arg8[%dma_wait3A_865] : memref<3x!tpu.dma_semaphore, #tpu.memory_space<semaphore_mem>> -> memref<1x!tpu.dma_semaphore, #tpu.memory_space<semaphore_mem>>
    %dma_wait3A_874 = tpu.memref_squeeze %dma_wait3A_873 : memref<1x!tpu.dma_semaphore, #tpu.memory_space<semaphore_mem>> -> memref<!tpu.dma_semaphore, #tpu.memory_space<semaphore_mem>>
    %dma_wait3A_875 = arith.constant 0 : i32
    %dma_wait3A_876 = tpu.memref_slice %arg4[%select_n3A, %add3A_863, %dma_wait3A_875] : memref<4x8192x1024xf32, #tpu.memory_space<hbm>> -> memref<1x32x1024xf32, #tpu.memory_space<hbm>>
    %dma_wait3A_877 = tpu.memref_squeeze %dma_wait3A_876 : memref<1x32x1024xf32, #tpu.memory_space<hbm>> -> memref<32x1024xf32, #tpu.memory_space<hbm>>
    %dma_wait3A_878 = arith.constant 0 : i32
    %dma_wait3A_879 = arith.constant 0 : i32
    %dma_wait3A_880 = tpu.memref_slice %arg6[%dma_wait3A_864, %dma_wait3A_878, %dma_wait3A_879] : memref<3x32x1024xf32, #tpu.memory_space<vmem>> -> memref<1x32x1024xf32, #tpu.memory_space<vmem>>
    %dma_wait3A_881 = tpu.memref_squeeze %dma_wait3A_880 : memref<1x32x1024xf32, #tpu.memory_space<vmem>> -> memref<32x1024xf32, #tpu.memory_space<vmem>>
    tpu.wait_dma2 semaphore(%dma_wait3A_874 : memref<!tpu.dma_semaphore, #tpu.memory_space<semaphore_mem>>) src(%dma_wait3A_881 : memref<32x1024xf32, #tpu.memory_space<vmem>>) dst(%dma_wait3A_877 : memref<32x1024xf32, #tpu.memory_space<hbm>>)
    %dma_start3A_882 = arith.constant 2 : i32
    %dma_start3A_883 = arith.constant 2 : i32
    %dma_start3A_884 = arith.constant 0 : i32
    %dma_start3A_885 = arith.constant 0 : i32
    %dma_start3A_886 = tpu.memref_slice %arg6[%dma_start3A_882, %dma_start3A_884, %dma_start3A_885] : memref<3x32x1024xf32, #tpu.memory_space<vmem>> -> memref<1x32x1024xf32, #tpu.memory_space<vmem>>
    %dma_start3A_887 = tpu.memref_squeeze %dma_start3A_886 : memref<1x32x1024xf32, #tpu.memory_space<vmem>> -> memref<32x1024xf32, #tpu.memory_space<vmem>>
    %dma_start3A_888 = arith.constant 448 : i32
    %dma_start3A_889 = tpu.memref_slice %arg5[%dma_start3A_888] : memref<1024xi32, #tpu.memory_space<vmem>> -> memref<32xi32, #tpu.memory_space<vmem>>
    %dma_start3A_890 = arith.constant 0 : i32
    %dma_start3A_891 = arith.constant 0 : i32
    %dma_start3A_892 = tpu.memref_slice %arg2[%dma_start3A_890, %dma_start3A_891] : memref<32768x1024xf32, #tpu.memory_space<hbm>> -> memref<32768x1024xf32, #tpu.memory_space<hbm>>
    %dma_start3A_893 = tpu.memref_slice %arg7[%dma_start3A_883] : memref<3x!tpu.dma_semaphore, #tpu.memory_space<semaphore_mem>> -> memref<1x!tpu.dma_semaphore, #tpu.memory_space<semaphore_mem>>
    %dma_start3A_894 = tpu.memref_squeeze %dma_start3A_893 : memref<1x!tpu.dma_semaphore, #tpu.memory_space<semaphore_mem>> -> memref<!tpu.dma_semaphore, #tpu.memory_space<semaphore_mem>>
    tpu.enqueue_indirect_dma source(%dma_start3A_892 : memref<32768x1024xf32, #tpu.memory_space<hbm>>) target(%dma_start3A_887 : memref<32x1024xf32, #tpu.memory_space<vmem>>) offsets(%dma_start3A_889 : memref<32xi32, #tpu.memory_space<vmem>>) semaphore(%dma_start3A_894 : memref<!tpu.dma_semaphore, #tpu.memory_space<semaphore_mem>>)
    %dma_wait3A_895 = arith.constant 1 : i32
    %dma_wait3A_896 = arith.constant 1 : i32
    %dma_wait3A_897 = arith.constant 0 : i32
    %dma_wait3A_898 = arith.constant 0 : i32
    %dma_wait3A_899 = tpu.memref_slice %arg6[%dma_wait3A_895, %dma_wait3A_897, %dma_wait3A_898] : memref<3x32x1024xf32, #tpu.memory_space<vmem>> -> memref<1x32x1024xf32, #tpu.memory_space<vmem>>
    %dma_wait3A_900 = tpu.memref_squeeze %dma_wait3A_899 : memref<1x32x1024xf32, #tpu.memory_space<vmem>> -> memref<32x1024xf32, #tpu.memory_space<vmem>>
    %dma_wait3A_901 = arith.constant 416 : i32
    %dma_wait3A_902 = tpu.memref_slice %arg5[%dma_wait3A_901] : memref<1024xi32, #tpu.memory_space<vmem>> -> memref<32xi32, #tpu.memory_space<vmem>>
    %dma_wait3A_903 = arith.constant 0 : i32
    %dma_wait3A_904 = arith.constant 0 : i32
    %dma_wait3A_905 = tpu.memref_slice %arg2[%dma_wait3A_903, %dma_wait3A_904] : memref<32768x1024xf32, #tpu.memory_space<hbm>> -> memref<32768x1024xf32, #tpu.memory_space<hbm>>
    %dma_wait3A_906 = tpu.memref_slice %arg7[%dma_wait3A_896] : memref<3x!tpu.dma_semaphore, #tpu.memory_space<semaphore_mem>> -> memref<1x!tpu.dma_semaphore, #tpu.memory_space<semaphore_mem>>
    %dma_wait3A_907 = tpu.memref_squeeze %dma_wait3A_906 : memref<1x!tpu.dma_semaphore, #tpu.memory_space<semaphore_mem>> -> memref<!tpu.dma_semaphore, #tpu.memory_space<semaphore_mem>>
    tpu.wait_indirect_dma semaphore(%dma_wait3A_907 : memref<!tpu.dma_semaphore, #tpu.memory_space<semaphore_mem>>) src(%dma_wait3A_905 : memref<32768x1024xf32, #tpu.memory_space<hbm>>) dst(%dma_wait3A_900 : memref<32x1024xf32, #tpu.memory_space<vmem>>)
    %add3A_908 = arith.constant 416 : i32
    %add3A_909 = arith.addi %mul3A_32, %add3A_908 : i32
    %dma_start3A_910 = arith.constant 1 : i32
    %dma_start3A_911 = arith.constant 1 : i32
    %dma_start3A_912 = arith.constant 0 : i32
    %dma_start3A_913 = arith.constant 0 : i32
    %dma_start3A_914 = tpu.memref_slice %arg6[%dma_start3A_910, %dma_start3A_912, %dma_start3A_913] : memref<3x32x1024xf32, #tpu.memory_space<vmem>> -> memref<1x32x1024xf32, #tpu.memory_space<vmem>>
    %dma_start3A_915 = tpu.memref_squeeze %dma_start3A_914 : memref<1x32x1024xf32, #tpu.memory_space<vmem>> -> memref<32x1024xf32, #tpu.memory_space<vmem>>
    %dma_start3A_916 = arith.constant 0 : i32
    %dma_start3A_917 = tpu.memref_slice %arg4[%select_n3A, %add3A_909, %dma_start3A_916] : memref<4x8192x1024xf32, #tpu.memory_space<hbm>> -> memref<1x32x1024xf32, #tpu.memory_space<hbm>>
    %dma_start3A_918 = tpu.memref_squeeze %dma_start3A_917 : memref<1x32x1024xf32, #tpu.memory_space<hbm>> -> memref<32x1024xf32, #tpu.memory_space<hbm>>
    %dma_start3A_919 = tpu.memref_slice %arg8[%dma_start3A_911] : memref<3x!tpu.dma_semaphore, #tpu.memory_space<semaphore_mem>> -> memref<1x!tpu.dma_semaphore, #tpu.memory_space<semaphore_mem>>
    %dma_start3A_920 = tpu.memref_squeeze %dma_start3A_919 : memref<1x!tpu.dma_semaphore, #tpu.memory_space<semaphore_mem>> -> memref<!tpu.dma_semaphore, #tpu.memory_space<semaphore_mem>>
    %dma_start3A_921 = arith.constant 0 : i32
    %dma_start3A_922 = tpu.memref_slice %arg4[%select_n3A, %add3A_909, %dma_start3A_921] : memref<4x8192x1024xf32, #tpu.memory_space<hbm>> -> memref<1x32x1024xf32, #tpu.memory_space<hbm>>
    %dma_start3A_923 = tpu.memref_squeeze %dma_start3A_922 : memref<1x32x1024xf32, #tpu.memory_space<hbm>> -> memref<32x1024xf32, #tpu.memory_space<hbm>>
    %dma_start3A_924 = arith.constant 0 : i32
    %dma_start3A_925 = arith.constant 0 : i32
    %dma_start3A_926 = tpu.memref_slice %arg6[%dma_start3A_910, %dma_start3A_924, %dma_start3A_925] : memref<3x32x1024xf32, #tpu.memory_space<vmem>> -> memref<1x32x1024xf32, #tpu.memory_space<vmem>>
    %dma_start3A_927 = tpu.memref_squeeze %dma_start3A_926 : memref<1x32x1024xf32, #tpu.memory_space<vmem>> -> memref<32x1024xf32, #tpu.memory_space<vmem>>
    tpu.enqueue_dma source(%dma_start3A_927 : memref<32x1024xf32, #tpu.memory_space<vmem>>) target(%dma_start3A_923 : memref<32x1024xf32, #tpu.memory_space<hbm>>) target_semaphore(%dma_start3A_920 : memref<!tpu.dma_semaphore, #tpu.memory_space<semaphore_mem>>)
    %add3A_928 = arith.constant 384 : i32
    %add3A_929 = arith.addi %mul3A_32, %add3A_928 : i32
    %dma_wait3A_930 = arith.constant 0 : i32
    %dma_wait3A_931 = arith.constant 0 : i32
    %dma_wait3A_932 = arith.constant 0 : i32
    %dma_wait3A_933 = arith.constant 0 : i32
    %dma_wait3A_934 = tpu.memref_slice %arg6[%dma_wait3A_930, %dma_wait3A_932, %dma_wait3A_933] : memref<3x32x1024xf32, #tpu.memory_space<vmem>> -> memref<1x32x1024xf32, #tpu.memory_space<vmem>>
    %dma_wait3A_935 = tpu.memref_squeeze %dma_wait3A_934 : memref<1x32x1024xf32, #tpu.memory_space<vmem>> -> memref<32x1024xf32, #tpu.memory_space<vmem>>
    %dma_wait3A_936 = arith.constant 0 : i32
    %dma_wait3A_937 = tpu.memref_slice %arg4[%select_n3A, %add3A_929, %dma_wait3A_936] : memref<4x8192x1024xf32, #tpu.memory_space<hbm>> -> memref<1x32x1024xf32, #tpu.memory_space<hbm>>
    %dma_wait3A_938 = tpu.memref_squeeze %dma_wait3A_937 : memref<1x32x1024xf32, #tpu.memory_space<hbm>> -> memref<32x1024xf32, #tpu.memory_space<hbm>>
    %dma_wait3A_939 = tpu.memref_slice %arg8[%dma_wait3A_931] : memref<3x!tpu.dma_semaphore, #tpu.memory_space<semaphore_mem>> -> memref<1x!tpu.dma_semaphore, #tpu.memory_space<semaphore_mem>>
    %dma_wait3A_940 = tpu.memref_squeeze %dma_wait3A_939 : memref<1x!tpu.dma_semaphore, #tpu.memory_space<semaphore_mem>> -> memref<!tpu.dma_semaphore, #tpu.memory_space<semaphore_mem>>
    %dma_wait3A_941 = arith.constant 0 : i32
    %dma_wait3A_942 = tpu.memref_slice %arg4[%select_n3A, %add3A_929, %dma_wait3A_941] : memref<4x8192x1024xf32, #tpu.memory_space<hbm>> -> memref<1x32x1024xf32, #tpu.memory_space<hbm>>
    %dma_wait3A_943 = tpu.memref_squeeze %dma_wait3A_942 : memref<1x32x1024xf32, #tpu.memory_space<hbm>> -> memref<32x1024xf32, #tpu.memory_space<hbm>>
    %dma_wait3A_944 = arith.constant 0 : i32
    %dma_wait3A_945 = arith.constant 0 : i32
    %dma_wait3A_946 = tpu.memref_slice %arg6[%dma_wait3A_930, %dma_wait3A_944, %dma_wait3A_945] : memref<3x32x1024xf32, #tpu.memory_space<vmem>> -> memref<1x32x1024xf32, #tpu.memory_space<vmem>>
    %dma_wait3A_947 = tpu.memref_squeeze %dma_wait3A_946 : memref<1x32x1024xf32, #tpu.memory_space<vmem>> -> memref<32x1024xf32, #tpu.memory_space<vmem>>
    tpu.wait_dma2 semaphore(%dma_wait3A_940 : memref<!tpu.dma_semaphore, #tpu.memory_space<semaphore_mem>>) src(%dma_wait3A_947 : memref<32x1024xf32, #tpu.memory_space<vmem>>) dst(%dma_wait3A_943 : memref<32x1024xf32, #tpu.memory_space<hbm>>)
    %dma_start3A_948 = arith.constant 0 : i32
    %dma_start3A_949 = arith.constant 0 : i32
    %dma_start3A_950 = arith.constant 0 : i32
    %dma_start3A_951 = arith.constant 0 : i32
    %dma_start3A_952 = tpu.memref_slice %arg6[%dma_start3A_948, %dma_start3A_950, %dma_start3A_951] : memref<3x32x1024xf32, #tpu.memory_space<vmem>> -> memref<1x32x1024xf32, #tpu.memory_space<vmem>>
    %dma_start3A_953 = tpu.memref_squeeze %dma_start3A_952 : memref<1x32x1024xf32, #tpu.memory_space<vmem>> -> memref<32x1024xf32, #tpu.memory_space<vmem>>
    %dma_start3A_954 = arith.constant 480 : i32
    %dma_start3A_955 = tpu.memref_slice %arg5[%dma_start3A_954] : memref<1024xi32, #tpu.memory_space<vmem>> -> memref<32xi32, #tpu.memory_space<vmem>>
    %dma_start3A_956 = arith.constant 0 : i32
    %dma_start3A_957 = arith.constant 0 : i32
    %dma_start3A_958 = tpu.memref_slice %arg2[%dma_start3A_956, %dma_start3A_957] : memref<32768x1024xf32, #tpu.memory_space<hbm>> -> memref<32768x1024xf32, #tpu.memory_space<hbm>>
    %dma_start3A_959 = tpu.memref_slice %arg7[%dma_start3A_949] : memref<3x!tpu.dma_semaphore, #tpu.memory_space<semaphore_mem>> -> memref<1x!tpu.dma_semaphore, #tpu.memory_space<semaphore_mem>>
    %dma_start3A_960 = tpu.memref_squeeze %dma_start3A_959 : memref<1x!tpu.dma_semaphore, #tpu.memory_space<semaphore_mem>> -> memref<!tpu.dma_semaphore, #tpu.memory_space<semaphore_mem>>
    tpu.enqueue_indirect_dma source(%dma_start3A_958 : memref<32768x1024xf32, #tpu.memory_space<hbm>>) target(%dma_start3A_953 : memref<32x1024xf32, #tpu.memory_space<vmem>>) offsets(%dma_start3A_955 : memref<32xi32, #tpu.memory_space<vmem>>) semaphore(%dma_start3A_960 : memref<!tpu.dma_semaphore, #tpu.memory_space<semaphore_mem>>)
    %dma_wait3A_961 = arith.constant 2 : i32
    %dma_wait3A_962 = arith.constant 2 : i32
    %dma_wait3A_963 = arith.constant 0 : i32
    %dma_wait3A_964 = arith.constant 0 : i32
    %dma_wait3A_965 = tpu.memref_slice %arg6[%dma_wait3A_961, %dma_wait3A_963, %dma_wait3A_964] : memref<3x32x1024xf32, #tpu.memory_space<vmem>> -> memref<1x32x1024xf32, #tpu.memory_space<vmem>>
    %dma_wait3A_966 = tpu.memref_squeeze %dma_wait3A_965 : memref<1x32x1024xf32, #tpu.memory_space<vmem>> -> memref<32x1024xf32, #tpu.memory_space<vmem>>
    %dma_wait3A_967 = arith.constant 448 : i32
    %dma_wait3A_968 = tpu.memref_slice %arg5[%dma_wait3A_967] : memref<1024xi32, #tpu.memory_space<vmem>> -> memref<32xi32, #tpu.memory_space<vmem>>
    %dma_wait3A_969 = arith.constant 0 : i32
    %dma_wait3A_970 = arith.constant 0 : i32
    %dma_wait3A_971 = tpu.memref_slice %arg2[%dma_wait3A_969, %dma_wait3A_970] : memref<32768x1024xf32, #tpu.memory_space<hbm>> -> memref<32768x1024xf32, #tpu.memory_space<hbm>>
    %dma_wait3A_972 = tpu.memref_slice %arg7[%dma_wait3A_962] : memref<3x!tpu.dma_semaphore, #tpu.memory_space<semaphore_mem>> -> memref<1x!tpu.dma_semaphore, #tpu.memory_space<semaphore_mem>>
    %dma_wait3A_973 = tpu.memref_squeeze %dma_wait3A_972 : memref<1x!tpu.dma_semaphore, #tpu.memory_space<semaphore_mem>> -> memref<!tpu.dma_semaphore, #tpu.memory_space<semaphore_mem>>
    tpu.wait_indirect_dma semaphore(%dma_wait3A_973 : memref<!tpu.dma_semaphore, #tpu.memory_space<semaphore_mem>>) src(%dma_wait3A_971 : memref<32768x1024xf32, #tpu.memory_space<hbm>>) dst(%dma_wait3A_966 : memref<32x1024xf32, #tpu.memory_space<vmem>>)
    %add3A_974 = arith.constant 448 : i32
    %add3A_975 = arith.addi %mul3A_32, %add3A_974 : i32
    %dma_start3A_976 = arith.constant 2 : i32
    %dma_start3A_977 = arith.constant 2 : i32
    %dma_start3A_978 = arith.constant 0 : i32
    %dma_start3A_979 = arith.constant 0 : i32
    %dma_start3A_980 = tpu.memref_slice %arg6[%dma_start3A_976, %dma_start3A_978, %dma_start3A_979] : memref<3x32x1024xf32, #tpu.memory_space<vmem>> -> memref<1x32x1024xf32, #tpu.memory_space<vmem>>
    %dma_start3A_981 = tpu.memref_squeeze %dma_start3A_980 : memref<1x32x1024xf32, #tpu.memory_space<vmem>> -> memref<32x1024xf32, #tpu.memory_space<vmem>>
    %dma_start3A_982 = arith.constant 0 : i32
    %dma_start3A_983 = tpu.memref_slice %arg4[%select_n3A, %add3A_975, %dma_start3A_982] : memref<4x8192x1024xf32, #tpu.memory_space<hbm>> -> memref<1x32x1024xf32, #tpu.memory_space<hbm>>
    %dma_start3A_984 = tpu.memref_squeeze %dma_start3A_983 : memref<1x32x1024xf32, #tpu.memory_space<hbm>> -> memref<32x1024xf32, #tpu.memory_space<hbm>>
    %dma_start3A_985 = tpu.memref_slice %arg8[%dma_start3A_977] : memref<3x!tpu.dma_semaphore, #tpu.memory_space<semaphore_mem>> -> memref<1x!tpu.dma_semaphore, #tpu.memory_space<semaphore_mem>>
    %dma_start3A_986 = tpu.memref_squeeze %dma_start3A_985 : memref<1x!tpu.dma_semaphore, #tpu.memory_space<semaphore_mem>> -> memref<!tpu.dma_semaphore, #tpu.memory_space<semaphore_mem>>
    %dma_start3A_987 = arith.constant 0 : i32
    %dma_start3A_988 = tpu.memref_slice %arg4[%select_n3A, %add3A_975, %dma_start3A_987] : memref<4x8192x1024xf32, #tpu.memory_space<hbm>> -> memref<1x32x1024xf32, #tpu.memory_space<hbm>>
    %dma_start3A_989 = tpu.memref_squeeze %dma_start3A_988 : memref<1x32x1024xf32, #tpu.memory_space<hbm>> -> memref<32x1024xf32, #tpu.memory_space<hbm>>
    %dma_start3A_990 = arith.constant 0 : i32
    %dma_start3A_991 = arith.constant 0 : i32
    %dma_start3A_992 = tpu.memref_slice %arg6[%dma_start3A_976, %dma_start3A_990, %dma_start3A_991] : memref<3x32x1024xf32, #tpu.memory_space<vmem>> -> memref<1x32x1024xf32, #tpu.memory_space<vmem>>
    %dma_start3A_993 = tpu.memref_squeeze %dma_start3A_992 : memref<1x32x1024xf32, #tpu.memory_space<vmem>> -> memref<32x1024xf32, #tpu.memory_space<vmem>>
    tpu.enqueue_dma source(%dma_start3A_993 : memref<32x1024xf32, #tpu.memory_space<vmem>>) target(%dma_start3A_989 : memref<32x1024xf32, #tpu.memory_space<hbm>>) target_semaphore(%dma_start3A_986 : memref<!tpu.dma_semaphore, #tpu.memory_space<semaphore_mem>>)
    %add3A_994 = arith.constant 416 : i32
    %add3A_995 = arith.addi %mul3A_32, %add3A_994 : i32
    %dma_wait3A_996 = arith.constant 1 : i32
    %dma_wait3A_997 = arith.constant 1 : i32
    %dma_wait3A_998 = arith.constant 0 : i32
    %dma_wait3A_999 = arith.constant 0 : i32
    %dma_wait3A_1000 = tpu.memref_slice %arg6[%dma_wait3A_996, %dma_wait3A_998, %dma_wait3A_999] : memref<3x32x1024xf32, #tpu.memory_space<vmem>> -> memref<1x32x1024xf32, #tpu.memory_space<vmem>>
    %dma_wait3A_1001 = tpu.memref_squeeze %dma_wait3A_1000 : memref<1x32x1024xf32, #tpu.memory_space<vmem>> -> memref<32x1024xf32, #tpu.memory_space<vmem>>
    %dma_wait3A_1002 = arith.constant 0 : i32
    %dma_wait3A_1003 = tpu.memref_slice %arg4[%select_n3A, %add3A_995, %dma_wait3A_1002] : memref<4x8192x1024xf32, #tpu.memory_space<hbm>> -> memref<1x32x1024xf32, #tpu.memory_space<hbm>>
    %dma_wait3A_1004 = tpu.memref_squeeze %dma_wait3A_1003 : memref<1x32x1024xf32, #tpu.memory_space<hbm>> -> memref<32x1024xf32, #tpu.memory_space<hbm>>
    %dma_wait3A_1005 = tpu.memref_slice %arg8[%dma_wait3A_997] : memref<3x!tpu.dma_semaphore, #tpu.memory_space<semaphore_mem>> -> memref<1x!tpu.dma_semaphore, #tpu.memory_space<semaphore_mem>>
    %dma_wait3A_1006 = tpu.memref_squeeze %dma_wait3A_1005 : memref<1x!tpu.dma_semaphore, #tpu.memory_space<semaphore_mem>> -> memref<!tpu.dma_semaphore, #tpu.memory_space<semaphore_mem>>
    %dma_wait3A_1007 = arith.constant 0 : i32
    %dma_wait3A_1008 = tpu.memref_slice %arg4[%select_n3A, %add3A_995, %dma_wait3A_1007] : memref<4x8192x1024xf32, #tpu.memory_space<hbm>> -> memref<1x32x1024xf32, #tpu.memory_space<hbm>>
    %dma_wait3A_1009 = tpu.memref_squeeze %dma_wait3A_1008 : memref<1x32x1024xf32, #tpu.memory_space<hbm>> -> memref<32x1024xf32, #tpu.memory_space<hbm>>
    %dma_wait3A_1010 = arith.constant 0 : i32
    %dma_wait3A_1011 = arith.constant 0 : i32
    %dma_wait3A_1012 = tpu.memref_slice %arg6[%dma_wait3A_996, %dma_wait3A_1010, %dma_wait3A_1011] : memref<3x32x1024xf32, #tpu.memory_space<vmem>> -> memref<1x32x1024xf32, #tpu.memory_space<vmem>>
    %dma_wait3A_1013 = tpu.memref_squeeze %dma_wait3A_1012 : memref<1x32x1024xf32, #tpu.memory_space<vmem>> -> memref<32x1024xf32, #tpu.memory_space<vmem>>
    tpu.wait_dma2 semaphore(%dma_wait3A_1006 : memref<!tpu.dma_semaphore, #tpu.memory_space<semaphore_mem>>) src(%dma_wait3A_1013 : memref<32x1024xf32, #tpu.memory_space<vmem>>) dst(%dma_wait3A_1009 : memref<32x1024xf32, #tpu.memory_space<hbm>>)
    %dma_start3A_1014 = arith.constant 1 : i32
    %dma_start3A_1015 = arith.constant 1 : i32
    %dma_start3A_1016 = arith.constant 0 : i32
    %dma_start3A_1017 = arith.constant 0 : i32
    %dma_start3A_1018 = tpu.memref_slice %arg6[%dma_start3A_1014, %dma_start3A_1016, %dma_start3A_1017] : memref<3x32x1024xf32, #tpu.memory_space<vmem>> -> memref<1x32x1024xf32, #tpu.memory_space<vmem>>
    %dma_start3A_1019 = tpu.memref_squeeze %dma_start3A_1018 : memref<1x32x1024xf32, #tpu.memory_space<vmem>> -> memref<32x1024xf32, #tpu.memory_space<vmem>>
    %dma_start3A_1020 = arith.constant 512 : i32
    %dma_start3A_1021 = tpu.memref_slice %arg5[%dma_start3A_1020] : memref<1024xi32, #tpu.memory_space<vmem>> -> memref<32xi32, #tpu.memory_space<vmem>>
    %dma_start3A_1022 = arith.constant 0 : i32
    %dma_start3A_1023 = arith.constant 0 : i32
    %dma_start3A_1024 = tpu.memref_slice %arg2[%dma_start3A_1022, %dma_start3A_1023] : memref<32768x1024xf32, #tpu.memory_space<hbm>> -> memref<32768x1024xf32, #tpu.memory_space<hbm>>
    %dma_start3A_1025 = tpu.memref_slice %arg7[%dma_start3A_1015] : memref<3x!tpu.dma_semaphore, #tpu.memory_space<semaphore_mem>> -> memref<1x!tpu.dma_semaphore, #tpu.memory_space<semaphore_mem>>
    %dma_start3A_1026 = tpu.memref_squeeze %dma_start3A_1025 : memref<1x!tpu.dma_semaphore, #tpu.memory_space<semaphore_mem>> -> memref<!tpu.dma_semaphore, #tpu.memory_space<semaphore_mem>>
    tpu.enqueue_indirect_dma source(%dma_start3A_1024 : memref<32768x1024xf32, #tpu.memory_space<hbm>>) target(%dma_start3A_1019 : memref<32x1024xf32, #tpu.memory_space<vmem>>) offsets(%dma_start3A_1021 : memref<32xi32, #tpu.memory_space<vmem>>) semaphore(%dma_start3A_1026 : memref<!tpu.dma_semaphore, #tpu.memory_space<semaphore_mem>>)
    %dma_wait3A_1027 = arith.constant 0 : i32
    %dma_wait3A_1028 = arith.constant 0 : i32
    %dma_wait3A_1029 = arith.constant 0 : i32
    %dma_wait3A_1030 = arith.constant 0 : i32
    %dma_wait3A_1031 = tpu.memref_slice %arg6[%dma_wait3A_1027, %dma_wait3A_1029, %dma_wait3A_1030] : memref<3x32x1024xf32, #tpu.memory_space<vmem>> -> memref<1x32x1024xf32, #tpu.memory_space<vmem>>
    %dma_wait3A_1032 = tpu.memref_squeeze %dma_wait3A_1031 : memref<1x32x1024xf32, #tpu.memory_space<vmem>> -> memref<32x1024xf32, #tpu.memory_space<vmem>>
    %dma_wait3A_1033 = arith.constant 480 : i32
    %dma_wait3A_1034 = tpu.memref_slice %arg5[%dma_wait3A_1033] : memref<1024xi32, #tpu.memory_space<vmem>> -> memref<32xi32, #tpu.memory_space<vmem>>
    %dma_wait3A_1035 = arith.constant 0 : i32
    %dma_wait3A_1036 = arith.constant 0 : i32
    %dma_wait3A_1037 = tpu.memref_slice %arg2[%dma_wait3A_1035, %dma_wait3A_1036] : memref<32768x1024xf32, #tpu.memory_space<hbm>> -> memref<32768x1024xf32, #tpu.memory_space<hbm>>
    %dma_wait3A_1038 = tpu.memref_slice %arg7[%dma_wait3A_1028] : memref<3x!tpu.dma_semaphore, #tpu.memory_space<semaphore_mem>> -> memref<1x!tpu.dma_semaphore, #tpu.memory_space<semaphore_mem>>
    %dma_wait3A_1039 = tpu.memref_squeeze %dma_wait3A_1038 : memref<1x!tpu.dma_semaphore, #tpu.memory_space<semaphore_mem>> -> memref<!tpu.dma_semaphore, #tpu.memory_space<semaphore_mem>>
    tpu.wait_indirect_dma semaphore(%dma_wait3A_1039 : memref<!tpu.dma_semaphore, #tpu.memory_space<semaphore_mem>>) src(%dma_wait3A_1037 : memref<32768x1024xf32, #tpu.memory_space<hbm>>) dst(%dma_wait3A_1032 : memref<32x1024xf32, #tpu.memory_space<vmem>>)
    %add3A_1040 = arith.constant 480 : i32
    %add3A_1041 = arith.addi %mul3A_32, %add3A_1040 : i32
    %dma_start3A_1042 = arith.constant 0 : i32
    %dma_start3A_1043 = arith.constant 0 : i32
    %dma_start3A_1044 = arith.constant 0 : i32
    %dma_start3A_1045 = arith.constant 0 : i32
    %dma_start3A_1046 = tpu.memref_slice %arg6[%dma_start3A_1042, %dma_start3A_1044, %dma_start3A_1045] : memref<3x32x1024xf32, #tpu.memory_space<vmem>> -> memref<1x32x1024xf32, #tpu.memory_space<vmem>>
    %dma_start3A_1047 = tpu.memref_squeeze %dma_start3A_1046 : memref<1x32x1024xf32, #tpu.memory_space<vmem>> -> memref<32x1024xf32, #tpu.memory_space<vmem>>
    %dma_start3A_1048 = arith.constant 0 : i32
    %dma_start3A_1049 = tpu.memref_slice %arg4[%select_n3A, %add3A_1041, %dma_start3A_1048] : memref<4x8192x1024xf32, #tpu.memory_space<hbm>> -> memref<1x32x1024xf32, #tpu.memory_space<hbm>>
    %dma_start3A_1050 = tpu.memref_squeeze %dma_start3A_1049 : memref<1x32x1024xf32, #tpu.memory_space<hbm>> -> memref<32x1024xf32, #tpu.memory_space<hbm>>
    %dma_start3A_1051 = tpu.memref_slice %arg8[%dma_start3A_1043] : memref<3x!tpu.dma_semaphore, #tpu.memory_space<semaphore_mem>> -> memref<1x!tpu.dma_semaphore, #tpu.memory_space<semaphore_mem>>
    %dma_start3A_1052 = tpu.memref_squeeze %dma_start3A_1051 : memref<1x!tpu.dma_semaphore, #tpu.memory_space<semaphore_mem>> -> memref<!tpu.dma_semaphore, #tpu.memory_space<semaphore_mem>>
    %dma_start3A_1053 = arith.constant 0 : i32
    %dma_start3A_1054 = tpu.memref_slice %arg4[%select_n3A, %add3A_1041, %dma_start3A_1053] : memref<4x8192x1024xf32, #tpu.memory_space<hbm>> -> memref<1x32x1024xf32, #tpu.memory_space<hbm>>
    %dma_start3A_1055 = tpu.memref_squeeze %dma_start3A_1054 : memref<1x32x1024xf32, #tpu.memory_space<hbm>> -> memref<32x1024xf32, #tpu.memory_space<hbm>>
    %dma_start3A_1056 = arith.constant 0 : i32
    %dma_start3A_1057 = arith.constant 0 : i32
    %dma_start3A_1058 = tpu.memref_slice %arg6[%dma_start3A_1042, %dma_start3A_1056, %dma_start3A_1057] : memref<3x32x1024xf32, #tpu.memory_space<vmem>> -> memref<1x32x1024xf32, #tpu.memory_space<vmem>>
    %dma_start3A_1059 = tpu.memref_squeeze %dma_start3A_1058 : memref<1x32x1024xf32, #tpu.memory_space<vmem>> -> memref<32x1024xf32, #tpu.memory_space<vmem>>
    tpu.enqueue_dma source(%dma_start3A_1059 : memref<32x1024xf32, #tpu.memory_space<vmem>>) target(%dma_start3A_1055 : memref<32x1024xf32, #tpu.memory_space<hbm>>) target_semaphore(%dma_start3A_1052 : memref<!tpu.dma_semaphore, #tpu.memory_space<semaphore_mem>>)
    %add3A_1060 = arith.constant 448 : i32
    %add3A_1061 = arith.addi %mul3A_32, %add3A_1060 : i32
    %dma_wait3A_1062 = arith.constant 2 : i32
    %dma_wait3A_1063 = arith.constant 2 : i32
    %dma_wait3A_1064 = arith.constant 0 : i32
    %dma_wait3A_1065 = arith.constant 0 : i32
    %dma_wait3A_1066 = tpu.memref_slice %arg6[%dma_wait3A_1062, %dma_wait3A_1064, %dma_wait3A_1065] : memref<3x32x1024xf32, #tpu.memory_space<vmem>> -> memref<1x32x1024xf32, #tpu.memory_space<vmem>>
    %dma_wait3A_1067 = tpu.memref_squeeze %dma_wait3A_1066 : memref<1x32x1024xf32, #tpu.memory_space<vmem>> -> memref<32x1024xf32, #tpu.memory_space<vmem>>
    %dma_wait3A_1068 = arith.constant 0 : i32
    %dma_wait3A_1069 = tpu.memref_slice %arg4[%select_n3A, %add3A_1061, %dma_wait3A_1068] : memref<4x8192x1024xf32, #tpu.memory_space<hbm>> -> memref<1x32x1024xf32, #tpu.memory_space<hbm>>
    %dma_wait3A_1070 = tpu.memref_squeeze %dma_wait3A_1069 : memref<1x32x1024xf32, #tpu.memory_space<hbm>> -> memref<32x1024xf32, #tpu.memory_space<hbm>>
    %dma_wait3A_1071 = tpu.memref_slice %arg8[%dma_wait3A_1063] : memref<3x!tpu.dma_semaphore, #tpu.memory_space<semaphore_mem>> -> memref<1x!tpu.dma_semaphore, #tpu.memory_space<semaphore_mem>>
    %dma_wait3A_1072 = tpu.memref_squeeze %dma_wait3A_1071 : memref<1x!tpu.dma_semaphore, #tpu.memory_space<semaphore_mem>> -> memref<!tpu.dma_semaphore, #tpu.memory_space<semaphore_mem>>
    %dma_wait3A_1073 = arith.constant 0 : i32
    %dma_wait3A_1074 = tpu.memref_slice %arg4[%select_n3A, %add3A_1061, %dma_wait3A_1073] : memref<4x8192x1024xf32, #tpu.memory_space<hbm>> -> memref<1x32x1024xf32, #tpu.memory_space<hbm>>
    %dma_wait3A_1075 = tpu.memref_squeeze %dma_wait3A_1074 : memref<1x32x1024xf32, #tpu.memory_space<hbm>> -> memref<32x1024xf32, #tpu.memory_space<hbm>>
    %dma_wait3A_1076 = arith.constant 0 : i32
    %dma_wait3A_1077 = arith.constant 0 : i32
    %dma_wait3A_1078 = tpu.memref_slice %arg6[%dma_wait3A_1062, %dma_wait3A_1076, %dma_wait3A_1077] : memref<3x32x1024xf32, #tpu.memory_space<vmem>> -> memref<1x32x1024xf32, #tpu.memory_space<vmem>>
    %dma_wait3A_1079 = tpu.memref_squeeze %dma_wait3A_1078 : memref<1x32x1024xf32, #tpu.memory_space<vmem>> -> memref<32x1024xf32, #tpu.memory_space<vmem>>
    tpu.wait_dma2 semaphore(%dma_wait3A_1072 : memref<!tpu.dma_semaphore, #tpu.memory_space<semaphore_mem>>) src(%dma_wait3A_1079 : memref<32x1024xf32, #tpu.memory_space<vmem>>) dst(%dma_wait3A_1075 : memref<32x1024xf32, #tpu.memory_space<hbm>>)
    %dma_start3A_1080 = arith.constant 2 : i32
    %dma_start3A_1081 = arith.constant 2 : i32
    %dma_start3A_1082 = arith.constant 0 : i32
    %dma_start3A_1083 = arith.constant 0 : i32
    %dma_start3A_1084 = tpu.memref_slice %arg6[%dma_start3A_1080, %dma_start3A_1082, %dma_start3A_1083] : memref<3x32x1024xf32, #tpu.memory_space<vmem>> -> memref<1x32x1024xf32, #tpu.memory_space<vmem>>
    %dma_start3A_1085 = tpu.memref_squeeze %dma_start3A_1084 : memref<1x32x1024xf32, #tpu.memory_space<vmem>> -> memref<32x1024xf32, #tpu.memory_space<vmem>>
    %dma_start3A_1086 = arith.constant 544 : i32
    %dma_start3A_1087 = tpu.memref_slice %arg5[%dma_start3A_1086] : memref<1024xi32, #tpu.memory_space<vmem>> -> memref<32xi32, #tpu.memory_space<vmem>>
    %dma_start3A_1088 = arith.constant 0 : i32
    %dma_start3A_1089 = arith.constant 0 : i32
    %dma_start3A_1090 = tpu.memref_slice %arg2[%dma_start3A_1088, %dma_start3A_1089] : memref<32768x1024xf32, #tpu.memory_space<hbm>> -> memref<32768x1024xf32, #tpu.memory_space<hbm>>
    %dma_start3A_1091 = tpu.memref_slice %arg7[%dma_start3A_1081] : memref<3x!tpu.dma_semaphore, #tpu.memory_space<semaphore_mem>> -> memref<1x!tpu.dma_semaphore, #tpu.memory_space<semaphore_mem>>
    %dma_start3A_1092 = tpu.memref_squeeze %dma_start3A_1091 : memref<1x!tpu.dma_semaphore, #tpu.memory_space<semaphore_mem>> -> memref<!tpu.dma_semaphore, #tpu.memory_space<semaphore_mem>>
    tpu.enqueue_indirect_dma source(%dma_start3A_1090 : memref<32768x1024xf32, #tpu.memory_space<hbm>>) target(%dma_start3A_1085 : memref<32x1024xf32, #tpu.memory_space<vmem>>) offsets(%dma_start3A_1087 : memref<32xi32, #tpu.memory_space<vmem>>) semaphore(%dma_start3A_1092 : memref<!tpu.dma_semaphore, #tpu.memory_space<semaphore_mem>>)
    %dma_wait3A_1093 = arith.constant 1 : i32
    %dma_wait3A_1094 = arith.constant 1 : i32
    %dma_wait3A_1095 = arith.constant 0 : i32
    %dma_wait3A_1096 = arith.constant 0 : i32
    %dma_wait3A_1097 = tpu.memref_slice %arg6[%dma_wait3A_1093, %dma_wait3A_1095, %dma_wait3A_1096] : memref<3x32x1024xf32, #tpu.memory_space<vmem>> -> memref<1x32x1024xf32, #tpu.memory_space<vmem>>
    %dma_wait3A_1098 = tpu.memref_squeeze %dma_wait3A_1097 : memref<1x32x1024xf32, #tpu.memory_space<vmem>> -> memref<32x1024xf32, #tpu.memory_space<vmem>>
    %dma_wait3A_1099 = arith.constant 512 : i32
    %dma_wait3A_1100 = tpu.memref_slice %arg5[%dma_wait3A_1099] : memref<1024xi32, #tpu.memory_space<vmem>> -> memref<32xi32, #tpu.memory_space<vmem>>
    %dma_wait3A_1101 = arith.constant 0 : i32
    %dma_wait3A_1102 = arith.constant 0 : i32
    %dma_wait3A_1103 = tpu.memref_slice %arg2[%dma_wait3A_1101, %dma_wait3A_1102] : memref<32768x1024xf32, #tpu.memory_space<hbm>> -> memref<32768x1024xf32, #tpu.memory_space<hbm>>
    %dma_wait3A_1104 = tpu.memref_slice %arg7[%dma_wait3A_1094] : memref<3x!tpu.dma_semaphore, #tpu.memory_space<semaphore_mem>> -> memref<1x!tpu.dma_semaphore, #tpu.memory_space<semaphore_mem>>
    %dma_wait3A_1105 = tpu.memref_squeeze %dma_wait3A_1104 : memref<1x!tpu.dma_semaphore, #tpu.memory_space<semaphore_mem>> -> memref<!tpu.dma_semaphore, #tpu.memory_space<semaphore_mem>>
    tpu.wait_indirect_dma semaphore(%dma_wait3A_1105 : memref<!tpu.dma_semaphore, #tpu.memory_space<semaphore_mem>>) src(%dma_wait3A_1103 : memref<32768x1024xf32, #tpu.memory_space<hbm>>) dst(%dma_wait3A_1098 : memref<32x1024xf32, #tpu.memory_space<vmem>>)
    %add3A_1106 = arith.constant 512 : i32
    %add3A_1107 = arith.addi %mul3A_32, %add3A_1106 : i32
    %dma_start3A_1108 = arith.constant 1 : i32
    %dma_start3A_1109 = arith.constant 1 : i32
    %dma_start3A_1110 = arith.constant 0 : i32
    %dma_start3A_1111 = arith.constant 0 : i32
    %dma_start3A_1112 = tpu.memref_slice %arg6[%dma_start3A_1108, %dma_start3A_1110, %dma_start3A_1111] : memref<3x32x1024xf32, #tpu.memory_space<vmem>> -> memref<1x32x1024xf32, #tpu.memory_space<vmem>>
    %dma_start3A_1113 = tpu.memref_squeeze %dma_start3A_1112 : memref<1x32x1024xf32, #tpu.memory_space<vmem>> -> memref<32x1024xf32, #tpu.memory_space<vmem>>
    %dma_start3A_1114 = arith.constant 0 : i32
    %dma_start3A_1115 = tpu.memref_slice %arg4[%select_n3A, %add3A_1107, %dma_start3A_1114] : memref<4x8192x1024xf32, #tpu.memory_space<hbm>> -> memref<1x32x1024xf32, #tpu.memory_space<hbm>>
    %dma_start3A_1116 = tpu.memref_squeeze %dma_start3A_1115 : memref<1x32x1024xf32, #tpu.memory_space<hbm>> -> memref<32x1024xf32, #tpu.memory_space<hbm>>
    %dma_start3A_1117 = tpu.memref_slice %arg8[%dma_start3A_1109] : memref<3x!tpu.dma_semaphore, #tpu.memory_space<semaphore_mem>> -> memref<1x!tpu.dma_semaphore, #tpu.memory_space<semaphore_mem>>
    %dma_start3A_1118 = tpu.memref_squeeze %dma_start3A_1117 : memref<1x!tpu.dma_semaphore, #tpu.memory_space<semaphore_mem>> -> memref<!tpu.dma_semaphore, #tpu.memory_space<semaphore_mem>>
    %dma_start3A_1119 = arith.constant 0 : i32
    %dma_start3A_1120 = tpu.memref_slice %arg4[%select_n3A, %add3A_1107, %dma_start3A_1119] : memref<4x8192x1024xf32, #tpu.memory_space<hbm>> -> memref<1x32x1024xf32, #tpu.memory_space<hbm>>
    %dma_start3A_1121 = tpu.memref_squeeze %dma_start3A_1120 : memref<1x32x1024xf32, #tpu.memory_space<hbm>> -> memref<32x1024xf32, #tpu.memory_space<hbm>>
    %dma_start3A_1122 = arith.constant 0 : i32
    %dma_start3A_1123 = arith.constant 0 : i32
    %dma_start3A_1124 = tpu.memref_slice %arg6[%dma_start3A_1108, %dma_start3A_1122, %dma_start3A_1123] : memref<3x32x1024xf32, #tpu.memory_space<vmem>> -> memref<1x32x1024xf32, #tpu.memory_space<vmem>>
    %dma_start3A_1125 = tpu.memref_squeeze %dma_start3A_1124 : memref<1x32x1024xf32, #tpu.memory_space<vmem>> -> memref<32x1024xf32, #tpu.memory_space<vmem>>
    tpu.enqueue_dma source(%dma_start3A_1125 : memref<32x1024xf32, #tpu.memory_space<vmem>>) target(%dma_start3A_1121 : memref<32x1024xf32, #tpu.memory_space<hbm>>) target_semaphore(%dma_start3A_1118 : memref<!tpu.dma_semaphore, #tpu.memory_space<semaphore_mem>>)
    %add3A_1126 = arith.constant 480 : i32
    %add3A_1127 = arith.addi %mul3A_32, %add3A_1126 : i32
    %dma_wait3A_1128 = arith.constant 0 : i32
    %dma_wait3A_1129 = arith.constant 0 : i32
    %dma_wait3A_1130 = arith.constant 0 : i32
    %dma_wait3A_1131 = arith.constant 0 : i32
    %dma_wait3A_1132 = tpu.memref_slice %arg6[%dma_wait3A_1128, %dma_wait3A_1130, %dma_wait3A_1131] : memref<3x32x1024xf32, #tpu.memory_space<vmem>> -> memref<1x32x1024xf32, #tpu.memory_space<vmem>>
    %dma_wait3A_1133 = tpu.memref_squeeze %dma_wait3A_1132 : memref<1x32x1024xf32, #tpu.memory_space<vmem>> -> memref<32x1024xf32, #tpu.memory_space<vmem>>
    %dma_wait3A_1134 = arith.constant 0 : i32
    %dma_wait3A_1135 = tpu.memref_slice %arg4[%select_n3A, %add3A_1127, %dma_wait3A_1134] : memref<4x8192x1024xf32, #tpu.memory_space<hbm>> -> memref<1x32x1024xf32, #tpu.memory_space<hbm>>
    %dma_wait3A_1136 = tpu.memref_squeeze %dma_wait3A_1135 : memref<1x32x1024xf32, #tpu.memory_space<hbm>> -> memref<32x1024xf32, #tpu.memory_space<hbm>>
    %dma_wait3A_1137 = tpu.memref_slice %arg8[%dma_wait3A_1129] : memref<3x!tpu.dma_semaphore, #tpu.memory_space<semaphore_mem>> -> memref<1x!tpu.dma_semaphore, #tpu.memory_space<semaphore_mem>>
    %dma_wait3A_1138 = tpu.memref_squeeze %dma_wait3A_1137 : memref<1x!tpu.dma_semaphore, #tpu.memory_space<semaphore_mem>> -> memref<!tpu.dma_semaphore, #tpu.memory_space<semaphore_mem>>
    %dma_wait3A_1139 = arith.constant 0 : i32
    %dma_wait3A_1140 = tpu.memref_slice %arg4[%select_n3A, %add3A_1127, %dma_wait3A_1139] : memref<4x8192x1024xf32, #tpu.memory_space<hbm>> -> memref<1x32x1024xf32, #tpu.memory_space<hbm>>
    %dma_wait3A_1141 = tpu.memref_squeeze %dma_wait3A_1140 : memref<1x32x1024xf32, #tpu.memory_space<hbm>> -> memref<32x1024xf32, #tpu.memory_space<hbm>>
    %dma_wait3A_1142 = arith.constant 0 : i32
    %dma_wait3A_1143 = arith.constant 0 : i32
    %dma_wait3A_1144 = tpu.memref_slice %arg6[%dma_wait3A_1128, %dma_wait3A_1142, %dma_wait3A_1143] : memref<3x32x1024xf32, #tpu.memory_space<vmem>> -> memref<1x32x1024xf32, #tpu.memory_space<vmem>>
    %dma_wait3A_1145 = tpu.memref_squeeze %dma_wait3A_1144 : memref<1x32x1024xf32, #tpu.memory_space<vmem>> -> memref<32x1024xf32, #tpu.memory_space<vmem>>
    tpu.wait_dma2 semaphore(%dma_wait3A_1138 : memref<!tpu.dma_semaphore, #tpu.memory_space<semaphore_mem>>) src(%dma_wait3A_1145 : memref<32x1024xf32, #tpu.memory_space<vmem>>) dst(%dma_wait3A_1141 : memref<32x1024xf32, #tpu.memory_space<hbm>>)
    %dma_start3A_1146 = arith.constant 0 : i32
    %dma_start3A_1147 = arith.constant 0 : i32
    %dma_start3A_1148 = arith.constant 0 : i32
    %dma_start3A_1149 = arith.constant 0 : i32
    %dma_start3A_1150 = tpu.memref_slice %arg6[%dma_start3A_1146, %dma_start3A_1148, %dma_start3A_1149] : memref<3x32x1024xf32, #tpu.memory_space<vmem>> -> memref<1x32x1024xf32, #tpu.memory_space<vmem>>
    %dma_start3A_1151 = tpu.memref_squeeze %dma_start3A_1150 : memref<1x32x1024xf32, #tpu.memory_space<vmem>> -> memref<32x1024xf32, #tpu.memory_space<vmem>>
    %dma_start3A_1152 = arith.constant 576 : i32
    %dma_start3A_1153 = tpu.memref_slice %arg5[%dma_start3A_1152] : memref<1024xi32, #tpu.memory_space<vmem>> -> memref<32xi32, #tpu.memory_space<vmem>>
    %dma_start3A_1154 = arith.constant 0 : i32
    %dma_start3A_1155 = arith.constant 0 : i32
    %dma_start3A_1156 = tpu.memref_slice %arg2[%dma_start3A_1154, %dma_start3A_1155] : memref<32768x1024xf32, #tpu.memory_space<hbm>> -> memref<32768x1024xf32, #tpu.memory_space<hbm>>
    %dma_start3A_1157 = tpu.memref_slice %arg7[%dma_start3A_1147] : memref<3x!tpu.dma_semaphore, #tpu.memory_space<semaphore_mem>> -> memref<1x!tpu.dma_semaphore, #tpu.memory_space<semaphore_mem>>
    %dma_start3A_1158 = tpu.memref_squeeze %dma_start3A_1157 : memref<1x!tpu.dma_semaphore, #tpu.memory_space<semaphore_mem>> -> memref<!tpu.dma_semaphore, #tpu.memory_space<semaphore_mem>>
    tpu.enqueue_indirect_dma source(%dma_start3A_1156 : memref<32768x1024xf32, #tpu.memory_space<hbm>>) target(%dma_start3A_1151 : memref<32x1024xf32, #tpu.memory_space<vmem>>) offsets(%dma_start3A_1153 : memref<32xi32, #tpu.memory_space<vmem>>) semaphore(%dma_start3A_1158 : memref<!tpu.dma_semaphore, #tpu.memory_space<semaphore_mem>>)
    %dma_wait3A_1159 = arith.constant 2 : i32
    %dma_wait3A_1160 = arith.constant 2 : i32
    %dma_wait3A_1161 = arith.constant 0 : i32
    %dma_wait3A_1162 = arith.constant 0 : i32
    %dma_wait3A_1163 = tpu.memref_slice %arg6[%dma_wait3A_1159, %dma_wait3A_1161, %dma_wait3A_1162] : memref<3x32x1024xf32, #tpu.memory_space<vmem>> -> memref<1x32x1024xf32, #tpu.memory_space<vmem>>
    %dma_wait3A_1164 = tpu.memref_squeeze %dma_wait3A_1163 : memref<1x32x1024xf32, #tpu.memory_space<vmem>> -> memref<32x1024xf32, #tpu.memory_space<vmem>>
    %dma_wait3A_1165 = arith.constant 544 : i32
    %dma_wait3A_1166 = tpu.memref_slice %arg5[%dma_wait3A_1165] : memref<1024xi32, #tpu.memory_space<vmem>> -> memref<32xi32, #tpu.memory_space<vmem>>
    %dma_wait3A_1167 = arith.constant 0 : i32
    %dma_wait3A_1168 = arith.constant 0 : i32
    %dma_wait3A_1169 = tpu.memref_slice %arg2[%dma_wait3A_1167, %dma_wait3A_1168] : memref<32768x1024xf32, #tpu.memory_space<hbm>> -> memref<32768x1024xf32, #tpu.memory_space<hbm>>
    %dma_wait3A_1170 = tpu.memref_slice %arg7[%dma_wait3A_1160] : memref<3x!tpu.dma_semaphore, #tpu.memory_space<semaphore_mem>> -> memref<1x!tpu.dma_semaphore, #tpu.memory_space<semaphore_mem>>
    %dma_wait3A_1171 = tpu.memref_squeeze %dma_wait3A_1170 : memref<1x!tpu.dma_semaphore, #tpu.memory_space<semaphore_mem>> -> memref<!tpu.dma_semaphore, #tpu.memory_space<semaphore_mem>>
    tpu.wait_indirect_dma semaphore(%dma_wait3A_1171 : memref<!tpu.dma_semaphore, #tpu.memory_space<semaphore_mem>>) src(%dma_wait3A_1169 : memref<32768x1024xf32, #tpu.memory_space<hbm>>) dst(%dma_wait3A_1164 : memref<32x1024xf32, #tpu.memory_space<vmem>>)
    %add3A_1172 = arith.constant 544 : i32
    %add3A_1173 = arith.addi %mul3A_32, %add3A_1172 : i32
    %dma_start3A_1174 = arith.constant 2 : i32
    %dma_start3A_1175 = arith.constant 2 : i32
    %dma_start3A_1176 = arith.constant 0 : i32
    %dma_start3A_1177 = arith.constant 0 : i32
    %dma_start3A_1178 = tpu.memref_slice %arg6[%dma_start3A_1174, %dma_start3A_1176, %dma_start3A_1177] : memref<3x32x1024xf32, #tpu.memory_space<vmem>> -> memref<1x32x1024xf32, #tpu.memory_space<vmem>>
    %dma_start3A_1179 = tpu.memref_squeeze %dma_start3A_1178 : memref<1x32x1024xf32, #tpu.memory_space<vmem>> -> memref<32x1024xf32, #tpu.memory_space<vmem>>
    %dma_start3A_1180 = arith.constant 0 : i32
    %dma_start3A_1181 = tpu.memref_slice %arg4[%select_n3A, %add3A_1173, %dma_start3A_1180] : memref<4x8192x1024xf32, #tpu.memory_space<hbm>> -> memref<1x32x1024xf32, #tpu.memory_space<hbm>>
    %dma_start3A_1182 = tpu.memref_squeeze %dma_start3A_1181 : memref<1x32x1024xf32, #tpu.memory_space<hbm>> -> memref<32x1024xf32, #tpu.memory_space<hbm>>
    %dma_start3A_1183 = tpu.memref_slice %arg8[%dma_start3A_1175] : memref<3x!tpu.dma_semaphore, #tpu.memory_space<semaphore_mem>> -> memref<1x!tpu.dma_semaphore, #tpu.memory_space<semaphore_mem>>
    %dma_start3A_1184 = tpu.memref_squeeze %dma_start3A_1183 : memref<1x!tpu.dma_semaphore, #tpu.memory_space<semaphore_mem>> -> memref<!tpu.dma_semaphore, #tpu.memory_space<semaphore_mem>>
    %dma_start3A_1185 = arith.constant 0 : i32
    %dma_start3A_1186 = tpu.memref_slice %arg4[%select_n3A, %add3A_1173, %dma_start3A_1185] : memref<4x8192x1024xf32, #tpu.memory_space<hbm>> -> memref<1x32x1024xf32, #tpu.memory_space<hbm>>
    %dma_start3A_1187 = tpu.memref_squeeze %dma_start3A_1186 : memref<1x32x1024xf32, #tpu.memory_space<hbm>> -> memref<32x1024xf32, #tpu.memory_space<hbm>>
    %dma_start3A_1188 = arith.constant 0 : i32
    %dma_start3A_1189 = arith.constant 0 : i32
    %dma_start3A_1190 = tpu.memref_slice %arg6[%dma_start3A_1174, %dma_start3A_1188, %dma_start3A_1189] : memref<3x32x1024xf32, #tpu.memory_space<vmem>> -> memref<1x32x1024xf32, #tpu.memory_space<vmem>>
    %dma_start3A_1191 = tpu.memref_squeeze %dma_start3A_1190 : memref<1x32x1024xf32, #tpu.memory_space<vmem>> -> memref<32x1024xf32, #tpu.memory_space<vmem>>
    tpu.enqueue_dma source(%dma_start3A_1191 : memref<32x1024xf32, #tpu.memory_space<vmem>>) target(%dma_start3A_1187 : memref<32x1024xf32, #tpu.memory_space<hbm>>) target_semaphore(%dma_start3A_1184 : memref<!tpu.dma_semaphore, #tpu.memory_space<semaphore_mem>>)
    %add3A_1192 = arith.constant 512 : i32
    %add3A_1193 = arith.addi %mul3A_32, %add3A_1192 : i32
    %dma_wait3A_1194 = arith.constant 1 : i32
    %dma_wait3A_1195 = arith.constant 1 : i32
    %dma_wait3A_1196 = arith.constant 0 : i32
    %dma_wait3A_1197 = arith.constant 0 : i32
    %dma_wait3A_1198 = tpu.memref_slice %arg6[%dma_wait3A_1194, %dma_wait3A_1196, %dma_wait3A_1197] : memref<3x32x1024xf32, #tpu.memory_space<vmem>> -> memref<1x32x1024xf32, #tpu.memory_space<vmem>>
    %dma_wait3A_1199 = tpu.memref_squeeze %dma_wait3A_1198 : memref<1x32x1024xf32, #tpu.memory_space<vmem>> -> memref<32x1024xf32, #tpu.memory_space<vmem>>
    %dma_wait3A_1200 = arith.constant 0 : i32
    %dma_wait3A_1201 = tpu.memref_slice %arg4[%select_n3A, %add3A_1193, %dma_wait3A_1200] : memref<4x8192x1024xf32, #tpu.memory_space<hbm>> -> memref<1x32x1024xf32, #tpu.memory_space<hbm>>
    %dma_wait3A_1202 = tpu.memref_squeeze %dma_wait3A_1201 : memref<1x32x1024xf32, #tpu.memory_space<hbm>> -> memref<32x1024xf32, #tpu.memory_space<hbm>>
    %dma_wait3A_1203 = tpu.memref_slice %arg8[%dma_wait3A_1195] : memref<3x!tpu.dma_semaphore, #tpu.memory_space<semaphore_mem>> -> memref<1x!tpu.dma_semaphore, #tpu.memory_space<semaphore_mem>>
    %dma_wait3A_1204 = tpu.memref_squeeze %dma_wait3A_1203 : memref<1x!tpu.dma_semaphore, #tpu.memory_space<semaphore_mem>> -> memref<!tpu.dma_semaphore, #tpu.memory_space<semaphore_mem>>
    %dma_wait3A_1205 = arith.constant 0 : i32
    %dma_wait3A_1206 = tpu.memref_slice %arg4[%select_n3A, %add3A_1193, %dma_wait3A_1205] : memref<4x8192x1024xf32, #tpu.memory_space<hbm>> -> memref<1x32x1024xf32, #tpu.memory_space<hbm>>
    %dma_wait3A_1207 = tpu.memref_squeeze %dma_wait3A_1206 : memref<1x32x1024xf32, #tpu.memory_space<hbm>> -> memref<32x1024xf32, #tpu.memory_space<hbm>>
    %dma_wait3A_1208 = arith.constant 0 : i32
    %dma_wait3A_1209 = arith.constant 0 : i32
    %dma_wait3A_1210 = tpu.memref_slice %arg6[%dma_wait3A_1194, %dma_wait3A_1208, %dma_wait3A_1209] : memref<3x32x1024xf32, #tpu.memory_space<vmem>> -> memref<1x32x1024xf32, #tpu.memory_space<vmem>>
    %dma_wait3A_1211 = tpu.memref_squeeze %dma_wait3A_1210 : memref<1x32x1024xf32, #tpu.memory_space<vmem>> -> memref<32x1024xf32, #tpu.memory_space<vmem>>
    tpu.wait_dma2 semaphore(%dma_wait3A_1204 : memref<!tpu.dma_semaphore, #tpu.memory_space<semaphore_mem>>) src(%dma_wait3A_1211 : memref<32x1024xf32, #tpu.memory_space<vmem>>) dst(%dma_wait3A_1207 : memref<32x1024xf32, #tpu.memory_space<hbm>>)
    %dma_start3A_1212 = arith.constant 1 : i32
    %dma_start3A_1213 = arith.constant 1 : i32
    %dma_start3A_1214 = arith.constant 0 : i32
    %dma_start3A_1215 = arith.constant 0 : i32
    %dma_start3A_1216 = tpu.memref_slice %arg6[%dma_start3A_1212, %dma_start3A_1214, %dma_start3A_1215] : memref<3x32x1024xf32, #tpu.memory_space<vmem>> -> memref<1x32x1024xf32, #tpu.memory_space<vmem>>
    %dma_start3A_1217 = tpu.memref_squeeze %dma_start3A_1216 : memref<1x32x1024xf32, #tpu.memory_space<vmem>> -> memref<32x1024xf32, #tpu.memory_space<vmem>>
    %dma_start3A_1218 = arith.constant 608 : i32
    %dma_start3A_1219 = tpu.memref_slice %arg5[%dma_start3A_1218] : memref<1024xi32, #tpu.memory_space<vmem>> -> memref<32xi32, #tpu.memory_space<vmem>>
    %dma_start3A_1220 = arith.constant 0 : i32
    %dma_start3A_1221 = arith.constant 0 : i32
    %dma_start3A_1222 = tpu.memref_slice %arg2[%dma_start3A_1220, %dma_start3A_1221] : memref<32768x1024xf32, #tpu.memory_space<hbm>> -> memref<32768x1024xf32, #tpu.memory_space<hbm>>
    %dma_start3A_1223 = tpu.memref_slice %arg7[%dma_start3A_1213] : memref<3x!tpu.dma_semaphore, #tpu.memory_space<semaphore_mem>> -> memref<1x!tpu.dma_semaphore, #tpu.memory_space<semaphore_mem>>
    %dma_start3A_1224 = tpu.memref_squeeze %dma_start3A_1223 : memref<1x!tpu.dma_semaphore, #tpu.memory_space<semaphore_mem>> -> memref<!tpu.dma_semaphore, #tpu.memory_space<semaphore_mem>>
    tpu.enqueue_indirect_dma source(%dma_start3A_1222 : memref<32768x1024xf32, #tpu.memory_space<hbm>>) target(%dma_start3A_1217 : memref<32x1024xf32, #tpu.memory_space<vmem>>) offsets(%dma_start3A_1219 : memref<32xi32, #tpu.memory_space<vmem>>) semaphore(%dma_start3A_1224 : memref<!tpu.dma_semaphore, #tpu.memory_space<semaphore_mem>>)
    %dma_wait3A_1225 = arith.constant 0 : i32
    %dma_wait3A_1226 = arith.constant 0 : i32
    %dma_wait3A_1227 = arith.constant 0 : i32
    %dma_wait3A_1228 = arith.constant 0 : i32
    %dma_wait3A_1229 = tpu.memref_slice %arg6[%dma_wait3A_1225, %dma_wait3A_1227, %dma_wait3A_1228] : memref<3x32x1024xf32, #tpu.memory_space<vmem>> -> memref<1x32x1024xf32, #tpu.memory_space<vmem>>
    %dma_wait3A_1230 = tpu.memref_squeeze %dma_wait3A_1229 : memref<1x32x1024xf32, #tpu.memory_space<vmem>> -> memref<32x1024xf32, #tpu.memory_space<vmem>>
    %dma_wait3A_1231 = arith.constant 576 : i32
    %dma_wait3A_1232 = tpu.memref_slice %arg5[%dma_wait3A_1231] : memref<1024xi32, #tpu.memory_space<vmem>> -> memref<32xi32, #tpu.memory_space<vmem>>
    %dma_wait3A_1233 = arith.constant 0 : i32
    %dma_wait3A_1234 = arith.constant 0 : i32
    %dma_wait3A_1235 = tpu.memref_slice %arg2[%dma_wait3A_1233, %dma_wait3A_1234] : memref<32768x1024xf32, #tpu.memory_space<hbm>> -> memref<32768x1024xf32, #tpu.memory_space<hbm>>
    %dma_wait3A_1236 = tpu.memref_slice %arg7[%dma_wait3A_1226] : memref<3x!tpu.dma_semaphore, #tpu.memory_space<semaphore_mem>> -> memref<1x!tpu.dma_semaphore, #tpu.memory_space<semaphore_mem>>
    %dma_wait3A_1237 = tpu.memref_squeeze %dma_wait3A_1236 : memref<1x!tpu.dma_semaphore, #tpu.memory_space<semaphore_mem>> -> memref<!tpu.dma_semaphore, #tpu.memory_space<semaphore_mem>>
    tpu.wait_indirect_dma semaphore(%dma_wait3A_1237 : memref<!tpu.dma_semaphore, #tpu.memory_space<semaphore_mem>>) src(%dma_wait3A_1235 : memref<32768x1024xf32, #tpu.memory_space<hbm>>) dst(%dma_wait3A_1230 : memref<32x1024xf32, #tpu.memory_space<vmem>>)
    %add3A_1238 = arith.constant 576 : i32
    %add3A_1239 = arith.addi %mul3A_32, %add3A_1238 : i32
    %dma_start3A_1240 = arith.constant 0 : i32
    %dma_start3A_1241 = arith.constant 0 : i32
    %dma_start3A_1242 = arith.constant 0 : i32
    %dma_start3A_1243 = arith.constant 0 : i32
    %dma_start3A_1244 = tpu.memref_slice %arg6[%dma_start3A_1240, %dma_start3A_1242, %dma_start3A_1243] : memref<3x32x1024xf32, #tpu.memory_space<vmem>> -> memref<1x32x1024xf32, #tpu.memory_space<vmem>>
    %dma_start3A_1245 = tpu.memref_squeeze %dma_start3A_1244 : memref<1x32x1024xf32, #tpu.memory_space<vmem>> -> memref<32x1024xf32, #tpu.memory_space<vmem>>
    %dma_start3A_1246 = arith.constant 0 : i32
    %dma_start3A_1247 = tpu.memref_slice %arg4[%select_n3A, %add3A_1239, %dma_start3A_1246] : memref<4x8192x1024xf32, #tpu.memory_space<hbm>> -> memref<1x32x1024xf32, #tpu.memory_space<hbm>>
    %dma_start3A_1248 = tpu.memref_squeeze %dma_start3A_1247 : memref<1x32x1024xf32, #tpu.memory_space<hbm>> -> memref<32x1024xf32, #tpu.memory_space<hbm>>
    %dma_start3A_1249 = tpu.memref_slice %arg8[%dma_start3A_1241] : memref<3x!tpu.dma_semaphore, #tpu.memory_space<semaphore_mem>> -> memref<1x!tpu.dma_semaphore, #tpu.memory_space<semaphore_mem>>
    %dma_start3A_1250 = tpu.memref_squeeze %dma_start3A_1249 : memref<1x!tpu.dma_semaphore, #tpu.memory_space<semaphore_mem>> -> memref<!tpu.dma_semaphore, #tpu.memory_space<semaphore_mem>>
    %dma_start3A_1251 = arith.constant 0 : i32
    %dma_start3A_1252 = tpu.memref_slice %arg4[%select_n3A, %add3A_1239, %dma_start3A_1251] : memref<4x8192x1024xf32, #tpu.memory_space<hbm>> -> memref<1x32x1024xf32, #tpu.memory_space<hbm>>
    %dma_start3A_1253 = tpu.memref_squeeze %dma_start3A_1252 : memref<1x32x1024xf32, #tpu.memory_space<hbm>> -> memref<32x1024xf32, #tpu.memory_space<hbm>>
    %dma_start3A_1254 = arith.constant 0 : i32
    %dma_start3A_1255 = arith.constant 0 : i32
    %dma_start3A_1256 = tpu.memref_slice %arg6[%dma_start3A_1240, %dma_start3A_1254, %dma_start3A_1255] : memref<3x32x1024xf32, #tpu.memory_space<vmem>> -> memref<1x32x1024xf32, #tpu.memory_space<vmem>>
    %dma_start3A_1257 = tpu.memref_squeeze %dma_start3A_1256 : memref<1x32x1024xf32, #tpu.memory_space<vmem>> -> memref<32x1024xf32, #tpu.memory_space<vmem>>
    tpu.enqueue_dma source(%dma_start3A_1257 : memref<32x1024xf32, #tpu.memory_space<vmem>>) target(%dma_start3A_1253 : memref<32x1024xf32, #tpu.memory_space<hbm>>) target_semaphore(%dma_start3A_1250 : memref<!tpu.dma_semaphore, #tpu.memory_space<semaphore_mem>>)
    %add3A_1258 = arith.constant 544 : i32
    %add3A_1259 = arith.addi %mul3A_32, %add3A_1258 : i32
    %dma_wait3A_1260 = arith.constant 2 : i32
    %dma_wait3A_1261 = arith.constant 2 : i32
    %dma_wait3A_1262 = arith.constant 0 : i32
    %dma_wait3A_1263 = arith.constant 0 : i32
    %dma_wait3A_1264 = tpu.memref_slice %arg6[%dma_wait3A_1260, %dma_wait3A_1262, %dma_wait3A_1263] : memref<3x32x1024xf32, #tpu.memory_space<vmem>> -> memref<1x32x1024xf32, #tpu.memory_space<vmem>>
    %dma_wait3A_1265 = tpu.memref_squeeze %dma_wait3A_1264 : memref<1x32x1024xf32, #tpu.memory_space<vmem>> -> memref<32x1024xf32, #tpu.memory_space<vmem>>
    %dma_wait3A_1266 = arith.constant 0 : i32
    %dma_wait3A_1267 = tpu.memref_slice %arg4[%select_n3A, %add3A_1259, %dma_wait3A_1266] : memref<4x8192x1024xf32, #tpu.memory_space<hbm>> -> memref<1x32x1024xf32, #tpu.memory_space<hbm>>
    %dma_wait3A_1268 = tpu.memref_squeeze %dma_wait3A_1267 : memref<1x32x1024xf32, #tpu.memory_space<hbm>> -> memref<32x1024xf32, #tpu.memory_space<hbm>>
    %dma_wait3A_1269 = tpu.memref_slice %arg8[%dma_wait3A_1261] : memref<3x!tpu.dma_semaphore, #tpu.memory_space<semaphore_mem>> -> memref<1x!tpu.dma_semaphore, #tpu.memory_space<semaphore_mem>>
    %dma_wait3A_1270 = tpu.memref_squeeze %dma_wait3A_1269 : memref<1x!tpu.dma_semaphore, #tpu.memory_space<semaphore_mem>> -> memref<!tpu.dma_semaphore, #tpu.memory_space<semaphore_mem>>
    %dma_wait3A_1271 = arith.constant 0 : i32
    %dma_wait3A_1272 = tpu.memref_slice %arg4[%select_n3A, %add3A_1259, %dma_wait3A_1271] : memref<4x8192x1024xf32, #tpu.memory_space<hbm>> -> memref<1x32x1024xf32, #tpu.memory_space<hbm>>
    %dma_wait3A_1273 = tpu.memref_squeeze %dma_wait3A_1272 : memref<1x32x1024xf32, #tpu.memory_space<hbm>> -> memref<32x1024xf32, #tpu.memory_space<hbm>>
    %dma_wait3A_1274 = arith.constant 0 : i32
    %dma_wait3A_1275 = arith.constant 0 : i32
    %dma_wait3A_1276 = tpu.memref_slice %arg6[%dma_wait3A_1260, %dma_wait3A_1274, %dma_wait3A_1275] : memref<3x32x1024xf32, #tpu.memory_space<vmem>> -> memref<1x32x1024xf32, #tpu.memory_space<vmem>>
    %dma_wait3A_1277 = tpu.memref_squeeze %dma_wait3A_1276 : memref<1x32x1024xf32, #tpu.memory_space<vmem>> -> memref<32x1024xf32, #tpu.memory_space<vmem>>
    tpu.wait_dma2 semaphore(%dma_wait3A_1270 : memref<!tpu.dma_semaphore, #tpu.memory_space<semaphore_mem>>) src(%dma_wait3A_1277 : memref<32x1024xf32, #tpu.memory_space<vmem>>) dst(%dma_wait3A_1273 : memref<32x1024xf32, #tpu.memory_space<hbm>>)
    %dma_start3A_1278 = arith.constant 2 : i32
    %dma_start3A_1279 = arith.constant 2 : i32
    %dma_start3A_1280 = arith.constant 0 : i32
    %dma_start3A_1281 = arith.constant 0 : i32
    %dma_start3A_1282 = tpu.memref_slice %arg6[%dma_start3A_1278, %dma_start3A_1280, %dma_start3A_1281] : memref<3x32x1024xf32, #tpu.memory_space<vmem>> -> memref<1x32x1024xf32, #tpu.memory_space<vmem>>
    %dma_start3A_1283 = tpu.memref_squeeze %dma_start3A_1282 : memref<1x32x1024xf32, #tpu.memory_space<vmem>> -> memref<32x1024xf32, #tpu.memory_space<vmem>>
    %dma_start3A_1284 = arith.constant 640 : i32
    %dma_start3A_1285 = tpu.memref_slice %arg5[%dma_start3A_1284] : memref<1024xi32, #tpu.memory_space<vmem>> -> memref<32xi32, #tpu.memory_space<vmem>>
    %dma_start3A_1286 = arith.constant 0 : i32
    %dma_start3A_1287 = arith.constant 0 : i32
    %dma_start3A_1288 = tpu.memref_slice %arg2[%dma_start3A_1286, %dma_start3A_1287] : memref<32768x1024xf32, #tpu.memory_space<hbm>> -> memref<32768x1024xf32, #tpu.memory_space<hbm>>
    %dma_start3A_1289 = tpu.memref_slice %arg7[%dma_start3A_1279] : memref<3x!tpu.dma_semaphore, #tpu.memory_space<semaphore_mem>> -> memref<1x!tpu.dma_semaphore, #tpu.memory_space<semaphore_mem>>
    %dma_start3A_1290 = tpu.memref_squeeze %dma_start3A_1289 : memref<1x!tpu.dma_semaphore, #tpu.memory_space<semaphore_mem>> -> memref<!tpu.dma_semaphore, #tpu.memory_space<semaphore_mem>>
    tpu.enqueue_indirect_dma source(%dma_start3A_1288 : memref<32768x1024xf32, #tpu.memory_space<hbm>>) target(%dma_start3A_1283 : memref<32x1024xf32, #tpu.memory_space<vmem>>) offsets(%dma_start3A_1285 : memref<32xi32, #tpu.memory_space<vmem>>) semaphore(%dma_start3A_1290 : memref<!tpu.dma_semaphore, #tpu.memory_space<semaphore_mem>>)
    %dma_wait3A_1291 = arith.constant 1 : i32
    %dma_wait3A_1292 = arith.constant 1 : i32
    %dma_wait3A_1293 = arith.constant 0 : i32
    %dma_wait3A_1294 = arith.constant 0 : i32
    %dma_wait3A_1295 = tpu.memref_slice %arg6[%dma_wait3A_1291, %dma_wait3A_1293, %dma_wait3A_1294] : memref<3x32x1024xf32, #tpu.memory_space<vmem>> -> memref<1x32x1024xf32, #tpu.memory_space<vmem>>
    %dma_wait3A_1296 = tpu.memref_squeeze %dma_wait3A_1295 : memref<1x32x1024xf32, #tpu.memory_space<vmem>> -> memref<32x1024xf32, #tpu.memory_space<vmem>>
    %dma_wait3A_1297 = arith.constant 608 : i32
    %dma_wait3A_1298 = tpu.memref_slice %arg5[%dma_wait3A_1297] : memref<1024xi32, #tpu.memory_space<vmem>> -> memref<32xi32, #tpu.memory_space<vmem>>
    %dma_wait3A_1299 = arith.constant 0 : i32
    %dma_wait3A_1300 = arith.constant 0 : i32
    %dma_wait3A_1301 = tpu.memref_slice %arg2[%dma_wait3A_1299, %dma_wait3A_1300] : memref<32768x1024xf32, #tpu.memory_space<hbm>> -> memref<32768x1024xf32, #tpu.memory_space<hbm>>
    %dma_wait3A_1302 = tpu.memref_slice %arg7[%dma_wait3A_1292] : memref<3x!tpu.dma_semaphore, #tpu.memory_space<semaphore_mem>> -> memref<1x!tpu.dma_semaphore, #tpu.memory_space<semaphore_mem>>
    %dma_wait3A_1303 = tpu.memref_squeeze %dma_wait3A_1302 : memref<1x!tpu.dma_semaphore, #tpu.memory_space<semaphore_mem>> -> memref<!tpu.dma_semaphore, #tpu.memory_space<semaphore_mem>>
    tpu.wait_indirect_dma semaphore(%dma_wait3A_1303 : memref<!tpu.dma_semaphore, #tpu.memory_space<semaphore_mem>>) src(%dma_wait3A_1301 : memref<32768x1024xf32, #tpu.memory_space<hbm>>) dst(%dma_wait3A_1296 : memref<32x1024xf32, #tpu.memory_space<vmem>>)
    %add3A_1304 = arith.constant 608 : i32
    %add3A_1305 = arith.addi %mul3A_32, %add3A_1304 : i32
    %dma_start3A_1306 = arith.constant 1 : i32
    %dma_start3A_1307 = arith.constant 1 : i32
    %dma_start3A_1308 = arith.constant 0 : i32
    %dma_start3A_1309 = arith.constant 0 : i32
    %dma_start3A_1310 = tpu.memref_slice %arg6[%dma_start3A_1306, %dma_start3A_1308, %dma_start3A_1309] : memref<3x32x1024xf32, #tpu.memory_space<vmem>> -> memref<1x32x1024xf32, #tpu.memory_space<vmem>>
    %dma_start3A_1311 = tpu.memref_squeeze %dma_start3A_1310 : memref<1x32x1024xf32, #tpu.memory_space<vmem>> -> memref<32x1024xf32, #tpu.memory_space<vmem>>
    %dma_start3A_1312 = arith.constant 0 : i32
    %dma_start3A_1313 = tpu.memref_slice %arg4[%select_n3A, %add3A_1305, %dma_start3A_1312] : memref<4x8192x1024xf32, #tpu.memory_space<hbm>> -> memref<1x32x1024xf32, #tpu.memory_space<hbm>>
    %dma_start3A_1314 = tpu.memref_squeeze %dma_start3A_1313 : memref<1x32x1024xf32, #tpu.memory_space<hbm>> -> memref<32x1024xf32, #tpu.memory_space<hbm>>
    %dma_start3A_1315 = tpu.memref_slice %arg8[%dma_start3A_1307] : memref<3x!tpu.dma_semaphore, #tpu.memory_space<semaphore_mem>> -> memref<1x!tpu.dma_semaphore, #tpu.memory_space<semaphore_mem>>
    %dma_start3A_1316 = tpu.memref_squeeze %dma_start3A_1315 : memref<1x!tpu.dma_semaphore, #tpu.memory_space<semaphore_mem>> -> memref<!tpu.dma_semaphore, #tpu.memory_space<semaphore_mem>>
    %dma_start3A_1317 = arith.constant 0 : i32
    %dma_start3A_1318 = tpu.memref_slice %arg4[%select_n3A, %add3A_1305, %dma_start3A_1317] : memref<4x8192x1024xf32, #tpu.memory_space<hbm>> -> memref<1x32x1024xf32, #tpu.memory_space<hbm>>
    %dma_start3A_1319 = tpu.memref_squeeze %dma_start3A_1318 : memref<1x32x1024xf32, #tpu.memory_space<hbm>> -> memref<32x1024xf32, #tpu.memory_space<hbm>>
    %dma_start3A_1320 = arith.constant 0 : i32
    %dma_start3A_1321 = arith.constant 0 : i32
    %dma_start3A_1322 = tpu.memref_slice %arg6[%dma_start3A_1306, %dma_start3A_1320, %dma_start3A_1321] : memref<3x32x1024xf32, #tpu.memory_space<vmem>> -> memref<1x32x1024xf32, #tpu.memory_space<vmem>>
    %dma_start3A_1323 = tpu.memref_squeeze %dma_start3A_1322 : memref<1x32x1024xf32, #tpu.memory_space<vmem>> -> memref<32x1024xf32, #tpu.memory_space<vmem>>
    tpu.enqueue_dma source(%dma_start3A_1323 : memref<32x1024xf32, #tpu.memory_space<vmem>>) target(%dma_start3A_1319 : memref<32x1024xf32, #tpu.memory_space<hbm>>) target_semaphore(%dma_start3A_1316 : memref<!tpu.dma_semaphore, #tpu.memory_space<semaphore_mem>>)
    %add3A_1324 = arith.constant 576 : i32
    %add3A_1325 = arith.addi %mul3A_32, %add3A_1324 : i32
    %dma_wait3A_1326 = arith.constant 0 : i32
    %dma_wait3A_1327 = arith.constant 0 : i32
    %dma_wait3A_1328 = arith.constant 0 : i32
    %dma_wait3A_1329 = arith.constant 0 : i32
    %dma_wait3A_1330 = tpu.memref_slice %arg6[%dma_wait3A_1326, %dma_wait3A_1328, %dma_wait3A_1329] : memref<3x32x1024xf32, #tpu.memory_space<vmem>> -> memref<1x32x1024xf32, #tpu.memory_space<vmem>>
    %dma_wait3A_1331 = tpu.memref_squeeze %dma_wait3A_1330 : memref<1x32x1024xf32, #tpu.memory_space<vmem>> -> memref<32x1024xf32, #tpu.memory_space<vmem>>
    %dma_wait3A_1332 = arith.constant 0 : i32
    %dma_wait3A_1333 = tpu.memref_slice %arg4[%select_n3A, %add3A_1325, %dma_wait3A_1332] : memref<4x8192x1024xf32, #tpu.memory_space<hbm>> -> memref<1x32x1024xf32, #tpu.memory_space<hbm>>
    %dma_wait3A_1334 = tpu.memref_squeeze %dma_wait3A_1333 : memref<1x32x1024xf32, #tpu.memory_space<hbm>> -> memref<32x1024xf32, #tpu.memory_space<hbm>>
    %dma_wait3A_1335 = tpu.memref_slice %arg8[%dma_wait3A_1327] : memref<3x!tpu.dma_semaphore, #tpu.memory_space<semaphore_mem>> -> memref<1x!tpu.dma_semaphore, #tpu.memory_space<semaphore_mem>>
    %dma_wait3A_1336 = tpu.memref_squeeze %dma_wait3A_1335 : memref<1x!tpu.dma_semaphore, #tpu.memory_space<semaphore_mem>> -> memref<!tpu.dma_semaphore, #tpu.memory_space<semaphore_mem>>
    %dma_wait3A_1337 = arith.constant 0 : i32
    %dma_wait3A_1338 = tpu.memref_slice %arg4[%select_n3A, %add3A_1325, %dma_wait3A_1337] : memref<4x8192x1024xf32, #tpu.memory_space<hbm>> -> memref<1x32x1024xf32, #tpu.memory_space<hbm>>
    %dma_wait3A_1339 = tpu.memref_squeeze %dma_wait3A_1338 : memref<1x32x1024xf32, #tpu.memory_space<hbm>> -> memref<32x1024xf32, #tpu.memory_space<hbm>>
    %dma_wait3A_1340 = arith.constant 0 : i32
    %dma_wait3A_1341 = arith.constant 0 : i32
    %dma_wait3A_1342 = tpu.memref_slice %arg6[%dma_wait3A_1326, %dma_wait3A_1340, %dma_wait3A_1341] : memref<3x32x1024xf32, #tpu.memory_space<vmem>> -> memref<1x32x1024xf32, #tpu.memory_space<vmem>>
    %dma_wait3A_1343 = tpu.memref_squeeze %dma_wait3A_1342 : memref<1x32x1024xf32, #tpu.memory_space<vmem>> -> memref<32x1024xf32, #tpu.memory_space<vmem>>
    tpu.wait_dma2 semaphore(%dma_wait3A_1336 : memref<!tpu.dma_semaphore, #tpu.memory_space<semaphore_mem>>) src(%dma_wait3A_1343 : memref<32x1024xf32, #tpu.memory_space<vmem>>) dst(%dma_wait3A_1339 : memref<32x1024xf32, #tpu.memory_space<hbm>>)
    %dma_start3A_1344 = arith.constant 0 : i32
    %dma_start3A_1345 = arith.constant 0 : i32
    %dma_start3A_1346 = arith.constant 0 : i32
    %dma_start3A_1347 = arith.constant 0 : i32
    %dma_start3A_1348 = tpu.memref_slice %arg6[%dma_start3A_1344, %dma_start3A_1346, %dma_start3A_1347] : memref<3x32x1024xf32, #tpu.memory_space<vmem>> -> memref<1x32x1024xf32, #tpu.memory_space<vmem>>
    %dma_start3A_1349 = tpu.memref_squeeze %dma_start3A_1348 : memref<1x32x1024xf32, #tpu.memory_space<vmem>> -> memref<32x1024xf32, #tpu.memory_space<vmem>>
    %dma_start3A_1350 = arith.constant 672 : i32
    %dma_start3A_1351 = tpu.memref_slice %arg5[%dma_start3A_1350] : memref<1024xi32, #tpu.memory_space<vmem>> -> memref<32xi32, #tpu.memory_space<vmem>>
    %dma_start3A_1352 = arith.constant 0 : i32
    %dma_start3A_1353 = arith.constant 0 : i32
    %dma_start3A_1354 = tpu.memref_slice %arg2[%dma_start3A_1352, %dma_start3A_1353] : memref<32768x1024xf32, #tpu.memory_space<hbm>> -> memref<32768x1024xf32, #tpu.memory_space<hbm>>
    %dma_start3A_1355 = tpu.memref_slice %arg7[%dma_start3A_1345] : memref<3x!tpu.dma_semaphore, #tpu.memory_space<semaphore_mem>> -> memref<1x!tpu.dma_semaphore, #tpu.memory_space<semaphore_mem>>
    %dma_start3A_1356 = tpu.memref_squeeze %dma_start3A_1355 : memref<1x!tpu.dma_semaphore, #tpu.memory_space<semaphore_mem>> -> memref<!tpu.dma_semaphore, #tpu.memory_space<semaphore_mem>>
    tpu.enqueue_indirect_dma source(%dma_start3A_1354 : memref<32768x1024xf32, #tpu.memory_space<hbm>>) target(%dma_start3A_1349 : memref<32x1024xf32, #tpu.memory_space<vmem>>) offsets(%dma_start3A_1351 : memref<32xi32, #tpu.memory_space<vmem>>) semaphore(%dma_start3A_1356 : memref<!tpu.dma_semaphore, #tpu.memory_space<semaphore_mem>>)
    %dma_wait3A_1357 = arith.constant 2 : i32
    %dma_wait3A_1358 = arith.constant 2 : i32
    %dma_wait3A_1359 = arith.constant 0 : i32
    %dma_wait3A_1360 = arith.constant 0 : i32
    %dma_wait3A_1361 = tpu.memref_slice %arg6[%dma_wait3A_1357, %dma_wait3A_1359, %dma_wait3A_1360] : memref<3x32x1024xf32, #tpu.memory_space<vmem>> -> memref<1x32x1024xf32, #tpu.memory_space<vmem>>
    %dma_wait3A_1362 = tpu.memref_squeeze %dma_wait3A_1361 : memref<1x32x1024xf32, #tpu.memory_space<vmem>> -> memref<32x1024xf32, #tpu.memory_space<vmem>>
    %dma_wait3A_1363 = arith.constant 640 : i32
    %dma_wait3A_1364 = tpu.memref_slice %arg5[%dma_wait3A_1363] : memref<1024xi32, #tpu.memory_space<vmem>> -> memref<32xi32, #tpu.memory_space<vmem>>
    %dma_wait3A_1365 = arith.constant 0 : i32
    %dma_wait3A_1366 = arith.constant 0 : i32
    %dma_wait3A_1367 = tpu.memref_slice %arg2[%dma_wait3A_1365, %dma_wait3A_1366] : memref<32768x1024xf32, #tpu.memory_space<hbm>> -> memref<32768x1024xf32, #tpu.memory_space<hbm>>
    %dma_wait3A_1368 = tpu.memref_slice %arg7[%dma_wait3A_1358] : memref<3x!tpu.dma_semaphore, #tpu.memory_space<semaphore_mem>> -> memref<1x!tpu.dma_semaphore, #tpu.memory_space<semaphore_mem>>
    %dma_wait3A_1369 = tpu.memref_squeeze %dma_wait3A_1368 : memref<1x!tpu.dma_semaphore, #tpu.memory_space<semaphore_mem>> -> memref<!tpu.dma_semaphore, #tpu.memory_space<semaphore_mem>>
    tpu.wait_indirect_dma semaphore(%dma_wait3A_1369 : memref<!tpu.dma_semaphore, #tpu.memory_space<semaphore_mem>>) src(%dma_wait3A_1367 : memref<32768x1024xf32, #tpu.memory_space<hbm>>) dst(%dma_wait3A_1362 : memref<32x1024xf32, #tpu.memory_space<vmem>>)
    %add3A_1370 = arith.constant 640 : i32
    %add3A_1371 = arith.addi %mul3A_32, %add3A_1370 : i32
    %dma_start3A_1372 = arith.constant 2 : i32
    %dma_start3A_1373 = arith.constant 2 : i32
    %dma_start3A_1374 = arith.constant 0 : i32
    %dma_start3A_1375 = arith.constant 0 : i32
    %dma_start3A_1376 = tpu.memref_slice %arg6[%dma_start3A_1372, %dma_start3A_1374, %dma_start3A_1375] : memref<3x32x1024xf32, #tpu.memory_space<vmem>> -> memref<1x32x1024xf32, #tpu.memory_space<vmem>>
    %dma_start3A_1377 = tpu.memref_squeeze %dma_start3A_1376 : memref<1x32x1024xf32, #tpu.memory_space<vmem>> -> memref<32x1024xf32, #tpu.memory_space<vmem>>
    %dma_start3A_1378 = arith.constant 0 : i32
    %dma_start3A_1379 = tpu.memref_slice %arg4[%select_n3A, %add3A_1371, %dma_start3A_1378] : memref<4x8192x1024xf32, #tpu.memory_space<hbm>> -> memref<1x32x1024xf32, #tpu.memory_space<hbm>>
    %dma_start3A_1380 = tpu.memref_squeeze %dma_start3A_1379 : memref<1x32x1024xf32, #tpu.memory_space<hbm>> -> memref<32x1024xf32, #tpu.memory_space<hbm>>
    %dma_start3A_1381 = tpu.memref_slice %arg8[%dma_start3A_1373] : memref<3x!tpu.dma_semaphore, #tpu.memory_space<semaphore_mem>> -> memref<1x!tpu.dma_semaphore, #tpu.memory_space<semaphore_mem>>
    %dma_start3A_1382 = tpu.memref_squeeze %dma_start3A_1381 : memref<1x!tpu.dma_semaphore, #tpu.memory_space<semaphore_mem>> -> memref<!tpu.dma_semaphore, #tpu.memory_space<semaphore_mem>>
    %dma_start3A_1383 = arith.constant 0 : i32
    %dma_start3A_1384 = tpu.memref_slice %arg4[%select_n3A, %add3A_1371, %dma_start3A_1383] : memref<4x8192x1024xf32, #tpu.memory_space<hbm>> -> memref<1x32x1024xf32, #tpu.memory_space<hbm>>
    %dma_start3A_1385 = tpu.memref_squeeze %dma_start3A_1384 : memref<1x32x1024xf32, #tpu.memory_space<hbm>> -> memref<32x1024xf32, #tpu.memory_space<hbm>>
    %dma_start3A_1386 = arith.constant 0 : i32
    %dma_start3A_1387 = arith.constant 0 : i32
    %dma_start3A_1388 = tpu.memref_slice %arg6[%dma_start3A_1372, %dma_start3A_1386, %dma_start3A_1387] : memref<3x32x1024xf32, #tpu.memory_space<vmem>> -> memref<1x32x1024xf32, #tpu.memory_space<vmem>>
    %dma_start3A_1389 = tpu.memref_squeeze %dma_start3A_1388 : memref<1x32x1024xf32, #tpu.memory_space<vmem>> -> memref<32x1024xf32, #tpu.memory_space<vmem>>
    tpu.enqueue_dma source(%dma_start3A_1389 : memref<32x1024xf32, #tpu.memory_space<vmem>>) target(%dma_start3A_1385 : memref<32x1024xf32, #tpu.memory_space<hbm>>) target_semaphore(%dma_start3A_1382 : memref<!tpu.dma_semaphore, #tpu.memory_space<semaphore_mem>>)
    %add3A_1390 = arith.constant 608 : i32
    %add3A_1391 = arith.addi %mul3A_32, %add3A_1390 : i32
    %dma_wait3A_1392 = arith.constant 1 : i32
    %dma_wait3A_1393 = arith.constant 1 : i32
    %dma_wait3A_1394 = arith.constant 0 : i32
    %dma_wait3A_1395 = arith.constant 0 : i32
    %dma_wait3A_1396 = tpu.memref_slice %arg6[%dma_wait3A_1392, %dma_wait3A_1394, %dma_wait3A_1395] : memref<3x32x1024xf32, #tpu.memory_space<vmem>> -> memref<1x32x1024xf32, #tpu.memory_space<vmem>>
    %dma_wait3A_1397 = tpu.memref_squeeze %dma_wait3A_1396 : memref<1x32x1024xf32, #tpu.memory_space<vmem>> -> memref<32x1024xf32, #tpu.memory_space<vmem>>
    %dma_wait3A_1398 = arith.constant 0 : i32
    %dma_wait3A_1399 = tpu.memref_slice %arg4[%select_n3A, %add3A_1391, %dma_wait3A_1398] : memref<4x8192x1024xf32, #tpu.memory_space<hbm>> -> memref<1x32x1024xf32, #tpu.memory_space<hbm>>
    %dma_wait3A_1400 = tpu.memref_squeeze %dma_wait3A_1399 : memref<1x32x1024xf32, #tpu.memory_space<hbm>> -> memref<32x1024xf32, #tpu.memory_space<hbm>>
    %dma_wait3A_1401 = tpu.memref_slice %arg8[%dma_wait3A_1393] : memref<3x!tpu.dma_semaphore, #tpu.memory_space<semaphore_mem>> -> memref<1x!tpu.dma_semaphore, #tpu.memory_space<semaphore_mem>>
    %dma_wait3A_1402 = tpu.memref_squeeze %dma_wait3A_1401 : memref<1x!tpu.dma_semaphore, #tpu.memory_space<semaphore_mem>> -> memref<!tpu.dma_semaphore, #tpu.memory_space<semaphore_mem>>
    %dma_wait3A_1403 = arith.constant 0 : i32
    %dma_wait3A_1404 = tpu.memref_slice %arg4[%select_n3A, %add3A_1391, %dma_wait3A_1403] : memref<4x8192x1024xf32, #tpu.memory_space<hbm>> -> memref<1x32x1024xf32, #tpu.memory_space<hbm>>
    %dma_wait3A_1405 = tpu.memref_squeeze %dma_wait3A_1404 : memref<1x32x1024xf32, #tpu.memory_space<hbm>> -> memref<32x1024xf32, #tpu.memory_space<hbm>>
    %dma_wait3A_1406 = arith.constant 0 : i32
    %dma_wait3A_1407 = arith.constant 0 : i32
    %dma_wait3A_1408 = tpu.memref_slice %arg6[%dma_wait3A_1392, %dma_wait3A_1406, %dma_wait3A_1407] : memref<3x32x1024xf32, #tpu.memory_space<vmem>> -> memref<1x32x1024xf32, #tpu.memory_space<vmem>>
    %dma_wait3A_1409 = tpu.memref_squeeze %dma_wait3A_1408 : memref<1x32x1024xf32, #tpu.memory_space<vmem>> -> memref<32x1024xf32, #tpu.memory_space<vmem>>
    tpu.wait_dma2 semaphore(%dma_wait3A_1402 : memref<!tpu.dma_semaphore, #tpu.memory_space<semaphore_mem>>) src(%dma_wait3A_1409 : memref<32x1024xf32, #tpu.memory_space<vmem>>) dst(%dma_wait3A_1405 : memref<32x1024xf32, #tpu.memory_space<hbm>>)
    %dma_start3A_1410 = arith.constant 1 : i32
    %dma_start3A_1411 = arith.constant 1 : i32
    %dma_start3A_1412 = arith.constant 0 : i32
    %dma_start3A_1413 = arith.constant 0 : i32
    %dma_start3A_1414 = tpu.memref_slice %arg6[%dma_start3A_1410, %dma_start3A_1412, %dma_start3A_1413] : memref<3x32x1024xf32, #tpu.memory_space<vmem>> -> memref<1x32x1024xf32, #tpu.memory_space<vmem>>
    %dma_start3A_1415 = tpu.memref_squeeze %dma_start3A_1414 : memref<1x32x1024xf32, #tpu.memory_space<vmem>> -> memref<32x1024xf32, #tpu.memory_space<vmem>>
    %dma_start3A_1416 = arith.constant 704 : i32
    %dma_start3A_1417 = tpu.memref_slice %arg5[%dma_start3A_1416] : memref<1024xi32, #tpu.memory_space<vmem>> -> memref<32xi32, #tpu.memory_space<vmem>>
    %dma_start3A_1418 = arith.constant 0 : i32
    %dma_start3A_1419 = arith.constant 0 : i32
    %dma_start3A_1420 = tpu.memref_slice %arg2[%dma_start3A_1418, %dma_start3A_1419] : memref<32768x1024xf32, #tpu.memory_space<hbm>> -> memref<32768x1024xf32, #tpu.memory_space<hbm>>
    %dma_start3A_1421 = tpu.memref_slice %arg7[%dma_start3A_1411] : memref<3x!tpu.dma_semaphore, #tpu.memory_space<semaphore_mem>> -> memref<1x!tpu.dma_semaphore, #tpu.memory_space<semaphore_mem>>
    %dma_start3A_1422 = tpu.memref_squeeze %dma_start3A_1421 : memref<1x!tpu.dma_semaphore, #tpu.memory_space<semaphore_mem>> -> memref<!tpu.dma_semaphore, #tpu.memory_space<semaphore_mem>>
    tpu.enqueue_indirect_dma source(%dma_start3A_1420 : memref<32768x1024xf32, #tpu.memory_space<hbm>>) target(%dma_start3A_1415 : memref<32x1024xf32, #tpu.memory_space<vmem>>) offsets(%dma_start3A_1417 : memref<32xi32, #tpu.memory_space<vmem>>) semaphore(%dma_start3A_1422 : memref<!tpu.dma_semaphore, #tpu.memory_space<semaphore_mem>>)
    %dma_wait3A_1423 = arith.constant 0 : i32
    %dma_wait3A_1424 = arith.constant 0 : i32
    %dma_wait3A_1425 = arith.constant 0 : i32
    %dma_wait3A_1426 = arith.constant 0 : i32
    %dma_wait3A_1427 = tpu.memref_slice %arg6[%dma_wait3A_1423, %dma_wait3A_1425, %dma_wait3A_1426] : memref<3x32x1024xf32, #tpu.memory_space<vmem>> -> memref<1x32x1024xf32, #tpu.memory_space<vmem>>
    %dma_wait3A_1428 = tpu.memref_squeeze %dma_wait3A_1427 : memref<1x32x1024xf32, #tpu.memory_space<vmem>> -> memref<32x1024xf32, #tpu.memory_space<vmem>>
    %dma_wait3A_1429 = arith.constant 672 : i32
    %dma_wait3A_1430 = tpu.memref_slice %arg5[%dma_wait3A_1429] : memref<1024xi32, #tpu.memory_space<vmem>> -> memref<32xi32, #tpu.memory_space<vmem>>
    %dma_wait3A_1431 = arith.constant 0 : i32
    %dma_wait3A_1432 = arith.constant 0 : i32
    %dma_wait3A_1433 = tpu.memref_slice %arg2[%dma_wait3A_1431, %dma_wait3A_1432] : memref<32768x1024xf32, #tpu.memory_space<hbm>> -> memref<32768x1024xf32, #tpu.memory_space<hbm>>
    %dma_wait3A_1434 = tpu.memref_slice %arg7[%dma_wait3A_1424] : memref<3x!tpu.dma_semaphore, #tpu.memory_space<semaphore_mem>> -> memref<1x!tpu.dma_semaphore, #tpu.memory_space<semaphore_mem>>
    %dma_wait3A_1435 = tpu.memref_squeeze %dma_wait3A_1434 : memref<1x!tpu.dma_semaphore, #tpu.memory_space<semaphore_mem>> -> memref<!tpu.dma_semaphore, #tpu.memory_space<semaphore_mem>>
    tpu.wait_indirect_dma semaphore(%dma_wait3A_1435 : memref<!tpu.dma_semaphore, #tpu.memory_space<semaphore_mem>>) src(%dma_wait3A_1433 : memref<32768x1024xf32, #tpu.memory_space<hbm>>) dst(%dma_wait3A_1428 : memref<32x1024xf32, #tpu.memory_space<vmem>>)
    %add3A_1436 = arith.constant 672 : i32
    %add3A_1437 = arith.addi %mul3A_32, %add3A_1436 : i32
    %dma_start3A_1438 = arith.constant 0 : i32
    %dma_start3A_1439 = arith.constant 0 : i32
    %dma_start3A_1440 = arith.constant 0 : i32
    %dma_start3A_1441 = arith.constant 0 : i32
    %dma_start3A_1442 = tpu.memref_slice %arg6[%dma_start3A_1438, %dma_start3A_1440, %dma_start3A_1441] : memref<3x32x1024xf32, #tpu.memory_space<vmem>> -> memref<1x32x1024xf32, #tpu.memory_space<vmem>>
    %dma_start3A_1443 = tpu.memref_squeeze %dma_start3A_1442 : memref<1x32x1024xf32, #tpu.memory_space<vmem>> -> memref<32x1024xf32, #tpu.memory_space<vmem>>
    %dma_start3A_1444 = arith.constant 0 : i32
    %dma_start3A_1445 = tpu.memref_slice %arg4[%select_n3A, %add3A_1437, %dma_start3A_1444] : memref<4x8192x1024xf32, #tpu.memory_space<hbm>> -> memref<1x32x1024xf32, #tpu.memory_space<hbm>>
    %dma_start3A_1446 = tpu.memref_squeeze %dma_start3A_1445 : memref<1x32x1024xf32, #tpu.memory_space<hbm>> -> memref<32x1024xf32, #tpu.memory_space<hbm>>
    %dma_start3A_1447 = tpu.memref_slice %arg8[%dma_start3A_1439] : memref<3x!tpu.dma_semaphore, #tpu.memory_space<semaphore_mem>> -> memref<1x!tpu.dma_semaphore, #tpu.memory_space<semaphore_mem>>
    %dma_start3A_1448 = tpu.memref_squeeze %dma_start3A_1447 : memref<1x!tpu.dma_semaphore, #tpu.memory_space<semaphore_mem>> -> memref<!tpu.dma_semaphore, #tpu.memory_space<semaphore_mem>>
    %dma_start3A_1449 = arith.constant 0 : i32
    %dma_start3A_1450 = tpu.memref_slice %arg4[%select_n3A, %add3A_1437, %dma_start3A_1449] : memref<4x8192x1024xf32, #tpu.memory_space<hbm>> -> memref<1x32x1024xf32, #tpu.memory_space<hbm>>
    %dma_start3A_1451 = tpu.memref_squeeze %dma_start3A_1450 : memref<1x32x1024xf32, #tpu.memory_space<hbm>> -> memref<32x1024xf32, #tpu.memory_space<hbm>>
    %dma_start3A_1452 = arith.constant 0 : i32
    %dma_start3A_1453 = arith.constant 0 : i32
    %dma_start3A_1454 = tpu.memref_slice %arg6[%dma_start3A_1438, %dma_start3A_1452, %dma_start3A_1453] : memref<3x32x1024xf32, #tpu.memory_space<vmem>> -> memref<1x32x1024xf32, #tpu.memory_space<vmem>>
    %dma_start3A_1455 = tpu.memref_squeeze %dma_start3A_1454 : memref<1x32x1024xf32, #tpu.memory_space<vmem>> -> memref<32x1024xf32, #tpu.memory_space<vmem>>
    tpu.enqueue_dma source(%dma_start3A_1455 : memref<32x1024xf32, #tpu.memory_space<vmem>>) target(%dma_start3A_1451 : memref<32x1024xf32, #tpu.memory_space<hbm>>) target_semaphore(%dma_start3A_1448 : memref<!tpu.dma_semaphore, #tpu.memory_space<semaphore_mem>>)
    %add3A_1456 = arith.constant 640 : i32
    %add3A_1457 = arith.addi %mul3A_32, %add3A_1456 : i32
    %dma_wait3A_1458 = arith.constant 2 : i32
    %dma_wait3A_1459 = arith.constant 2 : i32
    %dma_wait3A_1460 = arith.constant 0 : i32
    %dma_wait3A_1461 = arith.constant 0 : i32
    %dma_wait3A_1462 = tpu.memref_slice %arg6[%dma_wait3A_1458, %dma_wait3A_1460, %dma_wait3A_1461] : memref<3x32x1024xf32, #tpu.memory_space<vmem>> -> memref<1x32x1024xf32, #tpu.memory_space<vmem>>
    %dma_wait3A_1463 = tpu.memref_squeeze %dma_wait3A_1462 : memref<1x32x1024xf32, #tpu.memory_space<vmem>> -> memref<32x1024xf32, #tpu.memory_space<vmem>>
    %dma_wait3A_1464 = arith.constant 0 : i32
    %dma_wait3A_1465 = tpu.memref_slice %arg4[%select_n3A, %add3A_1457, %dma_wait3A_1464] : memref<4x8192x1024xf32, #tpu.memory_space<hbm>> -> memref<1x32x1024xf32, #tpu.memory_space<hbm>>
    %dma_wait3A_1466 = tpu.memref_squeeze %dma_wait3A_1465 : memref<1x32x1024xf32, #tpu.memory_space<hbm>> -> memref<32x1024xf32, #tpu.memory_space<hbm>>
    %dma_wait3A_1467 = tpu.memref_slice %arg8[%dma_wait3A_1459] : memref<3x!tpu.dma_semaphore, #tpu.memory_space<semaphore_mem>> -> memref<1x!tpu.dma_semaphore, #tpu.memory_space<semaphore_mem>>
    %dma_wait3A_1468 = tpu.memref_squeeze %dma_wait3A_1467 : memref<1x!tpu.dma_semaphore, #tpu.memory_space<semaphore_mem>> -> memref<!tpu.dma_semaphore, #tpu.memory_space<semaphore_mem>>
    %dma_wait3A_1469 = arith.constant 0 : i32
    %dma_wait3A_1470 = tpu.memref_slice %arg4[%select_n3A, %add3A_1457, %dma_wait3A_1469] : memref<4x8192x1024xf32, #tpu.memory_space<hbm>> -> memref<1x32x1024xf32, #tpu.memory_space<hbm>>
    %dma_wait3A_1471 = tpu.memref_squeeze %dma_wait3A_1470 : memref<1x32x1024xf32, #tpu.memory_space<hbm>> -> memref<32x1024xf32, #tpu.memory_space<hbm>>
    %dma_wait3A_1472 = arith.constant 0 : i32
    %dma_wait3A_1473 = arith.constant 0 : i32
    %dma_wait3A_1474 = tpu.memref_slice %arg6[%dma_wait3A_1458, %dma_wait3A_1472, %dma_wait3A_1473] : memref<3x32x1024xf32, #tpu.memory_space<vmem>> -> memref<1x32x1024xf32, #tpu.memory_space<vmem>>
    %dma_wait3A_1475 = tpu.memref_squeeze %dma_wait3A_1474 : memref<1x32x1024xf32, #tpu.memory_space<vmem>> -> memref<32x1024xf32, #tpu.memory_space<vmem>>
    tpu.wait_dma2 semaphore(%dma_wait3A_1468 : memref<!tpu.dma_semaphore, #tpu.memory_space<semaphore_mem>>) src(%dma_wait3A_1475 : memref<32x1024xf32, #tpu.memory_space<vmem>>) dst(%dma_wait3A_1471 : memref<32x1024xf32, #tpu.memory_space<hbm>>)
    %dma_start3A_1476 = arith.constant 2 : i32
    %dma_start3A_1477 = arith.constant 2 : i32
    %dma_start3A_1478 = arith.constant 0 : i32
    %dma_start3A_1479 = arith.constant 0 : i32
    %dma_start3A_1480 = tpu.memref_slice %arg6[%dma_start3A_1476, %dma_start3A_1478, %dma_start3A_1479] : memref<3x32x1024xf32, #tpu.memory_space<vmem>> -> memref<1x32x1024xf32, #tpu.memory_space<vmem>>
    %dma_start3A_1481 = tpu.memref_squeeze %dma_start3A_1480 : memref<1x32x1024xf32, #tpu.memory_space<vmem>> -> memref<32x1024xf32, #tpu.memory_space<vmem>>
    %dma_start3A_1482 = arith.constant 736 : i32
    %dma_start3A_1483 = tpu.memref_slice %arg5[%dma_start3A_1482] : memref<1024xi32, #tpu.memory_space<vmem>> -> memref<32xi32, #tpu.memory_space<vmem>>
    %dma_start3A_1484 = arith.constant 0 : i32
    %dma_start3A_1485 = arith.constant 0 : i32
    %dma_start3A_1486 = tpu.memref_slice %arg2[%dma_start3A_1484, %dma_start3A_1485] : memref<32768x1024xf32, #tpu.memory_space<hbm>> -> memref<32768x1024xf32, #tpu.memory_space<hbm>>
    %dma_start3A_1487 = tpu.memref_slice %arg7[%dma_start3A_1477] : memref<3x!tpu.dma_semaphore, #tpu.memory_space<semaphore_mem>> -> memref<1x!tpu.dma_semaphore, #tpu.memory_space<semaphore_mem>>
    %dma_start3A_1488 = tpu.memref_squeeze %dma_start3A_1487 : memref<1x!tpu.dma_semaphore, #tpu.memory_space<semaphore_mem>> -> memref<!tpu.dma_semaphore, #tpu.memory_space<semaphore_mem>>
    tpu.enqueue_indirect_dma source(%dma_start3A_1486 : memref<32768x1024xf32, #tpu.memory_space<hbm>>) target(%dma_start3A_1481 : memref<32x1024xf32, #tpu.memory_space<vmem>>) offsets(%dma_start3A_1483 : memref<32xi32, #tpu.memory_space<vmem>>) semaphore(%dma_start3A_1488 : memref<!tpu.dma_semaphore, #tpu.memory_space<semaphore_mem>>)
    %dma_wait3A_1489 = arith.constant 1 : i32
    %dma_wait3A_1490 = arith.constant 1 : i32
    %dma_wait3A_1491 = arith.constant 0 : i32
    %dma_wait3A_1492 = arith.constant 0 : i32
    %dma_wait3A_1493 = tpu.memref_slice %arg6[%dma_wait3A_1489, %dma_wait3A_1491, %dma_wait3A_1492] : memref<3x32x1024xf32, #tpu.memory_space<vmem>> -> memref<1x32x1024xf32, #tpu.memory_space<vmem>>
    %dma_wait3A_1494 = tpu.memref_squeeze %dma_wait3A_1493 : memref<1x32x1024xf32, #tpu.memory_space<vmem>> -> memref<32x1024xf32, #tpu.memory_space<vmem>>
    %dma_wait3A_1495 = arith.constant 704 : i32
    %dma_wait3A_1496 = tpu.memref_slice %arg5[%dma_wait3A_1495] : memref<1024xi32, #tpu.memory_space<vmem>> -> memref<32xi32, #tpu.memory_space<vmem>>
    %dma_wait3A_1497 = arith.constant 0 : i32
    %dma_wait3A_1498 = arith.constant 0 : i32
    %dma_wait3A_1499 = tpu.memref_slice %arg2[%dma_wait3A_1497, %dma_wait3A_1498] : memref<32768x1024xf32, #tpu.memory_space<hbm>> -> memref<32768x1024xf32, #tpu.memory_space<hbm>>
    %dma_wait3A_1500 = tpu.memref_slice %arg7[%dma_wait3A_1490] : memref<3x!tpu.dma_semaphore, #tpu.memory_space<semaphore_mem>> -> memref<1x!tpu.dma_semaphore, #tpu.memory_space<semaphore_mem>>
    %dma_wait3A_1501 = tpu.memref_squeeze %dma_wait3A_1500 : memref<1x!tpu.dma_semaphore, #tpu.memory_space<semaphore_mem>> -> memref<!tpu.dma_semaphore, #tpu.memory_space<semaphore_mem>>
    tpu.wait_indirect_dma semaphore(%dma_wait3A_1501 : memref<!tpu.dma_semaphore, #tpu.memory_space<semaphore_mem>>) src(%dma_wait3A_1499 : memref<32768x1024xf32, #tpu.memory_space<hbm>>) dst(%dma_wait3A_1494 : memref<32x1024xf32, #tpu.memory_space<vmem>>)
    %add3A_1502 = arith.constant 704 : i32
    %add3A_1503 = arith.addi %mul3A_32, %add3A_1502 : i32
    %dma_start3A_1504 = arith.constant 1 : i32
    %dma_start3A_1505 = arith.constant 1 : i32
    %dma_start3A_1506 = arith.constant 0 : i32
    %dma_start3A_1507 = arith.constant 0 : i32
    %dma_start3A_1508 = tpu.memref_slice %arg6[%dma_start3A_1504, %dma_start3A_1506, %dma_start3A_1507] : memref<3x32x1024xf32, #tpu.memory_space<vmem>> -> memref<1x32x1024xf32, #tpu.memory_space<vmem>>
    %dma_start3A_1509 = tpu.memref_squeeze %dma_start3A_1508 : memref<1x32x1024xf32, #tpu.memory_space<vmem>> -> memref<32x1024xf32, #tpu.memory_space<vmem>>
    %dma_start3A_1510 = arith.constant 0 : i32
    %dma_start3A_1511 = tpu.memref_slice %arg4[%select_n3A, %add3A_1503, %dma_start3A_1510] : memref<4x8192x1024xf32, #tpu.memory_space<hbm>> -> memref<1x32x1024xf32, #tpu.memory_space<hbm>>
    %dma_start3A_1512 = tpu.memref_squeeze %dma_start3A_1511 : memref<1x32x1024xf32, #tpu.memory_space<hbm>> -> memref<32x1024xf32, #tpu.memory_space<hbm>>
    %dma_start3A_1513 = tpu.memref_slice %arg8[%dma_start3A_1505] : memref<3x!tpu.dma_semaphore, #tpu.memory_space<semaphore_mem>> -> memref<1x!tpu.dma_semaphore, #tpu.memory_space<semaphore_mem>>
    %dma_start3A_1514 = tpu.memref_squeeze %dma_start3A_1513 : memref<1x!tpu.dma_semaphore, #tpu.memory_space<semaphore_mem>> -> memref<!tpu.dma_semaphore, #tpu.memory_space<semaphore_mem>>
    %dma_start3A_1515 = arith.constant 0 : i32
    %dma_start3A_1516 = tpu.memref_slice %arg4[%select_n3A, %add3A_1503, %dma_start3A_1515] : memref<4x8192x1024xf32, #tpu.memory_space<hbm>> -> memref<1x32x1024xf32, #tpu.memory_space<hbm>>
    %dma_start3A_1517 = tpu.memref_squeeze %dma_start3A_1516 : memref<1x32x1024xf32, #tpu.memory_space<hbm>> -> memref<32x1024xf32, #tpu.memory_space<hbm>>
    %dma_start3A_1518 = arith.constant 0 : i32
    %dma_start3A_1519 = arith.constant 0 : i32
    %dma_start3A_1520 = tpu.memref_slice %arg6[%dma_start3A_1504, %dma_start3A_1518, %dma_start3A_1519] : memref<3x32x1024xf32, #tpu.memory_space<vmem>> -> memref<1x32x1024xf32, #tpu.memory_space<vmem>>
    %dma_start3A_1521 = tpu.memref_squeeze %dma_start3A_1520 : memref<1x32x1024xf32, #tpu.memory_space<vmem>> -> memref<32x1024xf32, #tpu.memory_space<vmem>>
    tpu.enqueue_dma source(%dma_start3A_1521 : memref<32x1024xf32, #tpu.memory_space<vmem>>) target(%dma_start3A_1517 : memref<32x1024xf32, #tpu.memory_space<hbm>>) target_semaphore(%dma_start3A_1514 : memref<!tpu.dma_semaphore, #tpu.memory_space<semaphore_mem>>)
    %add3A_1522 = arith.constant 672 : i32
    %add3A_1523 = arith.addi %mul3A_32, %add3A_1522 : i32
    %dma_wait3A_1524 = arith.constant 0 : i32
    %dma_wait3A_1525 = arith.constant 0 : i32
    %dma_wait3A_1526 = arith.constant 0 : i32
    %dma_wait3A_1527 = arith.constant 0 : i32
    %dma_wait3A_1528 = tpu.memref_slice %arg6[%dma_wait3A_1524, %dma_wait3A_1526, %dma_wait3A_1527] : memref<3x32x1024xf32, #tpu.memory_space<vmem>> -> memref<1x32x1024xf32, #tpu.memory_space<vmem>>
    %dma_wait3A_1529 = tpu.memref_squeeze %dma_wait3A_1528 : memref<1x32x1024xf32, #tpu.memory_space<vmem>> -> memref<32x1024xf32, #tpu.memory_space<vmem>>
    %dma_wait3A_1530 = arith.constant 0 : i32
    %dma_wait3A_1531 = tpu.memref_slice %arg4[%select_n3A, %add3A_1523, %dma_wait3A_1530] : memref<4x8192x1024xf32, #tpu.memory_space<hbm>> -> memref<1x32x1024xf32, #tpu.memory_space<hbm>>
    %dma_wait3A_1532 = tpu.memref_squeeze %dma_wait3A_1531 : memref<1x32x1024xf32, #tpu.memory_space<hbm>> -> memref<32x1024xf32, #tpu.memory_space<hbm>>
    %dma_wait3A_1533 = tpu.memref_slice %arg8[%dma_wait3A_1525] : memref<3x!tpu.dma_semaphore, #tpu.memory_space<semaphore_mem>> -> memref<1x!tpu.dma_semaphore, #tpu.memory_space<semaphore_mem>>
    %dma_wait3A_1534 = tpu.memref_squeeze %dma_wait3A_1533 : memref<1x!tpu.dma_semaphore, #tpu.memory_space<semaphore_mem>> -> memref<!tpu.dma_semaphore, #tpu.memory_space<semaphore_mem>>
    %dma_wait3A_1535 = arith.constant 0 : i32
    %dma_wait3A_1536 = tpu.memref_slice %arg4[%select_n3A, %add3A_1523, %dma_wait3A_1535] : memref<4x8192x1024xf32, #tpu.memory_space<hbm>> -> memref<1x32x1024xf32, #tpu.memory_space<hbm>>
    %dma_wait3A_1537 = tpu.memref_squeeze %dma_wait3A_1536 : memref<1x32x1024xf32, #tpu.memory_space<hbm>> -> memref<32x1024xf32, #tpu.memory_space<hbm>>
    %dma_wait3A_1538 = arith.constant 0 : i32
    %dma_wait3A_1539 = arith.constant 0 : i32
    %dma_wait3A_1540 = tpu.memref_slice %arg6[%dma_wait3A_1524, %dma_wait3A_1538, %dma_wait3A_1539] : memref<3x32x1024xf32, #tpu.memory_space<vmem>> -> memref<1x32x1024xf32, #tpu.memory_space<vmem>>
    %dma_wait3A_1541 = tpu.memref_squeeze %dma_wait3A_1540 : memref<1x32x1024xf32, #tpu.memory_space<vmem>> -> memref<32x1024xf32, #tpu.memory_space<vmem>>
    tpu.wait_dma2 semaphore(%dma_wait3A_1534 : memref<!tpu.dma_semaphore, #tpu.memory_space<semaphore_mem>>) src(%dma_wait3A_1541 : memref<32x1024xf32, #tpu.memory_space<vmem>>) dst(%dma_wait3A_1537 : memref<32x1024xf32, #tpu.memory_space<hbm>>)
    %dma_start3A_1542 = arith.constant 0 : i32
    %dma_start3A_1543 = arith.constant 0 : i32
    %dma_start3A_1544 = arith.constant 0 : i32
    %dma_start3A_1545 = arith.constant 0 : i32
    %dma_start3A_1546 = tpu.memref_slice %arg6[%dma_start3A_1542, %dma_start3A_1544, %dma_start3A_1545] : memref<3x32x1024xf32, #tpu.memory_space<vmem>> -> memref<1x32x1024xf32, #tpu.memory_space<vmem>>
    %dma_start3A_1547 = tpu.memref_squeeze %dma_start3A_1546 : memref<1x32x1024xf32, #tpu.memory_space<vmem>> -> memref<32x1024xf32, #tpu.memory_space<vmem>>
    %dma_start3A_1548 = arith.constant 768 : i32
    %dma_start3A_1549 = tpu.memref_slice %arg5[%dma_start3A_1548] : memref<1024xi32, #tpu.memory_space<vmem>> -> memref<32xi32, #tpu.memory_space<vmem>>
    %dma_start3A_1550 = arith.constant 0 : i32
    %dma_start3A_1551 = arith.constant 0 : i32
    %dma_start3A_1552 = tpu.memref_slice %arg2[%dma_start3A_1550, %dma_start3A_1551] : memref<32768x1024xf32, #tpu.memory_space<hbm>> -> memref<32768x1024xf32, #tpu.memory_space<hbm>>
    %dma_start3A_1553 = tpu.memref_slice %arg7[%dma_start3A_1543] : memref<3x!tpu.dma_semaphore, #tpu.memory_space<semaphore_mem>> -> memref<1x!tpu.dma_semaphore, #tpu.memory_space<semaphore_mem>>
    %dma_start3A_1554 = tpu.memref_squeeze %dma_start3A_1553 : memref<1x!tpu.dma_semaphore, #tpu.memory_space<semaphore_mem>> -> memref<!tpu.dma_semaphore, #tpu.memory_space<semaphore_mem>>
    tpu.enqueue_indirect_dma source(%dma_start3A_1552 : memref<32768x1024xf32, #tpu.memory_space<hbm>>) target(%dma_start3A_1547 : memref<32x1024xf32, #tpu.memory_space<vmem>>) offsets(%dma_start3A_1549 : memref<32xi32, #tpu.memory_space<vmem>>) semaphore(%dma_start3A_1554 : memref<!tpu.dma_semaphore, #tpu.memory_space<semaphore_mem>>)
    %dma_wait3A_1555 = arith.constant 2 : i32
    %dma_wait3A_1556 = arith.constant 2 : i32
    %dma_wait3A_1557 = arith.constant 0 : i32
    %dma_wait3A_1558 = arith.constant 0 : i32
    %dma_wait3A_1559 = tpu.memref_slice %arg6[%dma_wait3A_1555, %dma_wait3A_1557, %dma_wait3A_1558] : memref<3x32x1024xf32, #tpu.memory_space<vmem>> -> memref<1x32x1024xf32, #tpu.memory_space<vmem>>
    %dma_wait3A_1560 = tpu.memref_squeeze %dma_wait3A_1559 : memref<1x32x1024xf32, #tpu.memory_space<vmem>> -> memref<32x1024xf32, #tpu.memory_space<vmem>>
    %dma_wait3A_1561 = arith.constant 736 : i32
    %dma_wait3A_1562 = tpu.memref_slice %arg5[%dma_wait3A_1561] : memref<1024xi32, #tpu.memory_space<vmem>> -> memref<32xi32, #tpu.memory_space<vmem>>
    %dma_wait3A_1563 = arith.constant 0 : i32
    %dma_wait3A_1564 = arith.constant 0 : i32
    %dma_wait3A_1565 = tpu.memref_slice %arg2[%dma_wait3A_1563, %dma_wait3A_1564] : memref<32768x1024xf32, #tpu.memory_space<hbm>> -> memref<32768x1024xf32, #tpu.memory_space<hbm>>
    %dma_wait3A_1566 = tpu.memref_slice %arg7[%dma_wait3A_1556] : memref<3x!tpu.dma_semaphore, #tpu.memory_space<semaphore_mem>> -> memref<1x!tpu.dma_semaphore, #tpu.memory_space<semaphore_mem>>
    %dma_wait3A_1567 = tpu.memref_squeeze %dma_wait3A_1566 : memref<1x!tpu.dma_semaphore, #tpu.memory_space<semaphore_mem>> -> memref<!tpu.dma_semaphore, #tpu.memory_space<semaphore_mem>>
    tpu.wait_indirect_dma semaphore(%dma_wait3A_1567 : memref<!tpu.dma_semaphore, #tpu.memory_space<semaphore_mem>>) src(%dma_wait3A_1565 : memref<32768x1024xf32, #tpu.memory_space<hbm>>) dst(%dma_wait3A_1560 : memref<32x1024xf32, #tpu.memory_space<vmem>>)
    %add3A_1568 = arith.constant 736 : i32
    %add3A_1569 = arith.addi %mul3A_32, %add3A_1568 : i32
    %dma_start3A_1570 = arith.constant 2 : i32
    %dma_start3A_1571 = arith.constant 2 : i32
    %dma_start3A_1572 = arith.constant 0 : i32
    %dma_start3A_1573 = arith.constant 0 : i32
    %dma_start3A_1574 = tpu.memref_slice %arg6[%dma_start3A_1570, %dma_start3A_1572, %dma_start3A_1573] : memref<3x32x1024xf32, #tpu.memory_space<vmem>> -> memref<1x32x1024xf32, #tpu.memory_space<vmem>>
    %dma_start3A_1575 = tpu.memref_squeeze %dma_start3A_1574 : memref<1x32x1024xf32, #tpu.memory_space<vmem>> -> memref<32x1024xf32, #tpu.memory_space<vmem>>
    %dma_start3A_1576 = arith.constant 0 : i32
    %dma_start3A_1577 = tpu.memref_slice %arg4[%select_n3A, %add3A_1569, %dma_start3A_1576] : memref<4x8192x1024xf32, #tpu.memory_space<hbm>> -> memref<1x32x1024xf32, #tpu.memory_space<hbm>>
    %dma_start3A_1578 = tpu.memref_squeeze %dma_start3A_1577 : memref<1x32x1024xf32, #tpu.memory_space<hbm>> -> memref<32x1024xf32, #tpu.memory_space<hbm>>
    %dma_start3A_1579 = tpu.memref_slice %arg8[%dma_start3A_1571] : memref<3x!tpu.dma_semaphore, #tpu.memory_space<semaphore_mem>> -> memref<1x!tpu.dma_semaphore, #tpu.memory_space<semaphore_mem>>
    %dma_start3A_1580 = tpu.memref_squeeze %dma_start3A_1579 : memref<1x!tpu.dma_semaphore, #tpu.memory_space<semaphore_mem>> -> memref<!tpu.dma_semaphore, #tpu.memory_space<semaphore_mem>>
    %dma_start3A_1581 = arith.constant 0 : i32
    %dma_start3A_1582 = tpu.memref_slice %arg4[%select_n3A, %add3A_1569, %dma_start3A_1581] : memref<4x8192x1024xf32, #tpu.memory_space<hbm>> -> memref<1x32x1024xf32, #tpu.memory_space<hbm>>
    %dma_start3A_1583 = tpu.memref_squeeze %dma_start3A_1582 : memref<1x32x1024xf32, #tpu.memory_space<hbm>> -> memref<32x1024xf32, #tpu.memory_space<hbm>>
    %dma_start3A_1584 = arith.constant 0 : i32
    %dma_start3A_1585 = arith.constant 0 : i32
    %dma_start3A_1586 = tpu.memref_slice %arg6[%dma_start3A_1570, %dma_start3A_1584, %dma_start3A_1585] : memref<3x32x1024xf32, #tpu.memory_space<vmem>> -> memref<1x32x1024xf32, #tpu.memory_space<vmem>>
    %dma_start3A_1587 = tpu.memref_squeeze %dma_start3A_1586 : memref<1x32x1024xf32, #tpu.memory_space<vmem>> -> memref<32x1024xf32, #tpu.memory_space<vmem>>
    tpu.enqueue_dma source(%dma_start3A_1587 : memref<32x1024xf32, #tpu.memory_space<vmem>>) target(%dma_start3A_1583 : memref<32x1024xf32, #tpu.memory_space<hbm>>) target_semaphore(%dma_start3A_1580 : memref<!tpu.dma_semaphore, #tpu.memory_space<semaphore_mem>>)
    %add3A_1588 = arith.constant 704 : i32
    %add3A_1589 = arith.addi %mul3A_32, %add3A_1588 : i32
    %dma_wait3A_1590 = arith.constant 1 : i32
    %dma_wait3A_1591 = arith.constant 1 : i32
    %dma_wait3A_1592 = arith.constant 0 : i32
    %dma_wait3A_1593 = arith.constant 0 : i32
    %dma_wait3A_1594 = tpu.memref_slice %arg6[%dma_wait3A_1590, %dma_wait3A_1592, %dma_wait3A_1593] : memref<3x32x1024xf32, #tpu.memory_space<vmem>> -> memref<1x32x1024xf32, #tpu.memory_space<vmem>>
    %dma_wait3A_1595 = tpu.memref_squeeze %dma_wait3A_1594 : memref<1x32x1024xf32, #tpu.memory_space<vmem>> -> memref<32x1024xf32, #tpu.memory_space<vmem>>
    %dma_wait3A_1596 = arith.constant 0 : i32
    %dma_wait3A_1597 = tpu.memref_slice %arg4[%select_n3A, %add3A_1589, %dma_wait3A_1596] : memref<4x8192x1024xf32, #tpu.memory_space<hbm>> -> memref<1x32x1024xf32, #tpu.memory_space<hbm>>
    %dma_wait3A_1598 = tpu.memref_squeeze %dma_wait3A_1597 : memref<1x32x1024xf32, #tpu.memory_space<hbm>> -> memref<32x1024xf32, #tpu.memory_space<hbm>>
    %dma_wait3A_1599 = tpu.memref_slice %arg8[%dma_wait3A_1591] : memref<3x!tpu.dma_semaphore, #tpu.memory_space<semaphore_mem>> -> memref<1x!tpu.dma_semaphore, #tpu.memory_space<semaphore_mem>>
    %dma_wait3A_1600 = tpu.memref_squeeze %dma_wait3A_1599 : memref<1x!tpu.dma_semaphore, #tpu.memory_space<semaphore_mem>> -> memref<!tpu.dma_semaphore, #tpu.memory_space<semaphore_mem>>
    %dma_wait3A_1601 = arith.constant 0 : i32
    %dma_wait3A_1602 = tpu.memref_slice %arg4[%select_n3A, %add3A_1589, %dma_wait3A_1601] : memref<4x8192x1024xf32, #tpu.memory_space<hbm>> -> memref<1x32x1024xf32, #tpu.memory_space<hbm>>
    %dma_wait3A_1603 = tpu.memref_squeeze %dma_wait3A_1602 : memref<1x32x1024xf32, #tpu.memory_space<hbm>> -> memref<32x1024xf32, #tpu.memory_space<hbm>>
    %dma_wait3A_1604 = arith.constant 0 : i32
    %dma_wait3A_1605 = arith.constant 0 : i32
    %dma_wait3A_1606 = tpu.memref_slice %arg6[%dma_wait3A_1590, %dma_wait3A_1604, %dma_wait3A_1605] : memref<3x32x1024xf32, #tpu.memory_space<vmem>> -> memref<1x32x1024xf32, #tpu.memory_space<vmem>>
    %dma_wait3A_1607 = tpu.memref_squeeze %dma_wait3A_1606 : memref<1x32x1024xf32, #tpu.memory_space<vmem>> -> memref<32x1024xf32, #tpu.memory_space<vmem>>
    tpu.wait_dma2 semaphore(%dma_wait3A_1600 : memref<!tpu.dma_semaphore, #tpu.memory_space<semaphore_mem>>) src(%dma_wait3A_1607 : memref<32x1024xf32, #tpu.memory_space<vmem>>) dst(%dma_wait3A_1603 : memref<32x1024xf32, #tpu.memory_space<hbm>>)
    %dma_start3A_1608 = arith.constant 1 : i32
    %dma_start3A_1609 = arith.constant 1 : i32
    %dma_start3A_1610 = arith.constant 0 : i32
    %dma_start3A_1611 = arith.constant 0 : i32
    %dma_start3A_1612 = tpu.memref_slice %arg6[%dma_start3A_1608, %dma_start3A_1610, %dma_start3A_1611] : memref<3x32x1024xf32, #tpu.memory_space<vmem>> -> memref<1x32x1024xf32, #tpu.memory_space<vmem>>
    %dma_start3A_1613 = tpu.memref_squeeze %dma_start3A_1612 : memref<1x32x1024xf32, #tpu.memory_space<vmem>> -> memref<32x1024xf32, #tpu.memory_space<vmem>>
    %dma_start3A_1614 = arith.constant 800 : i32
    %dma_start3A_1615 = tpu.memref_slice %arg5[%dma_start3A_1614] : memref<1024xi32, #tpu.memory_space<vmem>> -> memref<32xi32, #tpu.memory_space<vmem>>
    %dma_start3A_1616 = arith.constant 0 : i32
    %dma_start3A_1617 = arith.constant 0 : i32
    %dma_start3A_1618 = tpu.memref_slice %arg2[%dma_start3A_1616, %dma_start3A_1617] : memref<32768x1024xf32, #tpu.memory_space<hbm>> -> memref<32768x1024xf32, #tpu.memory_space<hbm>>
    %dma_start3A_1619 = tpu.memref_slice %arg7[%dma_start3A_1609] : memref<3x!tpu.dma_semaphore, #tpu.memory_space<semaphore_mem>> -> memref<1x!tpu.dma_semaphore, #tpu.memory_space<semaphore_mem>>
    %dma_start3A_1620 = tpu.memref_squeeze %dma_start3A_1619 : memref<1x!tpu.dma_semaphore, #tpu.memory_space<semaphore_mem>> -> memref<!tpu.dma_semaphore, #tpu.memory_space<semaphore_mem>>
    tpu.enqueue_indirect_dma source(%dma_start3A_1618 : memref<32768x1024xf32, #tpu.memory_space<hbm>>) target(%dma_start3A_1613 : memref<32x1024xf32, #tpu.memory_space<vmem>>) offsets(%dma_start3A_1615 : memref<32xi32, #tpu.memory_space<vmem>>) semaphore(%dma_start3A_1620 : memref<!tpu.dma_semaphore, #tpu.memory_space<semaphore_mem>>)
    %dma_wait3A_1621 = arith.constant 0 : i32
    %dma_wait3A_1622 = arith.constant 0 : i32
    %dma_wait3A_1623 = arith.constant 0 : i32
    %dma_wait3A_1624 = arith.constant 0 : i32
    %dma_wait3A_1625 = tpu.memref_slice %arg6[%dma_wait3A_1621, %dma_wait3A_1623, %dma_wait3A_1624] : memref<3x32x1024xf32, #tpu.memory_space<vmem>> -> memref<1x32x1024xf32, #tpu.memory_space<vmem>>
    %dma_wait3A_1626 = tpu.memref_squeeze %dma_wait3A_1625 : memref<1x32x1024xf32, #tpu.memory_space<vmem>> -> memref<32x1024xf32, #tpu.memory_space<vmem>>
    %dma_wait3A_1627 = arith.constant 768 : i32
    %dma_wait3A_1628 = tpu.memref_slice %arg5[%dma_wait3A_1627] : memref<1024xi32, #tpu.memory_space<vmem>> -> memref<32xi32, #tpu.memory_space<vmem>>
    %dma_wait3A_1629 = arith.constant 0 : i32
    %dma_wait3A_1630 = arith.constant 0 : i32
    %dma_wait3A_1631 = tpu.memref_slice %arg2[%dma_wait3A_1629, %dma_wait3A_1630] : memref<32768x1024xf32, #tpu.memory_space<hbm>> -> memref<32768x1024xf32, #tpu.memory_space<hbm>>
    %dma_wait3A_1632 = tpu.memref_slice %arg7[%dma_wait3A_1622] : memref<3x!tpu.dma_semaphore, #tpu.memory_space<semaphore_mem>> -> memref<1x!tpu.dma_semaphore, #tpu.memory_space<semaphore_mem>>
    %dma_wait3A_1633 = tpu.memref_squeeze %dma_wait3A_1632 : memref<1x!tpu.dma_semaphore, #tpu.memory_space<semaphore_mem>> -> memref<!tpu.dma_semaphore, #tpu.memory_space<semaphore_mem>>
    tpu.wait_indirect_dma semaphore(%dma_wait3A_1633 : memref<!tpu.dma_semaphore, #tpu.memory_space<semaphore_mem>>) src(%dma_wait3A_1631 : memref<32768x1024xf32, #tpu.memory_space<hbm>>) dst(%dma_wait3A_1626 : memref<32x1024xf32, #tpu.memory_space<vmem>>)
    %add3A_1634 = arith.constant 768 : i32
    %add3A_1635 = arith.addi %mul3A_32, %add3A_1634 : i32
    %dma_start3A_1636 = arith.constant 0 : i32
    %dma_start3A_1637 = arith.constant 0 : i32
    %dma_start3A_1638 = arith.constant 0 : i32
    %dma_start3A_1639 = arith.constant 0 : i32
    %dma_start3A_1640 = tpu.memref_slice %arg6[%dma_start3A_1636, %dma_start3A_1638, %dma_start3A_1639] : memref<3x32x1024xf32, #tpu.memory_space<vmem>> -> memref<1x32x1024xf32, #tpu.memory_space<vmem>>
    %dma_start3A_1641 = tpu.memref_squeeze %dma_start3A_1640 : memref<1x32x1024xf32, #tpu.memory_space<vmem>> -> memref<32x1024xf32, #tpu.memory_space<vmem>>
    %dma_start3A_1642 = arith.constant 0 : i32
    %dma_start3A_1643 = tpu.memref_slice %arg4[%select_n3A, %add3A_1635, %dma_start3A_1642] : memref<4x8192x1024xf32, #tpu.memory_space<hbm>> -> memref<1x32x1024xf32, #tpu.memory_space<hbm>>
    %dma_start3A_1644 = tpu.memref_squeeze %dma_start3A_1643 : memref<1x32x1024xf32, #tpu.memory_space<hbm>> -> memref<32x1024xf32, #tpu.memory_space<hbm>>
    %dma_start3A_1645 = tpu.memref_slice %arg8[%dma_start3A_1637] : memref<3x!tpu.dma_semaphore, #tpu.memory_space<semaphore_mem>> -> memref<1x!tpu.dma_semaphore, #tpu.memory_space<semaphore_mem>>
    %dma_start3A_1646 = tpu.memref_squeeze %dma_start3A_1645 : memref<1x!tpu.dma_semaphore, #tpu.memory_space<semaphore_mem>> -> memref<!tpu.dma_semaphore, #tpu.memory_space<semaphore_mem>>
    %dma_start3A_1647 = arith.constant 0 : i32
    %dma_start3A_1648 = tpu.memref_slice %arg4[%select_n3A, %add3A_1635, %dma_start3A_1647] : memref<4x8192x1024xf32, #tpu.memory_space<hbm>> -> memref<1x32x1024xf32, #tpu.memory_space<hbm>>
    %dma_start3A_1649 = tpu.memref_squeeze %dma_start3A_1648 : memref<1x32x1024xf32, #tpu.memory_space<hbm>> -> memref<32x1024xf32, #tpu.memory_space<hbm>>
    %dma_start3A_1650 = arith.constant 0 : i32
    %dma_start3A_1651 = arith.constant 0 : i32
    %dma_start3A_1652 = tpu.memref_slice %arg6[%dma_start3A_1636, %dma_start3A_1650, %dma_start3A_1651] : memref<3x32x1024xf32, #tpu.memory_space<vmem>> -> memref<1x32x1024xf32, #tpu.memory_space<vmem>>
    %dma_start3A_1653 = tpu.memref_squeeze %dma_start3A_1652 : memref<1x32x1024xf32, #tpu.memory_space<vmem>> -> memref<32x1024xf32, #tpu.memory_space<vmem>>
    tpu.enqueue_dma source(%dma_start3A_1653 : memref<32x1024xf32, #tpu.memory_space<vmem>>) target(%dma_start3A_1649 : memref<32x1024xf32, #tpu.memory_space<hbm>>) target_semaphore(%dma_start3A_1646 : memref<!tpu.dma_semaphore, #tpu.memory_space<semaphore_mem>>)
    %add3A_1654 = arith.constant 736 : i32
    %add3A_1655 = arith.addi %mul3A_32, %add3A_1654 : i32
    %dma_wait3A_1656 = arith.constant 2 : i32
    %dma_wait3A_1657 = arith.constant 2 : i32
    %dma_wait3A_1658 = arith.constant 0 : i32
    %dma_wait3A_1659 = arith.constant 0 : i32
    %dma_wait3A_1660 = tpu.memref_slice %arg6[%dma_wait3A_1656, %dma_wait3A_1658, %dma_wait3A_1659] : memref<3x32x1024xf32, #tpu.memory_space<vmem>> -> memref<1x32x1024xf32, #tpu.memory_space<vmem>>
    %dma_wait3A_1661 = tpu.memref_squeeze %dma_wait3A_1660 : memref<1x32x1024xf32, #tpu.memory_space<vmem>> -> memref<32x1024xf32, #tpu.memory_space<vmem>>
    %dma_wait3A_1662 = arith.constant 0 : i32
    %dma_wait3A_1663 = tpu.memref_slice %arg4[%select_n3A, %add3A_1655, %dma_wait3A_1662] : memref<4x8192x1024xf32, #tpu.memory_space<hbm>> -> memref<1x32x1024xf32, #tpu.memory_space<hbm>>
    %dma_wait3A_1664 = tpu.memref_squeeze %dma_wait3A_1663 : memref<1x32x1024xf32, #tpu.memory_space<hbm>> -> memref<32x1024xf32, #tpu.memory_space<hbm>>
    %dma_wait3A_1665 = tpu.memref_slice %arg8[%dma_wait3A_1657] : memref<3x!tpu.dma_semaphore, #tpu.memory_space<semaphore_mem>> -> memref<1x!tpu.dma_semaphore, #tpu.memory_space<semaphore_mem>>
    %dma_wait3A_1666 = tpu.memref_squeeze %dma_wait3A_1665 : memref<1x!tpu.dma_semaphore, #tpu.memory_space<semaphore_mem>> -> memref<!tpu.dma_semaphore, #tpu.memory_space<semaphore_mem>>
    %dma_wait3A_1667 = arith.constant 0 : i32
    %dma_wait3A_1668 = tpu.memref_slice %arg4[%select_n3A, %add3A_1655, %dma_wait3A_1667] : memref<4x8192x1024xf32, #tpu.memory_space<hbm>> -> memref<1x32x1024xf32, #tpu.memory_space<hbm>>
    %dma_wait3A_1669 = tpu.memref_squeeze %dma_wait3A_1668 : memref<1x32x1024xf32, #tpu.memory_space<hbm>> -> memref<32x1024xf32, #tpu.memory_space<hbm>>
    %dma_wait3A_1670 = arith.constant 0 : i32
    %dma_wait3A_1671 = arith.constant 0 : i32
    %dma_wait3A_1672 = tpu.memref_slice %arg6[%dma_wait3A_1656, %dma_wait3A_1670, %dma_wait3A_1671] : memref<3x32x1024xf32, #tpu.memory_space<vmem>> -> memref<1x32x1024xf32, #tpu.memory_space<vmem>>
    %dma_wait3A_1673 = tpu.memref_squeeze %dma_wait3A_1672 : memref<1x32x1024xf32, #tpu.memory_space<vmem>> -> memref<32x1024xf32, #tpu.memory_space<vmem>>
    tpu.wait_dma2 semaphore(%dma_wait3A_1666 : memref<!tpu.dma_semaphore, #tpu.memory_space<semaphore_mem>>) src(%dma_wait3A_1673 : memref<32x1024xf32, #tpu.memory_space<vmem>>) dst(%dma_wait3A_1669 : memref<32x1024xf32, #tpu.memory_space<hbm>>)
    %dma_start3A_1674 = arith.constant 2 : i32
    %dma_start3A_1675 = arith.constant 2 : i32
    %dma_start3A_1676 = arith.constant 0 : i32
    %dma_start3A_1677 = arith.constant 0 : i32
    %dma_start3A_1678 = tpu.memref_slice %arg6[%dma_start3A_1674, %dma_start3A_1676, %dma_start3A_1677] : memref<3x32x1024xf32, #tpu.memory_space<vmem>> -> memref<1x32x1024xf32, #tpu.memory_space<vmem>>
    %dma_start3A_1679 = tpu.memref_squeeze %dma_start3A_1678 : memref<1x32x1024xf32, #tpu.memory_space<vmem>> -> memref<32x1024xf32, #tpu.memory_space<vmem>>
    %dma_start3A_1680 = arith.constant 832 : i32
    %dma_start3A_1681 = tpu.memref_slice %arg5[%dma_start3A_1680] : memref<1024xi32, #tpu.memory_space<vmem>> -> memref<32xi32, #tpu.memory_space<vmem>>
    %dma_start3A_1682 = arith.constant 0 : i32
    %dma_start3A_1683 = arith.constant 0 : i32
    %dma_start3A_1684 = tpu.memref_slice %arg2[%dma_start3A_1682, %dma_start3A_1683] : memref<32768x1024xf32, #tpu.memory_space<hbm>> -> memref<32768x1024xf32, #tpu.memory_space<hbm>>
    %dma_start3A_1685 = tpu.memref_slice %arg7[%dma_start3A_1675] : memref<3x!tpu.dma_semaphore, #tpu.memory_space<semaphore_mem>> -> memref<1x!tpu.dma_semaphore, #tpu.memory_space<semaphore_mem>>
    %dma_start3A_1686 = tpu.memref_squeeze %dma_start3A_1685 : memref<1x!tpu.dma_semaphore, #tpu.memory_space<semaphore_mem>> -> memref<!tpu.dma_semaphore, #tpu.memory_space<semaphore_mem>>
    tpu.enqueue_indirect_dma source(%dma_start3A_1684 : memref<32768x1024xf32, #tpu.memory_space<hbm>>) target(%dma_start3A_1679 : memref<32x1024xf32, #tpu.memory_space<vmem>>) offsets(%dma_start3A_1681 : memref<32xi32, #tpu.memory_space<vmem>>) semaphore(%dma_start3A_1686 : memref<!tpu.dma_semaphore, #tpu.memory_space<semaphore_mem>>)
    %dma_wait3A_1687 = arith.constant 1 : i32
    %dma_wait3A_1688 = arith.constant 1 : i32
    %dma_wait3A_1689 = arith.constant 0 : i32
    %dma_wait3A_1690 = arith.constant 0 : i32
    %dma_wait3A_1691 = tpu.memref_slice %arg6[%dma_wait3A_1687, %dma_wait3A_1689, %dma_wait3A_1690] : memref<3x32x1024xf32, #tpu.memory_space<vmem>> -> memref<1x32x1024xf32, #tpu.memory_space<vmem>>
    %dma_wait3A_1692 = tpu.memref_squeeze %dma_wait3A_1691 : memref<1x32x1024xf32, #tpu.memory_space<vmem>> -> memref<32x1024xf32, #tpu.memory_space<vmem>>
    %dma_wait3A_1693 = arith.constant 800 : i32
    %dma_wait3A_1694 = tpu.memref_slice %arg5[%dma_wait3A_1693] : memref<1024xi32, #tpu.memory_space<vmem>> -> memref<32xi32, #tpu.memory_space<vmem>>
    %dma_wait3A_1695 = arith.constant 0 : i32
    %dma_wait3A_1696 = arith.constant 0 : i32
    %dma_wait3A_1697 = tpu.memref_slice %arg2[%dma_wait3A_1695, %dma_wait3A_1696] : memref<32768x1024xf32, #tpu.memory_space<hbm>> -> memref<32768x1024xf32, #tpu.memory_space<hbm>>
    %dma_wait3A_1698 = tpu.memref_slice %arg7[%dma_wait3A_1688] : memref<3x!tpu.dma_semaphore, #tpu.memory_space<semaphore_mem>> -> memref<1x!tpu.dma_semaphore, #tpu.memory_space<semaphore_mem>>
    %dma_wait3A_1699 = tpu.memref_squeeze %dma_wait3A_1698 : memref<1x!tpu.dma_semaphore, #tpu.memory_space<semaphore_mem>> -> memref<!tpu.dma_semaphore, #tpu.memory_space<semaphore_mem>>
    tpu.wait_indirect_dma semaphore(%dma_wait3A_1699 : memref<!tpu.dma_semaphore, #tpu.memory_space<semaphore_mem>>) src(%dma_wait3A_1697 : memref<32768x1024xf32, #tpu.memory_space<hbm>>) dst(%dma_wait3A_1692 : memref<32x1024xf32, #tpu.memory_space<vmem>>)
    %add3A_1700 = arith.constant 800 : i32
    %add3A_1701 = arith.addi %mul3A_32, %add3A_1700 : i32
    %dma_start3A_1702 = arith.constant 1 : i32
    %dma_start3A_1703 = arith.constant 1 : i32
    %dma_start3A_1704 = arith.constant 0 : i32
    %dma_start3A_1705 = arith.constant 0 : i32
    %dma_start3A_1706 = tpu.memref_slice %arg6[%dma_start3A_1702, %dma_start3A_1704, %dma_start3A_1705] : memref<3x32x1024xf32, #tpu.memory_space<vmem>> -> memref<1x32x1024xf32, #tpu.memory_space<vmem>>
    %dma_start3A_1707 = tpu.memref_squeeze %dma_start3A_1706 : memref<1x32x1024xf32, #tpu.memory_space<vmem>> -> memref<32x1024xf32, #tpu.memory_space<vmem>>
    %dma_start3A_1708 = arith.constant 0 : i32
    %dma_start3A_1709 = tpu.memref_slice %arg4[%select_n3A, %add3A_1701, %dma_start3A_1708] : memref<4x8192x1024xf32, #tpu.memory_space<hbm>> -> memref<1x32x1024xf32, #tpu.memory_space<hbm>>
    %dma_start3A_1710 = tpu.memref_squeeze %dma_start3A_1709 : memref<1x32x1024xf32, #tpu.memory_space<hbm>> -> memref<32x1024xf32, #tpu.memory_space<hbm>>
    %dma_start3A_1711 = tpu.memref_slice %arg8[%dma_start3A_1703] : memref<3x!tpu.dma_semaphore, #tpu.memory_space<semaphore_mem>> -> memref<1x!tpu.dma_semaphore, #tpu.memory_space<semaphore_mem>>
    %dma_start3A_1712 = tpu.memref_squeeze %dma_start3A_1711 : memref<1x!tpu.dma_semaphore, #tpu.memory_space<semaphore_mem>> -> memref<!tpu.dma_semaphore, #tpu.memory_space<semaphore_mem>>
    %dma_start3A_1713 = arith.constant 0 : i32
    %dma_start3A_1714 = tpu.memref_slice %arg4[%select_n3A, %add3A_1701, %dma_start3A_1713] : memref<4x8192x1024xf32, #tpu.memory_space<hbm>> -> memref<1x32x1024xf32, #tpu.memory_space<hbm>>
    %dma_start3A_1715 = tpu.memref_squeeze %dma_start3A_1714 : memref<1x32x1024xf32, #tpu.memory_space<hbm>> -> memref<32x1024xf32, #tpu.memory_space<hbm>>
    %dma_start3A_1716 = arith.constant 0 : i32
    %dma_start3A_1717 = arith.constant 0 : i32
    %dma_start3A_1718 = tpu.memref_slice %arg6[%dma_start3A_1702, %dma_start3A_1716, %dma_start3A_1717] : memref<3x32x1024xf32, #tpu.memory_space<vmem>> -> memref<1x32x1024xf32, #tpu.memory_space<vmem>>
    %dma_start3A_1719 = tpu.memref_squeeze %dma_start3A_1718 : memref<1x32x1024xf32, #tpu.memory_space<vmem>> -> memref<32x1024xf32, #tpu.memory_space<vmem>>
    tpu.enqueue_dma source(%dma_start3A_1719 : memref<32x1024xf32, #tpu.memory_space<vmem>>) target(%dma_start3A_1715 : memref<32x1024xf32, #tpu.memory_space<hbm>>) target_semaphore(%dma_start3A_1712 : memref<!tpu.dma_semaphore, #tpu.memory_space<semaphore_mem>>)
    %add3A_1720 = arith.constant 768 : i32
    %add3A_1721 = arith.addi %mul3A_32, %add3A_1720 : i32
    %dma_wait3A_1722 = arith.constant 0 : i32
    %dma_wait3A_1723 = arith.constant 0 : i32
    %dma_wait3A_1724 = arith.constant 0 : i32
    %dma_wait3A_1725 = arith.constant 0 : i32
    %dma_wait3A_1726 = tpu.memref_slice %arg6[%dma_wait3A_1722, %dma_wait3A_1724, %dma_wait3A_1725] : memref<3x32x1024xf32, #tpu.memory_space<vmem>> -> memref<1x32x1024xf32, #tpu.memory_space<vmem>>
    %dma_wait3A_1727 = tpu.memref_squeeze %dma_wait3A_1726 : memref<1x32x1024xf32, #tpu.memory_space<vmem>> -> memref<32x1024xf32, #tpu.memory_space<vmem>>
    %dma_wait3A_1728 = arith.constant 0 : i32
    %dma_wait3A_1729 = tpu.memref_slice %arg4[%select_n3A, %add3A_1721, %dma_wait3A_1728] : memref<4x8192x1024xf32, #tpu.memory_space<hbm>> -> memref<1x32x1024xf32, #tpu.memory_space<hbm>>
    %dma_wait3A_1730 = tpu.memref_squeeze %dma_wait3A_1729 : memref<1x32x1024xf32, #tpu.memory_space<hbm>> -> memref<32x1024xf32, #tpu.memory_space<hbm>>
    %dma_wait3A_1731 = tpu.memref_slice %arg8[%dma_wait3A_1723] : memref<3x!tpu.dma_semaphore, #tpu.memory_space<semaphore_mem>> -> memref<1x!tpu.dma_semaphore, #tpu.memory_space<semaphore_mem>>
    %dma_wait3A_1732 = tpu.memref_squeeze %dma_wait3A_1731 : memref<1x!tpu.dma_semaphore, #tpu.memory_space<semaphore_mem>> -> memref<!tpu.dma_semaphore, #tpu.memory_space<semaphore_mem>>
    %dma_wait3A_1733 = arith.constant 0 : i32
    %dma_wait3A_1734 = tpu.memref_slice %arg4[%select_n3A, %add3A_1721, %dma_wait3A_1733] : memref<4x8192x1024xf32, #tpu.memory_space<hbm>> -> memref<1x32x1024xf32, #tpu.memory_space<hbm>>
    %dma_wait3A_1735 = tpu.memref_squeeze %dma_wait3A_1734 : memref<1x32x1024xf32, #tpu.memory_space<hbm>> -> memref<32x1024xf32, #tpu.memory_space<hbm>>
    %dma_wait3A_1736 = arith.constant 0 : i32
    %dma_wait3A_1737 = arith.constant 0 : i32
    %dma_wait3A_1738 = tpu.memref_slice %arg6[%dma_wait3A_1722, %dma_wait3A_1736, %dma_wait3A_1737] : memref<3x32x1024xf32, #tpu.memory_space<vmem>> -> memref<1x32x1024xf32, #tpu.memory_space<vmem>>
    %dma_wait3A_1739 = tpu.memref_squeeze %dma_wait3A_1738 : memref<1x32x1024xf32, #tpu.memory_space<vmem>> -> memref<32x1024xf32, #tpu.memory_space<vmem>>
    tpu.wait_dma2 semaphore(%dma_wait3A_1732 : memref<!tpu.dma_semaphore, #tpu.memory_space<semaphore_mem>>) src(%dma_wait3A_1739 : memref<32x1024xf32, #tpu.memory_space<vmem>>) dst(%dma_wait3A_1735 : memref<32x1024xf32, #tpu.memory_space<hbm>>)
    %dma_start3A_1740 = arith.constant 0 : i32
    %dma_start3A_1741 = arith.constant 0 : i32
    %dma_start3A_1742 = arith.constant 0 : i32
    %dma_start3A_1743 = arith.constant 0 : i32
    %dma_start3A_1744 = tpu.memref_slice %arg6[%dma_start3A_1740, %dma_start3A_1742, %dma_start3A_1743] : memref<3x32x1024xf32, #tpu.memory_space<vmem>> -> memref<1x32x1024xf32, #tpu.memory_space<vmem>>
    %dma_start3A_1745 = tpu.memref_squeeze %dma_start3A_1744 : memref<1x32x1024xf32, #tpu.memory_space<vmem>> -> memref<32x1024xf32, #tpu.memory_space<vmem>>
    %dma_start3A_1746 = arith.constant 864 : i32
    %dma_start3A_1747 = tpu.memref_slice %arg5[%dma_start3A_1746] : memref<1024xi32, #tpu.memory_space<vmem>> -> memref<32xi32, #tpu.memory_space<vmem>>
    %dma_start3A_1748 = arith.constant 0 : i32
    %dma_start3A_1749 = arith.constant 0 : i32
    %dma_start3A_1750 = tpu.memref_slice %arg2[%dma_start3A_1748, %dma_start3A_1749] : memref<32768x1024xf32, #tpu.memory_space<hbm>> -> memref<32768x1024xf32, #tpu.memory_space<hbm>>
    %dma_start3A_1751 = tpu.memref_slice %arg7[%dma_start3A_1741] : memref<3x!tpu.dma_semaphore, #tpu.memory_space<semaphore_mem>> -> memref<1x!tpu.dma_semaphore, #tpu.memory_space<semaphore_mem>>
    %dma_start3A_1752 = tpu.memref_squeeze %dma_start3A_1751 : memref<1x!tpu.dma_semaphore, #tpu.memory_space<semaphore_mem>> -> memref<!tpu.dma_semaphore, #tpu.memory_space<semaphore_mem>>
    tpu.enqueue_indirect_dma source(%dma_start3A_1750 : memref<32768x1024xf32, #tpu.memory_space<hbm>>) target(%dma_start3A_1745 : memref<32x1024xf32, #tpu.memory_space<vmem>>) offsets(%dma_start3A_1747 : memref<32xi32, #tpu.memory_space<vmem>>) semaphore(%dma_start3A_1752 : memref<!tpu.dma_semaphore, #tpu.memory_space<semaphore_mem>>)
    %dma_wait3A_1753 = arith.constant 2 : i32
    %dma_wait3A_1754 = arith.constant 2 : i32
    %dma_wait3A_1755 = arith.constant 0 : i32
    %dma_wait3A_1756 = arith.constant 0 : i32
    %dma_wait3A_1757 = tpu.memref_slice %arg6[%dma_wait3A_1753, %dma_wait3A_1755, %dma_wait3A_1756] : memref<3x32x1024xf32, #tpu.memory_space<vmem>> -> memref<1x32x1024xf32, #tpu.memory_space<vmem>>
    %dma_wait3A_1758 = tpu.memref_squeeze %dma_wait3A_1757 : memref<1x32x1024xf32, #tpu.memory_space<vmem>> -> memref<32x1024xf32, #tpu.memory_space<vmem>>
    %dma_wait3A_1759 = arith.constant 832 : i32
    %dma_wait3A_1760 = tpu.memref_slice %arg5[%dma_wait3A_1759] : memref<1024xi32, #tpu.memory_space<vmem>> -> memref<32xi32, #tpu.memory_space<vmem>>
    %dma_wait3A_1761 = arith.constant 0 : i32
    %dma_wait3A_1762 = arith.constant 0 : i32
    %dma_wait3A_1763 = tpu.memref_slice %arg2[%dma_wait3A_1761, %dma_wait3A_1762] : memref<32768x1024xf32, #tpu.memory_space<hbm>> -> memref<32768x1024xf32, #tpu.memory_space<hbm>>
    %dma_wait3A_1764 = tpu.memref_slice %arg7[%dma_wait3A_1754] : memref<3x!tpu.dma_semaphore, #tpu.memory_space<semaphore_mem>> -> memref<1x!tpu.dma_semaphore, #tpu.memory_space<semaphore_mem>>
    %dma_wait3A_1765 = tpu.memref_squeeze %dma_wait3A_1764 : memref<1x!tpu.dma_semaphore, #tpu.memory_space<semaphore_mem>> -> memref<!tpu.dma_semaphore, #tpu.memory_space<semaphore_mem>>
    tpu.wait_indirect_dma semaphore(%dma_wait3A_1765 : memref<!tpu.dma_semaphore, #tpu.memory_space<semaphore_mem>>) src(%dma_wait3A_1763 : memref<32768x1024xf32, #tpu.memory_space<hbm>>) dst(%dma_wait3A_1758 : memref<32x1024xf32, #tpu.memory_space<vmem>>)
    %add3A_1766 = arith.constant 832 : i32
    %add3A_1767 = arith.addi %mul3A_32, %add3A_1766 : i32
    %dma_start3A_1768 = arith.constant 2 : i32
    %dma_start3A_1769 = arith.constant 2 : i32
    %dma_start3A_1770 = arith.constant 0 : i32
    %dma_start3A_1771 = arith.constant 0 : i32
    %dma_start3A_1772 = tpu.memref_slice %arg6[%dma_start3A_1768, %dma_start3A_1770, %dma_start3A_1771] : memref<3x32x1024xf32, #tpu.memory_space<vmem>> -> memref<1x32x1024xf32, #tpu.memory_space<vmem>>
    %dma_start3A_1773 = tpu.memref_squeeze %dma_start3A_1772 : memref<1x32x1024xf32, #tpu.memory_space<vmem>> -> memref<32x1024xf32, #tpu.memory_space<vmem>>
    %dma_start3A_1774 = arith.constant 0 : i32
    %dma_start3A_1775 = tpu.memref_slice %arg4[%select_n3A, %add3A_1767, %dma_start3A_1774] : memref<4x8192x1024xf32, #tpu.memory_space<hbm>> -> memref<1x32x1024xf32, #tpu.memory_space<hbm>>
    %dma_start3A_1776 = tpu.memref_squeeze %dma_start3A_1775 : memref<1x32x1024xf32, #tpu.memory_space<hbm>> -> memref<32x1024xf32, #tpu.memory_space<hbm>>
    %dma_start3A_1777 = tpu.memref_slice %arg8[%dma_start3A_1769] : memref<3x!tpu.dma_semaphore, #tpu.memory_space<semaphore_mem>> -> memref<1x!tpu.dma_semaphore, #tpu.memory_space<semaphore_mem>>
    %dma_start3A_1778 = tpu.memref_squeeze %dma_start3A_1777 : memref<1x!tpu.dma_semaphore, #tpu.memory_space<semaphore_mem>> -> memref<!tpu.dma_semaphore, #tpu.memory_space<semaphore_mem>>
    %dma_start3A_1779 = arith.constant 0 : i32
    %dma_start3A_1780 = tpu.memref_slice %arg4[%select_n3A, %add3A_1767, %dma_start3A_1779] : memref<4x8192x1024xf32, #tpu.memory_space<hbm>> -> memref<1x32x1024xf32, #tpu.memory_space<hbm>>
    %dma_start3A_1781 = tpu.memref_squeeze %dma_start3A_1780 : memref<1x32x1024xf32, #tpu.memory_space<hbm>> -> memref<32x1024xf32, #tpu.memory_space<hbm>>
    %dma_start3A_1782 = arith.constant 0 : i32
    %dma_start3A_1783 = arith.constant 0 : i32
    %dma_start3A_1784 = tpu.memref_slice %arg6[%dma_start3A_1768, %dma_start3A_1782, %dma_start3A_1783] : memref<3x32x1024xf32, #tpu.memory_space<vmem>> -> memref<1x32x1024xf32, #tpu.memory_space<vmem>>
    %dma_start3A_1785 = tpu.memref_squeeze %dma_start3A_1784 : memref<1x32x1024xf32, #tpu.memory_space<vmem>> -> memref<32x1024xf32, #tpu.memory_space<vmem>>
    tpu.enqueue_dma source(%dma_start3A_1785 : memref<32x1024xf32, #tpu.memory_space<vmem>>) target(%dma_start3A_1781 : memref<32x1024xf32, #tpu.memory_space<hbm>>) target_semaphore(%dma_start3A_1778 : memref<!tpu.dma_semaphore, #tpu.memory_space<semaphore_mem>>)
    %add3A_1786 = arith.constant 800 : i32
    %add3A_1787 = arith.addi %mul3A_32, %add3A_1786 : i32
    %dma_wait3A_1788 = arith.constant 1 : i32
    %dma_wait3A_1789 = arith.constant 1 : i32
    %dma_wait3A_1790 = arith.constant 0 : i32
    %dma_wait3A_1791 = arith.constant 0 : i32
    %dma_wait3A_1792 = tpu.memref_slice %arg6[%dma_wait3A_1788, %dma_wait3A_1790, %dma_wait3A_1791] : memref<3x32x1024xf32, #tpu.memory_space<vmem>> -> memref<1x32x1024xf32, #tpu.memory_space<vmem>>
    %dma_wait3A_1793 = tpu.memref_squeeze %dma_wait3A_1792 : memref<1x32x1024xf32, #tpu.memory_space<vmem>> -> memref<32x1024xf32, #tpu.memory_space<vmem>>
    %dma_wait3A_1794 = arith.constant 0 : i32
    %dma_wait3A_1795 = tpu.memref_slice %arg4[%select_n3A, %add3A_1787, %dma_wait3A_1794] : memref<4x8192x1024xf32, #tpu.memory_space<hbm>> -> memref<1x32x1024xf32, #tpu.memory_space<hbm>>
    %dma_wait3A_1796 = tpu.memref_squeeze %dma_wait3A_1795 : memref<1x32x1024xf32, #tpu.memory_space<hbm>> -> memref<32x1024xf32, #tpu.memory_space<hbm>>
    %dma_wait3A_1797 = tpu.memref_slice %arg8[%dma_wait3A_1789] : memref<3x!tpu.dma_semaphore, #tpu.memory_space<semaphore_mem>> -> memref<1x!tpu.dma_semaphore, #tpu.memory_space<semaphore_mem>>
    %dma_wait3A_1798 = tpu.memref_squeeze %dma_wait3A_1797 : memref<1x!tpu.dma_semaphore, #tpu.memory_space<semaphore_mem>> -> memref<!tpu.dma_semaphore, #tpu.memory_space<semaphore_mem>>
    %dma_wait3A_1799 = arith.constant 0 : i32
    %dma_wait3A_1800 = tpu.memref_slice %arg4[%select_n3A, %add3A_1787, %dma_wait3A_1799] : memref<4x8192x1024xf32, #tpu.memory_space<hbm>> -> memref<1x32x1024xf32, #tpu.memory_space<hbm>>
    %dma_wait3A_1801 = tpu.memref_squeeze %dma_wait3A_1800 : memref<1x32x1024xf32, #tpu.memory_space<hbm>> -> memref<32x1024xf32, #tpu.memory_space<hbm>>
    %dma_wait3A_1802 = arith.constant 0 : i32
    %dma_wait3A_1803 = arith.constant 0 : i32
    %dma_wait3A_1804 = tpu.memref_slice %arg6[%dma_wait3A_1788, %dma_wait3A_1802, %dma_wait3A_1803] : memref<3x32x1024xf32, #tpu.memory_space<vmem>> -> memref<1x32x1024xf32, #tpu.memory_space<vmem>>
    %dma_wait3A_1805 = tpu.memref_squeeze %dma_wait3A_1804 : memref<1x32x1024xf32, #tpu.memory_space<vmem>> -> memref<32x1024xf32, #tpu.memory_space<vmem>>
    tpu.wait_dma2 semaphore(%dma_wait3A_1798 : memref<!tpu.dma_semaphore, #tpu.memory_space<semaphore_mem>>) src(%dma_wait3A_1805 : memref<32x1024xf32, #tpu.memory_space<vmem>>) dst(%dma_wait3A_1801 : memref<32x1024xf32, #tpu.memory_space<hbm>>)
    %dma_start3A_1806 = arith.constant 1 : i32
    %dma_start3A_1807 = arith.constant 1 : i32
    %dma_start3A_1808 = arith.constant 0 : i32
    %dma_start3A_1809 = arith.constant 0 : i32
    %dma_start3A_1810 = tpu.memref_slice %arg6[%dma_start3A_1806, %dma_start3A_1808, %dma_start3A_1809] : memref<3x32x1024xf32, #tpu.memory_space<vmem>> -> memref<1x32x1024xf32, #tpu.memory_space<vmem>>
    %dma_start3A_1811 = tpu.memref_squeeze %dma_start3A_1810 : memref<1x32x1024xf32, #tpu.memory_space<vmem>> -> memref<32x1024xf32, #tpu.memory_space<vmem>>
    %dma_start3A_1812 = arith.constant 896 : i32
    %dma_start3A_1813 = tpu.memref_slice %arg5[%dma_start3A_1812] : memref<1024xi32, #tpu.memory_space<vmem>> -> memref<32xi32, #tpu.memory_space<vmem>>
    %dma_start3A_1814 = arith.constant 0 : i32
    %dma_start3A_1815 = arith.constant 0 : i32
    %dma_start3A_1816 = tpu.memref_slice %arg2[%dma_start3A_1814, %dma_start3A_1815] : memref<32768x1024xf32, #tpu.memory_space<hbm>> -> memref<32768x1024xf32, #tpu.memory_space<hbm>>
    %dma_start3A_1817 = tpu.memref_slice %arg7[%dma_start3A_1807] : memref<3x!tpu.dma_semaphore, #tpu.memory_space<semaphore_mem>> -> memref<1x!tpu.dma_semaphore, #tpu.memory_space<semaphore_mem>>
    %dma_start3A_1818 = tpu.memref_squeeze %dma_start3A_1817 : memref<1x!tpu.dma_semaphore, #tpu.memory_space<semaphore_mem>> -> memref<!tpu.dma_semaphore, #tpu.memory_space<semaphore_mem>>
    tpu.enqueue_indirect_dma source(%dma_start3A_1816 : memref<32768x1024xf32, #tpu.memory_space<hbm>>) target(%dma_start3A_1811 : memref<32x1024xf32, #tpu.memory_space<vmem>>) offsets(%dma_start3A_1813 : memref<32xi32, #tpu.memory_space<vmem>>) semaphore(%dma_start3A_1818 : memref<!tpu.dma_semaphore, #tpu.memory_space<semaphore_mem>>)
    %dma_wait3A_1819 = arith.constant 0 : i32
    %dma_wait3A_1820 = arith.constant 0 : i32
    %dma_wait3A_1821 = arith.constant 0 : i32
    %dma_wait3A_1822 = arith.constant 0 : i32
    %dma_wait3A_1823 = tpu.memref_slice %arg6[%dma_wait3A_1819, %dma_wait3A_1821, %dma_wait3A_1822] : memref<3x32x1024xf32, #tpu.memory_space<vmem>> -> memref<1x32x1024xf32, #tpu.memory_space<vmem>>
    %dma_wait3A_1824 = tpu.memref_squeeze %dma_wait3A_1823 : memref<1x32x1024xf32, #tpu.memory_space<vmem>> -> memref<32x1024xf32, #tpu.memory_space<vmem>>
    %dma_wait3A_1825 = arith.constant 864 : i32
    %dma_wait3A_1826 = tpu.memref_slice %arg5[%dma_wait3A_1825] : memref<1024xi32, #tpu.memory_space<vmem>> -> memref<32xi32, #tpu.memory_space<vmem>>
    %dma_wait3A_1827 = arith.constant 0 : i32
    %dma_wait3A_1828 = arith.constant 0 : i32
    %dma_wait3A_1829 = tpu.memref_slice %arg2[%dma_wait3A_1827, %dma_wait3A_1828] : memref<32768x1024xf32, #tpu.memory_space<hbm>> -> memref<32768x1024xf32, #tpu.memory_space<hbm>>
    %dma_wait3A_1830 = tpu.memref_slice %arg7[%dma_wait3A_1820] : memref<3x!tpu.dma_semaphore, #tpu.memory_space<semaphore_mem>> -> memref<1x!tpu.dma_semaphore, #tpu.memory_space<semaphore_mem>>
    %dma_wait3A_1831 = tpu.memref_squeeze %dma_wait3A_1830 : memref<1x!tpu.dma_semaphore, #tpu.memory_space<semaphore_mem>> -> memref<!tpu.dma_semaphore, #tpu.memory_space<semaphore_mem>>
    tpu.wait_indirect_dma semaphore(%dma_wait3A_1831 : memref<!tpu.dma_semaphore, #tpu.memory_space<semaphore_mem>>) src(%dma_wait3A_1829 : memref<32768x1024xf32, #tpu.memory_space<hbm>>) dst(%dma_wait3A_1824 : memref<32x1024xf32, #tpu.memory_space<vmem>>)
    %add3A_1832 = arith.constant 864 : i32
    %add3A_1833 = arith.addi %mul3A_32, %add3A_1832 : i32
    %dma_start3A_1834 = arith.constant 0 : i32
    %dma_start3A_1835 = arith.constant 0 : i32
    %dma_start3A_1836 = arith.constant 0 : i32
    %dma_start3A_1837 = arith.constant 0 : i32
    %dma_start3A_1838 = tpu.memref_slice %arg6[%dma_start3A_1834, %dma_start3A_1836, %dma_start3A_1837] : memref<3x32x1024xf32, #tpu.memory_space<vmem>> -> memref<1x32x1024xf32, #tpu.memory_space<vmem>>
    %dma_start3A_1839 = tpu.memref_squeeze %dma_start3A_1838 : memref<1x32x1024xf32, #tpu.memory_space<vmem>> -> memref<32x1024xf32, #tpu.memory_space<vmem>>
    %dma_start3A_1840 = arith.constant 0 : i32
    %dma_start3A_1841 = tpu.memref_slice %arg4[%select_n3A, %add3A_1833, %dma_start3A_1840] : memref<4x8192x1024xf32, #tpu.memory_space<hbm>> -> memref<1x32x1024xf32, #tpu.memory_space<hbm>>
    %dma_start3A_1842 = tpu.memref_squeeze %dma_start3A_1841 : memref<1x32x1024xf32, #tpu.memory_space<hbm>> -> memref<32x1024xf32, #tpu.memory_space<hbm>>
    %dma_start3A_1843 = tpu.memref_slice %arg8[%dma_start3A_1835] : memref<3x!tpu.dma_semaphore, #tpu.memory_space<semaphore_mem>> -> memref<1x!tpu.dma_semaphore, #tpu.memory_space<semaphore_mem>>
    %dma_start3A_1844 = tpu.memref_squeeze %dma_start3A_1843 : memref<1x!tpu.dma_semaphore, #tpu.memory_space<semaphore_mem>> -> memref<!tpu.dma_semaphore, #tpu.memory_space<semaphore_mem>>
    %dma_start3A_1845 = arith.constant 0 : i32
    %dma_start3A_1846 = tpu.memref_slice %arg4[%select_n3A, %add3A_1833, %dma_start3A_1845] : memref<4x8192x1024xf32, #tpu.memory_space<hbm>> -> memref<1x32x1024xf32, #tpu.memory_space<hbm>>
    %dma_start3A_1847 = tpu.memref_squeeze %dma_start3A_1846 : memref<1x32x1024xf32, #tpu.memory_space<hbm>> -> memref<32x1024xf32, #tpu.memory_space<hbm>>
    %dma_start3A_1848 = arith.constant 0 : i32
    %dma_start3A_1849 = arith.constant 0 : i32
    %dma_start3A_1850 = tpu.memref_slice %arg6[%dma_start3A_1834, %dma_start3A_1848, %dma_start3A_1849] : memref<3x32x1024xf32, #tpu.memory_space<vmem>> -> memref<1x32x1024xf32, #tpu.memory_space<vmem>>
    %dma_start3A_1851 = tpu.memref_squeeze %dma_start3A_1850 : memref<1x32x1024xf32, #tpu.memory_space<vmem>> -> memref<32x1024xf32, #tpu.memory_space<vmem>>
    tpu.enqueue_dma source(%dma_start3A_1851 : memref<32x1024xf32, #tpu.memory_space<vmem>>) target(%dma_start3A_1847 : memref<32x1024xf32, #tpu.memory_space<hbm>>) target_semaphore(%dma_start3A_1844 : memref<!tpu.dma_semaphore, #tpu.memory_space<semaphore_mem>>)
    %add3A_1852 = arith.constant 832 : i32
    %add3A_1853 = arith.addi %mul3A_32, %add3A_1852 : i32
    %dma_wait3A_1854 = arith.constant 2 : i32
    %dma_wait3A_1855 = arith.constant 2 : i32
    %dma_wait3A_1856 = arith.constant 0 : i32
    %dma_wait3A_1857 = arith.constant 0 : i32
    %dma_wait3A_1858 = tpu.memref_slice %arg6[%dma_wait3A_1854, %dma_wait3A_1856, %dma_wait3A_1857] : memref<3x32x1024xf32, #tpu.memory_space<vmem>> -> memref<1x32x1024xf32, #tpu.memory_space<vmem>>
    %dma_wait3A_1859 = tpu.memref_squeeze %dma_wait3A_1858 : memref<1x32x1024xf32, #tpu.memory_space<vmem>> -> memref<32x1024xf32, #tpu.memory_space<vmem>>
    %dma_wait3A_1860 = arith.constant 0 : i32
    %dma_wait3A_1861 = tpu.memref_slice %arg4[%select_n3A, %add3A_1853, %dma_wait3A_1860] : memref<4x8192x1024xf32, #tpu.memory_space<hbm>> -> memref<1x32x1024xf32, #tpu.memory_space<hbm>>
    %dma_wait3A_1862 = tpu.memref_squeeze %dma_wait3A_1861 : memref<1x32x1024xf32, #tpu.memory_space<hbm>> -> memref<32x1024xf32, #tpu.memory_space<hbm>>
    %dma_wait3A_1863 = tpu.memref_slice %arg8[%dma_wait3A_1855] : memref<3x!tpu.dma_semaphore, #tpu.memory_space<semaphore_mem>> -> memref<1x!tpu.dma_semaphore, #tpu.memory_space<semaphore_mem>>
    %dma_wait3A_1864 = tpu.memref_squeeze %dma_wait3A_1863 : memref<1x!tpu.dma_semaphore, #tpu.memory_space<semaphore_mem>> -> memref<!tpu.dma_semaphore, #tpu.memory_space<semaphore_mem>>
    %dma_wait3A_1865 = arith.constant 0 : i32
    %dma_wait3A_1866 = tpu.memref_slice %arg4[%select_n3A, %add3A_1853, %dma_wait3A_1865] : memref<4x8192x1024xf32, #tpu.memory_space<hbm>> -> memref<1x32x1024xf32, #tpu.memory_space<hbm>>
    %dma_wait3A_1867 = tpu.memref_squeeze %dma_wait3A_1866 : memref<1x32x1024xf32, #tpu.memory_space<hbm>> -> memref<32x1024xf32, #tpu.memory_space<hbm>>
    %dma_wait3A_1868 = arith.constant 0 : i32
    %dma_wait3A_1869 = arith.constant 0 : i32
    %dma_wait3A_1870 = tpu.memref_slice %arg6[%dma_wait3A_1854, %dma_wait3A_1868, %dma_wait3A_1869] : memref<3x32x1024xf32, #tpu.memory_space<vmem>> -> memref<1x32x1024xf32, #tpu.memory_space<vmem>>
    %dma_wait3A_1871 = tpu.memref_squeeze %dma_wait3A_1870 : memref<1x32x1024xf32, #tpu.memory_space<vmem>> -> memref<32x1024xf32, #tpu.memory_space<vmem>>
    tpu.wait_dma2 semaphore(%dma_wait3A_1864 : memref<!tpu.dma_semaphore, #tpu.memory_space<semaphore_mem>>) src(%dma_wait3A_1871 : memref<32x1024xf32, #tpu.memory_space<vmem>>) dst(%dma_wait3A_1867 : memref<32x1024xf32, #tpu.memory_space<hbm>>)
    %dma_start3A_1872 = arith.constant 2 : i32
    %dma_start3A_1873 = arith.constant 2 : i32
    %dma_start3A_1874 = arith.constant 0 : i32
    %dma_start3A_1875 = arith.constant 0 : i32
    %dma_start3A_1876 = tpu.memref_slice %arg6[%dma_start3A_1872, %dma_start3A_1874, %dma_start3A_1875] : memref<3x32x1024xf32, #tpu.memory_space<vmem>> -> memref<1x32x1024xf32, #tpu.memory_space<vmem>>
    %dma_start3A_1877 = tpu.memref_squeeze %dma_start3A_1876 : memref<1x32x1024xf32, #tpu.memory_space<vmem>> -> memref<32x1024xf32, #tpu.memory_space<vmem>>
    %dma_start3A_1878 = arith.constant 928 : i32
    %dma_start3A_1879 = tpu.memref_slice %arg5[%dma_start3A_1878] : memref<1024xi32, #tpu.memory_space<vmem>> -> memref<32xi32, #tpu.memory_space<vmem>>
    %dma_start3A_1880 = arith.constant 0 : i32
    %dma_start3A_1881 = arith.constant 0 : i32
    %dma_start3A_1882 = tpu.memref_slice %arg2[%dma_start3A_1880, %dma_start3A_1881] : memref<32768x1024xf32, #tpu.memory_space<hbm>> -> memref<32768x1024xf32, #tpu.memory_space<hbm>>
    %dma_start3A_1883 = tpu.memref_slice %arg7[%dma_start3A_1873] : memref<3x!tpu.dma_semaphore, #tpu.memory_space<semaphore_mem>> -> memref<1x!tpu.dma_semaphore, #tpu.memory_space<semaphore_mem>>
    %dma_start3A_1884 = tpu.memref_squeeze %dma_start3A_1883 : memref<1x!tpu.dma_semaphore, #tpu.memory_space<semaphore_mem>> -> memref<!tpu.dma_semaphore, #tpu.memory_space<semaphore_mem>>
    tpu.enqueue_indirect_dma source(%dma_start3A_1882 : memref<32768x1024xf32, #tpu.memory_space<hbm>>) target(%dma_start3A_1877 : memref<32x1024xf32, #tpu.memory_space<vmem>>) offsets(%dma_start3A_1879 : memref<32xi32, #tpu.memory_space<vmem>>) semaphore(%dma_start3A_1884 : memref<!tpu.dma_semaphore, #tpu.memory_space<semaphore_mem>>)
    %dma_wait3A_1885 = arith.constant 1 : i32
    %dma_wait3A_1886 = arith.constant 1 : i32
    %dma_wait3A_1887 = arith.constant 0 : i32
    %dma_wait3A_1888 = arith.constant 0 : i32
    %dma_wait3A_1889 = tpu.memref_slice %arg6[%dma_wait3A_1885, %dma_wait3A_1887, %dma_wait3A_1888] : memref<3x32x1024xf32, #tpu.memory_space<vmem>> -> memref<1x32x1024xf32, #tpu.memory_space<vmem>>
    %dma_wait3A_1890 = tpu.memref_squeeze %dma_wait3A_1889 : memref<1x32x1024xf32, #tpu.memory_space<vmem>> -> memref<32x1024xf32, #tpu.memory_space<vmem>>
    %dma_wait3A_1891 = arith.constant 896 : i32
    %dma_wait3A_1892 = tpu.memref_slice %arg5[%dma_wait3A_1891] : memref<1024xi32, #tpu.memory_space<vmem>> -> memref<32xi32, #tpu.memory_space<vmem>>
    %dma_wait3A_1893 = arith.constant 0 : i32
    %dma_wait3A_1894 = arith.constant 0 : i32
    %dma_wait3A_1895 = tpu.memref_slice %arg2[%dma_wait3A_1893, %dma_wait3A_1894] : memref<32768x1024xf32, #tpu.memory_space<hbm>> -> memref<32768x1024xf32, #tpu.memory_space<hbm>>
    %dma_wait3A_1896 = tpu.memref_slice %arg7[%dma_wait3A_1886] : memref<3x!tpu.dma_semaphore, #tpu.memory_space<semaphore_mem>> -> memref<1x!tpu.dma_semaphore, #tpu.memory_space<semaphore_mem>>
    %dma_wait3A_1897 = tpu.memref_squeeze %dma_wait3A_1896 : memref<1x!tpu.dma_semaphore, #tpu.memory_space<semaphore_mem>> -> memref<!tpu.dma_semaphore, #tpu.memory_space<semaphore_mem>>
    tpu.wait_indirect_dma semaphore(%dma_wait3A_1897 : memref<!tpu.dma_semaphore, #tpu.memory_space<semaphore_mem>>) src(%dma_wait3A_1895 : memref<32768x1024xf32, #tpu.memory_space<hbm>>) dst(%dma_wait3A_1890 : memref<32x1024xf32, #tpu.memory_space<vmem>>)
    %add3A_1898 = arith.constant 896 : i32
    %add3A_1899 = arith.addi %mul3A_32, %add3A_1898 : i32
    %dma_start3A_1900 = arith.constant 1 : i32
    %dma_start3A_1901 = arith.constant 1 : i32
    %dma_start3A_1902 = arith.constant 0 : i32
    %dma_start3A_1903 = arith.constant 0 : i32
    %dma_start3A_1904 = tpu.memref_slice %arg6[%dma_start3A_1900, %dma_start3A_1902, %dma_start3A_1903] : memref<3x32x1024xf32, #tpu.memory_space<vmem>> -> memref<1x32x1024xf32, #tpu.memory_space<vmem>>
    %dma_start3A_1905 = tpu.memref_squeeze %dma_start3A_1904 : memref<1x32x1024xf32, #tpu.memory_space<vmem>> -> memref<32x1024xf32, #tpu.memory_space<vmem>>
    %dma_start3A_1906 = arith.constant 0 : i32
    %dma_start3A_1907 = tpu.memref_slice %arg4[%select_n3A, %add3A_1899, %dma_start3A_1906] : memref<4x8192x1024xf32, #tpu.memory_space<hbm>> -> memref<1x32x1024xf32, #tpu.memory_space<hbm>>
    %dma_start3A_1908 = tpu.memref_squeeze %dma_start3A_1907 : memref<1x32x1024xf32, #tpu.memory_space<hbm>> -> memref<32x1024xf32, #tpu.memory_space<hbm>>
    %dma_start3A_1909 = tpu.memref_slice %arg8[%dma_start3A_1901] : memref<3x!tpu.dma_semaphore, #tpu.memory_space<semaphore_mem>> -> memref<1x!tpu.dma_semaphore, #tpu.memory_space<semaphore_mem>>
    %dma_start3A_1910 = tpu.memref_squeeze %dma_start3A_1909 : memref<1x!tpu.dma_semaphore, #tpu.memory_space<semaphore_mem>> -> memref<!tpu.dma_semaphore, #tpu.memory_space<semaphore_mem>>
    %dma_start3A_1911 = arith.constant 0 : i32
    %dma_start3A_1912 = tpu.memref_slice %arg4[%select_n3A, %add3A_1899, %dma_start3A_1911] : memref<4x8192x1024xf32, #tpu.memory_space<hbm>> -> memref<1x32x1024xf32, #tpu.memory_space<hbm>>
    %dma_start3A_1913 = tpu.memref_squeeze %dma_start3A_1912 : memref<1x32x1024xf32, #tpu.memory_space<hbm>> -> memref<32x1024xf32, #tpu.memory_space<hbm>>
    %dma_start3A_1914 = arith.constant 0 : i32
    %dma_start3A_1915 = arith.constant 0 : i32
    %dma_start3A_1916 = tpu.memref_slice %arg6[%dma_start3A_1900, %dma_start3A_1914, %dma_start3A_1915] : memref<3x32x1024xf32, #tpu.memory_space<vmem>> -> memref<1x32x1024xf32, #tpu.memory_space<vmem>>
    %dma_start3A_1917 = tpu.memref_squeeze %dma_start3A_1916 : memref<1x32x1024xf32, #tpu.memory_space<vmem>> -> memref<32x1024xf32, #tpu.memory_space<vmem>>
    tpu.enqueue_dma source(%dma_start3A_1917 : memref<32x1024xf32, #tpu.memory_space<vmem>>) target(%dma_start3A_1913 : memref<32x1024xf32, #tpu.memory_space<hbm>>) target_semaphore(%dma_start3A_1910 : memref<!tpu.dma_semaphore, #tpu.memory_space<semaphore_mem>>)
    %add3A_1918 = arith.constant 864 : i32
    %add3A_1919 = arith.addi %mul3A_32, %add3A_1918 : i32
    %dma_wait3A_1920 = arith.constant 0 : i32
    %dma_wait3A_1921 = arith.constant 0 : i32
    %dma_wait3A_1922 = arith.constant 0 : i32
    %dma_wait3A_1923 = arith.constant 0 : i32
    %dma_wait3A_1924 = tpu.memref_slice %arg6[%dma_wait3A_1920, %dma_wait3A_1922, %dma_wait3A_1923] : memref<3x32x1024xf32, #tpu.memory_space<vmem>> -> memref<1x32x1024xf32, #tpu.memory_space<vmem>>
    %dma_wait3A_1925 = tpu.memref_squeeze %dma_wait3A_1924 : memref<1x32x1024xf32, #tpu.memory_space<vmem>> -> memref<32x1024xf32, #tpu.memory_space<vmem>>
    %dma_wait3A_1926 = arith.constant 0 : i32
    %dma_wait3A_1927 = tpu.memref_slice %arg4[%select_n3A, %add3A_1919, %dma_wait3A_1926] : memref<4x8192x1024xf32, #tpu.memory_space<hbm>> -> memref<1x32x1024xf32, #tpu.memory_space<hbm>>
    %dma_wait3A_1928 = tpu.memref_squeeze %dma_wait3A_1927 : memref<1x32x1024xf32, #tpu.memory_space<hbm>> -> memref<32x1024xf32, #tpu.memory_space<hbm>>
    %dma_wait3A_1929 = tpu.memref_slice %arg8[%dma_wait3A_1921] : memref<3x!tpu.dma_semaphore, #tpu.memory_space<semaphore_mem>> -> memref<1x!tpu.dma_semaphore, #tpu.memory_space<semaphore_mem>>
    %dma_wait3A_1930 = tpu.memref_squeeze %dma_wait3A_1929 : memref<1x!tpu.dma_semaphore, #tpu.memory_space<semaphore_mem>> -> memref<!tpu.dma_semaphore, #tpu.memory_space<semaphore_mem>>
    %dma_wait3A_1931 = arith.constant 0 : i32
    %dma_wait3A_1932 = tpu.memref_slice %arg4[%select_n3A, %add3A_1919, %dma_wait3A_1931] : memref<4x8192x1024xf32, #tpu.memory_space<hbm>> -> memref<1x32x1024xf32, #tpu.memory_space<hbm>>
    %dma_wait3A_1933 = tpu.memref_squeeze %dma_wait3A_1932 : memref<1x32x1024xf32, #tpu.memory_space<hbm>> -> memref<32x1024xf32, #tpu.memory_space<hbm>>
    %dma_wait3A_1934 = arith.constant 0 : i32
    %dma_wait3A_1935 = arith.constant 0 : i32
    %dma_wait3A_1936 = tpu.memref_slice %arg6[%dma_wait3A_1920, %dma_wait3A_1934, %dma_wait3A_1935] : memref<3x32x1024xf32, #tpu.memory_space<vmem>> -> memref<1x32x1024xf32, #tpu.memory_space<vmem>>
    %dma_wait3A_1937 = tpu.memref_squeeze %dma_wait3A_1936 : memref<1x32x1024xf32, #tpu.memory_space<vmem>> -> memref<32x1024xf32, #tpu.memory_space<vmem>>
    tpu.wait_dma2 semaphore(%dma_wait3A_1930 : memref<!tpu.dma_semaphore, #tpu.memory_space<semaphore_mem>>) src(%dma_wait3A_1937 : memref<32x1024xf32, #tpu.memory_space<vmem>>) dst(%dma_wait3A_1933 : memref<32x1024xf32, #tpu.memory_space<hbm>>)
    %dma_start3A_1938 = arith.constant 0 : i32
    %dma_start3A_1939 = arith.constant 0 : i32
    %dma_start3A_1940 = arith.constant 0 : i32
    %dma_start3A_1941 = arith.constant 0 : i32
    %dma_start3A_1942 = tpu.memref_slice %arg6[%dma_start3A_1938, %dma_start3A_1940, %dma_start3A_1941] : memref<3x32x1024xf32, #tpu.memory_space<vmem>> -> memref<1x32x1024xf32, #tpu.memory_space<vmem>>
    %dma_start3A_1943 = tpu.memref_squeeze %dma_start3A_1942 : memref<1x32x1024xf32, #tpu.memory_space<vmem>> -> memref<32x1024xf32, #tpu.memory_space<vmem>>
    %dma_start3A_1944 = arith.constant 960 : i32
    %dma_start3A_1945 = tpu.memref_slice %arg5[%dma_start3A_1944] : memref<1024xi32, #tpu.memory_space<vmem>> -> memref<32xi32, #tpu.memory_space<vmem>>
    %dma_start3A_1946 = arith.constant 0 : i32
    %dma_start3A_1947 = arith.constant 0 : i32
    %dma_start3A_1948 = tpu.memref_slice %arg2[%dma_start3A_1946, %dma_start3A_1947] : memref<32768x1024xf32, #tpu.memory_space<hbm>> -> memref<32768x1024xf32, #tpu.memory_space<hbm>>
    %dma_start3A_1949 = tpu.memref_slice %arg7[%dma_start3A_1939] : memref<3x!tpu.dma_semaphore, #tpu.memory_space<semaphore_mem>> -> memref<1x!tpu.dma_semaphore, #tpu.memory_space<semaphore_mem>>
    %dma_start3A_1950 = tpu.memref_squeeze %dma_start3A_1949 : memref<1x!tpu.dma_semaphore, #tpu.memory_space<semaphore_mem>> -> memref<!tpu.dma_semaphore, #tpu.memory_space<semaphore_mem>>
    tpu.enqueue_indirect_dma source(%dma_start3A_1948 : memref<32768x1024xf32, #tpu.memory_space<hbm>>) target(%dma_start3A_1943 : memref<32x1024xf32, #tpu.memory_space<vmem>>) offsets(%dma_start3A_1945 : memref<32xi32, #tpu.memory_space<vmem>>) semaphore(%dma_start3A_1950 : memref<!tpu.dma_semaphore, #tpu.memory_space<semaphore_mem>>)
    %dma_wait3A_1951 = arith.constant 2 : i32
    %dma_wait3A_1952 = arith.constant 2 : i32
    %dma_wait3A_1953 = arith.constant 0 : i32
    %dma_wait3A_1954 = arith.constant 0 : i32
    %dma_wait3A_1955 = tpu.memref_slice %arg6[%dma_wait3A_1951, %dma_wait3A_1953, %dma_wait3A_1954] : memref<3x32x1024xf32, #tpu.memory_space<vmem>> -> memref<1x32x1024xf32, #tpu.memory_space<vmem>>
    %dma_wait3A_1956 = tpu.memref_squeeze %dma_wait3A_1955 : memref<1x32x1024xf32, #tpu.memory_space<vmem>> -> memref<32x1024xf32, #tpu.memory_space<vmem>>
    %dma_wait3A_1957 = arith.constant 928 : i32
    %dma_wait3A_1958 = tpu.memref_slice %arg5[%dma_wait3A_1957] : memref<1024xi32, #tpu.memory_space<vmem>> -> memref<32xi32, #tpu.memory_space<vmem>>
    %dma_wait3A_1959 = arith.constant 0 : i32
    %dma_wait3A_1960 = arith.constant 0 : i32
    %dma_wait3A_1961 = tpu.memref_slice %arg2[%dma_wait3A_1959, %dma_wait3A_1960] : memref<32768x1024xf32, #tpu.memory_space<hbm>> -> memref<32768x1024xf32, #tpu.memory_space<hbm>>
    %dma_wait3A_1962 = tpu.memref_slice %arg7[%dma_wait3A_1952] : memref<3x!tpu.dma_semaphore, #tpu.memory_space<semaphore_mem>> -> memref<1x!tpu.dma_semaphore, #tpu.memory_space<semaphore_mem>>
    %dma_wait3A_1963 = tpu.memref_squeeze %dma_wait3A_1962 : memref<1x!tpu.dma_semaphore, #tpu.memory_space<semaphore_mem>> -> memref<!tpu.dma_semaphore, #tpu.memory_space<semaphore_mem>>
    tpu.wait_indirect_dma semaphore(%dma_wait3A_1963 : memref<!tpu.dma_semaphore, #tpu.memory_space<semaphore_mem>>) src(%dma_wait3A_1961 : memref<32768x1024xf32, #tpu.memory_space<hbm>>) dst(%dma_wait3A_1956 : memref<32x1024xf32, #tpu.memory_space<vmem>>)
    %add3A_1964 = arith.constant 928 : i32
    %add3A_1965 = arith.addi %mul3A_32, %add3A_1964 : i32
    %dma_start3A_1966 = arith.constant 2 : i32
    %dma_start3A_1967 = arith.constant 2 : i32
    %dma_start3A_1968 = arith.constant 0 : i32
    %dma_start3A_1969 = arith.constant 0 : i32
    %dma_start3A_1970 = tpu.memref_slice %arg6[%dma_start3A_1966, %dma_start3A_1968, %dma_start3A_1969] : memref<3x32x1024xf32, #tpu.memory_space<vmem>> -> memref<1x32x1024xf32, #tpu.memory_space<vmem>>
    %dma_start3A_1971 = tpu.memref_squeeze %dma_start3A_1970 : memref<1x32x1024xf32, #tpu.memory_space<vmem>> -> memref<32x1024xf32, #tpu.memory_space<vmem>>
    %dma_start3A_1972 = arith.constant 0 : i32
    %dma_start3A_1973 = tpu.memref_slice %arg4[%select_n3A, %add3A_1965, %dma_start3A_1972] : memref<4x8192x1024xf32, #tpu.memory_space<hbm>> -> memref<1x32x1024xf32, #tpu.memory_space<hbm>>
    %dma_start3A_1974 = tpu.memref_squeeze %dma_start3A_1973 : memref<1x32x1024xf32, #tpu.memory_space<hbm>> -> memref<32x1024xf32, #tpu.memory_space<hbm>>
    %dma_start3A_1975 = tpu.memref_slice %arg8[%dma_start3A_1967] : memref<3x!tpu.dma_semaphore, #tpu.memory_space<semaphore_mem>> -> memref<1x!tpu.dma_semaphore, #tpu.memory_space<semaphore_mem>>
    %dma_start3A_1976 = tpu.memref_squeeze %dma_start3A_1975 : memref<1x!tpu.dma_semaphore, #tpu.memory_space<semaphore_mem>> -> memref<!tpu.dma_semaphore, #tpu.memory_space<semaphore_mem>>
    %dma_start3A_1977 = arith.constant 0 : i32
    %dma_start3A_1978 = tpu.memref_slice %arg4[%select_n3A, %add3A_1965, %dma_start3A_1977] : memref<4x8192x1024xf32, #tpu.memory_space<hbm>> -> memref<1x32x1024xf32, #tpu.memory_space<hbm>>
    %dma_start3A_1979 = tpu.memref_squeeze %dma_start3A_1978 : memref<1x32x1024xf32, #tpu.memory_space<hbm>> -> memref<32x1024xf32, #tpu.memory_space<hbm>>
    %dma_start3A_1980 = arith.constant 0 : i32
    %dma_start3A_1981 = arith.constant 0 : i32
    %dma_start3A_1982 = tpu.memref_slice %arg6[%dma_start3A_1966, %dma_start3A_1980, %dma_start3A_1981] : memref<3x32x1024xf32, #tpu.memory_space<vmem>> -> memref<1x32x1024xf32, #tpu.memory_space<vmem>>
    %dma_start3A_1983 = tpu.memref_squeeze %dma_start3A_1982 : memref<1x32x1024xf32, #tpu.memory_space<vmem>> -> memref<32x1024xf32, #tpu.memory_space<vmem>>
    tpu.enqueue_dma source(%dma_start3A_1983 : memref<32x1024xf32, #tpu.memory_space<vmem>>) target(%dma_start3A_1979 : memref<32x1024xf32, #tpu.memory_space<hbm>>) target_semaphore(%dma_start3A_1976 : memref<!tpu.dma_semaphore, #tpu.memory_space<semaphore_mem>>)
    %add3A_1984 = arith.constant 896 : i32
    %add3A_1985 = arith.addi %mul3A_32, %add3A_1984 : i32
    %dma_wait3A_1986 = arith.constant 1 : i32
    %dma_wait3A_1987 = arith.constant 1 : i32
    %dma_wait3A_1988 = arith.constant 0 : i32
    %dma_wait3A_1989 = arith.constant 0 : i32
    %dma_wait3A_1990 = tpu.memref_slice %arg6[%dma_wait3A_1986, %dma_wait3A_1988, %dma_wait3A_1989] : memref<3x32x1024xf32, #tpu.memory_space<vmem>> -> memref<1x32x1024xf32, #tpu.memory_space<vmem>>
    %dma_wait3A_1991 = tpu.memref_squeeze %dma_wait3A_1990 : memref<1x32x1024xf32, #tpu.memory_space<vmem>> -> memref<32x1024xf32, #tpu.memory_space<vmem>>
    %dma_wait3A_1992 = arith.constant 0 : i32
    %dma_wait3A_1993 = tpu.memref_slice %arg4[%select_n3A, %add3A_1985, %dma_wait3A_1992] : memref<4x8192x1024xf32, #tpu.memory_space<hbm>> -> memref<1x32x1024xf32, #tpu.memory_space<hbm>>
    %dma_wait3A_1994 = tpu.memref_squeeze %dma_wait3A_1993 : memref<1x32x1024xf32, #tpu.memory_space<hbm>> -> memref<32x1024xf32, #tpu.memory_space<hbm>>
    %dma_wait3A_1995 = tpu.memref_slice %arg8[%dma_wait3A_1987] : memref<3x!tpu.dma_semaphore, #tpu.memory_space<semaphore_mem>> -> memref<1x!tpu.dma_semaphore, #tpu.memory_space<semaphore_mem>>
    %dma_wait3A_1996 = tpu.memref_squeeze %dma_wait3A_1995 : memref<1x!tpu.dma_semaphore, #tpu.memory_space<semaphore_mem>> -> memref<!tpu.dma_semaphore, #tpu.memory_space<semaphore_mem>>
    %dma_wait3A_1997 = arith.constant 0 : i32
    %dma_wait3A_1998 = tpu.memref_slice %arg4[%select_n3A, %add3A_1985, %dma_wait3A_1997] : memref<4x8192x1024xf32, #tpu.memory_space<hbm>> -> memref<1x32x1024xf32, #tpu.memory_space<hbm>>
    %dma_wait3A_1999 = tpu.memref_squeeze %dma_wait3A_1998 : memref<1x32x1024xf32, #tpu.memory_space<hbm>> -> memref<32x1024xf32, #tpu.memory_space<hbm>>
    %dma_wait3A_2000 = arith.constant 0 : i32
    %dma_wait3A_2001 = arith.constant 0 : i32
    %dma_wait3A_2002 = tpu.memref_slice %arg6[%dma_wait3A_1986, %dma_wait3A_2000, %dma_wait3A_2001] : memref<3x32x1024xf32, #tpu.memory_space<vmem>> -> memref<1x32x1024xf32, #tpu.memory_space<vmem>>
    %dma_wait3A_2003 = tpu.memref_squeeze %dma_wait3A_2002 : memref<1x32x1024xf32, #tpu.memory_space<vmem>> -> memref<32x1024xf32, #tpu.memory_space<vmem>>
    tpu.wait_dma2 semaphore(%dma_wait3A_1996 : memref<!tpu.dma_semaphore, #tpu.memory_space<semaphore_mem>>) src(%dma_wait3A_2003 : memref<32x1024xf32, #tpu.memory_space<vmem>>) dst(%dma_wait3A_1999 : memref<32x1024xf32, #tpu.memory_space<hbm>>)
    %dma_start3A_2004 = arith.constant 1 : i32
    %dma_start3A_2005 = arith.constant 1 : i32
    %dma_start3A_2006 = arith.constant 0 : i32
    %dma_start3A_2007 = arith.constant 0 : i32
    %dma_start3A_2008 = tpu.memref_slice %arg6[%dma_start3A_2004, %dma_start3A_2006, %dma_start3A_2007] : memref<3x32x1024xf32, #tpu.memory_space<vmem>> -> memref<1x32x1024xf32, #tpu.memory_space<vmem>>
    %dma_start3A_2009 = tpu.memref_squeeze %dma_start3A_2008 : memref<1x32x1024xf32, #tpu.memory_space<vmem>> -> memref<32x1024xf32, #tpu.memory_space<vmem>>
    %dma_start3A_2010 = arith.constant 992 : i32
    %dma_start3A_2011 = tpu.memref_slice %arg5[%dma_start3A_2010] : memref<1024xi32, #tpu.memory_space<vmem>> -> memref<32xi32, #tpu.memory_space<vmem>>
    %dma_start3A_2012 = arith.constant 0 : i32
    %dma_start3A_2013 = arith.constant 0 : i32
    %dma_start3A_2014 = tpu.memref_slice %arg2[%dma_start3A_2012, %dma_start3A_2013] : memref<32768x1024xf32, #tpu.memory_space<hbm>> -> memref<32768x1024xf32, #tpu.memory_space<hbm>>
    %dma_start3A_2015 = tpu.memref_slice %arg7[%dma_start3A_2005] : memref<3x!tpu.dma_semaphore, #tpu.memory_space<semaphore_mem>> -> memref<1x!tpu.dma_semaphore, #tpu.memory_space<semaphore_mem>>
    %dma_start3A_2016 = tpu.memref_squeeze %dma_start3A_2015 : memref<1x!tpu.dma_semaphore, #tpu.memory_space<semaphore_mem>> -> memref<!tpu.dma_semaphore, #tpu.memory_space<semaphore_mem>>
    tpu.enqueue_indirect_dma source(%dma_start3A_2014 : memref<32768x1024xf32, #tpu.memory_space<hbm>>) target(%dma_start3A_2009 : memref<32x1024xf32, #tpu.memory_space<vmem>>) offsets(%dma_start3A_2011 : memref<32xi32, #tpu.memory_space<vmem>>) semaphore(%dma_start3A_2016 : memref<!tpu.dma_semaphore, #tpu.memory_space<semaphore_mem>>)
    %dma_wait3A_2017 = arith.constant 0 : i32
    %dma_wait3A_2018 = arith.constant 0 : i32
    %dma_wait3A_2019 = arith.constant 0 : i32
    %dma_wait3A_2020 = arith.constant 0 : i32
    %dma_wait3A_2021 = tpu.memref_slice %arg6[%dma_wait3A_2017, %dma_wait3A_2019, %dma_wait3A_2020] : memref<3x32x1024xf32, #tpu.memory_space<vmem>> -> memref<1x32x1024xf32, #tpu.memory_space<vmem>>
    %dma_wait3A_2022 = tpu.memref_squeeze %dma_wait3A_2021 : memref<1x32x1024xf32, #tpu.memory_space<vmem>> -> memref<32x1024xf32, #tpu.memory_space<vmem>>
    %dma_wait3A_2023 = arith.constant 960 : i32
    %dma_wait3A_2024 = tpu.memref_slice %arg5[%dma_wait3A_2023] : memref<1024xi32, #tpu.memory_space<vmem>> -> memref<32xi32, #tpu.memory_space<vmem>>
    %dma_wait3A_2025 = arith.constant 0 : i32
    %dma_wait3A_2026 = arith.constant 0 : i32
    %dma_wait3A_2027 = tpu.memref_slice %arg2[%dma_wait3A_2025, %dma_wait3A_2026] : memref<32768x1024xf32, #tpu.memory_space<hbm>> -> memref<32768x1024xf32, #tpu.memory_space<hbm>>
    %dma_wait3A_2028 = tpu.memref_slice %arg7[%dma_wait3A_2018] : memref<3x!tpu.dma_semaphore, #tpu.memory_space<semaphore_mem>> -> memref<1x!tpu.dma_semaphore, #tpu.memory_space<semaphore_mem>>
    %dma_wait3A_2029 = tpu.memref_squeeze %dma_wait3A_2028 : memref<1x!tpu.dma_semaphore, #tpu.memory_space<semaphore_mem>> -> memref<!tpu.dma_semaphore, #tpu.memory_space<semaphore_mem>>
    tpu.wait_indirect_dma semaphore(%dma_wait3A_2029 : memref<!tpu.dma_semaphore, #tpu.memory_space<semaphore_mem>>) src(%dma_wait3A_2027 : memref<32768x1024xf32, #tpu.memory_space<hbm>>) dst(%dma_wait3A_2022 : memref<32x1024xf32, #tpu.memory_space<vmem>>)
    %add3A_2030 = arith.constant 960 : i32
    %add3A_2031 = arith.addi %mul3A_32, %add3A_2030 : i32
    %dma_start3A_2032 = arith.constant 0 : i32
    %dma_start3A_2033 = arith.constant 0 : i32
    %dma_start3A_2034 = arith.constant 0 : i32
    %dma_start3A_2035 = arith.constant 0 : i32
    %dma_start3A_2036 = tpu.memref_slice %arg6[%dma_start3A_2032, %dma_start3A_2034, %dma_start3A_2035] : memref<3x32x1024xf32, #tpu.memory_space<vmem>> -> memref<1x32x1024xf32, #tpu.memory_space<vmem>>
    %dma_start3A_2037 = tpu.memref_squeeze %dma_start3A_2036 : memref<1x32x1024xf32, #tpu.memory_space<vmem>> -> memref<32x1024xf32, #tpu.memory_space<vmem>>
    %dma_start3A_2038 = arith.constant 0 : i32
    %dma_start3A_2039 = tpu.memref_slice %arg4[%select_n3A, %add3A_2031, %dma_start3A_2038] : memref<4x8192x1024xf32, #tpu.memory_space<hbm>> -> memref<1x32x1024xf32, #tpu.memory_space<hbm>>
    %dma_start3A_2040 = tpu.memref_squeeze %dma_start3A_2039 : memref<1x32x1024xf32, #tpu.memory_space<hbm>> -> memref<32x1024xf32, #tpu.memory_space<hbm>>
    %dma_start3A_2041 = tpu.memref_slice %arg8[%dma_start3A_2033] : memref<3x!tpu.dma_semaphore, #tpu.memory_space<semaphore_mem>> -> memref<1x!tpu.dma_semaphore, #tpu.memory_space<semaphore_mem>>
    %dma_start3A_2042 = tpu.memref_squeeze %dma_start3A_2041 : memref<1x!tpu.dma_semaphore, #tpu.memory_space<semaphore_mem>> -> memref<!tpu.dma_semaphore, #tpu.memory_space<semaphore_mem>>
    %dma_start3A_2043 = arith.constant 0 : i32
    %dma_start3A_2044 = tpu.memref_slice %arg4[%select_n3A, %add3A_2031, %dma_start3A_2043] : memref<4x8192x1024xf32, #tpu.memory_space<hbm>> -> memref<1x32x1024xf32, #tpu.memory_space<hbm>>
    %dma_start3A_2045 = tpu.memref_squeeze %dma_start3A_2044 : memref<1x32x1024xf32, #tpu.memory_space<hbm>> -> memref<32x1024xf32, #tpu.memory_space<hbm>>
    %dma_start3A_2046 = arith.constant 0 : i32
    %dma_start3A_2047 = arith.constant 0 : i32
    %dma_start3A_2048 = tpu.memref_slice %arg6[%dma_start3A_2032, %dma_start3A_2046, %dma_start3A_2047] : memref<3x32x1024xf32, #tpu.memory_space<vmem>> -> memref<1x32x1024xf32, #tpu.memory_space<vmem>>
    %dma_start3A_2049 = tpu.memref_squeeze %dma_start3A_2048 : memref<1x32x1024xf32, #tpu.memory_space<vmem>> -> memref<32x1024xf32, #tpu.memory_space<vmem>>
    tpu.enqueue_dma source(%dma_start3A_2049 : memref<32x1024xf32, #tpu.memory_space<vmem>>) target(%dma_start3A_2045 : memref<32x1024xf32, #tpu.memory_space<hbm>>) target_semaphore(%dma_start3A_2042 : memref<!tpu.dma_semaphore, #tpu.memory_space<semaphore_mem>>)
    %dma_wait3A_2050 = arith.constant 1 : i32
    %dma_wait3A_2051 = arith.constant 1 : i32
    %dma_wait3A_2052 = arith.constant 0 : i32
    %dma_wait3A_2053 = arith.constant 0 : i32
    %dma_wait3A_2054 = tpu.memref_slice %arg6[%dma_wait3A_2050, %dma_wait3A_2052, %dma_wait3A_2053] : memref<3x32x1024xf32, #tpu.memory_space<vmem>> -> memref<1x32x1024xf32, #tpu.memory_space<vmem>>
    %dma_wait3A_2055 = tpu.memref_squeeze %dma_wait3A_2054 : memref<1x32x1024xf32, #tpu.memory_space<vmem>> -> memref<32x1024xf32, #tpu.memory_space<vmem>>
    %dma_wait3A_2056 = arith.constant 992 : i32
    %dma_wait3A_2057 = tpu.memref_slice %arg5[%dma_wait3A_2056] : memref<1024xi32, #tpu.memory_space<vmem>> -> memref<32xi32, #tpu.memory_space<vmem>>
    %dma_wait3A_2058 = arith.constant 0 : i32
    %dma_wait3A_2059 = arith.constant 0 : i32
    %dma_wait3A_2060 = tpu.memref_slice %arg2[%dma_wait3A_2058, %dma_wait3A_2059] : memref<32768x1024xf32, #tpu.memory_space<hbm>> -> memref<32768x1024xf32, #tpu.memory_space<hbm>>
    %dma_wait3A_2061 = tpu.memref_slice %arg7[%dma_wait3A_2051] : memref<3x!tpu.dma_semaphore, #tpu.memory_space<semaphore_mem>> -> memref<1x!tpu.dma_semaphore, #tpu.memory_space<semaphore_mem>>
    %dma_wait3A_2062 = tpu.memref_squeeze %dma_wait3A_2061 : memref<1x!tpu.dma_semaphore, #tpu.memory_space<semaphore_mem>> -> memref<!tpu.dma_semaphore, #tpu.memory_space<semaphore_mem>>
    tpu.wait_indirect_dma semaphore(%dma_wait3A_2062 : memref<!tpu.dma_semaphore, #tpu.memory_space<semaphore_mem>>) src(%dma_wait3A_2060 : memref<32768x1024xf32, #tpu.memory_space<hbm>>) dst(%dma_wait3A_2055 : memref<32x1024xf32, #tpu.memory_space<vmem>>)
    %add3A_2063 = arith.constant 992 : i32
    %add3A_2064 = arith.addi %mul3A_32, %add3A_2063 : i32
    %dma_start3A_2065 = arith.constant 1 : i32
    %dma_start3A_2066 = arith.constant 1 : i32
    %dma_start3A_2067 = arith.constant 0 : i32
    %dma_start3A_2068 = arith.constant 0 : i32
    %dma_start3A_2069 = tpu.memref_slice %arg6[%dma_start3A_2065, %dma_start3A_2067, %dma_start3A_2068] : memref<3x32x1024xf32, #tpu.memory_space<vmem>> -> memref<1x32x1024xf32, #tpu.memory_space<vmem>>
    %dma_start3A_2070 = tpu.memref_squeeze %dma_start3A_2069 : memref<1x32x1024xf32, #tpu.memory_space<vmem>> -> memref<32x1024xf32, #tpu.memory_space<vmem>>
    %dma_start3A_2071 = arith.constant 0 : i32
    %dma_start3A_2072 = tpu.memref_slice %arg4[%select_n3A, %add3A_2064, %dma_start3A_2071] : memref<4x8192x1024xf32, #tpu.memory_space<hbm>> -> memref<1x32x1024xf32, #tpu.memory_space<hbm>>
    %dma_start3A_2073 = tpu.memref_squeeze %dma_start3A_2072 : memref<1x32x1024xf32, #tpu.memory_space<hbm>> -> memref<32x1024xf32, #tpu.memory_space<hbm>>
    %dma_start3A_2074 = tpu.memref_slice %arg8[%dma_start3A_2066] : memref<3x!tpu.dma_semaphore, #tpu.memory_space<semaphore_mem>> -> memref<1x!tpu.dma_semaphore, #tpu.memory_space<semaphore_mem>>
    %dma_start3A_2075 = tpu.memref_squeeze %dma_start3A_2074 : memref<1x!tpu.dma_semaphore, #tpu.memory_space<semaphore_mem>> -> memref<!tpu.dma_semaphore, #tpu.memory_space<semaphore_mem>>
    %dma_start3A_2076 = arith.constant 0 : i32
    %dma_start3A_2077 = tpu.memref_slice %arg4[%select_n3A, %add3A_2064, %dma_start3A_2076] : memref<4x8192x1024xf32, #tpu.memory_space<hbm>> -> memref<1x32x1024xf32, #tpu.memory_space<hbm>>
    %dma_start3A_2078 = tpu.memref_squeeze %dma_start3A_2077 : memref<1x32x1024xf32, #tpu.memory_space<hbm>> -> memref<32x1024xf32, #tpu.memory_space<hbm>>
    %dma_start3A_2079 = arith.constant 0 : i32
    %dma_start3A_2080 = arith.constant 0 : i32
    %dma_start3A_2081 = tpu.memref_slice %arg6[%dma_start3A_2065, %dma_start3A_2079, %dma_start3A_2080] : memref<3x32x1024xf32, #tpu.memory_space<vmem>> -> memref<1x32x1024xf32, #tpu.memory_space<vmem>>
    %dma_start3A_2082 = tpu.memref_squeeze %dma_start3A_2081 : memref<1x32x1024xf32, #tpu.memory_space<vmem>> -> memref<32x1024xf32, #tpu.memory_space<vmem>>
    tpu.enqueue_dma source(%dma_start3A_2082 : memref<32x1024xf32, #tpu.memory_space<vmem>>) target(%dma_start3A_2078 : memref<32x1024xf32, #tpu.memory_space<hbm>>) target_semaphore(%dma_start3A_2075 : memref<!tpu.dma_semaphore, #tpu.memory_space<semaphore_mem>>)
    %add3A_2083 = arith.constant 928 : i32
    %add3A_2084 = arith.addi %mul3A_32, %add3A_2083 : i32
    %dma_wait3A_2085 = arith.constant 2 : i32
    %dma_wait3A_2086 = arith.constant 2 : i32
    %dma_wait3A_2087 = arith.constant 0 : i32
    %dma_wait3A_2088 = arith.constant 0 : i32
    %dma_wait3A_2089 = tpu.memref_slice %arg6[%dma_wait3A_2085, %dma_wait3A_2087, %dma_wait3A_2088] : memref<3x32x1024xf32, #tpu.memory_space<vmem>> -> memref<1x32x1024xf32, #tpu.memory_space<vmem>>
    %dma_wait3A_2090 = tpu.memref_squeeze %dma_wait3A_2089 : memref<1x32x1024xf32, #tpu.memory_space<vmem>> -> memref<32x1024xf32, #tpu.memory_space<vmem>>
    %dma_wait3A_2091 = arith.constant 0 : i32
    %dma_wait3A_2092 = tpu.memref_slice %arg4[%select_n3A, %add3A_2084, %dma_wait3A_2091] : memref<4x8192x1024xf32, #tpu.memory_space<hbm>> -> memref<1x32x1024xf32, #tpu.memory_space<hbm>>
    %dma_wait3A_2093 = tpu.memref_squeeze %dma_wait3A_2092 : memref<1x32x1024xf32, #tpu.memory_space<hbm>> -> memref<32x1024xf32, #tpu.memory_space<hbm>>
    %dma_wait3A_2094 = tpu.memref_slice %arg8[%dma_wait3A_2086] : memref<3x!tpu.dma_semaphore, #tpu.memory_space<semaphore_mem>> -> memref<1x!tpu.dma_semaphore, #tpu.memory_space<semaphore_mem>>
    %dma_wait3A_2095 = tpu.memref_squeeze %dma_wait3A_2094 : memref<1x!tpu.dma_semaphore, #tpu.memory_space<semaphore_mem>> -> memref<!tpu.dma_semaphore, #tpu.memory_space<semaphore_mem>>
    %dma_wait3A_2096 = arith.constant 0 : i32
    %dma_wait3A_2097 = tpu.memref_slice %arg4[%select_n3A, %add3A_2084, %dma_wait3A_2096] : memref<4x8192x1024xf32, #tpu.memory_space<hbm>> -> memref<1x32x1024xf32, #tpu.memory_space<hbm>>
    %dma_wait3A_2098 = tpu.memref_squeeze %dma_wait3A_2097 : memref<1x32x1024xf32, #tpu.memory_space<hbm>> -> memref<32x1024xf32, #tpu.memory_space<hbm>>
    %dma_wait3A_2099 = arith.constant 0 : i32
    %dma_wait3A_2100 = arith.constant 0 : i32
    %dma_wait3A_2101 = tpu.memref_slice %arg6[%dma_wait3A_2085, %dma_wait3A_2099, %dma_wait3A_2100] : memref<3x32x1024xf32, #tpu.memory_space<vmem>> -> memref<1x32x1024xf32, #tpu.memory_space<vmem>>
    %dma_wait3A_2102 = tpu.memref_squeeze %dma_wait3A_2101 : memref<1x32x1024xf32, #tpu.memory_space<vmem>> -> memref<32x1024xf32, #tpu.memory_space<vmem>>
    tpu.wait_dma2 semaphore(%dma_wait3A_2095 : memref<!tpu.dma_semaphore, #tpu.memory_space<semaphore_mem>>) src(%dma_wait3A_2102 : memref<32x1024xf32, #tpu.memory_space<vmem>>) dst(%dma_wait3A_2098 : memref<32x1024xf32, #tpu.memory_space<hbm>>)
    %add3A_2103 = arith.constant 960 : i32
    %add3A_2104 = arith.addi %mul3A_32, %add3A_2103 : i32
    %dma_wait3A_2105 = arith.constant 0 : i32
    %dma_wait3A_2106 = arith.constant 0 : i32
    %dma_wait3A_2107 = arith.constant 0 : i32
    %dma_wait3A_2108 = arith.constant 0 : i32
    %dma_wait3A_2109 = tpu.memref_slice %arg6[%dma_wait3A_2105, %dma_wait3A_2107, %dma_wait3A_2108] : memref<3x32x1024xf32, #tpu.memory_space<vmem>> -> memref<1x32x1024xf32, #tpu.memory_space<vmem>>
    %dma_wait3A_2110 = tpu.memref_squeeze %dma_wait3A_2109 : memref<1x32x1024xf32, #tpu.memory_space<vmem>> -> memref<32x1024xf32, #tpu.memory_space<vmem>>
    %dma_wait3A_2111 = arith.constant 0 : i32
    %dma_wait3A_2112 = tpu.memref_slice %arg4[%select_n3A, %add3A_2104, %dma_wait3A_2111] : memref<4x8192x1024xf32, #tpu.memory_space<hbm>> -> memref<1x32x1024xf32, #tpu.memory_space<hbm>>
    %dma_wait3A_2113 = tpu.memref_squeeze %dma_wait3A_2112 : memref<1x32x1024xf32, #tpu.memory_space<hbm>> -> memref<32x1024xf32, #tpu.memory_space<hbm>>
    %dma_wait3A_2114 = tpu.memref_slice %arg8[%dma_wait3A_2106] : memref<3x!tpu.dma_semaphore, #tpu.memory_space<semaphore_mem>> -> memref<1x!tpu.dma_semaphore, #tpu.memory_space<semaphore_mem>>
    %dma_wait3A_2115 = tpu.memref_squeeze %dma_wait3A_2114 : memref<1x!tpu.dma_semaphore, #tpu.memory_space<semaphore_mem>> -> memref<!tpu.dma_semaphore, #tpu.memory_space<semaphore_mem>>
    %dma_wait3A_2116 = arith.constant 0 : i32
    %dma_wait3A_2117 = tpu.memref_slice %arg4[%select_n3A, %add3A_2104, %dma_wait3A_2116] : memref<4x8192x1024xf32, #tpu.memory_space<hbm>> -> memref<1x32x1024xf32, #tpu.memory_space<hbm>>
    %dma_wait3A_2118 = tpu.memref_squeeze %dma_wait3A_2117 : memref<1x32x1024xf32, #tpu.memory_space<hbm>> -> memref<32x1024xf32, #tpu.memory_space<hbm>>
    %dma_wait3A_2119 = arith.constant 0 : i32
    %dma_wait3A_2120 = arith.constant 0 : i32
    %dma_wait3A_2121 = tpu.memref_slice %arg6[%dma_wait3A_2105, %dma_wait3A_2119, %dma_wait3A_2120] : memref<3x32x1024xf32, #tpu.memory_space<vmem>> -> memref<1x32x1024xf32, #tpu.memory_space<vmem>>
    %dma_wait3A_2122 = tpu.memref_squeeze %dma_wait3A_2121 : memref<1x32x1024xf32, #tpu.memory_space<vmem>> -> memref<32x1024xf32, #tpu.memory_space<vmem>>
    tpu.wait_dma2 semaphore(%dma_wait3A_2115 : memref<!tpu.dma_semaphore, #tpu.memory_space<semaphore_mem>>) src(%dma_wait3A_2122 : memref<32x1024xf32, #tpu.memory_space<vmem>>) dst(%dma_wait3A_2118 : memref<32x1024xf32, #tpu.memory_space<hbm>>)
    %add3A_2123 = arith.constant 992 : i32
    %add3A_2124 = arith.addi %mul3A_32, %add3A_2123 : i32
    %dma_wait3A_2125 = arith.constant 1 : i32
    %dma_wait3A_2126 = arith.constant 1 : i32
    %dma_wait3A_2127 = arith.constant 0 : i32
    %dma_wait3A_2128 = arith.constant 0 : i32
    %dma_wait3A_2129 = tpu.memref_slice %arg6[%dma_wait3A_2125, %dma_wait3A_2127, %dma_wait3A_2128] : memref<3x32x1024xf32, #tpu.memory_space<vmem>> -> memref<1x32x1024xf32, #tpu.memory_space<vmem>>
    %dma_wait3A_2130 = tpu.memref_squeeze %dma_wait3A_2129 : memref<1x32x1024xf32, #tpu.memory_space<vmem>> -> memref<32x1024xf32, #tpu.memory_space<vmem>>
    %dma_wait3A_2131 = arith.constant 0 : i32
    %dma_wait3A_2132 = tpu.memref_slice %arg4[%select_n3A, %add3A_2124, %dma_wait3A_2131] : memref<4x8192x1024xf32, #tpu.memory_space<hbm>> -> memref<1x32x1024xf32, #tpu.memory_space<hbm>>
    %dma_wait3A_2133 = tpu.memref_squeeze %dma_wait3A_2132 : memref<1x32x1024xf32, #tpu.memory_space<hbm>> -> memref<32x1024xf32, #tpu.memory_space<hbm>>
    %dma_wait3A_2134 = tpu.memref_slice %arg8[%dma_wait3A_2126] : memref<3x!tpu.dma_semaphore, #tpu.memory_space<semaphore_mem>> -> memref<1x!tpu.dma_semaphore, #tpu.memory_space<semaphore_mem>>
    %dma_wait3A_2135 = tpu.memref_squeeze %dma_wait3A_2134 : memref<1x!tpu.dma_semaphore, #tpu.memory_space<semaphore_mem>> -> memref<!tpu.dma_semaphore, #tpu.memory_space<semaphore_mem>>
    %dma_wait3A_2136 = arith.constant 0 : i32
    %dma_wait3A_2137 = tpu.memref_slice %arg4[%select_n3A, %add3A_2124, %dma_wait3A_2136] : memref<4x8192x1024xf32, #tpu.memory_space<hbm>> -> memref<1x32x1024xf32, #tpu.memory_space<hbm>>
    %dma_wait3A_2138 = tpu.memref_squeeze %dma_wait3A_2137 : memref<1x32x1024xf32, #tpu.memory_space<hbm>> -> memref<32x1024xf32, #tpu.memory_space<hbm>>
    %dma_wait3A_2139 = arith.constant 0 : i32
    %dma_wait3A_2140 = arith.constant 0 : i32
    %dma_wait3A_2141 = tpu.memref_slice %arg6[%dma_wait3A_2125, %dma_wait3A_2139, %dma_wait3A_2140] : memref<3x32x1024xf32, #tpu.memory_space<vmem>> -> memref<1x32x1024xf32, #tpu.memory_space<vmem>>
    %dma_wait3A_2142 = tpu.memref_squeeze %dma_wait3A_2141 : memref<1x32x1024xf32, #tpu.memory_space<vmem>> -> memref<32x1024xf32, #tpu.memory_space<vmem>>
    tpu.wait_dma2 semaphore(%dma_wait3A_2135 : memref<!tpu.dma_semaphore, #tpu.memory_space<semaphore_mem>>) src(%dma_wait3A_2142 : memref<32x1024xf32, #tpu.memory_space<vmem>>) dst(%dma_wait3A_2138 : memref<32x1024xf32, #tpu.memory_space<hbm>>)
    return
  }
}

</mosaic_0001>

<sc_bundles>
// kernel: kernel.3.cloned.1.call-start
scs
__scs_entry_jumppad:
0x0: {  	(pc) =	sbr.rel $0x88, $3  }
0x1: {  	(tag) =	ssettag $0x0;
	lr =	simm.s32 $0x1  }
0x2: {  	[smem:$0x3F9F] =	sst lr;
	_ =	strace $0xD0000000  }
0x3: {  	_ = 	snop  }
0x4: {  	_ = 	snop  }
0x5: {  	_ = 	snop  }
0x6: {  	_ = 	snop  }
0x7: {  	_ = 	snop  }
__scs_overlays_trampoline_lowered:
0x8: {  	[smem:$0x3FAE] =	sst s0  }
0x9: {  	[smem:$0x3FAF] =	sst s1  }
0xa: {  	[smem:$0x3FB0] =	sst s2  }
0xb: {  	[smem:$0x3FB1] =	sst s3  }
0xc: {  	[smem:$0x3FB2] =	sst s4  }
0xd: {  	[smem:$0x3FB3] =	sst s5  }
0xe: {  	[smem:$0x3FB4] =	sst s6  }
0xf: {  	[smem:$0x3FB5] =	sst s7  }
0x10: {  	[smem:$0x3FB6] =	sst s8  }
0x11: {  	[smem:$0x3FB7] =	sst s9;
	s0 =	simm.s32 @!p0 $0x0  }
0x12: {  	s1 =	sld [smem:$0x3F9D];
	s0 =	simm.s32 @p0 $0x1  }
0x13: {  	[smem:$0x3FB8] =	sst s0;
	s0 =	simm.s32 @!p1 $0x0  }
0x14: {  	s2 =	sld [smem:$0x3F9C];
	s0 =	simm.s32 @p1 $0x1  }
0x15: {  	[smem:$0x3FB9] =	sst s0;
	s0 =	simm.s32 @!p2 $0x0  }
0x16: {  	s3 =	sld [smem:$0x3FDB];
	s0 =	simm.s32 @p2 $0x1  }
0x17: {  	s4 =	simm.s32 $0x1BF5;
	[smem:$0x3FBB] =	sst s0  }
0x18: {  	s0 =	sld [smem:$0x3F9E];
	_ =	swait.ge [sflag:s4], $0x0  }
0x19: {  	s7 =	sld [smem:$0x3F9F]  }
0x1a: {  	s8 =	sadd.s32 $0xFFFFE003, lr  }
0x1b: {  	s9 =	sadd.s32 $0xFFFFFEF7, lr;
	s5 =	simm.s32 $0xFFFFFFFF;
	p2 =	slt.u32 s8, $0xFFFFF086  }
0x1c: {  	p1 =	slt.u32 s9, $0xF7A;
	s5 =	simm.s32 @!p2 $0x0  }
0x1d: {  	s5 =	simm.s32 @p1 $0x1;
	p0 =	seq.s32 s7, s2  }
0x1e: {  	s7 =	smul.u32 @!p0 $0xF7A, s2;
	p2 =	seq.s32 @!p0 s5, $0x0  }
0x1f: {  	s9 =	smul.u32 $0xF7A, s1;
	s8 =	simm.s32 @!p0 $0x1BF5;
	p2 =	por !p2, p0  }
0x20: {  	[sflag:s8] =	ssyncset.s32 @!p0 $0xFFFFF086;
	s6 =	sadd.s32 @!p0 s3, s7;
	s7 =	simm.s32 @!p0 $0x108  }
0x21: {  	s3 =	sadd.s32 s3, s9;
	s6 =	sadd.s32 @!p0 $0x88, s6;
	s7 =	simm.s32 @p2 $0x1082  }
0x22: {  	[simem:s7], [sflag:s8] =	dma.local @!p0 [hbm:s6], $0xF7A  }
0x23: {  	s9 =	sor.u32 $0xD0000000, s2;
	s6 =	simm.s32 $0x108;
	_ =	swait.ge @!p0 [sflag:s8], $0x0  }
0x24: {  	s3 =	sadd.s32 $0x88, s3;
	s6 =	simm.s32 @!p1 $0x1082;
	[sflag:s4] =	ssyncset.s32 $0xFFFFF086  }
0x25: {  	[simem:s6], [sflag:s4] =	dma.local [hbm:s3], $0xF7A  }
0x26: {  	[smem:$0x3F9F] =	sst s1;
	(tag) =	ssettag s2;
	_ =	strace s9  }
0x27: {  	s1 =	sld [smem:$0x3FAF]  }
0x28: {  	s2 =	sld [smem:$0x3FB0]  }
0x29: {  	s4 =	sld [smem:$0x3FB2]  }
0x2a: {  	p0 =	seq.s32 s5, $0x0;
	s5 =	sld [smem:$0x3FB3]  }
0x2b: {  	s6 =	sld [smem:$0x3FB4]  }
0x2c: {  	s7 =	sld [smem:$0x3FB5]  }
0x2d: {  	s3 =	simm.s32 $0x108;
	s8 =	sld [smem:$0x3FB6]  }
0x2e: {  	s3 =	simm.s32 @!p0 $0x1082;
	s9 =	sld [smem:$0x3FB7]  }
0x2f: {  	lr =	sadd.s32 s0, s3;
	s0 =	sld [smem:$0x3FAE]  }
0x30: {  	s3 =	sld [smem:$0x3FB1]  }
0x31: {  	[smem:$0x3FBA] =	sst s10  }
0x32: {  	s10 =	sld [smem:$0x3FB8];
	_ =	sdelay $0x3  }
0x33: {  	p0 =	seq.s32 s10, $0x1;
	s10 =	sld [smem:$0x3FBA];
	_ =	sdelay $0x3  }
0x34: {  	[smem:$0x3FBA] =	sst s10  }
0x35: {  	s10 =	sld [smem:$0x3FB9];
	_ =	sdelay $0x3  }
0x36: {  	p1 =	seq.s32 s10, $0x1;
	s10 =	sld [smem:$0x3FBA];
	_ =	sdelay $0x3  }
0x37: {  	[smem:$0x3FBA] =	sst s10  }
0x38: {  	s10 =	sld [smem:$0x3FBB]  }
0x39: {  	_ = 	snop;
	(pc) =	sbr.ind lr, $3  }
0x3a: {  	_ = 	snop  }
0x3b: {  	_ = 	snop  }
0x3c: {  	p2 =	seq.s32 s10, $0x1;
	s10 =	sld [smem:$0x3FBA]  }
0x3d: {  	_ =	shalt  }
0x3e: {  	_ =	shalt  }
0x3f: {  	_ =	shalt  }
0x40: {  	_ =	shalt  }
0x41: {  	_ =	shalt  }
0x42: {  	_ =	shalt  }
0x43: {  	_ =	shalt  }
0x44: {  	_ =	shalt  }
0x45: {  	_ =	shalt  }
0x46: {  	_ =	shalt  }
0x47: {  	_ =	shalt  }
0x48: {  	_ =	shalt  }
0x49: {  	_ =	shalt  }
0x4a: {  	_ =	shalt  }
0x4b: {  	_ =	shalt  }
0x4c: {  	_ =	shalt  }
0x4d: {  	_ =	shalt  }
0x4e: {  	_ =	shalt  }
0x4f: {  	_ =	shalt  }
0x50: {  	_ =	shalt  }
0x51: {  	_ =	shalt  }
0x52: {  	_ =	shalt  }
0x53: {  	_ =	shalt  }
0x54: {  	_ =	shalt  }
0x55: {  	_ =	shalt  }
0x56: {  	_ =	shalt  }
0x57: {  	_ =	shalt  }
0x58: {  	_ =	shalt  }
0x59: {  	_ =	shalt  }
0x5a: {  	_ =	shalt  }
0x5b: {  	_ =	shalt  }
0x5c: {  	_ =	shalt  }
0x5d: {  	_ =	shalt  }
0x5e: {  	_ =	shalt  }
0x5f: {  	_ =	shalt  }
0x60: {  	_ =	shalt  }
0x61: {  	_ =	shalt  }
0x62: {  	_ =	shalt  }
0x63: {  	_ =	shalt  }
0x64: {  	_ =	shalt  }
0x65: {  	_ =	shalt  }
0x66: {  	_ =	shalt  }
0x67: {  	_ =	shalt  }
0x68: {  	_ =	shalt  }
0x69: {  	_ =	shalt  }
0x6a: {  	_ =	shalt  }
0x6b: {  	_ =	shalt  }
0x6c: {  	_ =	shalt  }
0x6d: {  	_ =	shalt  }
0x6e: {  	_ =	shalt  }
0x6f: {  	_ =	shalt  }
0x70: {  	_ =	shalt  }
0x71: {  	_ =	shalt  }
0x72: {  	_ =	shalt  }
0x73: {  	_ =	shalt  }
0x74: {  	_ =	shalt  }
0x75: {  	_ =	shalt  }
0x76: {  	_ =	shalt  }
0x77: {  	_ =	shalt  }
0x78: {  	_ =	shalt  }
0x79: {  	_ =	shalt  }
0x7a: {  	_ =	shalt  }
0x7b: {  	_ =	shalt  }
0x7c: {  	_ =	shalt  }
0x7d: {  	_ =	shalt  }
0x7e: {  	_ =	shalt  }
0x7f: {  	_ =	shalt  }
0x80: {  	_ =	shalt  }
0x81: {  	_ =	shalt  }
0x82: {  	_ =	shalt  }
0x83: {  	_ =	shalt  }
0x84: {  	_ =	shalt  }
0x85: {  	_ =	shalt  }
0x86: {  	_ =	shalt  }
0x87: {  	_ =	shalt  }
.Lfunc_end0:
.L_simem_size_0:
called_computation_lowered:
.L_overlay_start_0:
0x88: {  	s2 =	sld [smem:$0x3FD9]  }
0x89: {  	s3 =	sld [smem:$0x3FFE];
	_ =	sdelay $0x1  }
0x8a: {  	s1 =	srdreg.scid  }
0x8b: {  	s0 =	sand.u32 $0x1, s1  }
0x8c: {  	s18 =	sshll.u32 s0, $0xA;
	s2 =	sadd.s32 s3, s2  }
0x8d: {  	s2 =	sadd.s32 s2, s18  }
0x8e: {  	[smem:$0x3FC6] =	sst s2  }
0x8f: {  	_ = 	snop  }
0x90: {  	s2 =	sld [smem:$0x3FC9]  }
0x91: {  	s19 =	sld [smem:$0x3FC8]  }
0x92: {  	s4 =	sld [smem:$0x3FD0];
	(tm) =	ssettm $0x1  }
0x93: {  	s5 =	sld [smem:$0x3FFB];
	_ =	sdelay $0x3  }
0x94: {  	_ =	strace s5  }
0x95: {  	s5 =	sld [smem:$0x3FFC];
	_ =	sdelay $0x3  }
0x96: {  	_ =	strace s5  }
0x97: {  	s5 =	sld [smem:$0x3FFD];
	_ =	sdelay $0x3  }
0x98: {  	_ =	strace s5  }
0x99: {  	_ =	strace $0x8FFFFFFF  }
0x9a: {  	s20 =	sld [smem:$0x3FDB];
	_ =	sdelay $0x1  }
0x9b: {  	s6 =	simm.s32 $_scs_section_size  }
0x9c: {  	s7 =	simm.s32 $_size__tile_overlayer_lowered;
	s8 =	simm.s32 $_tile_overlayer_lowered  }
0x9d: {  	s23 =	simm.s32 $0x1BFF;
	s22 =	sshll.u32 s8, $0x1;
	s5 =	sadd.s32 s6, s20  }
0x9e: {  	s9 =	simm.s32 $0x0;
	s21 =	sshll.u32 s7, $0x1;
	s7 =	sadd.s32 s22, s5  }
0x9f: {  	[timem:s9], [sflag:s23] =	dma.local [hbm:s7], s21  }
0xa0: {  	_ =	swait.ge [sflag:s23], s21  }
0xa1: {  	s6 =	ssub.s32 $0x0, s21;
	[sflag:s23] =	ssyncset.done $0x0  }
0xa2: {  	[sflag:s23] =	ssyncadd.s32 s6;
	_ =	sdelay $0x1  }
0xa3: {  	s24 =	simm.s32 $0x1B8B  }
0xa4: {  	_ =	swait.ge [sflag:s24], $0x1  }
0xa5: {  	[sflag:s24] =	ssyncset.done $0x0  }
0xa6: {  	s25 =	simm.s32 $0x1B8E;
	[sflag:s24] =	ssyncadd.s32 $0xFFFFFFFF  }
0xa7: {  	s26 =	simm.s32 $execute0_lowered;
	[smem:$0x3FD2] =	sst s25  }
0xa8: {  	s6 =	sshll.u32 s26, $0x1;
	_ =	strace $0x80000046;
	[dreg:$0x1] =	wrdreg $0xFFFFFFFF  }
0xa9: {  	s28 =	simm.s32 $_size_execute0_lowered;
	s5 =	sadd.s32 s5, s6;
	[dreg:$0x0] =	wrdreg $0x0  }
0xaa: {  	s6 =	sshll.u32 s28, $0x1;
	[dreg:$0x2] =	wrdreg s5  }
0xab: {  	[dreg:$0x3] =	wrdreg s6  }
0xac: {  	[dreg:$0x4] =	wrdreg $0xC0  }
0xad: {  	_ =	task [dreg:s9], $0x5FFFF  }
0xae: {  	[dreg:$0x1] =	wrdreg $0xFFFFFFFF  }
0xaf: {  	[dreg:$0x0] =	wrdreg $0x60  }
0xb0: {  	[dreg:$0x2] =	wrdreg s2  }
0xb1: {  	[dreg:$0x3] =	wrdreg s19  }
0xb2: {  	[dreg:$0x4] =	wrdreg s4  }
0xb3: {  	[dreg:$0x5] =	wrdreg $0x9  }
0xb4: {  	_ =	task.clear_ibuf [dreg:s9], $0x6FFFF;
	_ =	strace $0x90000046  }
0xb5: {  	s29 =	simm.s32 $0x9;
	_ =	strace $0x80000048  }
0xb6: {  	_ =	swait.ge [sflag:s29], $0x1  }
0xb7: {  	[sflag:s29] =	ssyncadd.s32 $0xFFFFFFFF  }
0xb8: {  	_ =	strace $0x90000048  }
0xb9: {  	_ =	sfence  }
0xba: {  	s30 =	sld [smem:$0x0];
	_ =	sdelay $0x2  }
0xbb: {  	s31 =	sshll.u32 s1, $0xD;
	s1 =	sshrl.u32 s1, $0x2  }
0xbc: {  	s3 =	sand.u32 $0x4000, s31;
	s1 =	sadd.s32 s1, s30  }
0xbd: {  	s0 =	sor.u32 s3, s0;
	s1 =	sshll.u32 s1, $0x11  }
0xbe: {  	s0 =	sor.u32 s1, s0  }
0xbf: {  	s0 =	sadd.s32 $0x8F2B, s0  }
0xc0: {  	[sflag:s0] =	ssyncadd.remote.s32 $0x1  }
0xc1: {  	_ =	sfence.sel $0xFFFF  }
0xc2: {  	[dreg:$0x0] =	wrdreg $0xFFFFFFFF;
	(pc) =	sbr.abs _section_cstart, $3  }
0xc3: {  	[dreg:$0x1] =	wrdreg $0xFFFFFFFF  }
0xc4: {  	_ =	task.clear_ibuf [dreg:s9], $0x2FFFF;
	_ =	strace $0x9FFFFFFF  }
0xc5: {  	(tm) =	ssettm $0x7FFFFFFF  }
tec
execute0_lowered:
.L_overlay_start_1:
0x0: {  	(tag) =	ssettag $0x1  }
0x1: {  	s2 =	rddreg [dreg:$0x0]  }
0x2: {  	s1 =	rddreg [dreg:$0x1]  }
0x3: {  	s4 =	rddreg [dreg:$0x2];
	s6 =	stileid.u32  }
0x4: {  	s0 =	srdreg.scid;
	s3 =	simm.s32 $0x0;
	s5 =	sshll.u32 s6, $0x1  }
0x5: {  	s0 =	sand.u32 $0x1, s0;
	s6 =	sshrl.u32 s6, $0x2;
	s5 =	sand.u32 $0x6, s5  }
0x6: {  	s8 =	sshll.u32 s6, $0x4;
	s6 =	sshll.u32 s6, $0x14;
	s5 =	sor.u32 s0, s5  }
0x7: {  	s1 =	sadd.s32 s1, s8;
	s7 =	sshll.u32 s5, $0x11;
	s5 =	sshll.u32 s5, $0x9  }
0x8: {  	[smem:$0x7FF] =	sst s3;
	s6 =	sor.u32 s6, s7;
	s1 =	sadd.s32 s5, s1  }
0x9: {  	_ =	strace $0x80000047;
	s6 =	sadd.s32 s4, s6;
	[dreg:$0x4] =	wrdreg s1  }
0xa: {  	s23 =	sadd.s32 $0x1000, s6;
	[smem:$0x7FA] =	sst s6  }
0xb: {  	s24 =	sadd.s32 $0x2000, s6;
	[dreg:$0x5] =	wrdreg s23  }
0xc: {  	s25 =	sadd.s32 $0x3000, s6;
	[dreg:$0x6] =	wrdreg s24  }
0xd: {  	s26 =	sadd.s32 $0x4000, s6;
	[dreg:$0x7] =	wrdreg s25  }
0xe: {  	s28 =	sadd.s32 $0x5000, s6;
	[dreg:$0x8] =	wrdreg s26  }
0xf: {  	s29 =	sadd.s32 $0x6000, s6;
	[dreg:$0x9] =	wrdreg s28  }
0x10: {  	s30 =	sadd.s32 $0x7000, s6;
	[dreg:$0xa] =	wrdreg s29  }
0x11: {  	s31 =	sadd.s32 $0x8000, s6;
	[dreg:$0xb] =	wrdreg s30  }
0x12: {  	s4 =	sadd.s32 $0x9000, s6;
	[dreg:$0xc] =	wrdreg s31  }
0x13: {  	s5 =	sadd.s32 $0xA000, s6;
	[dreg:$0xd] =	wrdreg s4  }
0x14: {  	s7 =	sadd.s32 $0xB000, s6;
	[dreg:$0xe] =	wrdreg s5  }
0x15: {  	s8 =	sadd.s32 $0xC000, s6;
	[dreg:$0xf] =	wrdreg s7  }
0x16: {  	s9 =	sadd.s32 $0xD000, s6;
	[dreg:$0x10] =	wrdreg s8  }
0x17: {  	s10 =	sadd.s32 $0xE000, s6;
	[dreg:$0x11] =	wrdreg s9  }
0x18: {  	s11 =	sadd.s32 $0xF000, s6;
	[dreg:$0x12] =	wrdreg s10  }
0x19: {  	s12 =	sadd.s32 $0x10000, s6;
	[dreg:$0x13] =	wrdreg s11  }
0x1a: {  	s13 =	sadd.s32 $0x11000, s6;
	[dreg:$0x14] =	wrdreg s12  }
0x1b: {  	s14 =	sadd.s32 $0x12000, s6;
	[dreg:$0x15] =	wrdreg s13  }
0x1c: {  	s15 =	sadd.s32 $0x13000, s6;
	[dreg:$0x16] =	wrdreg s14  }
0x1d: {  	s16 =	sadd.s32 $0x14000, s6;
	[dreg:$0x17] =	wrdreg s15  }
0x1e: {  	s17 =	sadd.s32 $0x15000, s6;
	[dreg:$0x18] =	wrdreg s16  }
0x1f: {  	s18 =	sadd.s32 $0x16000, s6;
	[dreg:$0x19] =	wrdreg s17  }
0x20: {  	s19 =	sadd.s32 $0x17000, s6;
	[dreg:$0x1a] =	wrdreg s18  }
0x21: {  	s20 =	sadd.s32 $0x18000, s6;
	[dreg:$0x1b] =	wrdreg s19  }
0x22: {  	s21 =	sadd.s32 $0x19000, s6;
	[dreg:$0x1c] =	wrdreg s20  }
0x23: {  	s0 =	ssub.s32 $0x2, s0;
	s22 =	sadd.s32 $0x1A000, s6;
	[dreg:$0x1d] =	wrdreg s21  }
0x24: {  	[dreg:$0x1e] =	wrdreg s22;
	s23 =	sadd.s32 $0x1B000, s6;
	s24 =	sadd.s32 $0x1C000, s6  }
0x25: {  	s25 =	sshrl.u32 s0, $0x1;
	s26 =	sadd.s32 $0x1D000, s6;
	[dreg:$0x1f] =	wrdreg s23  }
0x26: {  	s28 =	sadd.s32 $0x1E000, s6;
	s5 =	sadd.s32 $0x100, s2;
	[smem:$0x7F7] =	sst s24  }
0x27: {  	s29 =	sadd.s32 $0x1F000, s6;
	s6 =	sadd.s32 $0x200, s2;
	[smem:$0x7F8] =	sst s26  }
0x28: {  	s30 =	simm.s32 $0x80;
	s7 =	sadd.s32 $0x300, s2;
	[smem:$0x7F9] =	sst s28  }
0x29: {  	s31 =	simm.s32 $0x200;
	s18 =	simm.s32 $0x1;
	[smem:$0x7FB] =	sst s29  }
0x2a: {  	v2 =	vlaneseq.u32;
	s20 =	simm.s32 $0x2;
	s21 =	simm.s32 $0x4;
	[smem:$0x7FC] =	sst s30  }
0x2b: {  	vm0 =	vmmov $0xffff;
	v1 =	vshrl.u32 v2, $0x3;
	s22 =	simm.s32 $0x3;
	s0 =	ssub.s32 s0, s25;
	[smem:$0x7FD] =	sst s31  }
0x2c: {  	v0 =	vand.u32 $0x7, v2;
	v2 =	vor.u32 $0x8, v2;
	v1 =	vmul.u32 $0x8, v1;
	s23 =	simm.s32 $0x5;
	s24 =	simm.s32 $0x6;
	s0 =	smax.u32 s0, $0x1  }
.LBB2_1:
0x2d: {  	s28 =	sld [smem:$0x7FC]  }
0x2e: {  	s29 =	sld [smem:$0x7FD]  }
0x2f: {  	[smem:$0x7F6] =	sst s0  }
0x30: {  	s25 =	rddreg [dreg:$0x4];
	s19 =	simm.s32 $0x7  }
0x31: {  	[tilespmem:s3], [sflag:$0x7] =	stream.strided.gather [hbm4b:s25+s28], $0x400, s29, s28, $0x38;
	[tilespmem:$0x18400] =	vst v63  }
0x32: {  	_ =	swait.ge [sflag:s19], $0x400  }
0x33: {  	[sflag:s19] =	ssyncset.done $0x0  }
0x34: {  	[sflag:s19] =	ssyncadd.s32 $0xFFFFFC00  }
0x35: {  	v3 =	vld [tilespmem:$0x0];
	_ =	sdelay $0x4  }
0x36: {  	v4 =	vshll.u32 v3, $0x3  }
0x37: {  	v3 =	vand.u32 $0x7, v3;
	v4 =	vand.u32 $0xFFFFFFC0, v4  }
0x38: {  	v3 =	vor.u32 v3, v4  }
0x39: {  	v4 =	vperm.xlane v3, v0;
	_ =	sdelay $0x1  }
0x3a: {  	v4 =	vadd.s32 v1, v4;
	_ =	sdelay $0x3  }
0x3b: {  	s26 =	simm.s32 $0x400  }
0x3c: {  	[tilespmem:s26], [sflag:$0x1] =	stream.indirect_vreg.gather [hbm4b:s2+s3], $0x80, v4, vm0, $0xb8;
	[tilespmem:$0x18400] =	vst v63  }
0x3d: {  	s28 =	simm.s32 $0xC00;
	v3 =	vperm.xlane v3, v2  }
0x3e: {  	[tilespmem:s28], [sflag:$0x1] =	stream.indirect_vreg.gather [hbm4b:s5+s3], $0x80, v4, vm0, $0xb8;
	[tilespmem:$0x18400] =	vst v63  }
0x3f: {  	s29 =	simm.s32 $0x1400;
	v3 =	vadd.s32 v1, v3  }
0x40: {  	[tilespmem:s29], [sflag:$0x1] =	stream.indirect_vreg.gather [hbm4b:s6+s3], $0x80, v4, vm0, $0xb8;
	[tilespmem:$0x18400] =	vst v63  }
0x41: {  	s30 =	simm.s32 $0x1C00  }
0x42: {  	[tilespmem:s30], [sflag:$0x1] =	stream.indirect_vreg.gather [hbm4b:s7+s3], $0x80, v4, vm0, $0xb8;
	[tilespmem:$0x18400] =	vst v63  }
0x43: {  	s31 =	simm.s32 $0x2400  }
0x44: {  	[tilespmem:s31], [sflag:$0x1] =	stream.indirect_vreg.gather [hbm4b:s2+s3], $0x80, v3, vm0, $0xb8;
	[tilespmem:$0x18400] =	vst v63  }
0x45: {  	s1 =	simm.s32 $0x2C00  }
0x46: {  	[tilespmem:s1], [sflag:$0x1] =	stream.indirect_vreg.gather [hbm4b:s5+s3], $0x80, v3, vm0, $0xb8;
	[tilespmem:$0x18400] =	vst v63  }
0x47: {  	s11 =	simm.s32 $0x3400  }
0x48: {  	[tilespmem:s11], [sflag:$0x1] =	stream.indirect_vreg.gather [hbm4b:s6+s3], $0x80, v3, vm0, $0xb8;
	[tilespmem:$0x18400] =	vst v63  }
0x49: {  	s12 =	simm.s32 $0x3C00  }
0x4a: {  	[tilespmem:s12], [sflag:$0x1] =	stream.indirect_vreg.gather [hbm4b:s7+s3], $0x80, v3, vm0, $0xb8;
	[tilespmem:$0x18400] =	vst v63  }
0x4b: {  	v3 =	vld [tilespmem:$0x10];
	_ =	sdelay $0x4  }
0x4c: {  	v57 =	vshll.u32 v3, $0x3  }
0x4d: {  	v3 =	vand.u32 $0x7, v3;
	v4 =	vand.u32 $0xFFFFFFC0, v57  }
0x4e: {  	v3 =	vor.u32 v3, v4  }
0x4f: {  	v4 =	vperm.xlane v3, v0;
	_ =	sdelay $0x1  }
0x50: {  	v4 =	vadd.s32 v1, v4;
	_ =	sdelay $0x3  }
0x51: {  	s13 =	simm.s32 $0x4400  }
0x52: {  	[tilespmem:s13], [sflag:$0x1] =	stream.indirect_vreg.gather [hbm4b:s2+s3], $0x80, v4, vm0, $0xb8;
	[tilespmem:$0x18400] =	vst v63  }
0x53: {  	s16 =	simm.s32 $0x4C00;
	v3 =	vperm.xlane v3, v2  }
0x54: {  	[tilespmem:s16], [sflag:$0x1] =	stream.indirect_vreg.gather [hbm4b:s5+s3], $0x80, v4, vm0, $0xb8;
	[tilespmem:$0x18400] =	vst v63  }
0x55: {  	s17 =	simm.s32 $0x5400;
	v3 =	vadd.s32 v1, v3  }
0x56: {  	[tilespmem:s17], [sflag:$0x1] =	stream.indirect_vreg.gather [hbm4b:s6+s3], $0x80, v4, vm0, $0xb8;
	[tilespmem:$0x18400] =	vst v63  }
0x57: {  	s19 =	simm.s32 $0x5C00  }
0x58: {  	[tilespmem:s19], [sflag:$0x1] =	stream.indirect_vreg.gather [hbm4b:s7+s3], $0x80, v4, vm0, $0xb8;
	[tilespmem:$0x18400] =	vst v63  }
0x59: {  	s25 =	simm.s32 $0x6400  }
0x5a: {  	[tilespmem:s25], [sflag:$0x1] =	stream.indirect_vreg.gather [hbm4b:s2+s3], $0x80, v3, vm0, $0xb8;
	[tilespmem:$0x18400] =	vst v63  }
0x5b: {  	s26 =	simm.s32 $0x6C00  }
0x5c: {  	[tilespmem:s26], [sflag:$0x1] =	stream.indirect_vreg.gather [hbm4b:s5+s3], $0x80, v3, vm0, $0xb8;
	[tilespmem:$0x18400] =	vst v63  }
0x5d: {  	s28 =	simm.s32 $0x7400  }
0x5e: {  	[tilespmem:s28], [sflag:$0x1] =	stream.indirect_vreg.gather [hbm4b:s6+s3], $0x80, v3, vm0, $0xb8;
	[tilespmem:$0x18400] =	vst v63  }
0x5f: {  	s29 =	simm.s32 $0x7C00  }
0x60: {  	[tilespmem:s29], [sflag:$0x1] =	stream.indirect_vreg.gather [hbm4b:s7+s3], $0x80, v3, vm0, $0xb8;
	[tilespmem:$0x18400] =	vst v63  }
0x61: {  	v3 =	vld [tilespmem:$0x20];
	_ =	sdelay $0x4  }
0x62: {  	v58 =	vshll.u32 v3, $0x3  }
0x63: {  	v3 =	vand.u32 $0x7, v3;
	v4 =	vand.u32 $0xFFFFFFC0, v58  }
0x64: {  	v3 =	vor.u32 v3, v4  }
0x65: {  	v4 =	vperm.xlane v3, v0;
	_ =	sdelay $0x1  }
0x66: {  	v4 =	vadd.s32 v1, v4;
	_ =	sdelay $0x3  }
0x67: {  	s30 =	simm.s32 $0x8400  }
0x68: {  	[tilespmem:s30], [sflag:$0x2] =	stream.indirect_vreg.gather [hbm4b:s2+s3], $0x80, v4, vm0, $0xb8;
	[tilespmem:$0x18400] =	vst v63  }
0x69: {  	s16 =	simm.s32 $0x8C00;
	v3 =	vperm.xlane v3, v2  }
0x6a: {  	[tilespmem:s16], [sflag:$0x2] =	stream.indirect_vreg.gather [hbm4b:s5+s3], $0x80, v4, vm0, $0xb8;
	[tilespmem:$0x18400] =	vst v63  }
0x6b: {  	s17 =	simm.s32 $0x9400;
	v3 =	vadd.s32 v1, v3  }
0x6c: {  	[tilespmem:s17], [sflag:$0x2] =	stream.indirect_vreg.gather [hbm4b:s6+s3], $0x80, v4, vm0, $0xb8;
	[tilespmem:$0x18400] =	vst v63  }
0x6d: {  	s19 =	simm.s32 $0x9C00  }
0x6e: {  	[tilespmem:s19], [sflag:$0x2] =	stream.indirect_vreg.gather [hbm4b:s7+s3], $0x80, v4, vm0, $0xb8;
	[tilespmem:$0x18400] =	vst v63  }
0x6f: {  	s25 =	simm.s32 $0xA400  }
0x70: {  	[tilespmem:s25], [sflag:$0x2] =	stream.indirect_vreg.gather [hbm4b:s2+s3], $0x80, v3, vm0, $0xb8;
	[tilespmem:$0x18400] =	vst v63  }
0x71: {  	s26 =	simm.s32 $0xAC00  }
0x72: {  	[tilespmem:s26], [sflag:$0x2] =	stream.indirect_vreg.gather [hbm4b:s5+s3], $0x80, v3, vm0, $0xb8;
	[tilespmem:$0x18400] =	vst v63  }
0x73: {  	s28 =	simm.s32 $0xB400  }
0x74: {  	[tilespmem:s28], [sflag:$0x2] =	stream.indirect_vreg.gather [hbm4b:s6+s3], $0x80, v3, vm0, $0xb8;
	[tilespmem:$0x18400] =	vst v63  }
0x75: {  	s29 =	simm.s32 $0xBC00  }
0x76: {  	[tilespmem:s29], [sflag:$0x2] =	stream.indirect_vreg.gather [hbm4b:s7+s3], $0x80, v3, vm0, $0xb8;
	[tilespmem:$0x18400] =	vst v63  }
0x77: {  	v3 =	vld [tilespmem:$0x30];
	_ =	sdelay $0x4  }
0x78: {  	v59 =	vshll.u32 v3, $0x3  }
0x79: {  	v3 =	vand.u32 $0x7, v3;
	v4 =	vand.u32 $0xFFFFFFC0, v59  }
0x7a: {  	v3 =	vor.u32 v3, v4  }
0x7b: {  	v4 =	vperm.xlane v3, v0;
	_ =	sdelay $0x1  }
0x7c: {  	v4 =	vadd.s32 v1, v4;
	_ =	sdelay $0x3  }
0x7d: {  	s30 =	simm.s32 $0xC400  }
0x7e: {  	[tilespmem:s30], [sflag:$0x2] =	stream.indirect_vreg.gather [hbm4b:s2+s3], $0x80, v4, vm0, $0xb8;
	[tilespmem:$0x18400] =	vst v63  }
0x7f: {  	s16 =	simm.s32 $0xCC00;
	v3 =	vperm.xlane v3, v2  }
0x80: {  	[tilespmem:s16], [sflag:$0x2] =	stream.indirect_vreg.gather [hbm4b:s5+s3], $0x80, v4, vm0, $0xb8;
	[tilespmem:$0x18400] =	vst v63  }
0x81: {  	s17 =	simm.s32 $0xD400;
	v3 =	vadd.s32 v1, v3  }
0x82: {  	[tilespmem:s17], [sflag:$0x2] =	stream.indirect_vreg.gather [hbm4b:s6+s3], $0x80, v4, vm0, $0xb8;
	[tilespmem:$0x18400] =	vst v63  }
0x83: {  	s19 =	simm.s32 $0xDC00  }
0x84: {  	[tilespmem:s19], [sflag:$0x2] =	stream.indirect_vreg.gather [hbm4b:s7+s3], $0x80, v4, vm0, $0xb8;
	[tilespmem:$0x18400] =	vst v63  }
0x85: {  	s25 =	simm.s32 $0xE400  }
0x86: {  	[tilespmem:s25], [sflag:$0x2] =	stream.indirect_vreg.gather [hbm4b:s2+s3], $0x80, v3, vm0, $0xb8;
	[tilespmem:$0x18400] =	vst v63  }
0x87: {  	s26 =	simm.s32 $0xEC00  }
0x88: {  	[tilespmem:s26], [sflag:$0x2] =	stream.indirect_vreg.gather [hbm4b:s5+s3], $0x80, v3, vm0, $0xb8;
	[tilespmem:$0x18400] =	vst v63  }
0x89: {  	s28 =	simm.s32 $0xF400  }
0x8a: {  	[tilespmem:s28], [sflag:$0x2] =	stream.indirect_vreg.gather [hbm4b:s6+s3], $0x80, v3, vm0, $0xb8;
	[tilespmem:$0x18400] =	vst v63  }
0x8b: {  	s30 =	simm.s32 $0xFC00  }
0x8c: {  	[tilespmem:s30], [sflag:$0x2] =	stream.indirect_vreg.gather [hbm4b:s7+s3], $0x80, v3, vm0, $0xb8;
	[tilespmem:$0x18400] =	vst v63  }
0x8d: {  	_ =	swait.ge [sflag:s18], $0x8000  }
0x8e: {  	s16 =	sld [smem:$0x7FA]  }
0x8f: {  	[sflag:s18] =	ssyncset.done $0x0  }
0x90: {  	s10 =	simm.s32 $0x400;
	[sflag:s18] =	ssyncadd.s32 $0xFFFF8000  }
0x91: {  	[hbm4b:s16+s3] =	stream.linear.scatter [tilespmem:s10], [sflag:$0x4], $0x8000, $0x38;
	[tilespmem:$0x18400] =	vst v63  }
0x92: {  	v3 =	vld [tilespmem:$0x40];
	_ =	sdelay $0x4  }
0x93: {  	v60 =	vshll.u32 v3, $0x3  }
0x94: {  	v3 =	vand.u32 $0x7, v3;
	v4 =	vand.u32 $0xFFFFFFC0, v60  }
0x95: {  	v3 =	vor.u32 v3, v4  }
0x96: {  	v4 =	vperm.xlane v3, v0;
	_ =	sdelay $0x1  }
0x97: {  	v4 =	vadd.s32 v1, v4;
	_ =	sdelay $0x3  }
0x98: {  	s17 =	simm.s32 $0x10400  }
0x99: {  	[tilespmem:s17], [sflag:$0x3] =	stream.indirect_vreg.gather [hbm4b:s2+s3], $0x80, v4, vm0, $0xb8;
	[tilespmem:$0x18400] =	vst v63  }
0x9a: {  	s19 =	simm.s32 $0x10C00;
	v3 =	vperm.xlane v3, v2  }
0x9b: {  	[tilespmem:s19], [sflag:$0x3] =	stream.indirect_vreg.gather [hbm4b:s5+s3], $0x80, v4, vm0, $0xb8;
	[tilespmem:$0x18400] =	vst v63  }
0x9c: {  	s25 =	simm.s32 $0x11400;
	v3 =	vadd.s32 v1, v3  }
0x9d: {  	[tilespmem:s25], [sflag:$0x3] =	stream.indirect_vreg.gather [hbm4b:s6+s3], $0x80, v4, vm0, $0xb8;
	[tilespmem:$0x18400] =	vst v63  }
0x9e: {  	s26 =	simm.s32 $0x11C00  }
0x9f: {  	[tilespmem:s26], [sflag:$0x3] =	stream.indirect_vreg.gather [hbm4b:s7+s3], $0x80, v4, vm0, $0xb8;
	[tilespmem:$0x18400] =	vst v63  }
0xa0: {  	s30 =	simm.s32 $0x12400  }
0xa1: {  	[tilespmem:s30], [sflag:$0x3] =	stream.indirect_vreg.gather [hbm4b:s2+s3], $0x80, v3, vm0, $0xb8;
	[tilespmem:$0x18400] =	vst v63  }
0xa2: {  	s16 =	simm.s32 $0x12C00  }
0xa3: {  	[tilespmem:s16], [sflag:$0x3] =	stream.indirect_vreg.gather [hbm4b:s5+s3], $0x80, v3, vm0, $0xb8;
	[tilespmem:$0x18400] =	vst v63  }
0xa4: {  	s17 =	simm.s32 $0x13400  }
0xa5: {  	[tilespmem:s17], [sflag:$0x3] =	stream.indirect_vreg.gather [hbm4b:s6+s3], $0x80, v3, vm0, $0xb8;
	[tilespmem:$0x18400] =	vst v63  }
0xa6: {  	s19 =	simm.s32 $0x13C00  }
0xa7: {  	[tilespmem:s19], [sflag:$0x3] =	stream.indirect_vreg.gather [hbm4b:s7+s3], $0x80, v3, vm0, $0xb8;
	[tilespmem:$0x18400] =	vst v63  }
0xa8: {  	v3 =	vld [tilespmem:$0x50];
	_ =	sdelay $0x4  }
0xa9: {  	v61 =	vshll.u32 v3, $0x3  }
0xaa: {  	v3 =	vand.u32 $0x7, v3;
	v4 =	vand.u32 $0xFFFFFFC0, v61  }
0xab: {  	v3 =	vor.u32 v3, v4  }
0xac: {  	v4 =	vperm.xlane v3, v0;
	_ =	sdelay $0x1  }
0xad: {  	v4 =	vadd.s32 v1, v4;
	_ =	sdelay $0x3  }
0xae: {  	s25 =	simm.s32 $0x14400  }
0xaf: {  	[tilespmem:s25], [sflag:$0x3] =	stream.indirect_vreg.gather [hbm4b:s2+s3], $0x80, v4, vm0, $0xb8;
	[tilespmem:$0x18400] =	vst v63  }
0xb0: {  	s26 =	simm.s32 $0x14C00;
	v3 =	vperm.xlane v3, v2  }
0xb1: {  	[tilespmem:s26], [sflag:$0x3] =	stream.indirect_vreg.gather [hbm4b:s5+s3], $0x80, v4, vm0, $0xb8;
	[tilespmem:$0x18400] =	vst v63  }
0xb2: {  	s30 =	simm.s32 $0x15400;
	v3 =	vadd.s32 v1, v3  }
0xb3: {  	[tilespmem:s30], [sflag:$0x3] =	stream.indirect_vreg.gather [hbm4b:s6+s3], $0x80, v4, vm0, $0xb8;
	[tilespmem:$0x18400] =	vst v63  }
0xb4: {  	s16 =	simm.s32 $0x15C00  }
0xb5: {  	[tilespmem:s16], [sflag:$0x3] =	stream.indirect_vreg.gather [hbm4b:s7+s3], $0x80, v4, vm0, $0xb8;
	[tilespmem:$0x18400] =	vst v63  }
0xb6: {  	s17 =	simm.s32 $0x16400  }
0xb7: {  	[tilespmem:s17], [sflag:$0x3] =	stream.indirect_vreg.gather [hbm4b:s2+s3], $0x80, v3, vm0, $0xb8;
	[tilespmem:$0x18400] =	vst v63  }
0xb8: {  	s19 =	simm.s32 $0x16C00  }
0xb9: {  	[tilespmem:s19], [sflag:$0x3] =	stream.indirect_vreg.gather [hbm4b:s5+s3], $0x80, v3, vm0, $0xb8;
	[tilespmem:$0x18400] =	vst v63  }
0xba: {  	s25 =	simm.s32 $0x17400  }
0xbb: {  	[tilespmem:s25], [sflag:$0x3] =	stream.indirect_vreg.gather [hbm4b:s6+s3], $0x80, v3, vm0, $0xb8;
	[tilespmem:$0x18400] =	vst v63  }
0xbc: {  	s26 =	simm.s32 $0x17C00  }
0xbd: {  	[tilespmem:s26], [sflag:$0x3] =	stream.indirect_vreg.gather [hbm4b:s7+s3], $0x80, v3, vm0, $0xb8;
	[tilespmem:$0x18400] =	vst v63  }
0xbe: {  	_ =	swait.ge [sflag:s20], $0x8000  }
0xbf: {  	[sflag:s20] =	ssyncset.done $0x0  }
0xc0: {  	s0 =	simm.s32 $0x8400;
	s30 =	rddreg [dreg:$0x5];
	[sflag:s20] =	ssyncadd.s32 $0xFFFF8000  }
0xc1: {  	[hbm4b:s30+s3] =	stream.linear.scatter [tilespmem:s0], [sflag:$0x5], $0x8000, $0x38;
	[tilespmem:$0x18400] =	vst v63  }
0xc2: {  	_ =	swait.ge [sflag:s21], $0x8000  }
0xc3: {  	[sflag:s21] =	ssyncset.done $0x0  }
0xc4: {  	[sflag:s21] =	ssyncadd.s32 $0xFFFF8000  }
0xc5: {  	v3 =	vld [tilespmem:$0x60];
	_ =	sdelay $0x4  }
0xc6: {  	v62 =	vshll.u32 v3, $0x3  }
0xc7: {  	v3 =	vand.u32 $0x7, v3;
	v4 =	vand.u32 $0xFFFFFFC0, v62  }
0xc8: {  	v3 =	vor.u32 v3, v4  }
0xc9: {  	v4 =	vperm.xlane v3, v0;
	_ =	sdelay $0x1  }
0xca: {  	v4 =	vadd.s32 v1, v4;
	_ =	sdelay $0x3  }
0xcb: {  	s10 =	simm.s32 $0x400  }
0xcc: {  	[tilespmem:s10], [sflag:$0x1] =	stream.indirect_vreg.gather [hbm4b:s2+s3], $0x80, v4, vm0, $0xb8;
	[tilespmem:$0x18400] =	vst v63  }
0xcd: {  	s19 =	simm.s32 $0xC00;
	v3 =	vperm.xlane v3, v2  }
0xce: {  	[tilespmem:s19], [sflag:$0x1] =	stream.indirect_vreg.gather [hbm4b:s5+s3], $0x80, v4, vm0, $0xb8;
	[tilespmem:$0x18400] =	vst v63  }
0xcf: {  	s4 =	simm.s32 $0x1400;
	v3 =	vadd.s32 v1, v3  }
0xd0: {  	[tilespmem:s4], [sflag:$0x1] =	stream.indirect_vreg.gather [hbm4b:s6+s3], $0x80, v4, vm0, $0xb8;
	[tilespmem:$0x18400] =	vst v63  }
0xd1: {  	s8 =	simm.s32 $0x1C00  }
0xd2: {  	[tilespmem:s8], [sflag:$0x1] =	stream.indirect_vreg.gather [hbm4b:s7+s3], $0x80, v4, vm0, $0xb8;
	[tilespmem:$0x18400] =	vst v63  }
0xd3: {  	s9 =	simm.s32 $0x2400  }
0xd4: {  	[tilespmem:s9], [sflag:$0x1] =	stream.indirect_vreg.gather [hbm4b:s2+s3], $0x80, v3, vm0, $0xb8;
	[tilespmem:$0x18400] =	vst v63  }
0xd5: {  	s14 =	simm.s32 $0x2C00  }
0xd6: {  	[tilespmem:s14], [sflag:$0x1] =	stream.indirect_vreg.gather [hbm4b:s5+s3], $0x80, v3, vm0, $0xb8;
	[tilespmem:$0x18400] =	vst v63  }
0xd7: {  	s15 =	simm.s32 $0x3400  }
0xd8: {  	[tilespmem:s15], [sflag:$0x1] =	stream.indirect_vreg.gather [hbm4b:s6+s3], $0x80, v3, vm0, $0xb8;
	[tilespmem:$0x18400] =	vst v63  }
0xd9: {  	s16 =	simm.s32 $0x3C00  }
0xda: {  	[tilespmem:s16], [sflag:$0x1] =	stream.indirect_vreg.gather [hbm4b:s7+s3], $0x80, v3, vm0, $0xb8;
	[tilespmem:$0x18400] =	vst v63  }
0xdb: {  	v3 =	vld [tilespmem:$0x70];
	_ =	sdelay $0x4  }
0xdc: {  	v63 =	vshll.u32 v3, $0x3  }
0xdd: {  	v3 =	vand.u32 $0x7, v3;
	v4 =	vand.u32 $0xFFFFFFC0, v63  }
0xde: {  	v3 =	vor.u32 v3, v4  }
0xdf: {  	v4 =	vperm.xlane v3, v0;
	_ =	sdelay $0x1  }
0xe0: {  	v4 =	vadd.s32 v1, v4;
	_ =	sdelay $0x3  }
0xe1: {  	s17 =	simm.s32 $0x4400  }
0xe2: {  	[tilespmem:s17], [sflag:$0x1] =	stream.indirect_vreg.gather [hbm4b:s2+s3], $0x80, v4, vm0, $0xb8;
	[tilespmem:$0x18400] =	vst v63  }
0xe3: {  	s30 =	simm.s32 $0x4C00;
	v3 =	vperm.xlane v3, v2  }
0xe4: {  	[tilespmem:s30], [sflag:$0x1] =	stream.indirect_vreg.gather [hbm4b:s5+s3], $0x80, v4, vm0, $0xb8;
	[tilespmem:$0x18400] =	vst v63  }
0xe5: {  	s12 =	simm.s32 $0x5400;
	v3 =	vadd.s32 v1, v3  }
0xe6: {  	[tilespmem:s12], [sflag:$0x1] =	stream.indirect_vreg.gather [hbm4b:s6+s3], $0x80, v4, vm0, $0xb8;
	[tilespmem:$0x18400] =	vst v63  }
0xe7: {  	s13 =	simm.s32 $0x5C00  }
0xe8: {  	[tilespmem:s13], [sflag:$0x1] =	stream.indirect_vreg.gather [hbm4b:s7+s3], $0x80, v4, vm0, $0xb8;
	[tilespmem:$0x18400] =	vst v63  }
0xe9: {  	s31 =	simm.s32 $0x6400  }
0xea: {  	[tilespmem:s31], [sflag:$0x1] =	stream.indirect_vreg.gather [hbm4b:s2+s3], $0x80, v3, vm0, $0xb8;
	[tilespmem:$0x18400] =	vst v63  }
0xeb: {  	s1 =	simm.s32 $0x6C00  }
0xec: {  	[tilespmem:s1], [sflag:$0x1] =	stream.indirect_vreg.gather [hbm4b:s5+s3], $0x80, v3, vm0, $0xb8;
	[tilespmem:$0x18400] =	vst v63  }
0xed: {  	s11 =	simm.s32 $0x7400  }
0xee: {  	[tilespmem:s11], [sflag:$0x1] =	stream.indirect_vreg.gather [hbm4b:s6+s3], $0x80, v3, vm0, $0xb8;
	[tilespmem:$0x18400] =	vst v63  }
0xef: {  	s31 =	simm.s32 $0x7C00  }
0xf0: {  	[tilespmem:s31], [sflag:$0x1] =	stream.indirect_vreg.gather [hbm4b:s7+s3], $0x80, v3, vm0, $0xb8;
	[tilespmem:$0x18400] =	vst v63  }
0xf1: {  	_ =	swait.ge [sflag:s22], $0x8000  }
0xf2: {  	[sflag:s22] =	ssyncset.done $0x0  }
0xf3: {  	s10 =	simm.s32 $0x10400;
	s9 =	rddreg [dreg:$0x6];
	[sflag:s22] =	ssyncadd.s32 $0xFFFF8000  }
0xf4: {  	[hbm4b:s9+s3] =	stream.linear.scatter [tilespmem:s10], [sflag:$0x6], $0x8000, $0x38;
	[tilespmem:$0x18400] =	vst v63  }
0xf5: {  	_ =	swait.ge [sflag:s23], $0x8000  }
0xf6: {  	[sflag:s23] =	ssyncset.done $0x0  }
0xf7: {  	[sflag:s23] =	ssyncadd.s32 $0xFFFF8000  }
0xf8: {  	v3 =	vld [tilespmem:$0x80];
	_ =	sdelay $0x4  }
0xf9: {  	v8 =	vshll.u32 v3, $0x3  }
0xfa: {  	v3 =	vand.u32 $0x7, v3;
	v4 =	vand.u32 $0xFFFFFFC0, v8  }
0xfb: {  	v3 =	vor.u32 v3, v4  }
0xfc: {  	v4 =	vperm.xlane v3, v0;
	_ =	sdelay $0x1  }
0xfd: {  	v4 =	vadd.s32 v1, v4;
	_ =	sdelay $0x4  }
0xfe: {  	[tilespmem:s0], [sflag:$0x2] =	stream.indirect_vreg.gather [hbm4b:s2+s3], $0x80, v4, vm0, $0xb8;
	[tilespmem:$0x18400] =	vst v63  }
0xff: {  	s11 =	simm.s32 $0x8C00;
	v3 =	vperm.xlane v3, v2  }
0x100: {  	[tilespmem:s11], [sflag:$0x2] =	stream.indirect_vreg.gather [hbm4b:s5+s3], $0x80, v4, vm0, $0xb8;
	[tilespmem:$0x18400] =	vst v63  }
0x101: {  	s12 =	simm.s32 $0x9400;
	v3 =	vadd.s32 v1, v3  }
0x102: {  	[tilespmem:s12], [sflag:$0x2] =	stream.indirect_vreg.gather [hbm4b:s6+s3], $0x80, v4, vm0, $0xb8;
	[tilespmem:$0x18400] =	vst v63  }
0x103: {  	s13 =	simm.s32 $0x9C00  }
0x104: {  	[tilespmem:s13], [sflag:$0x2] =	stream.indirect_vreg.gather [hbm4b:s7+s3], $0x80, v4, vm0, $0xb8;
	[tilespmem:$0x18400] =	vst v63  }
0x105: {  	s14 =	simm.s32 $0xA400  }
0x106: {  	[tilespmem:s14], [sflag:$0x2] =	stream.indirect_vreg.gather [hbm4b:s2+s3], $0x80, v3, vm0, $0xb8;
	[tilespmem:$0x18400] =	vst v63  }
0x107: {  	s15 =	simm.s32 $0xAC00  }
0x108: {  	[tilespmem:s15], [sflag:$0x2] =	stream.indirect_vreg.gather [hbm4b:s5+s3], $0x80, v3, vm0, $0xb8;
	[tilespmem:$0x18400] =	vst v63  }
0x109: {  	s9 =	simm.s32 $0xB400  }
0x10a: {  	[tilespmem:s9], [sflag:$0x2] =	stream.indirect_vreg.gather [hbm4b:s6+s3], $0x80, v3, vm0, $0xb8;
	[tilespmem:$0x18400] =	vst v63  }
0x10b: {  	s29 =	simm.s32 $0xBC00  }
0x10c: {  	[tilespmem:s29], [sflag:$0x2] =	stream.indirect_vreg.gather [hbm4b:s7+s3], $0x80, v3, vm0, $0xb8;
	[tilespmem:$0x18400] =	vst v63  }
0x10d: {  	v3 =	vld [tilespmem:$0x90];
	_ =	sdelay $0x4  }
0x10e: {  	v9 =	vshll.u32 v3, $0x3  }
0x10f: {  	v3 =	vand.u32 $0x7, v3;
	v4 =	vand.u32 $0xFFFFFFC0, v9  }
0x110: {  	v3 =	vor.u32 v3, v4  }
0x111: {  	v4 =	vperm.xlane v3, v0;
	_ =	sdelay $0x1  }
0x112: {  	v4 =	vadd.s32 v1, v4;
	_ =	sdelay $0x3  }
0x113: {  	s25 =	simm.s32 $0xC400  }
0x114: {  	[tilespmem:s25], [sflag:$0x2] =	stream.indirect_vreg.gather [hbm4b:s2+s3], $0x80, v4, vm0, $0xb8;
	[tilespmem:$0x18400] =	vst v63  }
0x115: {  	s29 =	simm.s32 $0xCC00;
	v3 =	vperm.xlane v3, v2  }
0x116: {  	[tilespmem:s29], [sflag:$0x2] =	stream.indirect_vreg.gather [hbm4b:s5+s3], $0x80, v4, vm0, $0xb8;
	[tilespmem:$0x18400] =	vst v63  }
0x117: {  	s11 =	simm.s32 $0xD400;
	v3 =	vadd.s32 v1, v3  }
0x118: {  	[tilespmem:s11], [sflag:$0x2] =	stream.indirect_vreg.gather [hbm4b:s6+s3], $0x80, v4, vm0, $0xb8;
	[tilespmem:$0x18400] =	vst v63  }
0x119: {  	s12 =	simm.s32 $0xDC00  }
0x11a: {  	[tilespmem:s12], [sflag:$0x2] =	stream.indirect_vreg.gather [hbm4b:s7+s3], $0x80, v4, vm0, $0xb8;
	[tilespmem:$0x18400] =	vst v63  }
0x11b: {  	s13 =	simm.s32 $0xE400  }
0x11c: {  	[tilespmem:s13], [sflag:$0x2] =	stream.indirect_vreg.gather [hbm4b:s2+s3], $0x80, v3, vm0, $0xb8;
	[tilespmem:$0x18400] =	vst v63  }
0x11d: {  	s14 =	simm.s32 $0xEC00  }
0x11e: {  	[tilespmem:s14], [sflag:$0x2] =	stream.indirect_vreg.gather [hbm4b:s5+s3], $0x80, v3, vm0, $0xb8;
	[tilespmem:$0x18400] =	vst v63  }
0x11f: {  	s15 =	simm.s32 $0xF400  }
0x120: {  	[tilespmem:s15], [sflag:$0x2] =	stream.indirect_vreg.gather [hbm4b:s6+s3], $0x80, v3, vm0, $0xb8;
	[tilespmem:$0x18400] =	vst v63  }
0x121: {  	s4 =	simm.s32 $0xFC00  }
0x122: {  	[tilespmem:s4], [sflag:$0x2] =	stream.indirect_vreg.gather [hbm4b:s7+s3], $0x80, v3, vm0, $0xb8;
	[tilespmem:$0x18400] =	vst v63  }
0x123: {  	_ =	swait.ge [sflag:s18], $0x8000  }
0x124: {  	[sflag:s18] =	ssyncset.done $0x0  }
0x125: {  	s26 =	simm.s32 $0x400;
	s8 =	rddreg [dreg:$0x7];
	[sflag:s18] =	ssyncadd.s32 $0xFFFF8000  }
0x126: {  	[hbm4b:s8+s3] =	stream.linear.scatter [tilespmem:s26], [sflag:$0x4], $0x8000, $0x38;
	[tilespmem:$0x18400] =	vst v63  }
0x127: {  	_ =	swait.ge [sflag:s24], $0x8000  }
0x128: {  	[sflag:s24] =	ssyncset.done $0x0  }
0x129: {  	[sflag:s24] =	ssyncadd.s32 $0xFFFF8000  }
0x12a: {  	v3 =	vld [tilespmem:$0xA0];
	_ =	sdelay $0x4  }
0x12b: {  	v10 =	vshll.u32 v3, $0x3  }
0x12c: {  	v3 =	vand.u32 $0x7, v3;
	v4 =	vand.u32 $0xFFFFFFC0, v10  }
0x12d: {  	v3 =	vor.u32 v3, v4  }
0x12e: {  	v4 =	vperm.xlane v3, v0;
	_ =	sdelay $0x1  }
0x12f: {  	v4 =	vadd.s32 v1, v4;
	_ =	sdelay $0x4  }
0x130: {  	[tilespmem:s10], [sflag:$0x3] =	stream.indirect_vreg.gather [hbm4b:s2+s3], $0x80, v4, vm0, $0xb8;
	[tilespmem:$0x18400] =	vst v63  }
0x131: {  	s28 =	simm.s32 $0x10C00;
	v3 =	vperm.xlane v3, v2  }
0x132: {  	[tilespmem:s28], [sflag:$0x3] =	stream.indirect_vreg.gather [hbm4b:s5+s3], $0x80, v4, vm0, $0xb8;
	[tilespmem:$0x18400] =	vst v63  }
0x133: {  	s29 =	simm.s32 $0x11400;
	v3 =	vadd.s32 v1, v3  }
0x134: {  	[tilespmem:s29], [sflag:$0x3] =	stream.indirect_vreg.gather [hbm4b:s6+s3], $0x80, v4, vm0, $0xb8;
	[tilespmem:$0x18400] =	vst v63  }
0x135: {  	s10 =	simm.s32 $0x11C00  }
0x136: {  	[tilespmem:s10], [sflag:$0x3] =	stream.indirect_vreg.gather [hbm4b:s7+s3], $0x80, v4, vm0, $0xb8;
	[tilespmem:$0x18400] =	vst v63  }
0x137: {  	s26 =	simm.s32 $0x12400  }
0x138: {  	[tilespmem:s26], [sflag:$0x3] =	stream.indirect_vreg.gather [hbm4b:s2+s3], $0x80, v3, vm0, $0xb8;
	[tilespmem:$0x18400] =	vst v63  }
0x139: {  	s28 =	simm.s32 $0x12C00  }
0x13a: {  	[tilespmem:s28], [sflag:$0x3] =	stream.indirect_vreg.gather [hbm4b:s5+s3], $0x80, v3, vm0, $0xb8;
	[tilespmem:$0x18400] =	vst v63  }
0x13b: {  	s25 =	simm.s32 $0x13400  }
0x13c: {  	[tilespmem:s25], [sflag:$0x3] =	stream.indirect_vreg.gather [hbm4b:s6+s3], $0x80, v3, vm0, $0xb8;
	[tilespmem:$0x18400] =	vst v63  }
0x13d: {  	s25 =	simm.s32 $0x13C00  }
0x13e: {  	[tilespmem:s25], [sflag:$0x3] =	stream.indirect_vreg.gather [hbm4b:s7+s3], $0x80, v3, vm0, $0xb8;
	[tilespmem:$0x18400] =	vst v63  }
0x13f: {  	v3 =	vld [tilespmem:$0xB0];
	_ =	sdelay $0x4  }
0x140: {  	v11 =	vshll.u32 v3, $0x3  }
0x141: {  	v3 =	vand.u32 $0x7, v3;
	v4 =	vand.u32 $0xFFFFFFC0, v11  }
0x142: {  	v3 =	vor.u32 v3, v4  }
0x143: {  	v4 =	vperm.xlane v3, v0;
	_ =	sdelay $0x1  }
0x144: {  	v4 =	vadd.s32 v1, v4;
	_ =	sdelay $0x3  }
0x145: {  	s25 =	simm.s32 $0x14400  }
0x146: {  	[tilespmem:s25], [sflag:$0x3] =	stream.indirect_vreg.gather [hbm4b:s2+s3], $0x80, v4, vm0, $0xb8;
	[tilespmem:$0x18400] =	vst v63  }
0x147: {  	v3 =	vperm.xlane v3, v2;
	s25 =	simm.s32 $0x14C00  }
0x148: {  	[tilespmem:s25], [sflag:$0x3] =	stream.indirect_vreg.gather [hbm4b:s5+s3], $0x80, v4, vm0, $0xb8;
	[tilespmem:$0x18400] =	vst v63  }
0x149: {  	v3 =	vadd.s32 v1, v3;
	s25 =	simm.s32 $0x15400  }
0x14a: {  	[tilespmem:s25], [sflag:$0x3] =	stream.indirect_vreg.gather [hbm4b:s6+s3], $0x80, v4, vm0, $0xb8;
	[tilespmem:$0x18400] =	vst v63  }
0x14b: {  	s25 =	simm.s32 $0x15C00  }
0x14c: {  	[tilespmem:s25], [sflag:$0x3] =	stream.indirect_vreg.gather [hbm4b:s7+s3], $0x80, v4, vm0, $0xb8;
	[tilespmem:$0x18400] =	vst v63  }
0x14d: {  	s25 =	simm.s32 $0x16400  }
0x14e: {  	[tilespmem:s25], [sflag:$0x3] =	stream.indirect_vreg.gather [hbm4b:s2+s3], $0x80, v3, vm0, $0xb8;
	[tilespmem:$0x18400] =	vst v63  }
0x14f: {  	s25 =	simm.s32 $0x16C00  }
0x150: {  	[tilespmem:s25], [sflag:$0x3] =	stream.indirect_vreg.gather [hbm4b:s5+s3], $0x80, v3, vm0, $0xb8;
	[tilespmem:$0x18400] =	vst v63  }
0x151: {  	s25 =	simm.s32 $0x17400  }
0x152: {  	[tilespmem:s25], [sflag:$0x3] =	stream.indirect_vreg.gather [hbm4b:s6+s3], $0x80, v3, vm0, $0xb8;
	[tilespmem:$0x18400] =	vst v63  }
0x153: {  	s25 =	simm.s32 $0x17C00  }
0x154: {  	[tilespmem:s25], [sflag:$0x3] =	stream.indirect_vreg.gather [hbm4b:s7+s3], $0x80, v3, vm0, $0xb8;
	[tilespmem:$0x18400] =	vst v63  }
0x155: {  	_ =	swait.ge [sflag:s20], $0x8000  }
0x156: {  	[sflag:s20] =	ssyncset.done $0x0  }
0x157: {  	s1 =	simm.s32 $0x8400;
	s8 =	rddreg [dreg:$0x8];
	[sflag:s20] =	ssyncadd.s32 $0xFFFF8000  }
0x158: {  	[hbm4b:s8+s3] =	stream.linear.scatter [tilespmem:s1], [sflag:$0x5], $0x8000, $0x38;
	[tilespmem:$0x18400] =	vst v63  }
0x159: {  	_ =	swait.ge [sflag:s21], $0x8000  }
0x15a: {  	[sflag:s21] =	ssyncset.done $0x0  }
0x15b: {  	[sflag:s21] =	ssyncadd.s32 $0xFFFF8000  }
0x15c: {  	v3 =	vld [tilespmem:$0xC0];
	_ =	sdelay $0x4  }
0x15d: {  	v12 =	vshll.u32 v3, $0x3  }
0x15e: {  	v3 =	vand.u32 $0x7, v3;
	v4 =	vand.u32 $0xFFFFFFC0, v12  }
0x15f: {  	v3 =	vor.u32 v3, v4  }
0x160: {  	v4 =	vperm.xlane v3, v0;
	_ =	sdelay $0x1  }
0x161: {  	v4 =	vadd.s32 v1, v4;
	_ =	sdelay $0x3  }
0x162: {  	s0 =	simm.s32 $0x400  }
0x163: {  	[tilespmem:s0], [sflag:$0x1] =	stream.indirect_vreg.gather [hbm4b:s2+s3], $0x80, v4, vm0, $0xb8;
	[tilespmem:$0x18400] =	vst v63  }
0x164: {  	v3 =	vperm.xlane v3, v2  }
0x165: {  	[tilespmem:s19], [sflag:$0x1] =	stream.indirect_vreg.gather [hbm4b:s5+s3], $0x80, v4, vm0, $0xb8;
	[tilespmem:$0x18400] =	vst v63  }
0x166: {  	v3 =	vadd.s32 v1, v3;
	s19 =	simm.s32 $0x1400  }
0x167: {  	[tilespmem:s19], [sflag:$0x1] =	stream.indirect_vreg.gather [hbm4b:s6+s3], $0x80, v4, vm0, $0xb8;
	[tilespmem:$0x18400] =	vst v63  }
0x168: {  	s25 =	simm.s32 $0x1C00  }
0x169: {  	[tilespmem:s25], [sflag:$0x1] =	stream.indirect_vreg.gather [hbm4b:s7+s3], $0x80, v4, vm0, $0xb8;
	[tilespmem:$0x18400] =	vst v63  }
0x16a: {  	s25 =	simm.s32 $0x2400  }
0x16b: {  	[tilespmem:s25], [sflag:$0x1] =	stream.indirect_vreg.gather [hbm4b:s2+s3], $0x80, v3, vm0, $0xb8;
	[tilespmem:$0x18400] =	vst v63  }
0x16c: {  	s25 =	simm.s32 $0x2C00  }
0x16d: {  	[tilespmem:s25], [sflag:$0x1] =	stream.indirect_vreg.gather [hbm4b:s5+s3], $0x80, v3, vm0, $0xb8;
	[tilespmem:$0x18400] =	vst v63  }
0x16e: {  	s25 =	simm.s32 $0x3400  }
0x16f: {  	[tilespmem:s25], [sflag:$0x1] =	stream.indirect_vreg.gather [hbm4b:s6+s3], $0x80, v3, vm0, $0xb8;
	[tilespmem:$0x18400] =	vst v63  }
0x170: {  	_ = 	snop  }
0x171: {  	[tilespmem:s16], [sflag:$0x1] =	stream.indirect_vreg.gather [hbm4b:s7+s3], $0x80, v3, vm0, $0xb8;
	[tilespmem:$0x18400] =	vst v63  }
0x172: {  	v3 =	vld [tilespmem:$0xD0];
	_ =	sdelay $0x4  }
0x173: {  	v13 =	vshll.u32 v3, $0x3  }
0x174: {  	v3 =	vand.u32 $0x7, v3;
	v4 =	vand.u32 $0xFFFFFFC0, v13  }
0x175: {  	v3 =	vor.u32 v3, v4  }
0x176: {  	v4 =	vperm.xlane v3, v0;
	_ =	sdelay $0x1  }
0x177: {  	v4 =	vadd.s32 v1, v4;
	_ =	sdelay $0x4  }
0x178: {  	[tilespmem:s17], [sflag:$0x1] =	stream.indirect_vreg.gather [hbm4b:s2+s3], $0x80, v4, vm0, $0xb8;
	[tilespmem:$0x18400] =	vst v63  }
0x179: {  	v3 =	vperm.xlane v3, v2  }
0x17a: {  	[tilespmem:s30], [sflag:$0x1] =	stream.indirect_vreg.gather [hbm4b:s5+s3], $0x80, v4, vm0, $0xb8;
	[tilespmem:$0x18400] =	vst v63  }
0x17b: {  	v3 =	vadd.s32 v1, v3;
	s17 =	simm.s32 $0x5400  }
0x17c: {  	[tilespmem:s17], [sflag:$0x1] =	stream.indirect_vreg.gather [hbm4b:s6+s3], $0x80, v4, vm0, $0xb8;
	[tilespmem:$0x18400] =	vst v63  }
0x17d: {  	s30 =	simm.s32 $0x5C00  }
0x17e: {  	[tilespmem:s30], [sflag:$0x1] =	stream.indirect_vreg.gather [hbm4b:s7+s3], $0x80, v4, vm0, $0xb8;
	[tilespmem:$0x18400] =	vst v63  }
0x17f: {  	s25 =	simm.s32 $0x6400  }
0x180: {  	[tilespmem:s25], [sflag:$0x1] =	stream.indirect_vreg.gather [hbm4b:s2+s3], $0x80, v3, vm0, $0xb8;
	[tilespmem:$0x18400] =	vst v63  }
0x181: {  	s16 =	simm.s32 $0x6C00  }
0x182: {  	[tilespmem:s16], [sflag:$0x1] =	stream.indirect_vreg.gather [hbm4b:s5+s3], $0x80, v3, vm0, $0xb8;
	[tilespmem:$0x18400] =	vst v63  }
0x183: {  	s25 =	simm.s32 $0x7400  }
0x184: {  	[tilespmem:s25], [sflag:$0x1] =	stream.indirect_vreg.gather [hbm4b:s6+s3], $0x80, v3, vm0, $0xb8;
	[tilespmem:$0x18400] =	vst v63  }
0x185: {  	_ = 	snop  }
0x186: {  	[tilespmem:s31], [sflag:$0x1] =	stream.indirect_vreg.gather [hbm4b:s7+s3], $0x80, v3, vm0, $0xb8;
	[tilespmem:$0x18400] =	vst v63  }
0x187: {  	_ =	swait.ge [sflag:s22], $0x8000  }
0x188: {  	[sflag:s22] =	ssyncset.done $0x0  }
0x189: {  	s4 =	simm.s32 $0x10400;
	s16 =	rddreg [dreg:$0x9];
	[sflag:s22] =	ssyncadd.s32 $0xFFFF8000  }
0x18a: {  	[hbm4b:s16+s3] =	stream.linear.scatter [tilespmem:s4], [sflag:$0x6], $0x8000, $0x38;
	[tilespmem:$0x18400] =	vst v63  }
0x18b: {  	_ =	swait.ge [sflag:s23], $0x8000  }
0x18c: {  	[sflag:s23] =	ssyncset.done $0x0  }
0x18d: {  	[sflag:s23] =	ssyncadd.s32 $0xFFFF8000  }
0x18e: {  	v3 =	vld [tilespmem:$0xE0];
	_ =	sdelay $0x4  }
0x18f: {  	v14 =	vshll.u32 v3, $0x3  }
0x190: {  	v3 =	vand.u32 $0x7, v3;
	v4 =	vand.u32 $0xFFFFFFC0, v14  }
0x191: {  	v3 =	vor.u32 v3, v4  }
0x192: {  	v4 =	vperm.xlane v3, v0;
	_ =	sdelay $0x1  }
0x193: {  	v4 =	vadd.s32 v1, v4;
	_ =	sdelay $0x3  }
0x194: {  	s1 =	simm.s32 $0x8400  }
0x195: {  	[tilespmem:s1], [sflag:$0x2] =	stream.indirect_vreg.gather [hbm4b:s2+s3], $0x80, v4, vm0, $0xb8;
	[tilespmem:$0x18400] =	vst v63  }
0x196: {  	s16 =	simm.s32 $0x8C00;
	v3 =	vperm.xlane v3, v2  }
0x197: {  	[tilespmem:s16], [sflag:$0x2] =	stream.indirect_vreg.gather [hbm4b:s5+s3], $0x80, v4, vm0, $0xb8;
	[tilespmem:$0x18400] =	vst v63  }
0x198: {  	s25 =	simm.s32 $0x9400;
	v3 =	vadd.s32 v1, v3  }
0x199: {  	[tilespmem:s25], [sflag:$0x2] =	stream.indirect_vreg.gather [hbm4b:s6+s3], $0x80, v4, vm0, $0xb8;
	[tilespmem:$0x18400] =	vst v63  }
0x19a: {  	s4 =	simm.s32 $0x9C00  }
0x19b: {  	[tilespmem:s4], [sflag:$0x2] =	stream.indirect_vreg.gather [hbm4b:s7+s3], $0x80, v4, vm0, $0xb8;
	[tilespmem:$0x18400] =	vst v63  }
0x19c: {  	s25 =	simm.s32 $0xA400  }
0x19d: {  	[tilespmem:s25], [sflag:$0x2] =	stream.indirect_vreg.gather [hbm4b:s2+s3], $0x80, v3, vm0, $0xb8;
	[tilespmem:$0x18400] =	vst v63  }
0x19e: {  	s4 =	simm.s32 $0xAC00  }
0x19f: {  	[tilespmem:s4], [sflag:$0x2] =	stream.indirect_vreg.gather [hbm4b:s5+s3], $0x80, v3, vm0, $0xb8;
	[tilespmem:$0x18400] =	vst v63  }
0x1a0: {  	_ = 	snop  }
0x1a1: {  	[tilespmem:s9], [sflag:$0x2] =	stream.indirect_vreg.gather [hbm4b:s6+s3], $0x80, v3, vm0, $0xb8;
	[tilespmem:$0x18400] =	vst v63  }
0x1a2: {  	s9 =	simm.s32 $0xBC00  }
0x1a3: {  	[tilespmem:s9], [sflag:$0x2] =	stream.indirect_vreg.gather [hbm4b:s7+s3], $0x80, v3, vm0, $0xb8;
	[tilespmem:$0x18400] =	vst v63  }
0x1a4: {  	v3 =	vld [tilespmem:$0xF0];
	_ =	sdelay $0x4  }
0x1a5: {  	v15 =	vshll.u32 v3, $0x3  }
0x1a6: {  	v3 =	vand.u32 $0x7, v3;
	v4 =	vand.u32 $0xFFFFFFC0, v15  }
0x1a7: {  	v3 =	vor.u32 v3, v4  }
0x1a8: {  	v4 =	vperm.xlane v3, v0;
	_ =	sdelay $0x1  }
0x1a9: {  	v4 =	vadd.s32 v1, v4;
	_ =	sdelay $0x3  }
0x1aa: {  	s1 =	simm.s32 $0xC400  }
0x1ab: {  	[tilespmem:s1], [sflag:$0x2] =	stream.indirect_vreg.gather [hbm4b:s2+s3], $0x80, v4, vm0, $0xb8;
	[tilespmem:$0x18400] =	vst v63  }
0x1ac: {  	s4 =	simm.s32 $0xCC00;
	v3 =	vperm.xlane v3, v2  }
0x1ad: {  	[tilespmem:s4], [sflag:$0x2] =	stream.indirect_vreg.gather [hbm4b:s5+s3], $0x80, v4, vm0, $0xb8;
	[tilespmem:$0x18400] =	vst v63  }
0x1ae: {  	v3 =	vadd.s32 v1, v3  }
0x1af: {  	[tilespmem:s11], [sflag:$0x2] =	stream.indirect_vreg.gather [hbm4b:s6+s3], $0x80, v4, vm0, $0xb8;
	[tilespmem:$0x18400] =	vst v63  }
0x1b0: {  	_ = 	snop  }
0x1b1: {  	[tilespmem:s12], [sflag:$0x2] =	stream.indirect_vreg.gather [hbm4b:s7+s3], $0x80, v4, vm0, $0xb8;
	[tilespmem:$0x18400] =	vst v63  }
0x1b2: {  	_ = 	snop  }
0x1b3: {  	[tilespmem:s13], [sflag:$0x2] =	stream.indirect_vreg.gather [hbm4b:s2+s3], $0x80, v3, vm0, $0xb8;
	[tilespmem:$0x18400] =	vst v63  }
0x1b4: {  	_ = 	snop  }
0x1b5: {  	[tilespmem:s14], [sflag:$0x2] =	stream.indirect_vreg.gather [hbm4b:s5+s3], $0x80, v3, vm0, $0xb8;
	[tilespmem:$0x18400] =	vst v63  }
0x1b6: {  	_ = 	snop  }
0x1b7: {  	[tilespmem:s15], [sflag:$0x2] =	stream.indirect_vreg.gather [hbm4b:s6+s3], $0x80, v3, vm0, $0xb8;
	[tilespmem:$0x18400] =	vst v63  }
0x1b8: {  	s11 =	simm.s32 $0xFC00  }
0x1b9: {  	[tilespmem:s11], [sflag:$0x2] =	stream.indirect_vreg.gather [hbm4b:s7+s3], $0x80, v3, vm0, $0xb8;
	[tilespmem:$0x18400] =	vst v63  }
0x1ba: {  	_ =	swait.ge [sflag:s18], $0x8000  }
0x1bb: {  	[sflag:s18] =	ssyncset.done $0x0  }
0x1bc: {  	s8 =	simm.s32 $0x400;
	s12 =	rddreg [dreg:$0xa];
	[sflag:s18] =	ssyncadd.s32 $0xFFFF8000  }
0x1bd: {  	[hbm4b:s12+s3] =	stream.linear.scatter [tilespmem:s8], [sflag:$0x4], $0x8000, $0x38;
	[tilespmem:$0x18400] =	vst v63  }
0x1be: {  	_ =	swait.ge [sflag:s24], $0x8000  }
0x1bf: {  	[sflag:s24] =	ssyncset.done $0x0  }
0x1c0: {  	[sflag:s24] =	ssyncadd.s32 $0xFFFF8000  }
0x1c1: {  	v3 =	vld [tilespmem:$0x100];
	_ =	sdelay $0x4  }
0x1c2: {  	v16 =	vshll.u32 v3, $0x3  }
0x1c3: {  	v3 =	vand.u32 $0x7, v3;
	v4 =	vand.u32 $0xFFFFFFC0, v16  }
0x1c4: {  	v3 =	vor.u32 v3, v4  }
0x1c5: {  	v4 =	vperm.xlane v3, v0;
	_ =	sdelay $0x1  }
0x1c6: {  	v4 =	vadd.s32 v1, v4;
	_ =	sdelay $0x3  }
0x1c7: {  	s0 =	simm.s32 $0x10400  }
0x1c8: {  	[tilespmem:s0], [sflag:$0x3] =	stream.indirect_vreg.gather [hbm4b:s2+s3], $0x80, v4, vm0, $0xb8;
	[tilespmem:$0x18400] =	vst v63  }
0x1c9: {  	s12 =	simm.s32 $0x10C00;
	v3 =	vperm.xlane v3, v2  }
0x1ca: {  	[tilespmem:s12], [sflag:$0x3] =	stream.indirect_vreg.gather [hbm4b:s5+s3], $0x80, v4, vm0, $0xb8;
	[tilespmem:$0x18400] =	vst v63  }
0x1cb: {  	v3 =	vadd.s32 v1, v3  }
0x1cc: {  	[tilespmem:s29], [sflag:$0x3] =	stream.indirect_vreg.gather [hbm4b:s6+s3], $0x80, v4, vm0, $0xb8;
	[tilespmem:$0x18400] =	vst v63  }
0x1cd: {  	_ = 	snop  }
0x1ce: {  	[tilespmem:s10], [sflag:$0x3] =	stream.indirect_vreg.gather [hbm4b:s7+s3], $0x80, v4, vm0, $0xb8;
	[tilespmem:$0x18400] =	vst v63  }
0x1cf: {  	_ = 	snop  }
0x1d0: {  	[tilespmem:s26], [sflag:$0x3] =	stream.indirect_vreg.gather [hbm4b:s2+s3], $0x80, v3, vm0, $0xb8;
	[tilespmem:$0x18400] =	vst v63  }
0x1d1: {  	_ = 	snop  }
0x1d2: {  	[tilespmem:s28], [sflag:$0x3] =	stream.indirect_vreg.gather [hbm4b:s5+s3], $0x80, v3, vm0, $0xb8;
	[tilespmem:$0x18400] =	vst v63  }
0x1d3: {  	s25 =	simm.s32 $0x13400  }
0x1d4: {  	[tilespmem:s25], [sflag:$0x3] =	stream.indirect_vreg.gather [hbm4b:s6+s3], $0x80, v3, vm0, $0xb8;
	[tilespmem:$0x18400] =	vst v63  }
0x1d5: {  	s25 =	simm.s32 $0x13C00  }
0x1d6: {  	[tilespmem:s25], [sflag:$0x3] =	stream.indirect_vreg.gather [hbm4b:s7+s3], $0x80, v3, vm0, $0xb8;
	[tilespmem:$0x18400] =	vst v63  }
0x1d7: {  	v3 =	vld [tilespmem:$0x110];
	_ =	sdelay $0x4  }
0x1d8: {  	v17 =	vshll.u32 v3, $0x3  }
0x1d9: {  	v3 =	vand.u32 $0x7, v3;
	v4 =	vand.u32 $0xFFFFFFC0, v17  }
0x1da: {  	v3 =	vor.u32 v3, v4  }
0x1db: {  	v4 =	vperm.xlane v3, v0;
	_ =	sdelay $0x1  }
0x1dc: {  	v4 =	vadd.s32 v1, v4;
	_ =	sdelay $0x3  }
0x1dd: {  	s25 =	simm.s32 $0x14400  }
0x1de: {  	[tilespmem:s25], [sflag:$0x3] =	stream.indirect_vreg.gather [hbm4b:s2+s3], $0x80, v4, vm0, $0xb8;
	[tilespmem:$0x18400] =	vst v63  }
0x1df: {  	v3 =	vperm.xlane v3, v2;
	s25 =	simm.s32 $0x14C00  }
0x1e0: {  	[tilespmem:s25], [sflag:$0x3] =	stream.indirect_vreg.gather [hbm4b:s5+s3], $0x80, v4, vm0, $0xb8;
	[tilespmem:$0x18400] =	vst v63  }
0x1e1: {  	v3 =	vadd.s32 v1, v3;
	s25 =	simm.s32 $0x15400  }
0x1e2: {  	[tilespmem:s25], [sflag:$0x3] =	stream.indirect_vreg.gather [hbm4b:s6+s3], $0x80, v4, vm0, $0xb8;
	[tilespmem:$0x18400] =	vst v63  }
0x1e3: {  	s25 =	simm.s32 $0x15C00  }
0x1e4: {  	[tilespmem:s25], [sflag:$0x3] =	stream.indirect_vreg.gather [hbm4b:s7+s3], $0x80, v4, vm0, $0xb8;
	[tilespmem:$0x18400] =	vst v63  }
0x1e5: {  	s25 =	simm.s32 $0x16400  }
0x1e6: {  	[tilespmem:s25], [sflag:$0x3] =	stream.indirect_vreg.gather [hbm4b:s2+s3], $0x80, v3, vm0, $0xb8;
	[tilespmem:$0x18400] =	vst v63  }
0x1e7: {  	s25 =	simm.s32 $0x16C00  }
0x1e8: {  	[tilespmem:s25], [sflag:$0x3] =	stream.indirect_vreg.gather [hbm4b:s5+s3], $0x80, v3, vm0, $0xb8;
	[tilespmem:$0x18400] =	vst v63  }
0x1e9: {  	s25 =	simm.s32 $0x17400  }
0x1ea: {  	[tilespmem:s25], [sflag:$0x3] =	stream.indirect_vreg.gather [hbm4b:s6+s3], $0x80, v3, vm0, $0xb8;
	[tilespmem:$0x18400] =	vst v63  }
0x1eb: {  	s25 =	simm.s32 $0x17C00  }
0x1ec: {  	[tilespmem:s25], [sflag:$0x3] =	stream.indirect_vreg.gather [hbm4b:s7+s3], $0x80, v3, vm0, $0xb8;
	[tilespmem:$0x18400] =	vst v63  }
0x1ed: {  	_ =	swait.ge [sflag:s20], $0x8000  }
0x1ee: {  	[sflag:s20] =	ssyncset.done $0x0  }
0x1ef: {  	s31 =	simm.s32 $0x8400;
	s25 =	rddreg [dreg:$0xb];
	[sflag:s20] =	ssyncadd.s32 $0xFFFF8000  }
0x1f0: {  	[hbm4b:s25+s3] =	stream.linear.scatter [tilespmem:s31], [sflag:$0x5], $0x8000, $0x38;
	[tilespmem:$0x18400] =	vst v63  }
0x1f1: {  	_ =	swait.ge [sflag:s21], $0x8000  }
0x1f2: {  	[sflag:s21] =	ssyncset.done $0x0  }
0x1f3: {  	[sflag:s21] =	ssyncadd.s32 $0xFFFF8000  }
0x1f4: {  	v3 =	vld [tilespmem:$0x120];
	_ =	sdelay $0x4  }
0x1f5: {  	v18 =	vshll.u32 v3, $0x3  }
0x1f6: {  	v3 =	vand.u32 $0x7, v3;
	v4 =	vand.u32 $0xFFFFFFC0, v18  }
0x1f7: {  	v3 =	vor.u32 v3, v4  }
0x1f8: {  	v4 =	vperm.xlane v3, v0;
	_ =	sdelay $0x1  }
0x1f9: {  	v4 =	vadd.s32 v1, v4;
	_ =	sdelay $0x3  }
0x1fa: {  	s8 =	simm.s32 $0x400  }
0x1fb: {  	[tilespmem:s8], [sflag:$0x1] =	stream.indirect_vreg.gather [hbm4b:s2+s3], $0x80, v4, vm0, $0xb8;
	[tilespmem:$0x18400] =	vst v63  }
0x1fc: {  	s25 =	simm.s32 $0xC00;
	v3 =	vperm.xlane v3, v2  }
0x1fd: {  	[tilespmem:s25], [sflag:$0x1] =	stream.indirect_vreg.gather [hbm4b:s5+s3], $0x80, v4, vm0, $0xb8;
	[tilespmem:$0x18400] =	vst v63  }
0x1fe: {  	v3 =	vadd.s32 v1, v3  }
0x1ff: {  	[tilespmem:s19], [sflag:$0x1] =	stream.indirect_vreg.gather [hbm4b:s6+s3], $0x80, v4, vm0, $0xb8;
	[tilespmem:$0x18400] =	vst v63  }
0x200: {  	s25 =	simm.s32 $0x1C00  }
0x201: {  	[tilespmem:s25], [sflag:$0x1] =	stream.indirect_vreg.gather [hbm4b:s7+s3], $0x80, v4, vm0, $0xb8;
	[tilespmem:$0x18400] =	vst v63  }
0x202: {  	s25 =	simm.s32 $0x2400  }
0x203: {  	[tilespmem:s25], [sflag:$0x1] =	stream.indirect_vreg.gather [hbm4b:s2+s3], $0x80, v3, vm0, $0xb8;
	[tilespmem:$0x18400] =	vst v63  }
0x204: {  	s25 =	simm.s32 $0x2C00  }
0x205: {  	[tilespmem:s25], [sflag:$0x1] =	stream.indirect_vreg.gather [hbm4b:s5+s3], $0x80, v3, vm0, $0xb8;
	[tilespmem:$0x18400] =	vst v63  }
0x206: {  	s25 =	simm.s32 $0x3400  }
0x207: {  	[tilespmem:s25], [sflag:$0x1] =	stream.indirect_vreg.gather [hbm4b:s6+s3], $0x80, v3, vm0, $0xb8;
	[tilespmem:$0x18400] =	vst v63  }
0x208: {  	s25 =	simm.s32 $0x3C00  }
0x209: {  	[tilespmem:s25], [sflag:$0x1] =	stream.indirect_vreg.gather [hbm4b:s7+s3], $0x80, v3, vm0, $0xb8;
	[tilespmem:$0x18400] =	vst v63  }
0x20a: {  	v3 =	vld [tilespmem:$0x130];
	_ =	sdelay $0x4  }
0x20b: {  	v19 =	vshll.u32 v3, $0x3  }
0x20c: {  	v3 =	vand.u32 $0x7, v3;
	v4 =	vand.u32 $0xFFFFFFC0, v19  }
0x20d: {  	v3 =	vor.u32 v3, v4  }
0x20e: {  	v4 =	vperm.xlane v3, v0;
	_ =	sdelay $0x1  }
0x20f: {  	v4 =	vadd.s32 v1, v4;
	_ =	sdelay $0x3  }
0x210: {  	s25 =	simm.s32 $0x4400  }
0x211: {  	[tilespmem:s25], [sflag:$0x1] =	stream.indirect_vreg.gather [hbm4b:s2+s3], $0x80, v4, vm0, $0xb8;
	[tilespmem:$0x18400] =	vst v63  }
0x212: {  	v3 =	vperm.xlane v3, v2;
	s25 =	simm.s32 $0x4C00  }
0x213: {  	[tilespmem:s25], [sflag:$0x1] =	stream.indirect_vreg.gather [hbm4b:s5+s3], $0x80, v4, vm0, $0xb8;
	[tilespmem:$0x18400] =	vst v63  }
0x214: {  	v3 =	vadd.s32 v1, v3  }
0x215: {  	[tilespmem:s17], [sflag:$0x1] =	stream.indirect_vreg.gather [hbm4b:s6+s3], $0x80, v4, vm0, $0xb8;
	[tilespmem:$0x18400] =	vst v63  }
0x216: {  	_ = 	snop  }
0x217: {  	[tilespmem:s30], [sflag:$0x1] =	stream.indirect_vreg.gather [hbm4b:s7+s3], $0x80, v4, vm0, $0xb8;
	[tilespmem:$0x18400] =	vst v63  }
0x218: {  	s30 =	simm.s32 $0x6400  }
0x219: {  	[tilespmem:s30], [sflag:$0x1] =	stream.indirect_vreg.gather [hbm4b:s2+s3], $0x80, v3, vm0, $0xb8;
	[tilespmem:$0x18400] =	vst v63  }
0x21a: {  	s19 =	simm.s32 $0x6C00  }
0x21b: {  	[tilespmem:s19], [sflag:$0x1] =	stream.indirect_vreg.gather [hbm4b:s5+s3], $0x80, v3, vm0, $0xb8;
	[tilespmem:$0x18400] =	vst v63  }
0x21c: {  	s25 =	simm.s32 $0x7400  }
0x21d: {  	[tilespmem:s25], [sflag:$0x1] =	stream.indirect_vreg.gather [hbm4b:s6+s3], $0x80, v3, vm0, $0xb8;
	[tilespmem:$0x18400] =	vst v63  }
0x21e: {  	s30 =	simm.s32 $0x7C00  }
0x21f: {  	[tilespmem:s30], [sflag:$0x1] =	stream.indirect_vreg.gather [hbm4b:s7+s3], $0x80, v3, vm0, $0xb8;
	[tilespmem:$0x18400] =	vst v63  }
0x220: {  	_ =	swait.ge [sflag:s22], $0x8000  }
0x221: {  	[sflag:s22] =	ssyncset.done $0x0  }
0x222: {  	s0 =	simm.s32 $0x10400;
	s17 =	rddreg [dreg:$0xc];
	[sflag:s22] =	ssyncadd.s32 $0xFFFF8000  }
0x223: {  	[hbm4b:s17+s3] =	stream.linear.scatter [tilespmem:s0], [sflag:$0x6], $0x8000, $0x38;
	[tilespmem:$0x18400] =	vst v63  }
0x224: {  	_ =	swait.ge [sflag:s23], $0x8000  }
0x225: {  	[sflag:s23] =	ssyncset.done $0x0  }
0x226: {  	[sflag:s23] =	ssyncadd.s32 $0xFFFF8000  }
0x227: {  	v3 =	vld [tilespmem:$0x140];
	_ =	sdelay $0x4  }
0x228: {  	v20 =	vshll.u32 v3, $0x3  }
0x229: {  	v3 =	vand.u32 $0x7, v3;
	v4 =	vand.u32 $0xFFFFFFC0, v20  }
0x22a: {  	v3 =	vor.u32 v3, v4  }
0x22b: {  	v4 =	vperm.xlane v3, v0;
	_ =	sdelay $0x1  }
0x22c: {  	v4 =	vadd.s32 v1, v4;
	_ =	sdelay $0x4  }
0x22d: {  	[tilespmem:s31], [sflag:$0x2] =	stream.indirect_vreg.gather [hbm4b:s2+s3], $0x80, v4, vm0, $0xb8;
	[tilespmem:$0x18400] =	vst v63  }
0x22e: {  	v3 =	vperm.xlane v3, v2  }
0x22f: {  	[tilespmem:s16], [sflag:$0x2] =	stream.indirect_vreg.gather [hbm4b:s5+s3], $0x80, v4, vm0, $0xb8;
	[tilespmem:$0x18400] =	vst v63  }
0x230: {  	s19 =	simm.s32 $0x9400;
	v3 =	vadd.s32 v1, v3  }
0x231: {  	[tilespmem:s19], [sflag:$0x2] =	stream.indirect_vreg.gather [hbm4b:s6+s3], $0x80, v4, vm0, $0xb8;
	[tilespmem:$0x18400] =	vst v63  }
0x232: {  	s25 =	simm.s32 $0x9C00  }
0x233: {  	[tilespmem:s25], [sflag:$0x2] =	stream.indirect_vreg.gather [hbm4b:s7+s3], $0x80, v4, vm0, $0xb8;
	[tilespmem:$0x18400] =	vst v63  }
0x234: {  	s30 =	simm.s32 $0xA400  }
0x235: {  	[tilespmem:s30], [sflag:$0x2] =	stream.indirect_vreg.gather [hbm4b:s2+s3], $0x80, v3, vm0, $0xb8;
	[tilespmem:$0x18400] =	vst v63  }
0x236: {  	s25 =	simm.s32 $0xAC00  }
0x237: {  	[tilespmem:s25], [sflag:$0x2] =	stream.indirect_vreg.gather [hbm4b:s5+s3], $0x80, v3, vm0, $0xb8;
	[tilespmem:$0x18400] =	vst v63  }
0x238: {  	s30 =	simm.s32 $0xB400  }
0x239: {  	[tilespmem:s30], [sflag:$0x2] =	stream.indirect_vreg.gather [hbm4b:s6+s3], $0x80, v3, vm0, $0xb8;
	[tilespmem:$0x18400] =	vst v63  }
0x23a: {  	_ = 	snop  }
0x23b: {  	[tilespmem:s9], [sflag:$0x2] =	stream.indirect_vreg.gather [hbm4b:s7+s3], $0x80, v3, vm0, $0xb8;
	[tilespmem:$0x18400] =	vst v63  }
0x23c: {  	v3 =	vld [tilespmem:$0x150];
	_ =	sdelay $0x4  }
0x23d: {  	v21 =	vshll.u32 v3, $0x3  }
0x23e: {  	v3 =	vand.u32 $0x7, v3;
	v4 =	vand.u32 $0xFFFFFFC0, v21  }
0x23f: {  	v3 =	vor.u32 v3, v4  }
0x240: {  	v4 =	vperm.xlane v3, v0;
	_ =	sdelay $0x1  }
0x241: {  	v4 =	vadd.s32 v1, v4;
	_ =	sdelay $0x4  }
0x242: {  	[tilespmem:s1], [sflag:$0x2] =	stream.indirect_vreg.gather [hbm4b:s2+s3], $0x80, v4, vm0, $0xb8;
	[tilespmem:$0x18400] =	vst v63  }
0x243: {  	v3 =	vperm.xlane v3, v2  }
0x244: {  	[tilespmem:s4], [sflag:$0x2] =	stream.indirect_vreg.gather [hbm4b:s5+s3], $0x80, v4, vm0, $0xb8;
	[tilespmem:$0x18400] =	vst v63  }
0x245: {  	s9 =	simm.s32 $0xD400;
	v3 =	vadd.s32 v1, v3  }
0x246: {  	[tilespmem:s9], [sflag:$0x2] =	stream.indirect_vreg.gather [hbm4b:s6+s3], $0x80, v4, vm0, $0xb8;
	[tilespmem:$0x18400] =	vst v63  }
0x247: {  	s25 =	simm.s32 $0xDC00  }
0x248: {  	[tilespmem:s25], [sflag:$0x2] =	stream.indirect_vreg.gather [hbm4b:s7+s3], $0x80, v4, vm0, $0xb8;
	[tilespmem:$0x18400] =	vst v63  }
0x249: {  	s13 =	simm.s32 $0xE400  }
0x24a: {  	[tilespmem:s13], [sflag:$0x2] =	stream.indirect_vreg.gather [hbm4b:s2+s3], $0x80, v3, vm0, $0xb8;
	[tilespmem:$0x18400] =	vst v63  }
0x24b: {  	s14 =	simm.s32 $0xEC00  }
0x24c: {  	[tilespmem:s14], [sflag:$0x2] =	stream.indirect_vreg.gather [hbm4b:s5+s3], $0x80, v3, vm0, $0xb8;
	[tilespmem:$0x18400] =	vst v63  }
0x24d: {  	s15 =	simm.s32 $0xF400  }
0x24e: {  	[tilespmem:s15], [sflag:$0x2] =	stream.indirect_vreg.gather [hbm4b:s6+s3], $0x80, v3, vm0, $0xb8;
	[tilespmem:$0x18400] =	vst v63  }
0x24f: {  	_ = 	snop  }
0x250: {  	[tilespmem:s11], [sflag:$0x2] =	stream.indirect_vreg.gather [hbm4b:s7+s3], $0x80, v3, vm0, $0xb8;
	[tilespmem:$0x18400] =	vst v63  }
0x251: {  	_ =	swait.ge [sflag:s18], $0x8000  }
0x252: {  	[sflag:s18] =	ssyncset.done $0x0  }
0x253: {  	s11 =	rddreg [dreg:$0xd];
	[sflag:s18] =	ssyncadd.s32 $0xFFFF8000  }
0x254: {  	[hbm4b:s11+s3] =	stream.linear.scatter [tilespmem:s8], [sflag:$0x4], $0x8000, $0x38;
	[tilespmem:$0x18400] =	vst v63  }
0x255: {  	_ =	swait.ge [sflag:s24], $0x8000  }
0x256: {  	[sflag:s24] =	ssyncset.done $0x0  }
0x257: {  	[sflag:s24] =	ssyncadd.s32 $0xFFFF8000  }
0x258: {  	v3 =	vld [tilespmem:$0x160];
	_ =	sdelay $0x4  }
0x259: {  	v22 =	vshll.u32 v3, $0x3  }
0x25a: {  	v3 =	vand.u32 $0x7, v3;
	v4 =	vand.u32 $0xFFFFFFC0, v22  }
0x25b: {  	v3 =	vor.u32 v3, v4  }
0x25c: {  	v4 =	vperm.xlane v3, v0;
	_ =	sdelay $0x1  }
0x25d: {  	v4 =	vadd.s32 v1, v4;
	_ =	sdelay $0x4  }
0x25e: {  	[tilespmem:s0], [sflag:$0x3] =	stream.indirect_vreg.gather [hbm4b:s2+s3], $0x80, v4, vm0, $0xb8;
	[tilespmem:$0x18400] =	vst v63  }
0x25f: {  	v3 =	vperm.xlane v3, v2  }
0x260: {  	[tilespmem:s12], [sflag:$0x3] =	stream.indirect_vreg.gather [hbm4b:s5+s3], $0x80, v4, vm0, $0xb8;
	[tilespmem:$0x18400] =	vst v63  }
0x261: {  	s29 =	simm.s32 $0x11400;
	v3 =	vadd.s32 v1, v3  }
0x262: {  	[tilespmem:s29], [sflag:$0x3] =	stream.indirect_vreg.gather [hbm4b:s6+s3], $0x80, v4, vm0, $0xb8;
	[tilespmem:$0x18400] =	vst v63  }
0x263: {  	s10 =	simm.s32 $0x11C00  }
0x264: {  	[tilespmem:s10], [sflag:$0x3] =	stream.indirect_vreg.gather [hbm4b:s7+s3], $0x80, v4, vm0, $0xb8;
	[tilespmem:$0x18400] =	vst v63  }
0x265: {  	s26 =	simm.s32 $0x12400  }
0x266: {  	[tilespmem:s26], [sflag:$0x3] =	stream.indirect_vreg.gather [hbm4b:s2+s3], $0x80, v3, vm0, $0xb8;
	[tilespmem:$0x18400] =	vst v63  }
0x267: {  	s28 =	simm.s32 $0x12C00  }
0x268: {  	[tilespmem:s28], [sflag:$0x3] =	stream.indirect_vreg.gather [hbm4b:s5+s3], $0x80, v3, vm0, $0xb8;
	[tilespmem:$0x18400] =	vst v63  }
0x269: {  	s28 =	simm.s32 $0x13400  }
0x26a: {  	[tilespmem:s28], [sflag:$0x3] =	stream.indirect_vreg.gather [hbm4b:s6+s3], $0x80, v3, vm0, $0xb8;
	[tilespmem:$0x18400] =	vst v63  }
0x26b: {  	s25 =	simm.s32 $0x13C00  }
0x26c: {  	[tilespmem:s25], [sflag:$0x3] =	stream.indirect_vreg.gather [hbm4b:s7+s3], $0x80, v3, vm0, $0xb8;
	[tilespmem:$0x18400] =	vst v63  }
0x26d: {  	v3 =	vld [tilespmem:$0x170];
	_ =	sdelay $0x4  }
0x26e: {  	v23 =	vshll.u32 v3, $0x3  }
0x26f: {  	v3 =	vand.u32 $0x7, v3;
	v4 =	vand.u32 $0xFFFFFFC0, v23  }
0x270: {  	v3 =	vor.u32 v3, v4  }
0x271: {  	v4 =	vperm.xlane v3, v0;
	_ =	sdelay $0x1  }
0x272: {  	v4 =	vadd.s32 v1, v4;
	_ =	sdelay $0x3  }
0x273: {  	s25 =	simm.s32 $0x14400  }
0x274: {  	[tilespmem:s25], [sflag:$0x3] =	stream.indirect_vreg.gather [hbm4b:s2+s3], $0x80, v4, vm0, $0xb8;
	[tilespmem:$0x18400] =	vst v63  }
0x275: {  	v3 =	vperm.xlane v3, v2;
	s25 =	simm.s32 $0x14C00  }
0x276: {  	[tilespmem:s25], [sflag:$0x3] =	stream.indirect_vreg.gather [hbm4b:s5+s3], $0x80, v4, vm0, $0xb8;
	[tilespmem:$0x18400] =	vst v63  }
0x277: {  	v3 =	vadd.s32 v1, v3;
	s25 =	simm.s32 $0x15400  }
0x278: {  	[tilespmem:s25], [sflag:$0x3] =	stream.indirect_vreg.gather [hbm4b:s6+s3], $0x80, v4, vm0, $0xb8;
	[tilespmem:$0x18400] =	vst v63  }
0x279: {  	s25 =	simm.s32 $0x15C00  }
0x27a: {  	[tilespmem:s25], [sflag:$0x3] =	stream.indirect_vreg.gather [hbm4b:s7+s3], $0x80, v4, vm0, $0xb8;
	[tilespmem:$0x18400] =	vst v63  }
0x27b: {  	s25 =	simm.s32 $0x16400  }
0x27c: {  	[tilespmem:s25], [sflag:$0x3] =	stream.indirect_vreg.gather [hbm4b:s2+s3], $0x80, v3, vm0, $0xb8;
	[tilespmem:$0x18400] =	vst v63  }
0x27d: {  	s25 =	simm.s32 $0x16C00  }
0x27e: {  	[tilespmem:s25], [sflag:$0x3] =	stream.indirect_vreg.gather [hbm4b:s5+s3], $0x80, v3, vm0, $0xb8;
	[tilespmem:$0x18400] =	vst v63  }
0x27f: {  	s25 =	simm.s32 $0x17400  }
0x280: {  	[tilespmem:s25], [sflag:$0x3] =	stream.indirect_vreg.gather [hbm4b:s6+s3], $0x80, v3, vm0, $0xb8;
	[tilespmem:$0x18400] =	vst v63  }
0x281: {  	s25 =	simm.s32 $0x17C00  }
0x282: {  	[tilespmem:s25], [sflag:$0x3] =	stream.indirect_vreg.gather [hbm4b:s7+s3], $0x80, v3, vm0, $0xb8;
	[tilespmem:$0x18400] =	vst v63  }
0x283: {  	_ =	swait.ge [sflag:s20], $0x8000  }
0x284: {  	[sflag:s20] =	ssyncset.done $0x0  }
0x285: {  	s25 =	rddreg [dreg:$0xe];
	[sflag:s20] =	ssyncadd.s32 $0xFFFF8000  }
0x286: {  	[hbm4b:s25+s3] =	stream.linear.scatter [tilespmem:s31], [sflag:$0x5], $0x8000, $0x38;
	[tilespmem:$0x18400] =	vst v63  }
0x287: {  	_ =	swait.ge [sflag:s21], $0x8000  }
0x288: {  	[sflag:s21] =	ssyncset.done $0x0  }
0x289: {  	[sflag:s21] =	ssyncadd.s32 $0xFFFF8000  }
0x28a: {  	v3 =	vld [tilespmem:$0x180];
	_ =	sdelay $0x4  }
0x28b: {  	v24 =	vshll.u32 v3, $0x3  }
0x28c: {  	v3 =	vand.u32 $0x7, v3;
	v4 =	vand.u32 $0xFFFFFFC0, v24  }
0x28d: {  	v3 =	vor.u32 v3, v4  }
0x28e: {  	v4 =	vperm.xlane v3, v0;
	_ =	sdelay $0x1  }
0x28f: {  	v4 =	vadd.s32 v1, v4;
	_ =	sdelay $0x4  }
0x290: {  	[tilespmem:s8], [sflag:$0x1] =	stream.indirect_vreg.gather [hbm4b:s2+s3], $0x80, v4, vm0, $0xb8;
	[tilespmem:$0x18400] =	vst v63  }
0x291: {  	s25 =	simm.s32 $0xC00;
	v3 =	vperm.xlane v3, v2  }
0x292: {  	[tilespmem:s25], [sflag:$0x1] =	stream.indirect_vreg.gather [hbm4b:s5+s3], $0x80, v4, vm0, $0xb8;
	[tilespmem:$0x18400] =	vst v63  }
0x293: {  	v3 =	vadd.s32 v1, v3;
	s25 =	simm.s32 $0x1400  }
0x294: {  	[tilespmem:s25], [sflag:$0x1] =	stream.indirect_vreg.gather [hbm4b:s6+s3], $0x80, v4, vm0, $0xb8;
	[tilespmem:$0x18400] =	vst v63  }
0x295: {  	s25 =	simm.s32 $0x1C00  }
0x296: {  	[tilespmem:s25], [sflag:$0x1] =	stream.indirect_vreg.gather [hbm4b:s7+s3], $0x80, v4, vm0, $0xb8;
	[tilespmem:$0x18400] =	vst v63  }
0x297: {  	s25 =	simm.s32 $0x2400  }
0x298: {  	[tilespmem:s25], [sflag:$0x1] =	stream.indirect_vreg.gather [hbm4b:s2+s3], $0x80, v3, vm0, $0xb8;
	[tilespmem:$0x18400] =	vst v63  }
0x299: {  	s25 =	simm.s32 $0x2C00  }
0x29a: {  	[tilespmem:s25], [sflag:$0x1] =	stream.indirect_vreg.gather [hbm4b:s5+s3], $0x80, v3, vm0, $0xb8;
	[tilespmem:$0x18400] =	vst v63  }
0x29b: {  	s25 =	simm.s32 $0x3400  }
0x29c: {  	[tilespmem:s25], [sflag:$0x1] =	stream.indirect_vreg.gather [hbm4b:s6+s3], $0x80, v3, vm0, $0xb8;
	[tilespmem:$0x18400] =	vst v63  }
0x29d: {  	s25 =	simm.s32 $0x3C00  }
0x29e: {  	[tilespmem:s25], [sflag:$0x1] =	stream.indirect_vreg.gather [hbm4b:s7+s3], $0x80, v3, vm0, $0xb8;
	[tilespmem:$0x18400] =	vst v63  }
0x29f: {  	v3 =	vld [tilespmem:$0x190];
	_ =	sdelay $0x4  }
0x2a0: {  	v25 =	vshll.u32 v3, $0x3  }
0x2a1: {  	v3 =	vand.u32 $0x7, v3;
	v4 =	vand.u32 $0xFFFFFFC0, v25  }
0x2a2: {  	v3 =	vor.u32 v3, v4  }
0x2a3: {  	v4 =	vperm.xlane v3, v0;
	_ =	sdelay $0x1  }
0x2a4: {  	v4 =	vadd.s32 v1, v4;
	_ =	sdelay $0x3  }
0x2a5: {  	s25 =	simm.s32 $0x4400  }
0x2a6: {  	[tilespmem:s25], [sflag:$0x1] =	stream.indirect_vreg.gather [hbm4b:s2+s3], $0x80, v4, vm0, $0xb8;
	[tilespmem:$0x18400] =	vst v63  }
0x2a7: {  	v3 =	vperm.xlane v3, v2;
	s25 =	simm.s32 $0x4C00  }
0x2a8: {  	[tilespmem:s25], [sflag:$0x1] =	stream.indirect_vreg.gather [hbm4b:s5+s3], $0x80, v4, vm0, $0xb8;
	[tilespmem:$0x18400] =	vst v63  }
0x2a9: {  	v3 =	vadd.s32 v1, v3;
	s25 =	simm.s32 $0x5400  }
0x2aa: {  	[tilespmem:s25], [sflag:$0x1] =	stream.indirect_vreg.gather [hbm4b:s6+s3], $0x80, v4, vm0, $0xb8;
	[tilespmem:$0x18400] =	vst v63  }
0x2ab: {  	s25 =	simm.s32 $0x5C00  }
0x2ac: {  	[tilespmem:s25], [sflag:$0x1] =	stream.indirect_vreg.gather [hbm4b:s7+s3], $0x80, v4, vm0, $0xb8;
	[tilespmem:$0x18400] =	vst v63  }
0x2ad: {  	s25 =	simm.s32 $0x6400  }
0x2ae: {  	[tilespmem:s25], [sflag:$0x1] =	stream.indirect_vreg.gather [hbm4b:s2+s3], $0x80, v3, vm0, $0xb8;
	[tilespmem:$0x18400] =	vst v63  }
0x2af: {  	s25 =	simm.s32 $0x6C00  }
0x2b0: {  	[tilespmem:s25], [sflag:$0x1] =	stream.indirect_vreg.gather [hbm4b:s5+s3], $0x80, v3, vm0, $0xb8;
	[tilespmem:$0x18400] =	vst v63  }
0x2b1: {  	s25 =	simm.s32 $0x7400  }
0x2b2: {  	[tilespmem:s25], [sflag:$0x1] =	stream.indirect_vreg.gather [hbm4b:s6+s3], $0x80, v3, vm0, $0xb8;
	[tilespmem:$0x18400] =	vst v63  }
0x2b3: {  	s25 =	simm.s32 $0x7C00  }
0x2b4: {  	[tilespmem:s25], [sflag:$0x1] =	stream.indirect_vreg.gather [hbm4b:s7+s3], $0x80, v3, vm0, $0xb8;
	[tilespmem:$0x18400] =	vst v63  }
0x2b5: {  	_ =	swait.ge [sflag:s22], $0x8000  }
0x2b6: {  	[sflag:s22] =	ssyncset.done $0x0  }
0x2b7: {  	s25 =	rddreg [dreg:$0xf];
	[sflag:s22] =	ssyncadd.s32 $0xFFFF8000  }
0x2b8: {  	[hbm4b:s25+s3] =	stream.linear.scatter [tilespmem:s0], [sflag:$0x6], $0x8000, $0x38;
	[tilespmem:$0x18400] =	vst v63  }
0x2b9: {  	_ =	swait.ge [sflag:s23], $0x8000  }
0x2ba: {  	[sflag:s23] =	ssyncset.done $0x0  }
0x2bb: {  	[sflag:s23] =	ssyncadd.s32 $0xFFFF8000  }
0x2bc: {  	v3 =	vld [tilespmem:$0x1A0];
	_ =	sdelay $0x4  }
0x2bd: {  	v26 =	vshll.u32 v3, $0x3  }
0x2be: {  	v3 =	vand.u32 $0x7, v3;
	v4 =	vand.u32 $0xFFFFFFC0, v26  }
0x2bf: {  	v3 =	vor.u32 v3, v4  }
0x2c0: {  	v4 =	vperm.xlane v3, v0;
	_ =	sdelay $0x1  }
0x2c1: {  	v4 =	vadd.s32 v1, v4;
	_ =	sdelay $0x4  }
0x2c2: {  	[tilespmem:s31], [sflag:$0x2] =	stream.indirect_vreg.gather [hbm4b:s2+s3], $0x80, v4, vm0, $0xb8;
	[tilespmem:$0x18400] =	vst v63  }
0x2c3: {  	s17 =	simm.s32 $0x8C00;
	v3 =	vperm.xlane v3, v2  }
0x2c4: {  	[tilespmem:s17], [sflag:$0x2] =	stream.indirect_vreg.gather [hbm4b:s5+s3], $0x80, v4, vm0, $0xb8;
	[tilespmem:$0x18400] =	vst v63  }
0x2c5: {  	s16 =	simm.s32 $0x9400;
	v3 =	vadd.s32 v1, v3  }
0x2c6: {  	[tilespmem:s16], [sflag:$0x2] =	stream.indirect_vreg.gather [hbm4b:s6+s3], $0x80, v4, vm0, $0xb8;
	[tilespmem:$0x18400] =	vst v63  }
0x2c7: {  	s25 =	simm.s32 $0x9C00  }
0x2c8: {  	[tilespmem:s25], [sflag:$0x2] =	stream.indirect_vreg.gather [hbm4b:s7+s3], $0x80, v4, vm0, $0xb8;
	[tilespmem:$0x18400] =	vst v63  }
0x2c9: {  	s25 =	simm.s32 $0xA400  }
0x2ca: {  	[tilespmem:s25], [sflag:$0x2] =	stream.indirect_vreg.gather [hbm4b:s2+s3], $0x80, v3, vm0, $0xb8;
	[tilespmem:$0x18400] =	vst v63  }
0x2cb: {  	s25 =	simm.s32 $0xAC00  }
0x2cc: {  	[tilespmem:s25], [sflag:$0x2] =	stream.indirect_vreg.gather [hbm4b:s5+s3], $0x80, v3, vm0, $0xb8;
	[tilespmem:$0x18400] =	vst v63  }
0x2cd: {  	s25 =	simm.s32 $0xB400  }
0x2ce: {  	[tilespmem:s25], [sflag:$0x2] =	stream.indirect_vreg.gather [hbm4b:s6+s3], $0x80, v3, vm0, $0xb8;
	[tilespmem:$0x18400] =	vst v63  }
0x2cf: {  	s19 =	simm.s32 $0xBC00  }
0x2d0: {  	[tilespmem:s19], [sflag:$0x2] =	stream.indirect_vreg.gather [hbm4b:s7+s3], $0x80, v3, vm0, $0xb8;
	[tilespmem:$0x18400] =	vst v63  }
0x2d1: {  	v3 =	vld [tilespmem:$0x1B0];
	_ =	sdelay $0x4  }
0x2d2: {  	v27 =	vshll.u32 v3, $0x3  }
0x2d3: {  	v3 =	vand.u32 $0x7, v3;
	v4 =	vand.u32 $0xFFFFFFC0, v27  }
0x2d4: {  	v3 =	vor.u32 v3, v4  }
0x2d5: {  	v4 =	vperm.xlane v3, v0;
	_ =	sdelay $0x1  }
0x2d6: {  	v4 =	vadd.s32 v1, v4;
	_ =	sdelay $0x3  }
0x2d7: {  	s30 =	simm.s32 $0xC400  }
0x2d8: {  	[tilespmem:s30], [sflag:$0x2] =	stream.indirect_vreg.gather [hbm4b:s2+s3], $0x80, v4, vm0, $0xb8;
	[tilespmem:$0x18400] =	vst v63  }
0x2d9: {  	s1 =	simm.s32 $0xCC00;
	v3 =	vperm.xlane v3, v2  }
0x2da: {  	[tilespmem:s1], [sflag:$0x2] =	stream.indirect_vreg.gather [hbm4b:s5+s3], $0x80, v4, vm0, $0xb8;
	[tilespmem:$0x18400] =	vst v63  }
0x2db: {  	s4 =	simm.s32 $0xD400;
	v3 =	vadd.s32 v1, v3  }
0x2dc: {  	[tilespmem:s4], [sflag:$0x2] =	stream.indirect_vreg.gather [hbm4b:s6+s3], $0x80, v4, vm0, $0xb8;
	[tilespmem:$0x18400] =	vst v63  }
0x2dd: {  	s9 =	simm.s32 $0xDC00  }
0x2de: {  	[tilespmem:s9], [sflag:$0x2] =	stream.indirect_vreg.gather [hbm4b:s7+s3], $0x80, v4, vm0, $0xb8;
	[tilespmem:$0x18400] =	vst v63  }
0x2df: {  	s13 =	simm.s32 $0xE400  }
0x2e0: {  	[tilespmem:s13], [sflag:$0x2] =	stream.indirect_vreg.gather [hbm4b:s2+s3], $0x80, v3, vm0, $0xb8;
	[tilespmem:$0x18400] =	vst v63  }
0x2e1: {  	s14 =	simm.s32 $0xEC00  }
0x2e2: {  	[tilespmem:s14], [sflag:$0x2] =	stream.indirect_vreg.gather [hbm4b:s5+s3], $0x80, v3, vm0, $0xb8;
	[tilespmem:$0x18400] =	vst v63  }
0x2e3: {  	s25 =	simm.s32 $0xF400  }
0x2e4: {  	[tilespmem:s25], [sflag:$0x2] =	stream.indirect_vreg.gather [hbm4b:s6+s3], $0x80, v3, vm0, $0xb8;
	[tilespmem:$0x18400] =	vst v63  }
0x2e5: {  	s15 =	simm.s32 $0xFC00  }
0x2e6: {  	[tilespmem:s15], [sflag:$0x2] =	stream.indirect_vreg.gather [hbm4b:s7+s3], $0x80, v3, vm0, $0xb8;
	[tilespmem:$0x18400] =	vst v63  }
0x2e7: {  	_ =	swait.ge [sflag:s18], $0x8000  }
0x2e8: {  	[sflag:s18] =	ssyncset.done $0x0  }
0x2e9: {  	s15 =	rddreg [dreg:$0x10];
	[sflag:s18] =	ssyncadd.s32 $0xFFFF8000  }
0x2ea: {  	[hbm4b:s15+s3] =	stream.linear.scatter [tilespmem:s8], [sflag:$0x4], $0x8000, $0x38;
	[tilespmem:$0x18400] =	vst v63  }
0x2eb: {  	_ =	swait.ge [sflag:s24], $0x8000  }
0x2ec: {  	[sflag:s24] =	ssyncset.done $0x0  }
0x2ed: {  	[sflag:s24] =	ssyncadd.s32 $0xFFFF8000  }
0x2ee: {  	v3 =	vld [tilespmem:$0x1C0];
	_ =	sdelay $0x4  }
0x2ef: {  	v28 =	vshll.u32 v3, $0x3  }
0x2f0: {  	v3 =	vand.u32 $0x7, v3;
	v4 =	vand.u32 $0xFFFFFFC0, v28  }
0x2f1: {  	v3 =	vor.u32 v3, v4  }
0x2f2: {  	v4 =	vperm.xlane v3, v0;
	_ =	sdelay $0x1  }
0x2f3: {  	v4 =	vadd.s32 v1, v4;
	_ =	sdelay $0x4  }
0x2f4: {  	[tilespmem:s0], [sflag:$0x3] =	stream.indirect_vreg.gather [hbm4b:s2+s3], $0x80, v4, vm0, $0xb8;
	[tilespmem:$0x18400] =	vst v63  }
0x2f5: {  	v3 =	vperm.xlane v3, v2  }
0x2f6: {  	[tilespmem:s12], [sflag:$0x3] =	stream.indirect_vreg.gather [hbm4b:s5+s3], $0x80, v4, vm0, $0xb8;
	[tilespmem:$0x18400] =	vst v63  }
0x2f7: {  	s11 =	simm.s32 $0x11400;
	v3 =	vadd.s32 v1, v3  }
0x2f8: {  	[tilespmem:s11], [sflag:$0x3] =	stream.indirect_vreg.gather [hbm4b:s6+s3], $0x80, v4, vm0, $0xb8;
	[tilespmem:$0x18400] =	vst v63  }
0x2f9: {  	s29 =	simm.s32 $0x11C00  }
0x2fa: {  	[tilespmem:s29], [sflag:$0x3] =	stream.indirect_vreg.gather [hbm4b:s7+s3], $0x80, v4, vm0, $0xb8;
	[tilespmem:$0x18400] =	vst v63  }
0x2fb: {  	s10 =	simm.s32 $0x12400  }
0x2fc: {  	[tilespmem:s10], [sflag:$0x3] =	stream.indirect_vreg.gather [hbm4b:s2+s3], $0x80, v3, vm0, $0xb8;
	[tilespmem:$0x18400] =	vst v63  }
0x2fd: {  	s26 =	simm.s32 $0x12C00  }
0x2fe: {  	[tilespmem:s26], [sflag:$0x3] =	stream.indirect_vreg.gather [hbm4b:s5+s3], $0x80, v3, vm0, $0xb8;
	[tilespmem:$0x18400] =	vst v63  }
0x2ff: {  	s28 =	simm.s32 $0x13400  }
0x300: {  	[tilespmem:s28], [sflag:$0x3] =	stream.indirect_vreg.gather [hbm4b:s6+s3], $0x80, v3, vm0, $0xb8;
	[tilespmem:$0x18400] =	vst v63  }
0x301: {  	s26 =	simm.s32 $0x13C00  }
0x302: {  	[tilespmem:s26], [sflag:$0x3] =	stream.indirect_vreg.gather [hbm4b:s7+s3], $0x80, v3, vm0, $0xb8;
	[tilespmem:$0x18400] =	vst v63  }
0x303: {  	v3 =	vld [tilespmem:$0x1D0];
	_ =	sdelay $0x4  }
0x304: {  	v29 =	vshll.u32 v3, $0x3  }
0x305: {  	v3 =	vand.u32 $0x7, v3;
	v4 =	vand.u32 $0xFFFFFFC0, v29  }
0x306: {  	v3 =	vor.u32 v3, v4  }
0x307: {  	v4 =	vperm.xlane v3, v0;
	_ =	sdelay $0x1  }
0x308: {  	v4 =	vadd.s32 v1, v4;
	_ =	sdelay $0x3  }
0x309: {  	s29 =	simm.s32 $0x14400  }
0x30a: {  	[tilespmem:s29], [sflag:$0x3] =	stream.indirect_vreg.gather [hbm4b:s2+s3], $0x80, v4, vm0, $0xb8;
	[tilespmem:$0x18400] =	vst v63  }
0x30b: {  	s26 =	simm.s32 $0x14C00;
	v3 =	vperm.xlane v3, v2  }
0x30c: {  	[tilespmem:s26], [sflag:$0x3] =	stream.indirect_vreg.gather [hbm4b:s5+s3], $0x80, v4, vm0, $0xb8;
	[tilespmem:$0x18400] =	vst v63  }
0x30d: {  	v3 =	vadd.s32 v1, v3;
	s29 =	simm.s32 $0x15400  }
0x30e: {  	[tilespmem:s29], [sflag:$0x3] =	stream.indirect_vreg.gather [hbm4b:s6+s3], $0x80, v4, vm0, $0xb8;
	[tilespmem:$0x18400] =	vst v63  }
0x30f: {  	s26 =	simm.s32 $0x15C00  }
0x310: {  	[tilespmem:s26], [sflag:$0x3] =	stream.indirect_vreg.gather [hbm4b:s7+s3], $0x80, v4, vm0, $0xb8;
	[tilespmem:$0x18400] =	vst v63  }
0x311: {  	s26 =	simm.s32 $0x16400  }
0x312: {  	[tilespmem:s26], [sflag:$0x3] =	stream.indirect_vreg.gather [hbm4b:s2+s3], $0x80, v3, vm0, $0xb8;
	[tilespmem:$0x18400] =	vst v63  }
0x313: {  	s25 =	simm.s32 $0x16C00  }
0x314: {  	[tilespmem:s25], [sflag:$0x3] =	stream.indirect_vreg.gather [hbm4b:s5+s3], $0x80, v3, vm0, $0xb8;
	[tilespmem:$0x18400] =	vst v63  }
0x315: {  	s25 =	simm.s32 $0x17400  }
0x316: {  	[tilespmem:s25], [sflag:$0x3] =	stream.indirect_vreg.gather [hbm4b:s6+s3], $0x80, v3, vm0, $0xb8;
	[tilespmem:$0x18400] =	vst v63  }
0x317: {  	s25 =	simm.s32 $0x17C00  }
0x318: {  	[tilespmem:s25], [sflag:$0x3] =	stream.indirect_vreg.gather [hbm4b:s7+s3], $0x80, v3, vm0, $0xb8;
	[tilespmem:$0x18400] =	vst v63  }
0x319: {  	_ =	swait.ge [sflag:s20], $0x8000  }
0x31a: {  	[sflag:s20] =	ssyncset.done $0x0  }
0x31b: {  	s25 =	rddreg [dreg:$0x11];
	[sflag:s20] =	ssyncadd.s32 $0xFFFF8000  }
0x31c: {  	[hbm4b:s25+s3] =	stream.linear.scatter [tilespmem:s31], [sflag:$0x5], $0x8000, $0x38;
	[tilespmem:$0x18400] =	vst v63  }
0x31d: {  	_ =	swait.ge [sflag:s21], $0x8000  }
0x31e: {  	[sflag:s21] =	ssyncset.done $0x0  }
0x31f: {  	[sflag:s21] =	ssyncadd.s32 $0xFFFF8000  }
0x320: {  	v3 =	vld [tilespmem:$0x1E0];
	_ =	sdelay $0x4  }
0x321: {  	v30 =	vshll.u32 v3, $0x3  }
0x322: {  	v3 =	vand.u32 $0x7, v3;
	v4 =	vand.u32 $0xFFFFFFC0, v30  }
0x323: {  	v3 =	vor.u32 v3, v4  }
0x324: {  	v4 =	vperm.xlane v3, v0;
	_ =	sdelay $0x1  }
0x325: {  	v4 =	vadd.s32 v1, v4;
	_ =	sdelay $0x4  }
0x326: {  	[tilespmem:s8], [sflag:$0x1] =	stream.indirect_vreg.gather [hbm4b:s2+s3], $0x80, v4, vm0, $0xb8;
	[tilespmem:$0x18400] =	vst v63  }
0x327: {  	s25 =	simm.s32 $0xC00;
	v3 =	vperm.xlane v3, v2  }
0x328: {  	[tilespmem:s25], [sflag:$0x1] =	stream.indirect_vreg.gather [hbm4b:s5+s3], $0x80, v4, vm0, $0xb8;
	[tilespmem:$0x18400] =	vst v63  }
0x329: {  	v3 =	vadd.s32 v1, v3;
	s25 =	simm.s32 $0x1400  }
0x32a: {  	[tilespmem:s25], [sflag:$0x1] =	stream.indirect_vreg.gather [hbm4b:s6+s3], $0x80, v4, vm0, $0xb8;
	[tilespmem:$0x18400] =	vst v63  }
0x32b: {  	s25 =	simm.s32 $0x1C00  }
0x32c: {  	[tilespmem:s25], [sflag:$0x1] =	stream.indirect_vreg.gather [hbm4b:s7+s3], $0x80, v4, vm0, $0xb8;
	[tilespmem:$0x18400] =	vst v63  }
0x32d: {  	s25 =	simm.s32 $0x2400  }
0x32e: {  	[tilespmem:s25], [sflag:$0x1] =	stream.indirect_vreg.gather [hbm4b:s2+s3], $0x80, v3, vm0, $0xb8;
	[tilespmem:$0x18400] =	vst v63  }
0x32f: {  	s25 =	simm.s32 $0x2C00  }
0x330: {  	[tilespmem:s25], [sflag:$0x1] =	stream.indirect_vreg.gather [hbm4b:s5+s3], $0x80, v3, vm0, $0xb8;
	[tilespmem:$0x18400] =	vst v63  }
0x331: {  	s25 =	simm.s32 $0x3400  }
0x332: {  	[tilespmem:s25], [sflag:$0x1] =	stream.indirect_vreg.gather [hbm4b:s6+s3], $0x80, v3, vm0, $0xb8;
	[tilespmem:$0x18400] =	vst v63  }
0x333: {  	s25 =	simm.s32 $0x3C00  }
0x334: {  	[tilespmem:s25], [sflag:$0x1] =	stream.indirect_vreg.gather [hbm4b:s7+s3], $0x80, v3, vm0, $0xb8;
	[tilespmem:$0x18400] =	vst v63  }
0x335: {  	v3 =	vld [tilespmem:$0x1F0];
	_ =	sdelay $0x4  }
0x336: {  	v31 =	vshll.u32 v3, $0x3  }
0x337: {  	v3 =	vand.u32 $0x7, v3;
	v4 =	vand.u32 $0xFFFFFFC0, v31  }
0x338: {  	v3 =	vor.u32 v3, v4  }
0x339: {  	v4 =	vperm.xlane v3, v0;
	_ =	sdelay $0x1  }
0x33a: {  	v4 =	vadd.s32 v1, v4;
	_ =	sdelay $0x3  }
0x33b: {  	s25 =	simm.s32 $0x4400  }
0x33c: {  	[tilespmem:s25], [sflag:$0x1] =	stream.indirect_vreg.gather [hbm4b:s2+s3], $0x80, v4, vm0, $0xb8;
	[tilespmem:$0x18400] =	vst v63  }
0x33d: {  	v3 =	vperm.xlane v3, v2;
	s25 =	simm.s32 $0x4C00  }
0x33e: {  	[tilespmem:s25], [sflag:$0x1] =	stream.indirect_vreg.gather [hbm4b:s5+s3], $0x80, v4, vm0, $0xb8;
	[tilespmem:$0x18400] =	vst v63  }
0x33f: {  	v3 =	vadd.s32 v1, v3;
	s25 =	simm.s32 $0x5400  }
0x340: {  	[tilespmem:s25], [sflag:$0x1] =	stream.indirect_vreg.gather [hbm4b:s6+s3], $0x80, v4, vm0, $0xb8;
	[tilespmem:$0x18400] =	vst v63  }
0x341: {  	s25 =	simm.s32 $0x5C00  }
0x342: {  	[tilespmem:s25], [sflag:$0x1] =	stream.indirect_vreg.gather [hbm4b:s7+s3], $0x80, v4, vm0, $0xb8;
	[tilespmem:$0x18400] =	vst v63  }
0x343: {  	s25 =	simm.s32 $0x6400  }
0x344: {  	[tilespmem:s25], [sflag:$0x1] =	stream.indirect_vreg.gather [hbm4b:s2+s3], $0x80, v3, vm0, $0xb8;
	[tilespmem:$0x18400] =	vst v63  }
0x345: {  	s25 =	simm.s32 $0x6C00  }
0x346: {  	[tilespmem:s25], [sflag:$0x1] =	stream.indirect_vreg.gather [hbm4b:s5+s3], $0x80, v3, vm0, $0xb8;
	[tilespmem:$0x18400] =	vst v63  }
0x347: {  	s25 =	simm.s32 $0x7400  }
0x348: {  	[tilespmem:s25], [sflag:$0x1] =	stream.indirect_vreg.gather [hbm4b:s6+s3], $0x80, v3, vm0, $0xb8;
	[tilespmem:$0x18400] =	vst v63  }
0x349: {  	s25 =	simm.s32 $0x7C00  }
0x34a: {  	[tilespmem:s25], [sflag:$0x1] =	stream.indirect_vreg.gather [hbm4b:s7+s3], $0x80, v3, vm0, $0xb8;
	[tilespmem:$0x18400] =	vst v63  }
0x34b: {  	_ =	swait.ge [sflag:s22], $0x8000  }
0x34c: {  	[sflag:s22] =	ssyncset.done $0x0  }
0x34d: {  	s25 =	rddreg [dreg:$0x12];
	[sflag:s22] =	ssyncadd.s32 $0xFFFF8000  }
0x34e: {  	[hbm4b:s25+s3] =	stream.linear.scatter [tilespmem:s0], [sflag:$0x6], $0x8000, $0x38;
	[tilespmem:$0x18400] =	vst v63  }
0x34f: {  	_ =	swait.ge [sflag:s23], $0x8000  }
0x350: {  	[sflag:s23] =	ssyncset.done $0x0  }
0x351: {  	[sflag:s23] =	ssyncadd.s32 $0xFFFF8000  }
0x352: {  	v3 =	vld [tilespmem:$0x200];
	_ =	sdelay $0x4  }
0x353: {  	v32 =	vshll.u32 v3, $0x3  }
0x354: {  	v3 =	vand.u32 $0x7, v3;
	v4 =	vand.u32 $0xFFFFFFC0, v32  }
0x355: {  	v3 =	vor.u32 v3, v4  }
0x356: {  	v4 =	vperm.xlane v3, v0;
	_ =	sdelay $0x1  }
0x357: {  	v4 =	vadd.s32 v1, v4;
	_ =	sdelay $0x4  }
0x358: {  	[tilespmem:s31], [sflag:$0x2] =	stream.indirect_vreg.gather [hbm4b:s2+s3], $0x80, v4, vm0, $0xb8;
	[tilespmem:$0x18400] =	vst v63  }
0x359: {  	s17 =	simm.s32 $0x8C00;
	v3 =	vperm.xlane v3, v2  }
0x35a: {  	[tilespmem:s17], [sflag:$0x2] =	stream.indirect_vreg.gather [hbm4b:s5+s3], $0x80, v4, vm0, $0xb8;
	[tilespmem:$0x18400] =	vst v63  }
0x35b: {  	s25 =	simm.s32 $0x9400;
	v3 =	vadd.s32 v1, v3  }
0x35c: {  	[tilespmem:s25], [sflag:$0x2] =	stream.indirect_vreg.gather [hbm4b:s6+s3], $0x80, v4, vm0, $0xb8;
	[tilespmem:$0x18400] =	vst v63  }
0x35d: {  	s25 =	simm.s32 $0x9C00  }
0x35e: {  	[tilespmem:s25], [sflag:$0x2] =	stream.indirect_vreg.gather [hbm4b:s7+s3], $0x80, v4, vm0, $0xb8;
	[tilespmem:$0x18400] =	vst v63  }
0x35f: {  	s25 =	simm.s32 $0xA400  }
0x360: {  	[tilespmem:s25], [sflag:$0x2] =	stream.indirect_vreg.gather [hbm4b:s2+s3], $0x80, v3, vm0, $0xb8;
	[tilespmem:$0x18400] =	vst v63  }
0x361: {  	s25 =	simm.s32 $0xAC00  }
0x362: {  	[tilespmem:s25], [sflag:$0x2] =	stream.indirect_vreg.gather [hbm4b:s5+s3], $0x80, v3, vm0, $0xb8;
	[tilespmem:$0x18400] =	vst v63  }
0x363: {  	s25 =	simm.s32 $0xB400  }
0x364: {  	[tilespmem:s25], [sflag:$0x2] =	stream.indirect_vreg.gather [hbm4b:s6+s3], $0x80, v3, vm0, $0xb8;
	[tilespmem:$0x18400] =	vst v63  }
0x365: {  	s16 =	simm.s32 $0xBC00  }
0x366: {  	[tilespmem:s16], [sflag:$0x2] =	stream.indirect_vreg.gather [hbm4b:s7+s3], $0x80, v3, vm0, $0xb8;
	[tilespmem:$0x18400] =	vst v63  }
0x367: {  	v3 =	vld [tilespmem:$0x210];
	_ =	sdelay $0x4  }
0x368: {  	v33 =	vshll.u32 v3, $0x3  }
0x369: {  	v3 =	vand.u32 $0x7, v3;
	v4 =	vand.u32 $0xFFFFFFC0, v33  }
0x36a: {  	v3 =	vor.u32 v3, v4  }
0x36b: {  	v4 =	vperm.xlane v3, v0;
	_ =	sdelay $0x1  }
0x36c: {  	v4 =	vadd.s32 v1, v4;
	_ =	sdelay $0x3  }
0x36d: {  	s19 =	simm.s32 $0xC400  }
0x36e: {  	[tilespmem:s19], [sflag:$0x2] =	stream.indirect_vreg.gather [hbm4b:s2+s3], $0x80, v4, vm0, $0xb8;
	[tilespmem:$0x18400] =	vst v63  }
0x36f: {  	s1 =	simm.s32 $0xCC00;
	v3 =	vperm.xlane v3, v2  }
0x370: {  	[tilespmem:s1], [sflag:$0x2] =	stream.indirect_vreg.gather [hbm4b:s5+s3], $0x80, v4, vm0, $0xb8;
	[tilespmem:$0x18400] =	vst v63  }
0x371: {  	s30 =	simm.s32 $0xD400;
	v3 =	vadd.s32 v1, v3  }
0x372: {  	[tilespmem:s30], [sflag:$0x2] =	stream.indirect_vreg.gather [hbm4b:s6+s3], $0x80, v4, vm0, $0xb8;
	[tilespmem:$0x18400] =	vst v63  }
0x373: {  	s9 =	simm.s32 $0xDC00  }
0x374: {  	[tilespmem:s9], [sflag:$0x2] =	stream.indirect_vreg.gather [hbm4b:s7+s3], $0x80, v4, vm0, $0xb8;
	[tilespmem:$0x18400] =	vst v63  }
0x375: {  	s13 =	simm.s32 $0xE400  }
0x376: {  	[tilespmem:s13], [sflag:$0x2] =	stream.indirect_vreg.gather [hbm4b:s2+s3], $0x80, v3, vm0, $0xb8;
	[tilespmem:$0x18400] =	vst v63  }
0x377: {  	s14 =	simm.s32 $0xEC00  }
0x378: {  	[tilespmem:s14], [sflag:$0x2] =	stream.indirect_vreg.gather [hbm4b:s5+s3], $0x80, v3, vm0, $0xb8;
	[tilespmem:$0x18400] =	vst v63  }
0x379: {  	s25 =	simm.s32 $0xF400  }
0x37a: {  	[tilespmem:s25], [sflag:$0x2] =	stream.indirect_vreg.gather [hbm4b:s6+s3], $0x80, v3, vm0, $0xb8;
	[tilespmem:$0x18400] =	vst v63  }
0x37b: {  	s4 =	simm.s32 $0xFC00  }
0x37c: {  	[tilespmem:s4], [sflag:$0x2] =	stream.indirect_vreg.gather [hbm4b:s7+s3], $0x80, v3, vm0, $0xb8;
	[tilespmem:$0x18400] =	vst v63  }
0x37d: {  	_ =	swait.ge [sflag:s18], $0x8000  }
0x37e: {  	[sflag:s18] =	ssyncset.done $0x0  }
0x37f: {  	s25 =	rddreg [dreg:$0x13];
	[sflag:s18] =	ssyncadd.s32 $0xFFFF8000  }
0x380: {  	[hbm4b:s25+s3] =	stream.linear.scatter [tilespmem:s8], [sflag:$0x4], $0x8000, $0x38;
	[tilespmem:$0x18400] =	vst v63  }
0x381: {  	_ =	swait.ge [sflag:s24], $0x8000  }
0x382: {  	[sflag:s24] =	ssyncset.done $0x0  }
0x383: {  	[sflag:s24] =	ssyncadd.s32 $0xFFFF8000  }
0x384: {  	v3 =	vld [tilespmem:$0x220];
	_ =	sdelay $0x4  }
0x385: {  	v34 =	vshll.u32 v3, $0x3  }
0x386: {  	v3 =	vand.u32 $0x7, v3;
	v4 =	vand.u32 $0xFFFFFFC0, v34  }
0x387: {  	v3 =	vor.u32 v3, v4  }
0x388: {  	v4 =	vperm.xlane v3, v0;
	_ =	sdelay $0x1  }
0x389: {  	v4 =	vadd.s32 v1, v4;
	_ =	sdelay $0x4  }
0x38a: {  	[tilespmem:s0], [sflag:$0x3] =	stream.indirect_vreg.gather [hbm4b:s2+s3], $0x80, v4, vm0, $0xb8;
	[tilespmem:$0x18400] =	vst v63  }
0x38b: {  	s25 =	simm.s32 $0x10C00;
	v3 =	vperm.xlane v3, v2  }
0x38c: {  	[tilespmem:s25], [sflag:$0x3] =	stream.indirect_vreg.gather [hbm4b:s5+s3], $0x80, v4, vm0, $0xb8;
	[tilespmem:$0x18400] =	vst v63  }
0x38d: {  	s15 =	simm.s32 $0x11400;
	v3 =	vadd.s32 v1, v3  }
0x38e: {  	[tilespmem:s15], [sflag:$0x3] =	stream.indirect_vreg.gather [hbm4b:s6+s3], $0x80, v4, vm0, $0xb8;
	[tilespmem:$0x18400] =	vst v63  }
0x38f: {  	s11 =	simm.s32 $0x11C00  }
0x390: {  	[tilespmem:s11], [sflag:$0x3] =	stream.indirect_vreg.gather [hbm4b:s7+s3], $0x80, v4, vm0, $0xb8;
	[tilespmem:$0x18400] =	vst v63  }
0x391: {  	s10 =	simm.s32 $0x12400  }
0x392: {  	[tilespmem:s10], [sflag:$0x3] =	stream.indirect_vreg.gather [hbm4b:s2+s3], $0x80, v3, vm0, $0xb8;
	[tilespmem:$0x18400] =	vst v63  }
0x393: {  	s12 =	simm.s32 $0x12C00  }
0x394: {  	[tilespmem:s12], [sflag:$0x3] =	stream.indirect_vreg.gather [hbm4b:s5+s3], $0x80, v3, vm0, $0xb8;
	[tilespmem:$0x18400] =	vst v63  }
0x395: {  	s28 =	simm.s32 $0x13400  }
0x396: {  	[tilespmem:s28], [sflag:$0x3] =	stream.indirect_vreg.gather [hbm4b:s6+s3], $0x80, v3, vm0, $0xb8;
	[tilespmem:$0x18400] =	vst v63  }
0x397: {  	s25 =	simm.s32 $0x13C00  }
0x398: {  	[tilespmem:s25], [sflag:$0x3] =	stream.indirect_vreg.gather [hbm4b:s7+s3], $0x80, v3, vm0, $0xb8;
	[tilespmem:$0x18400] =	vst v63  }
0x399: {  	v3 =	vld [tilespmem:$0x230];
	_ =	sdelay $0x4  }
0x39a: {  	v35 =	vshll.u32 v3, $0x3  }
0x39b: {  	v3 =	vand.u32 $0x7, v3;
	v4 =	vand.u32 $0xFFFFFFC0, v35  }
0x39c: {  	v3 =	vor.u32 v3, v4  }
0x39d: {  	v4 =	vperm.xlane v3, v0;
	_ =	sdelay $0x1  }
0x39e: {  	v4 =	vadd.s32 v1, v4;
	_ =	sdelay $0x3  }
0x39f: {  	s25 =	simm.s32 $0x14400  }
0x3a0: {  	[tilespmem:s25], [sflag:$0x3] =	stream.indirect_vreg.gather [hbm4b:s2+s3], $0x80, v4, vm0, $0xb8;
	[tilespmem:$0x18400] =	vst v63  }
0x3a1: {  	v3 =	vperm.xlane v3, v2;
	s25 =	simm.s32 $0x14C00  }
0x3a2: {  	[tilespmem:s25], [sflag:$0x3] =	stream.indirect_vreg.gather [hbm4b:s5+s3], $0x80, v4, vm0, $0xb8;
	[tilespmem:$0x18400] =	vst v63  }
0x3a3: {  	s29 =	simm.s32 $0x15400;
	v3 =	vadd.s32 v1, v3  }
0x3a4: {  	[tilespmem:s29], [sflag:$0x3] =	stream.indirect_vreg.gather [hbm4b:s6+s3], $0x80, v4, vm0, $0xb8;
	[tilespmem:$0x18400] =	vst v63  }
0x3a5: {  	s25 =	simm.s32 $0x15C00  }
0x3a6: {  	[tilespmem:s25], [sflag:$0x3] =	stream.indirect_vreg.gather [hbm4b:s7+s3], $0x80, v4, vm0, $0xb8;
	[tilespmem:$0x18400] =	vst v63  }
0x3a7: {  	s26 =	simm.s32 $0x16400  }
0x3a8: {  	[tilespmem:s26], [sflag:$0x3] =	stream.indirect_vreg.gather [hbm4b:s2+s3], $0x80, v3, vm0, $0xb8;
	[tilespmem:$0x18400] =	vst v63  }
0x3a9: {  	s25 =	simm.s32 $0x16C00  }
0x3aa: {  	[tilespmem:s25], [sflag:$0x3] =	stream.indirect_vreg.gather [hbm4b:s5+s3], $0x80, v3, vm0, $0xb8;
	[tilespmem:$0x18400] =	vst v63  }
0x3ab: {  	s25 =	simm.s32 $0x17400  }
0x3ac: {  	[tilespmem:s25], [sflag:$0x3] =	stream.indirect_vreg.gather [hbm4b:s6+s3], $0x80, v3, vm0, $0xb8;
	[tilespmem:$0x18400] =	vst v63  }
0x3ad: {  	s25 =	simm.s32 $0x17C00  }
0x3ae: {  	[tilespmem:s25], [sflag:$0x3] =	stream.indirect_vreg.gather [hbm4b:s7+s3], $0x80, v3, vm0, $0xb8;
	[tilespmem:$0x18400] =	vst v63  }
0x3af: {  	_ =	swait.ge [sflag:s20], $0x8000  }
0x3b0: {  	[sflag:s20] =	ssyncset.done $0x0  }
0x3b1: {  	s25 =	rddreg [dreg:$0x14];
	[sflag:s20] =	ssyncadd.s32 $0xFFFF8000  }
0x3b2: {  	[hbm4b:s25+s3] =	stream.linear.scatter [tilespmem:s31], [sflag:$0x5], $0x8000, $0x38;
	[tilespmem:$0x18400] =	vst v63  }
0x3b3: {  	_ =	swait.ge [sflag:s21], $0x8000  }
0x3b4: {  	[sflag:s21] =	ssyncset.done $0x0  }
0x3b5: {  	[sflag:s21] =	ssyncadd.s32 $0xFFFF8000  }
0x3b6: {  	v3 =	vld [tilespmem:$0x240];
	_ =	sdelay $0x4  }
0x3b7: {  	v36 =	vshll.u32 v3, $0x3  }
0x3b8: {  	v3 =	vand.u32 $0x7, v3;
	v4 =	vand.u32 $0xFFFFFFC0, v36  }
0x3b9: {  	v3 =	vor.u32 v3, v4  }
0x3ba: {  	v4 =	vperm.xlane v3, v0;
	_ =	sdelay $0x1  }
0x3bb: {  	v4 =	vadd.s32 v1, v4;
	_ =	sdelay $0x4  }
0x3bc: {  	[tilespmem:s8], [sflag:$0x1] =	stream.indirect_vreg.gather [hbm4b:s2+s3], $0x80, v4, vm0, $0xb8;
	[tilespmem:$0x18400] =	vst v63  }
0x3bd: {  	s25 =	simm.s32 $0xC00;
	v3 =	vperm.xlane v3, v2  }
0x3be: {  	[tilespmem:s25], [sflag:$0x1] =	stream.indirect_vreg.gather [hbm4b:s5+s3], $0x80, v4, vm0, $0xb8;
	[tilespmem:$0x18400] =	vst v63  }
0x3bf: {  	v3 =	vadd.s32 v1, v3;
	s25 =	simm.s32 $0x1400  }
0x3c0: {  	[tilespmem:s25], [sflag:$0x1] =	stream.indirect_vreg.gather [hbm4b:s6+s3], $0x80, v4, vm0, $0xb8;
	[tilespmem:$0x18400] =	vst v63  }
0x3c1: {  	s25 =	simm.s32 $0x1C00  }
0x3c2: {  	[tilespmem:s25], [sflag:$0x1] =	stream.indirect_vreg.gather [hbm4b:s7+s3], $0x80, v4, vm0, $0xb8;
	[tilespmem:$0x18400] =	vst v63  }
0x3c3: {  	s25 =	simm.s32 $0x2400  }
0x3c4: {  	[tilespmem:s25], [sflag:$0x1] =	stream.indirect_vreg.gather [hbm4b:s2+s3], $0x80, v3, vm0, $0xb8;
	[tilespmem:$0x18400] =	vst v63  }
0x3c5: {  	s25 =	simm.s32 $0x2C00  }
0x3c6: {  	[tilespmem:s25], [sflag:$0x1] =	stream.indirect_vreg.gather [hbm4b:s5+s3], $0x80, v3, vm0, $0xb8;
	[tilespmem:$0x18400] =	vst v63  }
0x3c7: {  	s25 =	simm.s32 $0x3400  }
0x3c8: {  	[tilespmem:s25], [sflag:$0x1] =	stream.indirect_vreg.gather [hbm4b:s6+s3], $0x80, v3, vm0, $0xb8;
	[tilespmem:$0x18400] =	vst v63  }
0x3c9: {  	s25 =	simm.s32 $0x3C00  }
0x3ca: {  	[tilespmem:s25], [sflag:$0x1] =	stream.indirect_vreg.gather [hbm4b:s7+s3], $0x80, v3, vm0, $0xb8;
	[tilespmem:$0x18400] =	vst v63  }
0x3cb: {  	v3 =	vld [tilespmem:$0x250];
	_ =	sdelay $0x4  }
0x3cc: {  	v37 =	vshll.u32 v3, $0x3  }
0x3cd: {  	v3 =	vand.u32 $0x7, v3;
	v4 =	vand.u32 $0xFFFFFFC0, v37  }
0x3ce: {  	v3 =	vor.u32 v3, v4  }
0x3cf: {  	v4 =	vperm.xlane v3, v0;
	_ =	sdelay $0x1  }
0x3d0: {  	v4 =	vadd.s32 v1, v4;
	_ =	sdelay $0x3  }
0x3d1: {  	s25 =	simm.s32 $0x4400  }
0x3d2: {  	[tilespmem:s25], [sflag:$0x1] =	stream.indirect_vreg.gather [hbm4b:s2+s3], $0x80, v4, vm0, $0xb8;
	[tilespmem:$0x18400] =	vst v63  }
0x3d3: {  	v3 =	vperm.xlane v3, v2;
	s25 =	simm.s32 $0x4C00  }
0x3d4: {  	[tilespmem:s25], [sflag:$0x1] =	stream.indirect_vreg.gather [hbm4b:s5+s3], $0x80, v4, vm0, $0xb8;
	[tilespmem:$0x18400] =	vst v63  }
0x3d5: {  	v3 =	vadd.s32 v1, v3;
	s25 =	simm.s32 $0x5400  }
0x3d6: {  	[tilespmem:s25], [sflag:$0x1] =	stream.indirect_vreg.gather [hbm4b:s6+s3], $0x80, v4, vm0, $0xb8;
	[tilespmem:$0x18400] =	vst v63  }
0x3d7: {  	s25 =	simm.s32 $0x5C00  }
0x3d8: {  	[tilespmem:s25], [sflag:$0x1] =	stream.indirect_vreg.gather [hbm4b:s7+s3], $0x80, v4, vm0, $0xb8;
	[tilespmem:$0x18400] =	vst v63  }
0x3d9: {  	s25 =	simm.s32 $0x6400  }
0x3da: {  	[tilespmem:s25], [sflag:$0x1] =	stream.indirect_vreg.gather [hbm4b:s2+s3], $0x80, v3, vm0, $0xb8;
	[tilespmem:$0x18400] =	vst v63  }
0x3db: {  	s25 =	simm.s32 $0x6C00  }
0x3dc: {  	[tilespmem:s25], [sflag:$0x1] =	stream.indirect_vreg.gather [hbm4b:s5+s3], $0x80, v3, vm0, $0xb8;
	[tilespmem:$0x18400] =	vst v63  }
0x3dd: {  	s25 =	simm.s32 $0x7400  }
0x3de: {  	[tilespmem:s25], [sflag:$0x1] =	stream.indirect_vreg.gather [hbm4b:s6+s3], $0x80, v3, vm0, $0xb8;
	[tilespmem:$0x18400] =	vst v63  }
0x3df: {  	s25 =	simm.s32 $0x7C00  }
0x3e0: {  	[tilespmem:s25], [sflag:$0x1] =	stream.indirect_vreg.gather [hbm4b:s7+s3], $0x80, v3, vm0, $0xb8;
	[tilespmem:$0x18400] =	vst v63  }
0x3e1: {  	_ =	swait.ge [sflag:s22], $0x8000  }
0x3e2: {  	[sflag:s22] =	ssyncset.done $0x0  }
0x3e3: {  	s25 =	rddreg [dreg:$0x15];
	[sflag:s22] =	ssyncadd.s32 $0xFFFF8000  }
0x3e4: {  	[hbm4b:s25+s3] =	stream.linear.scatter [tilespmem:s0], [sflag:$0x6], $0x8000, $0x38;
	[tilespmem:$0x18400] =	vst v63  }
0x3e5: {  	_ =	swait.ge [sflag:s23], $0x8000  }
0x3e6: {  	[sflag:s23] =	ssyncset.done $0x0  }
0x3e7: {  	[sflag:s23] =	ssyncadd.s32 $0xFFFF8000  }
0x3e8: {  	v3 =	vld [tilespmem:$0x260];
	_ =	sdelay $0x4  }
0x3e9: {  	v38 =	vshll.u32 v3, $0x3  }
0x3ea: {  	v3 =	vand.u32 $0x7, v3;
	v4 =	vand.u32 $0xFFFFFFC0, v38  }
0x3eb: {  	v3 =	vor.u32 v3, v4  }
0x3ec: {  	v4 =	vperm.xlane v3, v0;
	_ =	sdelay $0x1  }
0x3ed: {  	v4 =	vadd.s32 v1, v4;
	_ =	sdelay $0x4  }
0x3ee: {  	[tilespmem:s31], [sflag:$0x2] =	stream.indirect_vreg.gather [hbm4b:s2+s3], $0x80, v4, vm0, $0xb8;
	[tilespmem:$0x18400] =	vst v63  }
0x3ef: {  	s17 =	simm.s32 $0x8C00;
	v3 =	vperm.xlane v3, v2  }
0x3f0: {  	[tilespmem:s17], [sflag:$0x2] =	stream.indirect_vreg.gather [hbm4b:s5+s3], $0x80, v4, vm0, $0xb8;
	[tilespmem:$0x18400] =	vst v63  }
0x3f1: {  	s25 =	simm.s32 $0x9400;
	v3 =	vadd.s32 v1, v3  }
0x3f2: {  	[tilespmem:s25], [sflag:$0x2] =	stream.indirect_vreg.gather [hbm4b:s6+s3], $0x80, v4, vm0, $0xb8;
	[tilespmem:$0x18400] =	vst v63  }
0x3f3: {  	s25 =	simm.s32 $0x9C00  }
0x3f4: {  	[tilespmem:s25], [sflag:$0x2] =	stream.indirect_vreg.gather [hbm4b:s7+s3], $0x80, v4, vm0, $0xb8;
	[tilespmem:$0x18400] =	vst v63  }
0x3f5: {  	s25 =	simm.s32 $0xA400  }
0x3f6: {  	[tilespmem:s25], [sflag:$0x2] =	stream.indirect_vreg.gather [hbm4b:s2+s3], $0x80, v3, vm0, $0xb8;
	[tilespmem:$0x18400] =	vst v63  }
0x3f7: {  	s25 =	simm.s32 $0xAC00  }
0x3f8: {  	[tilespmem:s25], [sflag:$0x2] =	stream.indirect_vreg.gather [hbm4b:s5+s3], $0x80, v3, vm0, $0xb8;
	[tilespmem:$0x18400] =	vst v63  }
0x3f9: {  	s25 =	simm.s32 $0xB400  }
0x3fa: {  	[tilespmem:s25], [sflag:$0x2] =	stream.indirect_vreg.gather [hbm4b:s6+s3], $0x80, v3, vm0, $0xb8;
	[tilespmem:$0x18400] =	vst v63  }
0x3fb: {  	s16 =	simm.s32 $0xBC00  }
0x3fc: {  	[tilespmem:s16], [sflag:$0x2] =	stream.indirect_vreg.gather [hbm4b:s7+s3], $0x80, v3, vm0, $0xb8;
	[tilespmem:$0x18400] =	vst v63  }
0x3fd: {  	v3 =	vld [tilespmem:$0x270];
	_ =	sdelay $0x4  }
0x3fe: {  	v39 =	vshll.u32 v3, $0x3  }
0x3ff: {  	v3 =	vand.u32 $0x7, v3;
	v4 =	vand.u32 $0xFFFFFFC0, v39  }
0x400: {  	v3 =	vor.u32 v3, v4  }
0x401: {  	v4 =	vperm.xlane v3, v0;
	_ =	sdelay $0x1  }
0x402: {  	v4 =	vadd.s32 v1, v4;
	_ =	sdelay $0x3  }
0x403: {  	s19 =	simm.s32 $0xC400  }
0x404: {  	[tilespmem:s19], [sflag:$0x2] =	stream.indirect_vreg.gather [hbm4b:s2+s3], $0x80, v4, vm0, $0xb8;
	[tilespmem:$0x18400] =	vst v63  }
0x405: {  	s1 =	simm.s32 $0xCC00;
	v3 =	vperm.xlane v3, v2  }
0x406: {  	[tilespmem:s1], [sflag:$0x2] =	stream.indirect_vreg.gather [hbm4b:s5+s3], $0x80, v4, vm0, $0xb8;
	[tilespmem:$0x18400] =	vst v63  }
0x407: {  	s30 =	simm.s32 $0xD400;
	v3 =	vadd.s32 v1, v3  }
0x408: {  	[tilespmem:s30], [sflag:$0x2] =	stream.indirect_vreg.gather [hbm4b:s6+s3], $0x80, v4, vm0, $0xb8;
	[tilespmem:$0x18400] =	vst v63  }
0x409: {  	s9 =	simm.s32 $0xDC00  }
0x40a: {  	[tilespmem:s9], [sflag:$0x2] =	stream.indirect_vreg.gather [hbm4b:s7+s3], $0x80, v4, vm0, $0xb8;
	[tilespmem:$0x18400] =	vst v63  }
0x40b: {  	s13 =	simm.s32 $0xE400  }
0x40c: {  	[tilespmem:s13], [sflag:$0x2] =	stream.indirect_vreg.gather [hbm4b:s2+s3], $0x80, v3, vm0, $0xb8;
	[tilespmem:$0x18400] =	vst v63  }
0x40d: {  	s14 =	simm.s32 $0xEC00  }
0x40e: {  	[tilespmem:s14], [sflag:$0x2] =	stream.indirect_vreg.gather [hbm4b:s5+s3], $0x80, v3, vm0, $0xb8;
	[tilespmem:$0x18400] =	vst v63  }
0x40f: {  	s25 =	simm.s32 $0xF400  }
0x410: {  	[tilespmem:s25], [sflag:$0x2] =	stream.indirect_vreg.gather [hbm4b:s6+s3], $0x80, v3, vm0, $0xb8;
	[tilespmem:$0x18400] =	vst v63  }
0x411: {  	s4 =	simm.s32 $0xFC00  }
0x412: {  	[tilespmem:s4], [sflag:$0x2] =	stream.indirect_vreg.gather [hbm4b:s7+s3], $0x80, v3, vm0, $0xb8;
	[tilespmem:$0x18400] =	vst v63  }
0x413: {  	_ =	swait.ge [sflag:s18], $0x8000  }
0x414: {  	[sflag:s18] =	ssyncset.done $0x0  }
0x415: {  	s25 =	rddreg [dreg:$0x16];
	[sflag:s18] =	ssyncadd.s32 $0xFFFF8000  }
0x416: {  	[hbm4b:s25+s3] =	stream.linear.scatter [tilespmem:s8], [sflag:$0x4], $0x8000, $0x38;
	[tilespmem:$0x18400] =	vst v63  }
0x417: {  	_ =	swait.ge [sflag:s24], $0x8000  }
0x418: {  	[sflag:s24] =	ssyncset.done $0x0  }
0x419: {  	[sflag:s24] =	ssyncadd.s32 $0xFFFF8000  }
0x41a: {  	v3 =	vld [tilespmem:$0x280];
	_ =	sdelay $0x4  }
0x41b: {  	v40 =	vshll.u32 v3, $0x3  }
0x41c: {  	v3 =	vand.u32 $0x7, v3;
	v4 =	vand.u32 $0xFFFFFFC0, v40  }
0x41d: {  	v3 =	vor.u32 v3, v4  }
0x41e: {  	v4 =	vperm.xlane v3, v0;
	_ =	sdelay $0x1  }
0x41f: {  	v4 =	vadd.s32 v1, v4;
	_ =	sdelay $0x4  }
0x420: {  	[tilespmem:s0], [sflag:$0x3] =	stream.indirect_vreg.gather [hbm4b:s2+s3], $0x80, v4, vm0, $0xb8;
	[tilespmem:$0x18400] =	vst v63  }
0x421: {  	s25 =	simm.s32 $0x10C00;
	v3 =	vperm.xlane v3, v2  }
0x422: {  	[tilespmem:s25], [sflag:$0x3] =	stream.indirect_vreg.gather [hbm4b:s5+s3], $0x80, v4, vm0, $0xb8;
	[tilespmem:$0x18400] =	vst v63  }
0x423: {  	s15 =	simm.s32 $0x11400;
	v3 =	vadd.s32 v1, v3  }
0x424: {  	[tilespmem:s15], [sflag:$0x3] =	stream.indirect_vreg.gather [hbm4b:s6+s3], $0x80, v4, vm0, $0xb8;
	[tilespmem:$0x18400] =	vst v63  }
0x425: {  	s11 =	simm.s32 $0x11C00  }
0x426: {  	[tilespmem:s11], [sflag:$0x3] =	stream.indirect_vreg.gather [hbm4b:s7+s3], $0x80, v4, vm0, $0xb8;
	[tilespmem:$0x18400] =	vst v63  }
0x427: {  	s10 =	simm.s32 $0x12400  }
0x428: {  	[tilespmem:s10], [sflag:$0x3] =	stream.indirect_vreg.gather [hbm4b:s2+s3], $0x80, v3, vm0, $0xb8;
	[tilespmem:$0x18400] =	vst v63  }
0x429: {  	s12 =	simm.s32 $0x12C00  }
0x42a: {  	[tilespmem:s12], [sflag:$0x3] =	stream.indirect_vreg.gather [hbm4b:s5+s3], $0x80, v3, vm0, $0xb8;
	[tilespmem:$0x18400] =	vst v63  }
0x42b: {  	s28 =	simm.s32 $0x13400  }
0x42c: {  	[tilespmem:s28], [sflag:$0x3] =	stream.indirect_vreg.gather [hbm4b:s6+s3], $0x80, v3, vm0, $0xb8;
	[tilespmem:$0x18400] =	vst v63  }
0x42d: {  	s25 =	simm.s32 $0x13C00  }
0x42e: {  	[tilespmem:s25], [sflag:$0x3] =	stream.indirect_vreg.gather [hbm4b:s7+s3], $0x80, v3, vm0, $0xb8;
	[tilespmem:$0x18400] =	vst v63  }
0x42f: {  	v3 =	vld [tilespmem:$0x290];
	_ =	sdelay $0x4  }
0x430: {  	v41 =	vshll.u32 v3, $0x3  }
0x431: {  	v3 =	vand.u32 $0x7, v3;
	v4 =	vand.u32 $0xFFFFFFC0, v41  }
0x432: {  	v3 =	vor.u32 v3, v4  }
0x433: {  	v4 =	vperm.xlane v3, v0;
	_ =	sdelay $0x1  }
0x434: {  	v4 =	vadd.s32 v1, v4;
	_ =	sdelay $0x3  }
0x435: {  	s25 =	simm.s32 $0x14400  }
0x436: {  	[tilespmem:s25], [sflag:$0x3] =	stream.indirect_vreg.gather [hbm4b:s2+s3], $0x80, v4, vm0, $0xb8;
	[tilespmem:$0x18400] =	vst v63  }
0x437: {  	v3 =	vperm.xlane v3, v2;
	s25 =	simm.s32 $0x14C00  }
0x438: {  	[tilespmem:s25], [sflag:$0x3] =	stream.indirect_vreg.gather [hbm4b:s5+s3], $0x80, v4, vm0, $0xb8;
	[tilespmem:$0x18400] =	vst v63  }
0x439: {  	s29 =	simm.s32 $0x15400;
	v3 =	vadd.s32 v1, v3  }
0x43a: {  	[tilespmem:s29], [sflag:$0x3] =	stream.indirect_vreg.gather [hbm4b:s6+s3], $0x80, v4, vm0, $0xb8;
	[tilespmem:$0x18400] =	vst v63  }
0x43b: {  	s25 =	simm.s32 $0x15C00  }
0x43c: {  	[tilespmem:s25], [sflag:$0x3] =	stream.indirect_vreg.gather [hbm4b:s7+s3], $0x80, v4, vm0, $0xb8;
	[tilespmem:$0x18400] =	vst v63  }
0x43d: {  	s26 =	simm.s32 $0x16400  }
0x43e: {  	[tilespmem:s26], [sflag:$0x3] =	stream.indirect_vreg.gather [hbm4b:s2+s3], $0x80, v3, vm0, $0xb8;
	[tilespmem:$0x18400] =	vst v63  }
0x43f: {  	s25 =	simm.s32 $0x16C00  }
0x440: {  	[tilespmem:s25], [sflag:$0x3] =	stream.indirect_vreg.gather [hbm4b:s5+s3], $0x80, v3, vm0, $0xb8;
	[tilespmem:$0x18400] =	vst v63  }
0x441: {  	s25 =	simm.s32 $0x17400  }
0x442: {  	[tilespmem:s25], [sflag:$0x3] =	stream.indirect_vreg.gather [hbm4b:s6+s3], $0x80, v3, vm0, $0xb8;
	[tilespmem:$0x18400] =	vst v63  }
0x443: {  	s25 =	simm.s32 $0x17C00  }
0x444: {  	[tilespmem:s25], [sflag:$0x3] =	stream.indirect_vreg.gather [hbm4b:s7+s3], $0x80, v3, vm0, $0xb8;
	[tilespmem:$0x18400] =	vst v63  }
0x445: {  	_ =	swait.ge [sflag:s20], $0x8000  }
0x446: {  	[sflag:s20] =	ssyncset.done $0x0  }
0x447: {  	s25 =	rddreg [dreg:$0x17];
	[sflag:s20] =	ssyncadd.s32 $0xFFFF8000  }
0x448: {  	[hbm4b:s25+s3] =	stream.linear.scatter [tilespmem:s31], [sflag:$0x5], $0x8000, $0x38;
	[tilespmem:$0x18400] =	vst v63  }
0x449: {  	_ =	swait.ge [sflag:s21], $0x8000  }
0x44a: {  	[sflag:s21] =	ssyncset.done $0x0  }
0x44b: {  	[sflag:s21] =	ssyncadd.s32 $0xFFFF8000  }
0x44c: {  	v3 =	vld [tilespmem:$0x2A0];
	_ =	sdelay $0x4  }
0x44d: {  	v42 =	vshll.u32 v3, $0x3  }
0x44e: {  	v3 =	vand.u32 $0x7, v3;
	v4 =	vand.u32 $0xFFFFFFC0, v42  }
0x44f: {  	v3 =	vor.u32 v3, v4  }
0x450: {  	v4 =	vperm.xlane v3, v0;
	_ =	sdelay $0x1  }
0x451: {  	v4 =	vadd.s32 v1, v4;
	_ =	sdelay $0x4  }
0x452: {  	[tilespmem:s8], [sflag:$0x1] =	stream.indirect_vreg.gather [hbm4b:s2+s3], $0x80, v4, vm0, $0xb8;
	[tilespmem:$0x18400] =	vst v63  }
0x453: {  	s25 =	simm.s32 $0xC00;
	v3 =	vperm.xlane v3, v2  }
0x454: {  	[tilespmem:s25], [sflag:$0x1] =	stream.indirect_vreg.gather [hbm4b:s5+s3], $0x80, v4, vm0, $0xb8;
	[tilespmem:$0x18400] =	vst v63  }
0x455: {  	v3 =	vadd.s32 v1, v3;
	s25 =	simm.s32 $0x1400  }
0x456: {  	[tilespmem:s25], [sflag:$0x1] =	stream.indirect_vreg.gather [hbm4b:s6+s3], $0x80, v4, vm0, $0xb8;
	[tilespmem:$0x18400] =	vst v63  }
0x457: {  	s25 =	simm.s32 $0x1C00  }
0x458: {  	[tilespmem:s25], [sflag:$0x1] =	stream.indirect_vreg.gather [hbm4b:s7+s3], $0x80, v4, vm0, $0xb8;
	[tilespmem:$0x18400] =	vst v63  }
0x459: {  	s25 =	simm.s32 $0x2400  }
0x45a: {  	[tilespmem:s25], [sflag:$0x1] =	stream.indirect_vreg.gather [hbm4b:s2+s3], $0x80, v3, vm0, $0xb8;
	[tilespmem:$0x18400] =	vst v63  }
0x45b: {  	s25 =	simm.s32 $0x2C00  }
0x45c: {  	[tilespmem:s25], [sflag:$0x1] =	stream.indirect_vreg.gather [hbm4b:s5+s3], $0x80, v3, vm0, $0xb8;
	[tilespmem:$0x18400] =	vst v63  }
0x45d: {  	s25 =	simm.s32 $0x3400  }
0x45e: {  	[tilespmem:s25], [sflag:$0x1] =	stream.indirect_vreg.gather [hbm4b:s6+s3], $0x80, v3, vm0, $0xb8;
	[tilespmem:$0x18400] =	vst v63  }
0x45f: {  	s25 =	simm.s32 $0x3C00  }
0x460: {  	[tilespmem:s25], [sflag:$0x1] =	stream.indirect_vreg.gather [hbm4b:s7+s3], $0x80, v3, vm0, $0xb8;
	[tilespmem:$0x18400] =	vst v63  }
0x461: {  	v3 =	vld [tilespmem:$0x2B0];
	_ =	sdelay $0x4  }
0x462: {  	v43 =	vshll.u32 v3, $0x3  }
0x463: {  	v3 =	vand.u32 $0x7, v3;
	v4 =	vand.u32 $0xFFFFFFC0, v43  }
0x464: {  	v3 =	vor.u32 v3, v4  }
0x465: {  	v4 =	vperm.xlane v3, v0;
	_ =	sdelay $0x1  }
0x466: {  	v4 =	vadd.s32 v1, v4;
	_ =	sdelay $0x3  }
0x467: {  	s25 =	simm.s32 $0x4400  }
0x468: {  	[tilespmem:s25], [sflag:$0x1] =	stream.indirect_vreg.gather [hbm4b:s2+s3], $0x80, v4, vm0, $0xb8;
	[tilespmem:$0x18400] =	vst v63  }
0x469: {  	v3 =	vperm.xlane v3, v2;
	s25 =	simm.s32 $0x4C00  }
0x46a: {  	[tilespmem:s25], [sflag:$0x1] =	stream.indirect_vreg.gather [hbm4b:s5+s3], $0x80, v4, vm0, $0xb8;
	[tilespmem:$0x18400] =	vst v63  }
0x46b: {  	v3 =	vadd.s32 v1, v3;
	s25 =	simm.s32 $0x5400  }
0x46c: {  	[tilespmem:s25], [sflag:$0x1] =	stream.indirect_vreg.gather [hbm4b:s6+s3], $0x80, v4, vm0, $0xb8;
	[tilespmem:$0x18400] =	vst v63  }
0x46d: {  	s25 =	simm.s32 $0x5C00  }
0x46e: {  	[tilespmem:s25], [sflag:$0x1] =	stream.indirect_vreg.gather [hbm4b:s7+s3], $0x80, v4, vm0, $0xb8;
	[tilespmem:$0x18400] =	vst v63  }
0x46f: {  	s25 =	simm.s32 $0x6400  }
0x470: {  	[tilespmem:s25], [sflag:$0x1] =	stream.indirect_vreg.gather [hbm4b:s2+s3], $0x80, v3, vm0, $0xb8;
	[tilespmem:$0x18400] =	vst v63  }
0x471: {  	s25 =	simm.s32 $0x6C00  }
0x472: {  	[tilespmem:s25], [sflag:$0x1] =	stream.indirect_vreg.gather [hbm4b:s5+s3], $0x80, v3, vm0, $0xb8;
	[tilespmem:$0x18400] =	vst v63  }
0x473: {  	s25 =	simm.s32 $0x7400  }
0x474: {  	[tilespmem:s25], [sflag:$0x1] =	stream.indirect_vreg.gather [hbm4b:s6+s3], $0x80, v3, vm0, $0xb8;
	[tilespmem:$0x18400] =	vst v63  }
0x475: {  	s25 =	simm.s32 $0x7C00  }
0x476: {  	[tilespmem:s25], [sflag:$0x1] =	stream.indirect_vreg.gather [hbm4b:s7+s3], $0x80, v3, vm0, $0xb8;
	[tilespmem:$0x18400] =	vst v63  }
0x477: {  	_ =	swait.ge [sflag:s22], $0x8000  }
0x478: {  	[sflag:s22] =	ssyncset.done $0x0  }
0x479: {  	s25 =	rddreg [dreg:$0x18];
	[sflag:s22] =	ssyncadd.s32 $0xFFFF8000  }
0x47a: {  	[hbm4b:s25+s3] =	stream.linear.scatter [tilespmem:s0], [sflag:$0x6], $0x8000, $0x38;
	[tilespmem:$0x18400] =	vst v63  }
0x47b: {  	_ =	swait.ge [sflag:s23], $0x8000  }
0x47c: {  	[sflag:s23] =	ssyncset.done $0x0  }
0x47d: {  	[sflag:s23] =	ssyncadd.s32 $0xFFFF8000  }
0x47e: {  	v3 =	vld [tilespmem:$0x2C0];
	_ =	sdelay $0x4  }
0x47f: {  	v44 =	vshll.u32 v3, $0x3  }
0x480: {  	v3 =	vand.u32 $0x7, v3;
	v4 =	vand.u32 $0xFFFFFFC0, v44  }
0x481: {  	v3 =	vor.u32 v3, v4  }
0x482: {  	v4 =	vperm.xlane v3, v0;
	_ =	sdelay $0x1  }
0x483: {  	v4 =	vadd.s32 v1, v4;
	_ =	sdelay $0x4  }
0x484: {  	[tilespmem:s31], [sflag:$0x2] =	stream.indirect_vreg.gather [hbm4b:s2+s3], $0x80, v4, vm0, $0xb8;
	[tilespmem:$0x18400] =	vst v63  }
0x485: {  	s17 =	simm.s32 $0x8C00;
	v3 =	vperm.xlane v3, v2  }
0x486: {  	[tilespmem:s17], [sflag:$0x2] =	stream.indirect_vreg.gather [hbm4b:s5+s3], $0x80, v4, vm0, $0xb8;
	[tilespmem:$0x18400] =	vst v63  }
0x487: {  	s25 =	simm.s32 $0x9400;
	v3 =	vadd.s32 v1, v3  }
0x488: {  	[tilespmem:s25], [sflag:$0x2] =	stream.indirect_vreg.gather [hbm4b:s6+s3], $0x80, v4, vm0, $0xb8;
	[tilespmem:$0x18400] =	vst v63  }
0x489: {  	s25 =	simm.s32 $0x9C00  }
0x48a: {  	[tilespmem:s25], [sflag:$0x2] =	stream.indirect_vreg.gather [hbm4b:s7+s3], $0x80, v4, vm0, $0xb8;
	[tilespmem:$0x18400] =	vst v63  }
0x48b: {  	s25 =	simm.s32 $0xA400  }
0x48c: {  	[tilespmem:s25], [sflag:$0x2] =	stream.indirect_vreg.gather [hbm4b:s2+s3], $0x80, v3, vm0, $0xb8;
	[tilespmem:$0x18400] =	vst v63  }
0x48d: {  	s25 =	simm.s32 $0xAC00  }
0x48e: {  	[tilespmem:s25], [sflag:$0x2] =	stream.indirect_vreg.gather [hbm4b:s5+s3], $0x80, v3, vm0, $0xb8;
	[tilespmem:$0x18400] =	vst v63  }
0x48f: {  	s25 =	simm.s32 $0xB400  }
0x490: {  	[tilespmem:s25], [sflag:$0x2] =	stream.indirect_vreg.gather [hbm4b:s6+s3], $0x80, v3, vm0, $0xb8;
	[tilespmem:$0x18400] =	vst v63  }
0x491: {  	s16 =	simm.s32 $0xBC00  }
0x492: {  	[tilespmem:s16], [sflag:$0x2] =	stream.indirect_vreg.gather [hbm4b:s7+s3], $0x80, v3, vm0, $0xb8;
	[tilespmem:$0x18400] =	vst v63  }
0x493: {  	v3 =	vld [tilespmem:$0x2D0];
	_ =	sdelay $0x4  }
0x494: {  	v45 =	vshll.u32 v3, $0x3  }
0x495: {  	v3 =	vand.u32 $0x7, v3;
	v4 =	vand.u32 $0xFFFFFFC0, v45  }
0x496: {  	v3 =	vor.u32 v3, v4  }
0x497: {  	v4 =	vperm.xlane v3, v0;
	_ =	sdelay $0x1  }
0x498: {  	v4 =	vadd.s32 v1, v4;
	_ =	sdelay $0x3  }
0x499: {  	s19 =	simm.s32 $0xC400  }
0x49a: {  	[tilespmem:s19], [sflag:$0x2] =	stream.indirect_vreg.gather [hbm4b:s2+s3], $0x80, v4, vm0, $0xb8;
	[tilespmem:$0x18400] =	vst v63  }
0x49b: {  	s1 =	simm.s32 $0xCC00;
	v3 =	vperm.xlane v3, v2  }
0x49c: {  	[tilespmem:s1], [sflag:$0x2] =	stream.indirect_vreg.gather [hbm4b:s5+s3], $0x80, v4, vm0, $0xb8;
	[tilespmem:$0x18400] =	vst v63  }
0x49d: {  	s30 =	simm.s32 $0xD400;
	v3 =	vadd.s32 v1, v3  }
0x49e: {  	[tilespmem:s30], [sflag:$0x2] =	stream.indirect_vreg.gather [hbm4b:s6+s3], $0x80, v4, vm0, $0xb8;
	[tilespmem:$0x18400] =	vst v63  }
0x49f: {  	s9 =	simm.s32 $0xDC00  }
0x4a0: {  	[tilespmem:s9], [sflag:$0x2] =	stream.indirect_vreg.gather [hbm4b:s7+s3], $0x80, v4, vm0, $0xb8;
	[tilespmem:$0x18400] =	vst v63  }
0x4a1: {  	s13 =	simm.s32 $0xE400  }
0x4a2: {  	[tilespmem:s13], [sflag:$0x2] =	stream.indirect_vreg.gather [hbm4b:s2+s3], $0x80, v3, vm0, $0xb8;
	[tilespmem:$0x18400] =	vst v63  }
0x4a3: {  	s14 =	simm.s32 $0xEC00  }
0x4a4: {  	[tilespmem:s14], [sflag:$0x2] =	stream.indirect_vreg.gather [hbm4b:s5+s3], $0x80, v3, vm0, $0xb8;
	[tilespmem:$0x18400] =	vst v63  }
0x4a5: {  	s25 =	simm.s32 $0xF400  }
0x4a6: {  	[tilespmem:s25], [sflag:$0x2] =	stream.indirect_vreg.gather [hbm4b:s6+s3], $0x80, v3, vm0, $0xb8;
	[tilespmem:$0x18400] =	vst v63  }
0x4a7: {  	s4 =	simm.s32 $0xFC00  }
0x4a8: {  	[tilespmem:s4], [sflag:$0x2] =	stream.indirect_vreg.gather [hbm4b:s7+s3], $0x80, v3, vm0, $0xb8;
	[tilespmem:$0x18400] =	vst v63  }
0x4a9: {  	_ =	swait.ge [sflag:s18], $0x8000  }
0x4aa: {  	[sflag:s18] =	ssyncset.done $0x0  }
0x4ab: {  	s25 =	rddreg [dreg:$0x19];
	[sflag:s18] =	ssyncadd.s32 $0xFFFF8000  }
0x4ac: {  	[hbm4b:s25+s3] =	stream.linear.scatter [tilespmem:s8], [sflag:$0x4], $0x8000, $0x38;
	[tilespmem:$0x18400] =	vst v63  }
0x4ad: {  	_ =	swait.ge [sflag:s24], $0x8000  }
0x4ae: {  	[sflag:s24] =	ssyncset.done $0x0  }
0x4af: {  	[sflag:s24] =	ssyncadd.s32 $0xFFFF8000  }
0x4b0: {  	v3 =	vld [tilespmem:$0x2E0];
	_ =	sdelay $0x4  }
0x4b1: {  	v46 =	vshll.u32 v3, $0x3  }
0x4b2: {  	v3 =	vand.u32 $0x7, v3;
	v4 =	vand.u32 $0xFFFFFFC0, v46  }
0x4b3: {  	v3 =	vor.u32 v3, v4  }
0x4b4: {  	v4 =	vperm.xlane v3, v0;
	_ =	sdelay $0x1  }
0x4b5: {  	v4 =	vadd.s32 v1, v4;
	_ =	sdelay $0x4  }
0x4b6: {  	[tilespmem:s0], [sflag:$0x3] =	stream.indirect_vreg.gather [hbm4b:s2+s3], $0x80, v4, vm0, $0xb8;
	[tilespmem:$0x18400] =	vst v63  }
0x4b7: {  	s25 =	simm.s32 $0x10C00;
	v3 =	vperm.xlane v3, v2  }
0x4b8: {  	[tilespmem:s25], [sflag:$0x3] =	stream.indirect_vreg.gather [hbm4b:s5+s3], $0x80, v4, vm0, $0xb8;
	[tilespmem:$0x18400] =	vst v63  }
0x4b9: {  	s15 =	simm.s32 $0x11400;
	v3 =	vadd.s32 v1, v3  }
0x4ba: {  	[tilespmem:s15], [sflag:$0x3] =	stream.indirect_vreg.gather [hbm4b:s6+s3], $0x80, v4, vm0, $0xb8;
	[tilespmem:$0x18400] =	vst v63  }
0x4bb: {  	s11 =	simm.s32 $0x11C00  }
0x4bc: {  	[tilespmem:s11], [sflag:$0x3] =	stream.indirect_vreg.gather [hbm4b:s7+s3], $0x80, v4, vm0, $0xb8;
	[tilespmem:$0x18400] =	vst v63  }
0x4bd: {  	s10 =	simm.s32 $0x12400  }
0x4be: {  	[tilespmem:s10], [sflag:$0x3] =	stream.indirect_vreg.gather [hbm4b:s2+s3], $0x80, v3, vm0, $0xb8;
	[tilespmem:$0x18400] =	vst v63  }
0x4bf: {  	s12 =	simm.s32 $0x12C00  }
0x4c0: {  	[tilespmem:s12], [sflag:$0x3] =	stream.indirect_vreg.gather [hbm4b:s5+s3], $0x80, v3, vm0, $0xb8;
	[tilespmem:$0x18400] =	vst v63  }
0x4c1: {  	s28 =	simm.s32 $0x13400  }
0x4c2: {  	[tilespmem:s28], [sflag:$0x3] =	stream.indirect_vreg.gather [hbm4b:s6+s3], $0x80, v3, vm0, $0xb8;
	[tilespmem:$0x18400] =	vst v63  }
0x4c3: {  	s25 =	simm.s32 $0x13C00  }
0x4c4: {  	[tilespmem:s25], [sflag:$0x3] =	stream.indirect_vreg.gather [hbm4b:s7+s3], $0x80, v3, vm0, $0xb8;
	[tilespmem:$0x18400] =	vst v63  }
0x4c5: {  	v3 =	vld [tilespmem:$0x2F0];
	_ =	sdelay $0x4  }
0x4c6: {  	v47 =	vshll.u32 v3, $0x3  }
0x4c7: {  	v3 =	vand.u32 $0x7, v3;
	v4 =	vand.u32 $0xFFFFFFC0, v47  }
0x4c8: {  	v3 =	vor.u32 v3, v4  }
0x4c9: {  	v4 =	vperm.xlane v3, v0;
	_ =	sdelay $0x1  }
0x4ca: {  	v4 =	vadd.s32 v1, v4;
	_ =	sdelay $0x3  }
0x4cb: {  	s25 =	simm.s32 $0x14400  }
0x4cc: {  	[tilespmem:s25], [sflag:$0x3] =	stream.indirect_vreg.gather [hbm4b:s2+s3], $0x80, v4, vm0, $0xb8;
	[tilespmem:$0x18400] =	vst v63  }
0x4cd: {  	v3 =	vperm.xlane v3, v2;
	s25 =	simm.s32 $0x14C00  }
0x4ce: {  	[tilespmem:s25], [sflag:$0x3] =	stream.indirect_vreg.gather [hbm4b:s5+s3], $0x80, v4, vm0, $0xb8;
	[tilespmem:$0x18400] =	vst v63  }
0x4cf: {  	s29 =	simm.s32 $0x15400;
	v3 =	vadd.s32 v1, v3  }
0x4d0: {  	[tilespmem:s29], [sflag:$0x3] =	stream.indirect_vreg.gather [hbm4b:s6+s3], $0x80, v4, vm0, $0xb8;
	[tilespmem:$0x18400] =	vst v63  }
0x4d1: {  	s25 =	simm.s32 $0x15C00  }
0x4d2: {  	[tilespmem:s25], [sflag:$0x3] =	stream.indirect_vreg.gather [hbm4b:s7+s3], $0x80, v4, vm0, $0xb8;
	[tilespmem:$0x18400] =	vst v63  }
0x4d3: {  	s26 =	simm.s32 $0x16400  }
0x4d4: {  	[tilespmem:s26], [sflag:$0x3] =	stream.indirect_vreg.gather [hbm4b:s2+s3], $0x80, v3, vm0, $0xb8;
	[tilespmem:$0x18400] =	vst v63  }
0x4d5: {  	s25 =	simm.s32 $0x16C00  }
0x4d6: {  	[tilespmem:s25], [sflag:$0x3] =	stream.indirect_vreg.gather [hbm4b:s5+s3], $0x80, v3, vm0, $0xb8;
	[tilespmem:$0x18400] =	vst v63  }
0x4d7: {  	s25 =	simm.s32 $0x17400  }
0x4d8: {  	[tilespmem:s25], [sflag:$0x3] =	stream.indirect_vreg.gather [hbm4b:s6+s3], $0x80, v3, vm0, $0xb8;
	[tilespmem:$0x18400] =	vst v63  }
0x4d9: {  	s25 =	simm.s32 $0x17C00  }
0x4da: {  	[tilespmem:s25], [sflag:$0x3] =	stream.indirect_vreg.gather [hbm4b:s7+s3], $0x80, v3, vm0, $0xb8;
	[tilespmem:$0x18400] =	vst v63  }
0x4db: {  	_ =	swait.ge [sflag:s20], $0x8000  }
0x4dc: {  	[sflag:s20] =	ssyncset.done $0x0  }
0x4dd: {  	s25 =	rddreg [dreg:$0x1a];
	[sflag:s20] =	ssyncadd.s32 $0xFFFF8000  }
0x4de: {  	[hbm4b:s25+s3] =	stream.linear.scatter [tilespmem:s31], [sflag:$0x5], $0x8000, $0x38;
	[tilespmem:$0x18400] =	vst v63  }
0x4df: {  	_ =	swait.ge [sflag:s21], $0x8000  }
0x4e0: {  	[sflag:s21] =	ssyncset.done $0x0  }
0x4e1: {  	[sflag:s21] =	ssyncadd.s32 $0xFFFF8000  }
0x4e2: {  	v3 =	vld [tilespmem:$0x300];
	_ =	sdelay $0x4  }
0x4e3: {  	v48 =	vshll.u32 v3, $0x3  }
0x4e4: {  	v3 =	vand.u32 $0x7, v3;
	v4 =	vand.u32 $0xFFFFFFC0, v48  }
0x4e5: {  	v3 =	vor.u32 v3, v4  }
0x4e6: {  	v4 =	vperm.xlane v3, v0;
	_ =	sdelay $0x1  }
0x4e7: {  	v4 =	vadd.s32 v1, v4;
	_ =	sdelay $0x4  }
0x4e8: {  	[tilespmem:s8], [sflag:$0x1] =	stream.indirect_vreg.gather [hbm4b:s2+s3], $0x80, v4, vm0, $0xb8;
	[tilespmem:$0x18400] =	vst v63  }
0x4e9: {  	s25 =	simm.s32 $0xC00;
	v3 =	vperm.xlane v3, v2  }
0x4ea: {  	[tilespmem:s25], [sflag:$0x1] =	stream.indirect_vreg.gather [hbm4b:s5+s3], $0x80, v4, vm0, $0xb8;
	[tilespmem:$0x18400] =	vst v63  }
0x4eb: {  	v3 =	vadd.s32 v1, v3;
	s25 =	simm.s32 $0x1400  }
0x4ec: {  	[tilespmem:s25], [sflag:$0x1] =	stream.indirect_vreg.gather [hbm4b:s6+s3], $0x80, v4, vm0, $0xb8;
	[tilespmem:$0x18400] =	vst v63  }
0x4ed: {  	s25 =	simm.s32 $0x1C00  }
0x4ee: {  	[tilespmem:s25], [sflag:$0x1] =	stream.indirect_vreg.gather [hbm4b:s7+s3], $0x80, v4, vm0, $0xb8;
	[tilespmem:$0x18400] =	vst v63  }
0x4ef: {  	s25 =	simm.s32 $0x2400  }
0x4f0: {  	[tilespmem:s25], [sflag:$0x1] =	stream.indirect_vreg.gather [hbm4b:s2+s3], $0x80, v3, vm0, $0xb8;
	[tilespmem:$0x18400] =	vst v63  }
0x4f1: {  	s25 =	simm.s32 $0x2C00  }
0x4f2: {  	[tilespmem:s25], [sflag:$0x1] =	stream.indirect_vreg.gather [hbm4b:s5+s3], $0x80, v3, vm0, $0xb8;
	[tilespmem:$0x18400] =	vst v63  }
0x4f3: {  	s25 =	simm.s32 $0x3400  }
0x4f4: {  	[tilespmem:s25], [sflag:$0x1] =	stream.indirect_vreg.gather [hbm4b:s6+s3], $0x80, v3, vm0, $0xb8;
	[tilespmem:$0x18400] =	vst v63  }
0x4f5: {  	s25 =	simm.s32 $0x3C00  }
0x4f6: {  	[tilespmem:s25], [sflag:$0x1] =	stream.indirect_vreg.gather [hbm4b:s7+s3], $0x80, v3, vm0, $0xb8;
	[tilespmem:$0x18400] =	vst v63  }
0x4f7: {  	v3 =	vld [tilespmem:$0x310];
	_ =	sdelay $0x4  }
0x4f8: {  	v49 =	vshll.u32 v3, $0x3  }
0x4f9: {  	v3 =	vand.u32 $0x7, v3;
	v4 =	vand.u32 $0xFFFFFFC0, v49  }
0x4fa: {  	v3 =	vor.u32 v3, v4  }
0x4fb: {  	v4 =	vperm.xlane v3, v0;
	_ =	sdelay $0x1  }
0x4fc: {  	v4 =	vadd.s32 v1, v4;
	_ =	sdelay $0x3  }
0x4fd: {  	s25 =	simm.s32 $0x4400  }
0x4fe: {  	[tilespmem:s25], [sflag:$0x1] =	stream.indirect_vreg.gather [hbm4b:s2+s3], $0x80, v4, vm0, $0xb8;
	[tilespmem:$0x18400] =	vst v63  }
0x4ff: {  	v3 =	vperm.xlane v3, v2;
	s25 =	simm.s32 $0x4C00  }
0x500: {  	[tilespmem:s25], [sflag:$0x1] =	stream.indirect_vreg.gather [hbm4b:s5+s3], $0x80, v4, vm0, $0xb8;
	[tilespmem:$0x18400] =	vst v63  }
0x501: {  	v3 =	vadd.s32 v1, v3;
	s25 =	simm.s32 $0x5400  }
0x502: {  	[tilespmem:s25], [sflag:$0x1] =	stream.indirect_vreg.gather [hbm4b:s6+s3], $0x80, v4, vm0, $0xb8;
	[tilespmem:$0x18400] =	vst v63  }
0x503: {  	s25 =	simm.s32 $0x5C00  }
0x504: {  	[tilespmem:s25], [sflag:$0x1] =	stream.indirect_vreg.gather [hbm4b:s7+s3], $0x80, v4, vm0, $0xb8;
	[tilespmem:$0x18400] =	vst v63  }
0x505: {  	s25 =	simm.s32 $0x6400  }
0x506: {  	[tilespmem:s25], [sflag:$0x1] =	stream.indirect_vreg.gather [hbm4b:s2+s3], $0x80, v3, vm0, $0xb8;
	[tilespmem:$0x18400] =	vst v63  }
0x507: {  	s25 =	simm.s32 $0x6C00  }
0x508: {  	[tilespmem:s25], [sflag:$0x1] =	stream.indirect_vreg.gather [hbm4b:s5+s3], $0x80, v3, vm0, $0xb8;
	[tilespmem:$0x18400] =	vst v63  }
0x509: {  	s25 =	simm.s32 $0x7400  }
0x50a: {  	[tilespmem:s25], [sflag:$0x1] =	stream.indirect_vreg.gather [hbm4b:s6+s3], $0x80, v3, vm0, $0xb8;
	[tilespmem:$0x18400] =	vst v63  }
0x50b: {  	s25 =	simm.s32 $0x7C00  }
0x50c: {  	[tilespmem:s25], [sflag:$0x1] =	stream.indirect_vreg.gather [hbm4b:s7+s3], $0x80, v3, vm0, $0xb8;
	[tilespmem:$0x18400] =	vst v63  }
0x50d: {  	_ =	swait.ge [sflag:s22], $0x8000  }
0x50e: {  	[sflag:s22] =	ssyncset.done $0x0  }
0x50f: {  	s25 =	rddreg [dreg:$0x1b];
	[sflag:s22] =	ssyncadd.s32 $0xFFFF8000  }
0x510: {  	[hbm4b:s25+s3] =	stream.linear.scatter [tilespmem:s0], [sflag:$0x6], $0x8000, $0x38;
	[tilespmem:$0x18400] =	vst v63  }
0x511: {  	_ =	swait.ge [sflag:s23], $0x8000  }
0x512: {  	[sflag:s23] =	ssyncset.done $0x0  }
0x513: {  	[sflag:s23] =	ssyncadd.s32 $0xFFFF8000  }
0x514: {  	v3 =	vld [tilespmem:$0x320];
	_ =	sdelay $0x4  }
0x515: {  	v50 =	vshll.u32 v3, $0x3  }
0x516: {  	v3 =	vand.u32 $0x7, v3;
	v4 =	vand.u32 $0xFFFFFFC0, v50  }
0x517: {  	v3 =	vor.u32 v3, v4  }
0x518: {  	v4 =	vperm.xlane v3, v0;
	_ =	sdelay $0x1  }
0x519: {  	v4 =	vadd.s32 v1, v4;
	_ =	sdelay $0x4  }
0x51a: {  	[tilespmem:s31], [sflag:$0x2] =	stream.indirect_vreg.gather [hbm4b:s2+s3], $0x80, v4, vm0, $0xb8;
	[tilespmem:$0x18400] =	vst v63  }
0x51b: {  	s17 =	simm.s32 $0x8C00;
	v3 =	vperm.xlane v3, v2  }
0x51c: {  	[tilespmem:s17], [sflag:$0x2] =	stream.indirect_vreg.gather [hbm4b:s5+s3], $0x80, v4, vm0, $0xb8;
	[tilespmem:$0x18400] =	vst v63  }
0x51d: {  	s25 =	simm.s32 $0x9400;
	v3 =	vadd.s32 v1, v3  }
0x51e: {  	[tilespmem:s25], [sflag:$0x2] =	stream.indirect_vreg.gather [hbm4b:s6+s3], $0x80, v4, vm0, $0xb8;
	[tilespmem:$0x18400] =	vst v63  }
0x51f: {  	s25 =	simm.s32 $0x9C00  }
0x520: {  	[tilespmem:s25], [sflag:$0x2] =	stream.indirect_vreg.gather [hbm4b:s7+s3], $0x80, v4, vm0, $0xb8;
	[tilespmem:$0x18400] =	vst v63  }
0x521: {  	s25 =	simm.s32 $0xA400  }
0x522: {  	[tilespmem:s25], [sflag:$0x2] =	stream.indirect_vreg.gather [hbm4b:s2+s3], $0x80, v3, vm0, $0xb8;
	[tilespmem:$0x18400] =	vst v63  }
0x523: {  	s25 =	simm.s32 $0xAC00  }
0x524: {  	[tilespmem:s25], [sflag:$0x2] =	stream.indirect_vreg.gather [hbm4b:s5+s3], $0x80, v3, vm0, $0xb8;
	[tilespmem:$0x18400] =	vst v63  }
0x525: {  	s25 =	simm.s32 $0xB400  }
0x526: {  	[tilespmem:s25], [sflag:$0x2] =	stream.indirect_vreg.gather [hbm4b:s6+s3], $0x80, v3, vm0, $0xb8;
	[tilespmem:$0x18400] =	vst v63  }
0x527: {  	s16 =	simm.s32 $0xBC00  }
0x528: {  	[tilespmem:s16], [sflag:$0x2] =	stream.indirect_vreg.gather [hbm4b:s7+s3], $0x80, v3, vm0, $0xb8;
	[tilespmem:$0x18400] =	vst v63  }
0x529: {  	v3 =	vld [tilespmem:$0x330];
	_ =	sdelay $0x4  }
0x52a: {  	v51 =	vshll.u32 v3, $0x3  }
0x52b: {  	v3 =	vand.u32 $0x7, v3;
	v4 =	vand.u32 $0xFFFFFFC0, v51  }
0x52c: {  	v3 =	vor.u32 v3, v4  }
0x52d: {  	v4 =	vperm.xlane v3, v0;
	_ =	sdelay $0x1  }
0x52e: {  	v4 =	vadd.s32 v1, v4;
	_ =	sdelay $0x3  }
0x52f: {  	s19 =	simm.s32 $0xC400  }
0x530: {  	[tilespmem:s19], [sflag:$0x2] =	stream.indirect_vreg.gather [hbm4b:s2+s3], $0x80, v4, vm0, $0xb8;
	[tilespmem:$0x18400] =	vst v63  }
0x531: {  	s1 =	simm.s32 $0xCC00;
	v3 =	vperm.xlane v3, v2  }
0x532: {  	[tilespmem:s1], [sflag:$0x2] =	stream.indirect_vreg.gather [hbm4b:s5+s3], $0x80, v4, vm0, $0xb8;
	[tilespmem:$0x18400] =	vst v63  }
0x533: {  	s30 =	simm.s32 $0xD400;
	v3 =	vadd.s32 v1, v3  }
0x534: {  	[tilespmem:s30], [sflag:$0x2] =	stream.indirect_vreg.gather [hbm4b:s6+s3], $0x80, v4, vm0, $0xb8;
	[tilespmem:$0x18400] =	vst v63  }
0x535: {  	s9 =	simm.s32 $0xDC00  }
0x536: {  	[tilespmem:s9], [sflag:$0x2] =	stream.indirect_vreg.gather [hbm4b:s7+s3], $0x80, v4, vm0, $0xb8;
	[tilespmem:$0x18400] =	vst v63  }
0x537: {  	s13 =	simm.s32 $0xE400  }
0x538: {  	[tilespmem:s13], [sflag:$0x2] =	stream.indirect_vreg.gather [hbm4b:s2+s3], $0x80, v3, vm0, $0xb8;
	[tilespmem:$0x18400] =	vst v63  }
0x539: {  	s14 =	simm.s32 $0xEC00  }
0x53a: {  	[tilespmem:s14], [sflag:$0x2] =	stream.indirect_vreg.gather [hbm4b:s5+s3], $0x80, v3, vm0, $0xb8;
	[tilespmem:$0x18400] =	vst v63  }
0x53b: {  	s17 =	simm.s32 $0xF400  }
0x53c: {  	[tilespmem:s17], [sflag:$0x2] =	stream.indirect_vreg.gather [hbm4b:s6+s3], $0x80, v3, vm0, $0xb8;
	[tilespmem:$0x18400] =	vst v63  }
0x53d: {  	s4 =	simm.s32 $0xFC00  }
0x53e: {  	[tilespmem:s4], [sflag:$0x2] =	stream.indirect_vreg.gather [hbm4b:s7+s3], $0x80, v3, vm0, $0xb8;
	[tilespmem:$0x18400] =	vst v63  }
0x53f: {  	_ =	swait.ge [sflag:s18], $0x8000  }
0x540: {  	[sflag:s18] =	ssyncset.done $0x0  }
0x541: {  	s19 =	rddreg [dreg:$0x1c];
	[sflag:s18] =	ssyncadd.s32 $0xFFFF8000  }
0x542: {  	[hbm4b:s19+s3] =	stream.linear.scatter [tilespmem:s8], [sflag:$0x4], $0x8000, $0x38;
	[tilespmem:$0x18400] =	vst v63  }
0x543: {  	_ =	swait.ge [sflag:s24], $0x8000  }
0x544: {  	[sflag:s24] =	ssyncset.done $0x0  }
0x545: {  	[sflag:s24] =	ssyncadd.s32 $0xFFFF8000  }
0x546: {  	v3 =	vld [tilespmem:$0x340];
	_ =	sdelay $0x4  }
0x547: {  	v52 =	vshll.u32 v3, $0x3  }
0x548: {  	v3 =	vand.u32 $0x7, v3;
	v4 =	vand.u32 $0xFFFFFFC0, v52  }
0x549: {  	v3 =	vor.u32 v3, v4  }
0x54a: {  	v4 =	vperm.xlane v3, v0;
	_ =	sdelay $0x1  }
0x54b: {  	v4 =	vadd.s32 v1, v4;
	_ =	sdelay $0x4  }
0x54c: {  	[tilespmem:s0], [sflag:$0x3] =	stream.indirect_vreg.gather [hbm4b:s2+s3], $0x80, v4, vm0, $0xb8;
	[tilespmem:$0x18400] =	vst v63  }
0x54d: {  	s25 =	simm.s32 $0x10C00;
	v3 =	vperm.xlane v3, v2  }
0x54e: {  	[tilespmem:s25], [sflag:$0x3] =	stream.indirect_vreg.gather [hbm4b:s5+s3], $0x80, v4, vm0, $0xb8;
	[tilespmem:$0x18400] =	vst v63  }
0x54f: {  	s15 =	simm.s32 $0x11400;
	v3 =	vadd.s32 v1, v3  }
0x550: {  	[tilespmem:s15], [sflag:$0x3] =	stream.indirect_vreg.gather [hbm4b:s6+s3], $0x80, v4, vm0, $0xb8;
	[tilespmem:$0x18400] =	vst v63  }
0x551: {  	s11 =	simm.s32 $0x11C00  }
0x552: {  	[tilespmem:s11], [sflag:$0x3] =	stream.indirect_vreg.gather [hbm4b:s7+s3], $0x80, v4, vm0, $0xb8;
	[tilespmem:$0x18400] =	vst v63  }
0x553: {  	s10 =	simm.s32 $0x12400  }
0x554: {  	[tilespmem:s10], [sflag:$0x3] =	stream.indirect_vreg.gather [hbm4b:s2+s3], $0x80, v3, vm0, $0xb8;
	[tilespmem:$0x18400] =	vst v63  }
0x555: {  	s12 =	simm.s32 $0x12C00  }
0x556: {  	[tilespmem:s12], [sflag:$0x3] =	stream.indirect_vreg.gather [hbm4b:s5+s3], $0x80, v3, vm0, $0xb8;
	[tilespmem:$0x18400] =	vst v63  }
0x557: {  	s28 =	simm.s32 $0x13400  }
0x558: {  	[tilespmem:s28], [sflag:$0x3] =	stream.indirect_vreg.gather [hbm4b:s6+s3], $0x80, v3, vm0, $0xb8;
	[tilespmem:$0x18400] =	vst v63  }
0x559: {  	s28 =	simm.s32 $0x13C00  }
0x55a: {  	[tilespmem:s28], [sflag:$0x3] =	stream.indirect_vreg.gather [hbm4b:s7+s3], $0x80, v3, vm0, $0xb8;
	[tilespmem:$0x18400] =	vst v63  }
0x55b: {  	v3 =	vld [tilespmem:$0x350];
	_ =	sdelay $0x4  }
0x55c: {  	v53 =	vshll.u32 v3, $0x3  }
0x55d: {  	v3 =	vand.u32 $0x7, v3;
	v4 =	vand.u32 $0xFFFFFFC0, v53  }
0x55e: {  	v3 =	vor.u32 v3, v4  }
0x55f: {  	v4 =	vperm.xlane v3, v0;
	_ =	sdelay $0x1  }
0x560: {  	v4 =	vadd.s32 v1, v4;
	_ =	sdelay $0x3  }
0x561: {  	s30 =	simm.s32 $0x14400  }
0x562: {  	[tilespmem:s30], [sflag:$0x3] =	stream.indirect_vreg.gather [hbm4b:s2+s3], $0x80, v4, vm0, $0xb8;
	[tilespmem:$0x18400] =	vst v63  }
0x563: {  	s13 =	simm.s32 $0x14C00;
	v3 =	vperm.xlane v3, v2  }
0x564: {  	[tilespmem:s13], [sflag:$0x3] =	stream.indirect_vreg.gather [hbm4b:s5+s3], $0x80, v4, vm0, $0xb8;
	[tilespmem:$0x18400] =	vst v63  }
0x565: {  	s29 =	simm.s32 $0x15400;
	v3 =	vadd.s32 v1, v3  }
0x566: {  	[tilespmem:s29], [sflag:$0x3] =	stream.indirect_vreg.gather [hbm4b:s6+s3], $0x80, v4, vm0, $0xb8;
	[tilespmem:$0x18400] =	vst v63  }
0x567: {  	s14 =	simm.s32 $0x15C00  }
0x568: {  	[tilespmem:s14], [sflag:$0x3] =	stream.indirect_vreg.gather [hbm4b:s7+s3], $0x80, v4, vm0, $0xb8;
	[tilespmem:$0x18400] =	vst v63  }
0x569: {  	s26 =	simm.s32 $0x16400  }
0x56a: {  	[tilespmem:s26], [sflag:$0x3] =	stream.indirect_vreg.gather [hbm4b:s2+s3], $0x80, v3, vm0, $0xb8;
	[tilespmem:$0x18400] =	vst v63  }
0x56b: {  	s19 =	simm.s32 $0x16C00  }
0x56c: {  	[tilespmem:s19], [sflag:$0x3] =	stream.indirect_vreg.gather [hbm4b:s5+s3], $0x80, v3, vm0, $0xb8;
	[tilespmem:$0x18400] =	vst v63  }
0x56d: {  	s25 =	simm.s32 $0x17400  }
0x56e: {  	[tilespmem:s25], [sflag:$0x3] =	stream.indirect_vreg.gather [hbm4b:s6+s3], $0x80, v3, vm0, $0xb8;
	[tilespmem:$0x18400] =	vst v63  }
0x56f: {  	s30 =	simm.s32 $0x17C00  }
0x570: {  	[tilespmem:s30], [sflag:$0x3] =	stream.indirect_vreg.gather [hbm4b:s7+s3], $0x80, v3, vm0, $0xb8;
	[tilespmem:$0x18400] =	vst v63  }
0x571: {  	_ =	swait.ge [sflag:s20], $0x8000  }
0x572: {  	[sflag:s20] =	ssyncset.done $0x0  }
0x573: {  	s14 =	rddreg [dreg:$0x1d];
	[sflag:s20] =	ssyncadd.s32 $0xFFFF8000  }
0x574: {  	[hbm4b:s14+s3] =	stream.linear.scatter [tilespmem:s31], [sflag:$0x5], $0x8000, $0x38;
	[tilespmem:$0x18400] =	vst v63  }
0x575: {  	_ =	swait.ge [sflag:s21], $0x8000  }
0x576: {  	[sflag:s21] =	ssyncset.done $0x0  }
0x577: {  	[sflag:s21] =	ssyncadd.s32 $0xFFFF8000  }
0x578: {  	v3 =	vld [tilespmem:$0x360];
	_ =	sdelay $0x4  }
0x579: {  	v54 =	vshll.u32 v3, $0x3  }
0x57a: {  	v3 =	vand.u32 $0x7, v3;
	v4 =	vand.u32 $0xFFFFFFC0, v54  }
0x57b: {  	v3 =	vor.u32 v3, v4  }
0x57c: {  	v4 =	vperm.xlane v3, v0;
	_ =	sdelay $0x1  }
0x57d: {  	v4 =	vadd.s32 v1, v4;
	_ =	sdelay $0x4  }
0x57e: {  	[tilespmem:s8], [sflag:$0x1] =	stream.indirect_vreg.gather [hbm4b:s2+s3], $0x80, v4, vm0, $0xb8;
	[tilespmem:$0x18400] =	vst v63  }
0x57f: {  	s19 =	simm.s32 $0xC00;
	v3 =	vperm.xlane v3, v2  }
0x580: {  	[tilespmem:s19], [sflag:$0x1] =	stream.indirect_vreg.gather [hbm4b:s5+s3], $0x80, v4, vm0, $0xb8;
	[tilespmem:$0x18400] =	vst v63  }
0x581: {  	s25 =	simm.s32 $0x1400;
	v3 =	vadd.s32 v1, v3  }
0x582: {  	[tilespmem:s25], [sflag:$0x1] =	stream.indirect_vreg.gather [hbm4b:s6+s3], $0x80, v4, vm0, $0xb8;
	[tilespmem:$0x18400] =	vst v63  }
0x583: {  	s30 =	simm.s32 $0x1C00  }
0x584: {  	[tilespmem:s30], [sflag:$0x1] =	stream.indirect_vreg.gather [hbm4b:s7+s3], $0x80, v4, vm0, $0xb8;
	[tilespmem:$0x18400] =	vst v63  }
0x585: {  	s19 =	simm.s32 $0x2400  }
0x586: {  	[tilespmem:s19], [sflag:$0x1] =	stream.indirect_vreg.gather [hbm4b:s2+s3], $0x80, v3, vm0, $0xb8;
	[tilespmem:$0x18400] =	vst v63  }
0x587: {  	s25 =	simm.s32 $0x2C00  }
0x588: {  	[tilespmem:s25], [sflag:$0x1] =	stream.indirect_vreg.gather [hbm4b:s5+s3], $0x80, v3, vm0, $0xb8;
	[tilespmem:$0x18400] =	vst v63  }
0x589: {  	s30 =	simm.s32 $0x3400  }
0x58a: {  	[tilespmem:s30], [sflag:$0x1] =	stream.indirect_vreg.gather [hbm4b:s6+s3], $0x80, v3, vm0, $0xb8;
	[tilespmem:$0x18400] =	vst v63  }
0x58b: {  	s19 =	simm.s32 $0x3C00  }
0x58c: {  	[tilespmem:s19], [sflag:$0x1] =	stream.indirect_vreg.gather [hbm4b:s7+s3], $0x80, v3, vm0, $0xb8;
	[tilespmem:$0x18400] =	vst v63  }
0x58d: {  	v3 =	vld [tilespmem:$0x370];
	_ =	sdelay $0x4  }
0x58e: {  	v55 =	vshll.u32 v3, $0x3  }
0x58f: {  	v3 =	vand.u32 $0x7, v3;
	v4 =	vand.u32 $0xFFFFFFC0, v55  }
0x590: {  	v3 =	vor.u32 v3, v4  }
0x591: {  	v4 =	vperm.xlane v3, v0;
	_ =	sdelay $0x1  }
0x592: {  	v4 =	vadd.s32 v1, v4;
	_ =	sdelay $0x3  }
0x593: {  	s25 =	simm.s32 $0x4400  }
0x594: {  	[tilespmem:s25], [sflag:$0x1] =	stream.indirect_vreg.gather [hbm4b:s2+s3], $0x80, v4, vm0, $0xb8;
	[tilespmem:$0x18400] =	vst v63  }
0x595: {  	s30 =	simm.s32 $0x4C00;
	v3 =	vperm.xlane v3, v2  }
0x596: {  	[tilespmem:s30], [sflag:$0x1] =	stream.indirect_vreg.gather [hbm4b:s5+s3], $0x80, v4, vm0, $0xb8;
	[tilespmem:$0x18400] =	vst v63  }
0x597: {  	s19 =	simm.s32 $0x5400;
	v3 =	vadd.s32 v1, v3  }
0x598: {  	[tilespmem:s19], [sflag:$0x1] =	stream.indirect_vreg.gather [hbm4b:s6+s3], $0x80, v4, vm0, $0xb8;
	[tilespmem:$0x18400] =	vst v63  }
0x599: {  	s25 =	simm.s32 $0x5C00  }
0x59a: {  	[tilespmem:s25], [sflag:$0x1] =	stream.indirect_vreg.gather [hbm4b:s7+s3], $0x80, v4, vm0, $0xb8;
	[tilespmem:$0x18400] =	vst v63  }
0x59b: {  	s30 =	simm.s32 $0x6400  }
0x59c: {  	[tilespmem:s30], [sflag:$0x1] =	stream.indirect_vreg.gather [hbm4b:s2+s3], $0x80, v3, vm0, $0xb8;
	[tilespmem:$0x18400] =	vst v63  }
0x59d: {  	s19 =	simm.s32 $0x6C00  }
0x59e: {  	[tilespmem:s19], [sflag:$0x1] =	stream.indirect_vreg.gather [hbm4b:s5+s3], $0x80, v3, vm0, $0xb8;
	[tilespmem:$0x18400] =	vst v63  }
0x59f: {  	s25 =	simm.s32 $0x7400  }
0x5a0: {  	[tilespmem:s25], [sflag:$0x1] =	stream.indirect_vreg.gather [hbm4b:s6+s3], $0x80, v3, vm0, $0xb8;
	[tilespmem:$0x18400] =	vst v63  }
0x5a1: {  	s30 =	simm.s32 $0x7C00  }
0x5a2: {  	[tilespmem:s30], [sflag:$0x1] =	stream.indirect_vreg.gather [hbm4b:s7+s3], $0x80, v3, vm0, $0xb8;
	[tilespmem:$0x18400] =	vst v63  }
0x5a3: {  	_ =	swait.ge [sflag:s22], $0x8000  }
0x5a4: {  	[sflag:s22] =	ssyncset.done $0x0  }
0x5a5: {  	s14 =	rddreg [dreg:$0x1e];
	[sflag:s22] =	ssyncadd.s32 $0xFFFF8000  }
0x5a6: {  	[hbm4b:s14+s3] =	stream.linear.scatter [tilespmem:s0], [sflag:$0x6], $0x8000, $0x38;
	[tilespmem:$0x18400] =	vst v63  }
0x5a7: {  	_ =	swait.ge [sflag:s23], $0x8000  }
0x5a8: {  	[sflag:s23] =	ssyncset.done $0x0  }
0x5a9: {  	[sflag:s23] =	ssyncadd.s32 $0xFFFF8000  }
0x5aa: {  	v3 =	vld [tilespmem:$0x380];
	_ =	sdelay $0x4  }
0x5ab: {  	v56 =	vshll.u32 v3, $0x3  }
0x5ac: {  	v3 =	vand.u32 $0x7, v3;
	v4 =	vand.u32 $0xFFFFFFC0, v56  }
0x5ad: {  	v3 =	vor.u32 v3, v4  }
0x5ae: {  	v4 =	vperm.xlane v3, v0;
	_ =	sdelay $0x1  }
0x5af: {  	v4 =	vadd.s32 v1, v4;
	_ =	sdelay $0x4  }
0x5b0: {  	[tilespmem:s31], [sflag:$0x2] =	stream.indirect_vreg.gather [hbm4b:s2+s3], $0x80, v4, vm0, $0xb8;
	[tilespmem:$0x18400] =	vst v63  }
0x5b1: {  	s19 =	simm.s32 $0x8C00;
	v3 =	vperm.xlane v3, v2  }
0x5b2: {  	[tilespmem:s19], [sflag:$0x2] =	stream.indirect_vreg.gather [hbm4b:s5+s3], $0x80, v4, vm0, $0xb8;
	[tilespmem:$0x18400] =	vst v63  }
0x5b3: {  	s25 =	simm.s32 $0x9400;
	v3 =	vadd.s32 v1, v3  }
0x5b4: {  	[tilespmem:s25], [sflag:$0x2] =	stream.indirect_vreg.gather [hbm4b:s6+s3], $0x80, v4, vm0, $0xb8;
	[tilespmem:$0x18400] =	vst v63  }
0x5b5: {  	s30 =	simm.s32 $0x9C00  }
0x5b6: {  	[tilespmem:s30], [sflag:$0x2] =	stream.indirect_vreg.gather [hbm4b:s7+s3], $0x80, v4, vm0, $0xb8;
	[tilespmem:$0x18400] =	vst v63  }
0x5b7: {  	s25 =	simm.s32 $0xA400  }
0x5b8: {  	[tilespmem:s25], [sflag:$0x2] =	stream.indirect_vreg.gather [hbm4b:s2+s3], $0x80, v3, vm0, $0xb8;
	[tilespmem:$0x18400] =	vst v63  }
0x5b9: {  	s30 =	simm.s32 $0xAC00  }
0x5ba: {  	[tilespmem:s30], [sflag:$0x2] =	stream.indirect_vreg.gather [hbm4b:s5+s3], $0x80, v3, vm0, $0xb8;
	[tilespmem:$0x18400] =	vst v63  }
0x5bb: {  	s25 =	simm.s32 $0xB400  }
0x5bc: {  	[tilespmem:s25], [sflag:$0x2] =	stream.indirect_vreg.gather [hbm4b:s6+s3], $0x80, v3, vm0, $0xb8;
	[tilespmem:$0x18400] =	vst v63  }
0x5bd: {  	s30 =	simm.s32 $0xBC00  }
0x5be: {  	[tilespmem:s30], [sflag:$0x2] =	stream.indirect_vreg.gather [hbm4b:s7+s3], $0x80, v3, vm0, $0xb8;
	[tilespmem:$0x18400] =	vst v63  }
0x5bf: {  	v3 =	vld [tilespmem:$0x390];
	_ =	sdelay $0x4  }
0x5c0: {  	v57 =	vshll.u32 v3, $0x3  }
0x5c1: {  	v3 =	vand.u32 $0x7, v3;
	v4 =	vand.u32 $0xFFFFFFC0, v57  }
0x5c2: {  	v3 =	vor.u32 v3, v4  }
0x5c3: {  	v4 =	vperm.xlane v3, v0;
	_ =	sdelay $0x1  }
0x5c4: {  	v4 =	vadd.s32 v1, v4;
	_ =	sdelay $0x3  }
0x5c5: {  	s25 =	simm.s32 $0xC400  }
0x5c6: {  	[tilespmem:s25], [sflag:$0x2] =	stream.indirect_vreg.gather [hbm4b:s2+s3], $0x80, v4, vm0, $0xb8;
	[tilespmem:$0x18400] =	vst v63  }
0x5c7: {  	s16 =	simm.s32 $0xCC00;
	v3 =	vperm.xlane v3, v2  }
0x5c8: {  	[tilespmem:s16], [sflag:$0x2] =	stream.indirect_vreg.gather [hbm4b:s5+s3], $0x80, v4, vm0, $0xb8;
	[tilespmem:$0x18400] =	vst v63  }
0x5c9: {  	v3 =	vadd.s32 v1, v3;
	s25 =	simm.s32 $0xD400  }
0x5ca: {  	[tilespmem:s25], [sflag:$0x2] =	stream.indirect_vreg.gather [hbm4b:s6+s3], $0x80, v4, vm0, $0xb8;
	[tilespmem:$0x18400] =	vst v63  }
0x5cb: {  	s25 =	simm.s32 $0xDC00  }
0x5cc: {  	[tilespmem:s25], [sflag:$0x2] =	stream.indirect_vreg.gather [hbm4b:s7+s3], $0x80, v4, vm0, $0xb8;
	[tilespmem:$0x18400] =	vst v63  }
0x5cd: {  	s25 =	simm.s32 $0xE400  }
0x5ce: {  	[tilespmem:s25], [sflag:$0x2] =	stream.indirect_vreg.gather [hbm4b:s2+s3], $0x80, v3, vm0, $0xb8;
	[tilespmem:$0x18400] =	vst v63  }
0x5cf: {  	s25 =	simm.s32 $0xEC00  }
0x5d0: {  	[tilespmem:s25], [sflag:$0x2] =	stream.indirect_vreg.gather [hbm4b:s5+s3], $0x80, v3, vm0, $0xb8;
	[tilespmem:$0x18400] =	vst v63  }
0x5d1: {  	s25 =	simm.s32 $0xF400  }
0x5d2: {  	[tilespmem:s25], [sflag:$0x2] =	stream.indirect_vreg.gather [hbm4b:s6+s3], $0x80, v3, vm0, $0xb8;
	[tilespmem:$0x18400] =	vst v63  }
0x5d3: {  	s17 =	simm.s32 $0xFC00  }
0x5d4: {  	[tilespmem:s17], [sflag:$0x2] =	stream.indirect_vreg.gather [hbm4b:s7+s3], $0x80, v3, vm0, $0xb8;
	[tilespmem:$0x18400] =	vst v63  }
0x5d5: {  	_ =	swait.ge [sflag:s18], $0x8000  }
0x5d6: {  	[sflag:s18] =	ssyncset.done $0x0  }
0x5d7: {  	s17 =	rddreg [dreg:$0x1f];
	[sflag:s18] =	ssyncadd.s32 $0xFFFF8000  }
0x5d8: {  	[hbm4b:s17+s3] =	stream.linear.scatter [tilespmem:s8], [sflag:$0x4], $0x8000, $0x38;
	[tilespmem:$0x18400] =	vst v63  }
0x5d9: {  	_ =	swait.ge [sflag:s24], $0x8000  }
0x5da: {  	[sflag:s24] =	ssyncset.done $0x0  }
0x5db: {  	[sflag:s24] =	ssyncadd.s32 $0xFFFF8000  }
0x5dc: {  	v3 =	vld [tilespmem:$0x3A0];
	_ =	sdelay $0x4  }
0x5dd: {  	v58 =	vshll.u32 v3, $0x3  }
0x5de: {  	v3 =	vand.u32 $0x7, v3;
	v4 =	vand.u32 $0xFFFFFFC0, v58  }
0x5df: {  	v3 =	vor.u32 v3, v4  }
0x5e0: {  	v4 =	vperm.xlane v3, v0;
	_ =	sdelay $0x1  }
0x5e1: {  	v4 =	vadd.s32 v1, v4;
	_ =	sdelay $0x4  }
0x5e2: {  	[tilespmem:s0], [sflag:$0x3] =	stream.indirect_vreg.gather [hbm4b:s2+s3], $0x80, v4, vm0, $0xb8;
	[tilespmem:$0x18400] =	vst v63  }
0x5e3: {  	s9 =	simm.s32 $0x10C00;
	v3 =	vperm.xlane v3, v2  }
0x5e4: {  	[tilespmem:s9], [sflag:$0x3] =	stream.indirect_vreg.gather [hbm4b:s5+s3], $0x80, v4, vm0, $0xb8;
	[tilespmem:$0x18400] =	vst v63  }
0x5e5: {  	s1 =	simm.s32 $0x11400;
	v3 =	vadd.s32 v1, v3  }
0x5e6: {  	[tilespmem:s1], [sflag:$0x3] =	stream.indirect_vreg.gather [hbm4b:s6+s3], $0x80, v4, vm0, $0xb8;
	[tilespmem:$0x18400] =	vst v63  }
0x5e7: {  	s4 =	simm.s32 $0x11C00  }
0x5e8: {  	[tilespmem:s4], [sflag:$0x3] =	stream.indirect_vreg.gather [hbm4b:s7+s3], $0x80, v4, vm0, $0xb8;
	[tilespmem:$0x18400] =	vst v63  }
0x5e9: {  	s11 =	simm.s32 $0x12400  }
0x5ea: {  	[tilespmem:s11], [sflag:$0x3] =	stream.indirect_vreg.gather [hbm4b:s2+s3], $0x80, v3, vm0, $0xb8;
	[tilespmem:$0x18400] =	vst v63  }
0x5eb: {  	s10 =	simm.s32 $0x12C00  }
0x5ec: {  	[tilespmem:s10], [sflag:$0x3] =	stream.indirect_vreg.gather [hbm4b:s5+s3], $0x80, v3, vm0, $0xb8;
	[tilespmem:$0x18400] =	vst v63  }
0x5ed: {  	s15 =	simm.s32 $0x13400  }
0x5ee: {  	[tilespmem:s15], [sflag:$0x3] =	stream.indirect_vreg.gather [hbm4b:s6+s3], $0x80, v3, vm0, $0xb8;
	[tilespmem:$0x18400] =	vst v63  }
0x5ef: {  	s9 =	simm.s32 $0x13C00  }
0x5f0: {  	[tilespmem:s9], [sflag:$0x3] =	stream.indirect_vreg.gather [hbm4b:s7+s3], $0x80, v3, vm0, $0xb8;
	[tilespmem:$0x18400] =	vst v63  }
0x5f1: {  	v3 =	vld [tilespmem:$0x3B0];
	_ =	sdelay $0x4  }
0x5f2: {  	v59 =	vshll.u32 v3, $0x3  }
0x5f3: {  	v3 =	vand.u32 $0x7, v3;
	v4 =	vand.u32 $0xFFFFFFC0, v59  }
0x5f4: {  	v3 =	vor.u32 v3, v4  }
0x5f5: {  	v4 =	vperm.xlane v3, v0;
	_ =	sdelay $0x1  }
0x5f6: {  	v4 =	vadd.s32 v1, v4;
	_ =	sdelay $0x3  }
0x5f7: {  	s10 =	simm.s32 $0x14400  }
0x5f8: {  	[tilespmem:s10], [sflag:$0x3] =	stream.indirect_vreg.gather [hbm4b:s2+s3], $0x80, v4, vm0, $0xb8;
	[tilespmem:$0x18400] =	vst v63  }
0x5f9: {  	s11 =	simm.s32 $0x14C00;
	v3 =	vperm.xlane v3, v2  }
0x5fa: {  	[tilespmem:s11], [sflag:$0x3] =	stream.indirect_vreg.gather [hbm4b:s5+s3], $0x80, v4, vm0, $0xb8;
	[tilespmem:$0x18400] =	vst v63  }
0x5fb: {  	s28 =	simm.s32 $0x15400;
	v3 =	vadd.s32 v1, v3  }
0x5fc: {  	[tilespmem:s28], [sflag:$0x3] =	stream.indirect_vreg.gather [hbm4b:s6+s3], $0x80, v4, vm0, $0xb8;
	[tilespmem:$0x18400] =	vst v63  }
0x5fd: {  	s29 =	simm.s32 $0x15C00  }
0x5fe: {  	[tilespmem:s29], [sflag:$0x3] =	stream.indirect_vreg.gather [hbm4b:s7+s3], $0x80, v4, vm0, $0xb8;
	[tilespmem:$0x18400] =	vst v63  }
0x5ff: {  	s12 =	simm.s32 $0x16400  }
0x600: {  	[tilespmem:s12], [sflag:$0x3] =	stream.indirect_vreg.gather [hbm4b:s2+s3], $0x80, v3, vm0, $0xb8;
	[tilespmem:$0x18400] =	vst v63  }
0x601: {  	s26 =	simm.s32 $0x16C00  }
0x602: {  	[tilespmem:s26], [sflag:$0x3] =	stream.indirect_vreg.gather [hbm4b:s5+s3], $0x80, v3, vm0, $0xb8;
	[tilespmem:$0x18400] =	vst v63  }
0x603: {  	s13 =	simm.s32 $0x17400  }
0x604: {  	[tilespmem:s13], [sflag:$0x3] =	stream.indirect_vreg.gather [hbm4b:s6+s3], $0x80, v3, vm0, $0xb8;
	[tilespmem:$0x18400] =	vst v63  }
0x605: {  	s15 =	simm.s32 $0x17C00  }
0x606: {  	[tilespmem:s15], [sflag:$0x3] =	stream.indirect_vreg.gather [hbm4b:s7+s3], $0x80, v3, vm0, $0xb8;
	[tilespmem:$0x18400] =	vst v63  }
0x607: {  	_ =	swait.ge [sflag:s20], $0x8000  }
0x608: {  	s17 =	sld [smem:$0x7F7]  }
0x609: {  	[sflag:s20] =	ssyncset.done $0x0  }
0x60a: {  	[sflag:s20] =	ssyncadd.s32 $0xFFFF8000  }
0x60b: {  	[hbm4b:s17+s3] =	stream.linear.scatter [tilespmem:s31], [sflag:$0x5], $0x8000, $0x38;
	[tilespmem:$0x18400] =	vst v63  }
0x60c: {  	_ =	swait.ge [sflag:s21], $0x8000  }
0x60d: {  	[sflag:s21] =	ssyncset.done $0x0  }
0x60e: {  	[sflag:s21] =	ssyncadd.s32 $0xFFFF8000  }
0x60f: {  	v3 =	vld [tilespmem:$0x3C0];
	_ =	sdelay $0x4  }
0x610: {  	v60 =	vshll.u32 v3, $0x3  }
0x611: {  	v3 =	vand.u32 $0x7, v3;
	v4 =	vand.u32 $0xFFFFFFC0, v60  }
0x612: {  	v3 =	vor.u32 v3, v4  }
0x613: {  	v4 =	vperm.xlane v3, v0;
	_ =	sdelay $0x1  }
0x614: {  	v4 =	vadd.s32 v1, v4;
	_ =	sdelay $0x4  }
0x615: {  	[tilespmem:s8], [sflag:$0x1] =	stream.indirect_vreg.gather [hbm4b:s2+s3], $0x80, v4, vm0, $0xb8;
	[tilespmem:$0x18400] =	vst v63  }
0x616: {  	s26 =	simm.s32 $0xC00;
	v3 =	vperm.xlane v3, v2  }
0x617: {  	[tilespmem:s26], [sflag:$0x1] =	stream.indirect_vreg.gather [hbm4b:s5+s3], $0x80, v4, vm0, $0xb8;
	[tilespmem:$0x18400] =	vst v63  }
0x618: {  	s28 =	simm.s32 $0x1400;
	v3 =	vadd.s32 v1, v3  }
0x619: {  	[tilespmem:s28], [sflag:$0x1] =	stream.indirect_vreg.gather [hbm4b:s6+s3], $0x80, v4, vm0, $0xb8;
	[tilespmem:$0x18400] =	vst v63  }
0x61a: {  	s29 =	simm.s32 $0x1C00  }
0x61b: {  	[tilespmem:s29], [sflag:$0x1] =	stream.indirect_vreg.gather [hbm4b:s7+s3], $0x80, v4, vm0, $0xb8;
	[tilespmem:$0x18400] =	vst v63  }
0x61c: {  	s4 =	simm.s32 $0x2400  }
0x61d: {  	[tilespmem:s4], [sflag:$0x1] =	stream.indirect_vreg.gather [hbm4b:s2+s3], $0x80, v3, vm0, $0xb8;
	[tilespmem:$0x18400] =	vst v63  }
0x61e: {  	s9 =	simm.s32 $0x2C00  }
0x61f: {  	[tilespmem:s9], [sflag:$0x1] =	stream.indirect_vreg.gather [hbm4b:s5+s3], $0x80, v3, vm0, $0xb8;
	[tilespmem:$0x18400] =	vst v63  }
0x620: {  	s10 =	simm.s32 $0x3400  }
0x621: {  	[tilespmem:s10], [sflag:$0x1] =	stream.indirect_vreg.gather [hbm4b:s6+s3], $0x80, v3, vm0, $0xb8;
	[tilespmem:$0x18400] =	vst v63  }
0x622: {  	s11 =	simm.s32 $0x3C00  }
0x623: {  	[tilespmem:s11], [sflag:$0x1] =	stream.indirect_vreg.gather [hbm4b:s7+s3], $0x80, v3, vm0, $0xb8;
	[tilespmem:$0x18400] =	vst v63  }
0x624: {  	v3 =	vld [tilespmem:$0x3D0];
	_ =	sdelay $0x4  }
0x625: {  	v61 =	vshll.u32 v3, $0x3  }
0x626: {  	v3 =	vand.u32 $0x7, v3;
	v4 =	vand.u32 $0xFFFFFFC0, v61  }
0x627: {  	v3 =	vor.u32 v3, v4  }
0x628: {  	v4 =	vperm.xlane v3, v0;
	_ =	sdelay $0x1  }
0x629: {  	v4 =	vadd.s32 v1, v4;
	_ =	sdelay $0x3  }
0x62a: {  	s12 =	simm.s32 $0x4400  }
0x62b: {  	[tilespmem:s12], [sflag:$0x1] =	stream.indirect_vreg.gather [hbm4b:s2+s3], $0x80, v4, vm0, $0xb8;
	[tilespmem:$0x18400] =	vst v63  }
0x62c: {  	s13 =	simm.s32 $0x4C00;
	v3 =	vperm.xlane v3, v2  }
0x62d: {  	[tilespmem:s13], [sflag:$0x1] =	stream.indirect_vreg.gather [hbm4b:s5+s3], $0x80, v4, vm0, $0xb8;
	[tilespmem:$0x18400] =	vst v63  }
0x62e: {  	s15 =	simm.s32 $0x5400;
	v3 =	vadd.s32 v1, v3  }
0x62f: {  	[tilespmem:s15], [sflag:$0x1] =	stream.indirect_vreg.gather [hbm4b:s6+s3], $0x80, v4, vm0, $0xb8;
	[tilespmem:$0x18400] =	vst v63  }
0x630: {  	s17 =	simm.s32 $0x5C00  }
0x631: {  	[tilespmem:s17], [sflag:$0x1] =	stream.indirect_vreg.gather [hbm4b:s7+s3], $0x80, v4, vm0, $0xb8;
	[tilespmem:$0x18400] =	vst v63  }
0x632: {  	s25 =	simm.s32 $0x6400  }
0x633: {  	[tilespmem:s25], [sflag:$0x1] =	stream.indirect_vreg.gather [hbm4b:s2+s3], $0x80, v3, vm0, $0xb8;
	[tilespmem:$0x18400] =	vst v63  }
0x634: {  	s26 =	simm.s32 $0x6C00  }
0x635: {  	[tilespmem:s26], [sflag:$0x1] =	stream.indirect_vreg.gather [hbm4b:s5+s3], $0x80, v3, vm0, $0xb8;
	[tilespmem:$0x18400] =	vst v63  }
0x636: {  	s28 =	simm.s32 $0x7400  }
0x637: {  	[tilespmem:s28], [sflag:$0x1] =	stream.indirect_vreg.gather [hbm4b:s6+s3], $0x80, v3, vm0, $0xb8;
	[tilespmem:$0x18400] =	vst v63  }
0x638: {  	s29 =	simm.s32 $0x7C00  }
0x639: {  	[tilespmem:s29], [sflag:$0x1] =	stream.indirect_vreg.gather [hbm4b:s7+s3], $0x80, v3, vm0, $0xb8;
	[tilespmem:$0x18400] =	vst v63  }
0x63a: {  	_ =	swait.ge [sflag:s22], $0x8000  }
0x63b: {  	s1 =	sld [smem:$0x7F8]  }
0x63c: {  	[sflag:s22] =	ssyncset.done $0x0  }
0x63d: {  	[sflag:s22] =	ssyncadd.s32 $0xFFFF8000  }
0x63e: {  	[hbm4b:s1+s3] =	stream.linear.scatter [tilespmem:s0], [sflag:$0x6], $0x8000, $0x38;
	[tilespmem:$0x18400] =	vst v63  }
0x63f: {  	_ =	swait.ge [sflag:s23], $0x8000  }
0x640: {  	[sflag:s23] =	ssyncset.done $0x0  }
0x641: {  	[sflag:s23] =	ssyncadd.s32 $0xFFFF8000  }
0x642: {  	v3 =	vld [tilespmem:$0x3E0];
	_ =	sdelay $0x4  }
0x643: {  	v62 =	vshll.u32 v3, $0x3  }
0x644: {  	v3 =	vand.u32 $0x7, v3;
	v4 =	vand.u32 $0xFFFFFFC0, v62  }
0x645: {  	v3 =	vor.u32 v3, v4  }
0x646: {  	v4 =	vperm.xlane v3, v0;
	_ =	sdelay $0x1  }
0x647: {  	v4 =	vadd.s32 v1, v4;
	_ =	sdelay $0x4  }
0x648: {  	[tilespmem:s31], [sflag:$0x2] =	stream.indirect_vreg.gather [hbm4b:s2+s3], $0x80, v4, vm0, $0xb8;
	[tilespmem:$0x18400] =	vst v63  }
0x649: {  	s19 =	simm.s32 $0x8C00;
	v3 =	vperm.xlane v3, v2  }
0x64a: {  	[tilespmem:s19], [sflag:$0x2] =	stream.indirect_vreg.gather [hbm4b:s5+s3], $0x80, v4, vm0, $0xb8;
	[tilespmem:$0x18400] =	vst v63  }
0x64b: {  	s4 =	simm.s32 $0x9400;
	v3 =	vadd.s32 v1, v3  }
0x64c: {  	[tilespmem:s4], [sflag:$0x2] =	stream.indirect_vreg.gather [hbm4b:s6+s3], $0x80, v4, vm0, $0xb8;
	[tilespmem:$0x18400] =	vst v63  }
0x64d: {  	s9 =	simm.s32 $0x9C00  }
0x64e: {  	[tilespmem:s9], [sflag:$0x2] =	stream.indirect_vreg.gather [hbm4b:s7+s3], $0x80, v4, vm0, $0xb8;
	[tilespmem:$0x18400] =	vst v63  }
0x64f: {  	s11 =	simm.s32 $0xA400  }
0x650: {  	[tilespmem:s11], [sflag:$0x2] =	stream.indirect_vreg.gather [hbm4b:s2+s3], $0x80, v3, vm0, $0xb8;
	[tilespmem:$0x18400] =	vst v63  }
0x651: {  	s12 =	simm.s32 $0xAC00  }
0x652: {  	[tilespmem:s12], [sflag:$0x2] =	stream.indirect_vreg.gather [hbm4b:s5+s3], $0x80, v3, vm0, $0xb8;
	[tilespmem:$0x18400] =	vst v63  }
0x653: {  	s13 =	simm.s32 $0xB400  }
0x654: {  	[tilespmem:s13], [sflag:$0x2] =	stream.indirect_vreg.gather [hbm4b:s6+s3], $0x80, v3, vm0, $0xb8;
	[tilespmem:$0x18400] =	vst v63  }
0x655: {  	s30 =	simm.s32 $0xBC00  }
0x656: {  	[tilespmem:s30], [sflag:$0x2] =	stream.indirect_vreg.gather [hbm4b:s7+s3], $0x80, v3, vm0, $0xb8;
	[tilespmem:$0x18400] =	vst v63  }
0x657: {  	v3 =	vld [tilespmem:$0x3F0];
	_ =	sdelay $0x4  }
0x658: {  	v63 =	vshll.u32 v3, $0x3  }
0x659: {  	v3 =	vand.u32 $0x7, v3;
	v4 =	vand.u32 $0xFFFFFFC0, v63  }
0x65a: {  	v3 =	vor.u32 v3, v4  }
0x65b: {  	v4 =	vperm.xlane v3, v0;
	_ =	sdelay $0x1  }
0x65c: {  	v4 =	vadd.s32 v1, v4;
	_ =	sdelay $0x3  }
0x65d: {  	s15 =	simm.s32 $0xC400  }
0x65e: {  	[tilespmem:s15], [sflag:$0x2] =	stream.indirect_vreg.gather [hbm4b:s2+s3], $0x80, v4, vm0, $0xb8;
	[tilespmem:$0x18400] =	vst v63  }
0x65f: {  	s14 =	simm.s32 $0xCC00;
	v3 =	vperm.xlane v3, v2  }
0x660: {  	[tilespmem:s14], [sflag:$0x2] =	stream.indirect_vreg.gather [hbm4b:s5+s3], $0x80, v4, vm0, $0xb8;
	[tilespmem:$0x18400] =	vst v63  }
0x661: {  	s17 =	simm.s32 $0xD400;
	v3 =	vadd.s32 v1, v3  }
0x662: {  	[tilespmem:s17], [sflag:$0x2] =	stream.indirect_vreg.gather [hbm4b:s6+s3], $0x80, v4, vm0, $0xb8;
	[tilespmem:$0x18400] =	vst v63  }
0x663: {  	s19 =	simm.s32 $0xDC00  }
0x664: {  	[tilespmem:s19], [sflag:$0x2] =	stream.indirect_vreg.gather [hbm4b:s7+s3], $0x80, v4, vm0, $0xb8;
	[tilespmem:$0x18400] =	vst v63  }
0x665: {  	s25 =	simm.s32 $0xE400  }
0x666: {  	[tilespmem:s25], [sflag:$0x2] =	stream.indirect_vreg.gather [hbm4b:s2+s3], $0x80, v3, vm0, $0xb8;
	[tilespmem:$0x18400] =	vst v63  }
0x667: {  	s26 =	simm.s32 $0xEC00  }
0x668: {  	[tilespmem:s26], [sflag:$0x2] =	stream.indirect_vreg.gather [hbm4b:s5+s3], $0x80, v3, vm0, $0xb8;
	[tilespmem:$0x18400] =	vst v63  }
0x669: {  	s28 =	simm.s32 $0xF400  }
0x66a: {  	[tilespmem:s28], [sflag:$0x2] =	stream.indirect_vreg.gather [hbm4b:s6+s3], $0x80, v3, vm0, $0xb8;
	[tilespmem:$0x18400] =	vst v63  }
0x66b: {  	s16 =	simm.s32 $0xFC00  }
0x66c: {  	[tilespmem:s16], [sflag:$0x2] =	stream.indirect_vreg.gather [hbm4b:s7+s3], $0x80, v3, vm0, $0xb8;
	[tilespmem:$0x18400] =	vst v63  }
0x66d: {  	s10 =	sld [smem:$0x7F6];
	_ =	swait.ge [sflag:s18], $0x8000  }
0x66e: {  	s29 =	sld [smem:$0x7F9]  }
0x66f: {  	[sflag:s18] =	ssyncset.done $0x0  }
0x670: {  	[sflag:s18] =	ssyncadd.s32 $0xFFFF8000  }
0x671: {  	[hbm4b:s29+s3] =	stream.linear.scatter [tilespmem:s8], [sflag:$0x4], $0x8000, $0x38;
	[tilespmem:$0x18400] =	vst v63  }
0x672: {  	_ =	swait.ge [sflag:s20], $0x8000  }
0x673: {  	s30 =	sld [smem:$0x7FB]  }
0x674: {  	[sflag:s20] =	ssyncset.done $0x0  }
0x675: {  	[sflag:s20] =	ssyncadd.s32 $0xFFFF8000  }
0x676: {  	[hbm4b:s30+s3] =	stream.linear.scatter [tilespmem:s31], [sflag:$0x5], $0x8000, $0x38;
	[tilespmem:$0x18400] =	vst v63  }
0x677: {  	_ =	swait.ge [sflag:s24], $0x8000  }
0x678: {  	[sflag:s24] =	ssyncset.done $0x0  }
0x679: {  	[sflag:s24] =	ssyncadd.s32 $0xFFFF8000  }
0x67a: {  	p0 =	sne.s32 s10, $0x1;
	_ =	swait.ge [sflag:s21], $0x8000  }
.Ltmp0:
0x67b: {  	[sflag:s21] =	ssyncset.done $0x0;
	(pc) =	sbr.rel @p0 .LBB2_1-.Ltmp0, $4  }
0x67c: {  	[sflag:s21] =	ssyncadd.s32 $0xFFFF8000  }
0x67d: {  	_ =	swait.ge [sflag:s23], $0x8000  }
0x67e: {  	[sflag:s23] =	ssyncset.done $0x0  }
0x67f: {  	s0 =	sadd.s32 $0xFFFFFFFF, s10;
	[sflag:s23] =	ssyncadd.s32 $0xFFFF8000  }
0x680: {  	_ =	sfence.sel $0x180000  }
0x681: {  	[bflag:$0x0] =	sbarrier.arrive $0xFFFF  }
0x682: {  	_ =	strace $0x90000047  }
0x683: {  	s0 =	stileid.u32;
	[bflag:$0x2] =	sbarrier.arrive $0xFFFF  }
0x684: {  	p0 =	sne.s32 s0, $0x0;
	s0 =	rddreg [dreg:$0x3]  }
0x685: {  	s0 =	sadd.s32 @!p0 $0x100000, s0  }
0x686: {  	[sflag:s0] =	ssyncadd.tile.s32 @!p0 $0x1;
	_ =	shalt  }
.Lfunc_end2:
_tile_overlayer_lowered:
.L_overlay_start_2:
0x687: {  	(tag) =	ssettag $0x2  }
0x688: {  	s0 =	rddreg [dreg:$0x0];
	s2 =	stileid.u32  }
0x689: {  	s1 =	rddreg [dreg:$0x1];
	p0 =	sne.s32 s2, $0x0  }
0x68a: {  	s3 =	rddreg [dreg:$0x2];
	[bflag:$0x3] =	sbarrier.arrive $0xFFFF;
	s2 =	simm.s32 @!p0 $0x1C07  }
0x68b: {  	[timem:s3], [sflag:s2] =	dma.local @!p0 [hbm:s0], s1  }
0x68c: {  	s0 =	simm.s32 @!p0 $0x7  }
0x68d: {  	_ =	swait.ge @!p0 [sflag:s0], s1  }
0x68e: {  	s1 =	ssub.s32 @!p0 $0x0, s1;
	[sflag:s0] =	ssyncset.done @!p0 $0x0  }
0x68f: {  	[sflag:s0] =	ssyncadd.s32 @!p0 s1  }
0x690: {  	[bflag:$0x3] =	sbarrier.arrive $0xFFFF  }
0x691: {  	_ =	shalt  }

</sc_bundles>
